<compile_context>
chip_gen: v7x
topology: tpu7x:2x2x1
jax: 0.10.2.dev20260603
libtpu: 0.0.44.dev20260713+nightly
codegen_flags: <defaults>
</compile_context>

<pallas_src>
import functools

import jax
import jax.numpy as jnp
from jax import lax
from jax.experimental import pallas as pl
from jax.experimental.pallas import tpu as pltpu
from jax.experimental.pallas import tpu_sc as plsc

N = 10000
E = 320000
DIN = 128
DH = 256
HALF = 128
CORES = 2
TILES = 16
LANES = 16
K = 80
NP = 10240
RPT = NP // TILES
CPT_MP = E // (TILES * K)
CPT_32 = E // (TILES * CORES * K)

_MESH = plsc.VectorSubcoreMesh(core_axis_name="c", subcore_axis_name="s")
_PARAMS = pltpu.CompilerParams(needs_layout_passes=False)


def _deg_body(dst32_hbm, ones_hbm, zeros_hbm, out_hbm, obuf, didx_t, deg_sp,
              sem):
    c = lax.axis_index("c")
    s = lax.axis_index("s")
    wid = s * CORES + c
    pltpu.sync_copy(zeros_hbm, deg_sp.at[pl.ds(s * RPT, RPT)])
    pltpu.sync_copy(ones_hbm, obuf)
    plsc.subcore_barrier()

    BATCH = 5

    def stage(hh, carry0):
        pltpu.sync_copy(dst32_hbm.at[wid, hh], didx_t)

        def body(b, carry):
            i0 = b * BATCH
            for t in range(BATCH):
                pltpu.async_copy(obuf, deg_sp.at[didx_t.at[i0 + t]], sem,
                                 add=True)
            for t in range(BATCH):
                pltpu.make_async_copy(obuf, deg_sp.at[didx_t.at[i0 + t]],
                                      sem).wait()
            return carry

        lax.fori_loop(0, 25 // BATCH, body, 0)
        return carry0

    lax.fori_loop(0, 5, stage, 0)
    plsc.subcore_barrier()
    pltpu.sync_copy(deg_sp.at[pl.ds(s * RPT, RPT)],
                    out_hbm.at[c, pl.ds(s * RPT, RPT)])


_deg_call = functools.partial(
    pl.kernel,
    out_type=jax.ShapeDtypeStruct((CORES, NP, HALF), jnp.float32),
    mesh=_MESH,
    compiler_params=_PARAMS,
    scratch_types=[
        pltpu.VMEM((K, HALF), jnp.float32),
        pltpu.VMEM((25, K), jnp.int32),
        pltpu.VMEM_SHARED((NP, HALF), jnp.float32),
        pltpu.SemaphoreType.DMA,
    ],
)(_deg_body)


NSTAGE = 5
HCPT = CPT_MP // NSTAGE


def _mp_body(ga_hbm, gb_hbm, src16_hbm, dst16_hbm, zeros_hbm,
             acca_hbm, accb_hbm, sidx_t, didx_t, buf_a, buf_b, acc_sp,
             gs_a, gs_b):
    c = lax.axis_index("c")
    s = lax.axis_index("s")
    pltpu.sync_copy(zeros_hbm, acc_sp.at[pl.ds(s * RPT, RPT)])
    plsc.subcore_barrier()

    def run(g_hbm, out_hbm):
        def half(h, carry0):
            pltpu.sync_copy(src16_hbm.at[s, h], sidx_t)
            pltpu.sync_copy(dst16_hbm.at[s, h], didx_t)
            pltpu.async_copy(g_hbm.at[sidx_t.at[0]], buf_a, gs_a)

            def chunk(i, carry):
                even = jnp.bitwise_and(i, 1) == 0

                @pl.when(even)
                def _():
                    pltpu.make_async_copy(g_hbm.at[sidx_t.at[i]], buf_a,
                                          gs_a).wait()

                    @pl.when(i + 1 < HCPT)
                    def _():
                        pltpu.async_copy(g_hbm.at[sidx_t.at[i + 1]], buf_b,
                                         gs_b)

                    pltpu.sync_copy(buf_a, acc_sp.at[didx_t.at[i]], add=True)

                @pl.when(jnp.logical_not(even))
                def _():
                    pltpu.make_async_copy(g_hbm.at[sidx_t.at[i]], buf_b,
                                          gs_b).wait()

                    @pl.when(i + 1 < HCPT)
                    def _():
                        pltpu.async_copy(g_hbm.at[sidx_t.at[i + 1]], buf_a,
                                         gs_a)

                    pltpu.sync_copy(buf_b, acc_sp.at[didx_t.at[i]], add=True)

                return carry

            lax.fori_loop(0, HCPT, chunk, 0)
            return carry0

        lax.fori_loop(0, NSTAGE, half, 0)
        plsc.subcore_barrier()
        pltpu.sync_copy(acc_sp.at[pl.ds(s * RPT, RPT)],
                        out_hbm.at[pl.ds(s * RPT, RPT)])

    @pl.when(c == 0)
    def _():
        run(ga_hbm, acca_hbm)

    @pl.when(c == 1)
    def _():
        run(gb_hbm, accb_hbm)


_mp_call = functools.partial(
    pl.kernel,
    out_type=[jax.ShapeDtypeStruct((NP, HALF), jnp.float32),
              jax.ShapeDtypeStruct((NP, HALF), jnp.float32)],
    mesh=_MESH,
    compiler_params=_PARAMS,
    scratch_types=[
        pltpu.VMEM((HCPT, K), jnp.int32),
        pltpu.VMEM((HCPT, K), jnp.int32),
        pltpu.VMEM((K, HALF), jnp.float32),
        pltpu.VMEM((K, HALF), jnp.float32),
        pltpu.VMEM_SHARED((NP, HALF), jnp.float32),
        pltpu.SemaphoreType.DMA,
        pltpu.SemaphoreType.DMA,
    ],
)(_mp_body)


EPT_DEC = E // (TILES * CORES)
DEC_ROWS = EPT_DEC // LANES


DEC_STAGES = 5
KD = LANES
DEC_CPT = EPT_DEC // KD
DEC_SCPT = DEC_CPT // DEC_STAGES


def _dec_body(u_hbm, v_hbm, src32_hbm, dst32_hbm, w2_hbm, bl2_hbm, out_hbm,
              ub_a, ub_b, vb_a, vb_b, sidx_t, didx_t, w2_v, bl2_v, score_v,
              tbuf, sem_ua, sem_ub, sem_va, sem_vb):
    c = lax.axis_index("c")
    s = lax.axis_index("s")
    wid = s * CORES + c
    pltpu.sync_copy(w2_hbm, w2_v)
    pltpu.sync_copy(bl2_hbm, bl2_v)
    bl2vec = bl2_v[...]
    iota16 = lax.iota(jnp.int32, LANES)

    def compute(i, ubr, vbr):
        def edge(j, carry2):
            zeros16 = jnp.zeros((LANES,), jnp.float32)
            accs = [bl2vec, zeros16, zeros16, zeros16]
            for cc in range(DH // LANES):
                uc = ubr[j, pl.ds(cc * LANES, LANES)]
                vc = vbr[j, pl.ds(cc * LANES, LANES)]
                k = cc % 4
                accs[k] = accs[k] + jnp.maximum(uc + vc, 0.0) * w2_v[cc]
            tbuf[j] = (accs[0] + accs[1]) + (accs[2] + accs[3])
            return carry2

        lax.fori_loop(0, LANES, edge, 0)
        svec = jnp.zeros((LANES,), jnp.float32)
        for j in range(LANES):
            svec = svec + plsc.load_gather(
                tbuf, [iota16, jnp.full((LANES,), j, jnp.int32)])
        score_v[i] = svec

    def stage(hh, carry0):
        pltpu.sync_copy(src32_hbm.at[wid, hh], sidx_t)
        pltpu.sync_copy(dst32_hbm.at[wid, hh], didx_t)
        pltpu.async_copy(u_hbm.at[sidx_t.at[0]], ub_a, sem_ua)
        pltpu.async_copy(v_hbm.at[didx_t.at[0]], vb_a, sem_va)

        def chunk(i, carry):
            even = jnp.bitwise_and(i, 1) == 0

            @pl.when(even)
            def _():
                pltpu.make_async_copy(u_hbm.at[sidx_t.at[i]], ub_a,
                                      sem_ua).wait()
                pltpu.make_async_copy(v_hbm.at[didx_t.at[i]], vb_a,
                                      sem_va).wait()

                @pl.when(i + 1 < DEC_SCPT)
                def _():
                    pltpu.async_copy(u_hbm.at[sidx_t.at[i + 1]], ub_b, sem_ub)
                    pltpu.async_copy(v_hbm.at[didx_t.at[i + 1]], vb_b, sem_vb)

                compute(i, ub_a, vb_a)

            @pl.when(jnp.logical_not(even))
            def _():
                pltpu.make_async_copy(u_hbm.at[sidx_t.at[i]], ub_b,
                                      sem_ub).wait()
                pltpu.make_async_copy(v_hbm.at[didx_t.at[i]], vb_b,
                                      sem_vb).wait()

                @pl.when(i + 1 < DEC_SCPT)
                def _():
                    pltpu.async_copy(u_hbm.at[sidx_t.at[i + 1]], ub_a, sem_ua)
                    pltpu.async_copy(v_hbm.at[didx_t.at[i + 1]], vb_a, sem_va)

                compute(i, ub_b, vb_b)

            return carry

        lax.fori_loop(0, DEC_SCPT, chunk, 0)
        pltpu.sync_copy(score_v, out_hbm.at[wid, hh])
        return carry0

    lax.fori_loop(0, DEC_STAGES, stage, 0)


_dec_call = functools.partial(
    pl.kernel,
    out_type=jax.ShapeDtypeStruct(
        (TILES * CORES, DEC_STAGES, DEC_SCPT, LANES), jnp.float32),
    mesh=_MESH,
    compiler_params=_PARAMS,
    scratch_types=[
        pltpu.VMEM((KD, DH), jnp.float32),
        pltpu.VMEM((KD, DH), jnp.float32),
        pltpu.VMEM((KD, DH), jnp.float32),
        pltpu.VMEM((KD, DH), jnp.float32),
        pltpu.VMEM((DEC_SCPT, KD), jnp.int32),
        pltpu.VMEM((DEC_SCPT, KD), jnp.int32),
        pltpu.VMEM((DH // LANES, LANES), jnp.float32),
        pltpu.VMEM((LANES,), jnp.float32),
        pltpu.VMEM((DEC_SCPT, LANES), jnp.float32),
        pltpu.VMEM((LANES, LANES), jnp.float32),
        pltpu.SemaphoreType.DMA,
        pltpu.SemaphoreType.DMA,
        pltpu.SemaphoreType.DMA,
        pltpu.SemaphoreType.DMA,
    ],
)(_dec_body)


R = 1000
GRID = N // R


def _mm1_body(x_ref, w_ref, degp_ref, ga_ref, gb_ref, dinv_ref):
    degp = degp_ref[...]
    deg = degp[0, :, 0:1] + degp[1, :, 0:1] + 1.0
    dinv = lax.rsqrt(deg)
    h = jnp.dot(x_ref[...], w_ref[...], preferred_element_type=jnp.float32,
                precision=lax.Precision.HIGHEST)
    g = h * dinv
    ga_ref[...] = g[:, :HALF]
    gb_ref[...] = g[:, HALF:]
    dinv_ref[...] = dinv


def _mm1(x, w1, degp):
    return pl.pallas_call(
        _mm1_body,
        grid=(GRID,),
        in_specs=[
            pl.BlockSpec((R, DIN), lambda i: (i, 0)),
            pl.BlockSpec((DIN, DH), lambda i: (0, 0)),
            pl.BlockSpec((CORES, R, HALF), lambda i: (0, i, 0)),
        ],
        out_specs=[
            pl.BlockSpec((R, HALF), lambda i: (i, 0)),
            pl.BlockSpec((R, HALF), lambda i: (i, 0)),
            pl.BlockSpec((R, 1), lambda i: (i, 0)),
        ],
        out_shape=[
            jax.ShapeDtypeStruct((N, HALF), jnp.float32),
            jax.ShapeDtypeStruct((N, HALF), jnp.float32),
            jax.ShapeDtypeStruct((N, 1), jnp.float32),
        ],
    )(x, w1, degp)


def _mm23_body(acca_ref, accb_ref, ga_ref, gb_ref, dinv_ref, b_ref, w_ref,
               gao_ref, gbo_ref):
    dinv = dinv_ref[...]
    b = b_ref[...]
    za = jnp.maximum(dinv * (acca_ref[...] + ga_ref[...]) + b[:, :HALF], 0.0)
    zb = jnp.maximum(dinv * (accb_ref[...] + gb_ref[...]) + b[:, HALF:], 0.0)
    w = w_ref[...]
    h = (jnp.dot(za, w[:HALF, :], preferred_element_type=jnp.float32,
                 precision=lax.Precision.HIGHEST)
         + jnp.dot(zb, w[HALF:, :], preferred_element_type=jnp.float32,
                   precision=lax.Precision.HIGHEST))
    g = h * dinv
    gao_ref[...] = g[:, :HALF]
    gbo_ref[...] = g[:, HALF:]


def _mm23(acca, accb, ga, gb, dinv, b, w):
    return pl.pallas_call(
        _mm23_body,
        grid=(GRID,),
        in_specs=[
            pl.BlockSpec((R, HALF), lambda i: (i, 0)),
            pl.BlockSpec((R, HALF), lambda i: (i, 0)),
            pl.BlockSpec((R, HALF), lambda i: (i, 0)),
            pl.BlockSpec((R, HALF), lambda i: (i, 0)),
            pl.BlockSpec((R, 1), lambda i: (i, 0)),
            pl.BlockSpec((1, DH), lambda i: (0, 0)),
            pl.BlockSpec((DH, DH), lambda i: (0, 0)),
        ],
        out_specs=[
            pl.BlockSpec((R, HALF), lambda i: (i, 0)),
            pl.BlockSpec((R, HALF), lambda i: (i, 0)),
        ],
        out_shape=[
            jax.ShapeDtypeStruct((N, HALF), jnp.float32),
            jax.ShapeDtypeStruct((N, HALF), jnp.float32),
        ],
    )(acca, accb, ga, gb, dinv, b, w)


def _mm4_body(acca_ref, accb_ref, ga_ref, gb_ref, dinv_ref, b_ref, wl_ref,
              bl_ref, u_ref, v_ref):
    dinv = dinv_ref[...]
    b = b_ref[...]
    za = jnp.maximum(dinv * (acca_ref[...] + ga_ref[...]) + b[:, :HALF], 0.0)
    zb = jnp.maximum(dinv * (accb_ref[...] + gb_ref[...]) + b[:, HALF:], 0.0)
    wl = wl_ref[...]
    u = (jnp.dot(za, wl[:HALF, :], preferred_element_type=jnp.float32,
                 precision=lax.Precision.HIGHEST)
         + jnp.dot(zb, wl[HALF:DH, :], preferred_element_type=jnp.float32,
                   precision=lax.Precision.HIGHEST))
    v = (jnp.dot(za, wl[DH:DH + HALF, :], preferred_element_type=jnp.float32,
                 precision=lax.Precision.HIGHEST)
         + jnp.dot(zb, wl[DH + HALF:, :], preferred_element_type=jnp.float32,
                   precision=lax.Precision.HIGHEST))
    u_ref[...] = u + bl_ref[...]
    v_ref[...] = v


def _mm4(acca, accb, ga, gb, dinv, b, wl, bl):
    return pl.pallas_call(
        _mm4_body,
        grid=(GRID,),
        in_specs=[
            pl.BlockSpec((R, HALF), lambda i: (i, 0)),
            pl.BlockSpec((R, HALF), lambda i: (i, 0)),
            pl.BlockSpec((R, HALF), lambda i: (i, 0)),
            pl.BlockSpec((R, HALF), lambda i: (i, 0)),
            pl.BlockSpec((R, 1), lambda i: (i, 0)),
            pl.BlockSpec((1, DH), lambda i: (0, 0)),
            pl.BlockSpec((2 * DH, DH), lambda i: (0, 0)),
            pl.BlockSpec((1, DH), lambda i: (0, 0)),
        ],
        out_specs=[
            pl.BlockSpec((R, DH), lambda i: (i, 0)),
            pl.BlockSpec((R, DH), lambda i: (i, 0)),
        ],
        out_shape=[
            jax.ShapeDtypeStruct((N, DH), jnp.float32),
            jax.ShapeDtypeStruct((N, DH), jnp.float32),
        ],
    )(acca, accb, ga, gb, dinv, b, wl, bl)


def kernel(x, edge_index, W1, b1, W2, b2, W3, b3, Wl, bl, Wl2, bl2):
    src = edge_index[0]
    dst = edge_index[1]
    src16 = src.reshape(TILES, NSTAGE, HCPT, K)
    dst16 = dst.reshape(TILES, NSTAGE, HCPT, K)
    src32 = src.reshape(TILES * CORES, DEC_STAGES, DEC_SCPT, KD)
    dst32 = dst.reshape(TILES * CORES, DEC_STAGES, DEC_SCPT, KD)
    ones_deg = jnp.ones((K, HALF), jnp.float32)
    zeros_mp = jnp.zeros((RPT, HALF), jnp.float32)
    w2r = Wl2.reshape(DH // LANES, LANES)
    bl2v = jnp.full((LANES,), bl2[0] / LANES, jnp.float32)

    dstdeg = dst.reshape(TILES * CORES, 5, 25, K)
    degp = _deg_call(dstdeg, ones_deg, zeros_mp)
    ga1, gb1, dinv = _mm1(x, W1, degp)
    acca, accb = _mp_call(ga1, gb1, src16, dst16, zeros_mp)
    ga2, gb2 = _mm23(acca, accb, ga1, gb1, dinv, b1.reshape(1, DH), W2)
    acca, accb = _mp_call(ga2, gb2, src16, dst16, zeros_mp)
    ga3, gb3 = _mm23(acca, accb, ga2, gb2, dinv, b2.reshape(1, DH), W3)
    acca, accb = _mp_call(ga3, gb3, src16, dst16, zeros_mp)
    u, v = _mm4(acca, accb, ga3, gb3, dinv, b3.reshape(1, DH), Wl,
                bl.reshape(1, DH))
    raw = _dec_call(u, v, src32, dst32, w2r, bl2v)
    return raw.reshape(E, 1)

# --- scband reference (transcript-rebuilt; emitter-appended) ---
"""Pipeline reference for scband-gnn-60627758350556 (READ-ONLY COPY).

The authoritative reference and input builder live on the scoring server;
editing this copy changes nothing except your own understanding.
"""

import jax, jax.numpy as jnp
import numpy as np

N = 10000
E = 320000
DIN = 128
DH = 256


def _glorot(key, shape):
    fan_in, fan_out = shape[0], shape[1]
    lim = float(np.sqrt(6.0 / (fan_in + fan_out)))
    return jax.random.uniform(key, shape, dtype=jnp.float32, minval=-lim, maxval=lim)


def setup_inputs(seed: int = 0) -> dict:
    key = jax.random.key(seed)
    ks = jax.random.split(key, 14)
    x = jax.random.normal(ks[0], (N, DIN), dtype=jnp.float32)
    edge_index = jax.random.randint(ks[1], (2, E), 0, N, dtype=jnp.int32)
    # GCNConv weights stored as [in, out] (math-equivalent to torch's x @ W.T)
    W1 = _glorot(ks[2], (DIN, DH)); b1 = jnp.zeros((DH,), jnp.float32)
    W2 = _glorot(ks[3], (DH, DH));  b2 = jnp.zeros((DH,), jnp.float32)
    W3 = _glorot(ks[4], (DH, DH));  b3 = jnp.zeros((DH,), jnp.float32)
    Wl = _glorot(ks[5], (2 * DH, DH)); bl = jax.random.normal(ks[6], (DH,), jnp.float32) * 0.01
    Wl2 = _glorot(ks[7], (DH, 1)); bl2 = jax.random.normal(ks[8], (1,), jnp.float32) * 0.01
    return {"x": x, "edge_index": edge_index, "W1": W1, "b1": b1, "W2": W2, "b2": b2,
            "W3": W3, "b3": b3, "Wl": Wl, "bl": bl, "Wl2": Wl2, "bl2": bl2}


def _gcn_conv(x, src, dst, W, b, n):
    # GCNConv: h = D^{-1/2} (A + I) D^{-1/2} (x @ W) + b
    h = x @ W
    loop = jnp.arange(n, dtype=src.dtype)
    s = jnp.concatenate([src, loop])
    d = jnp.concatenate([dst, loop])
    deg = jnp.zeros((n,), h.dtype).at[d].add(1.0)
    dinv = jnp.where(deg > 0, 1.0 / jnp.sqrt(deg), 0.0)
    norm = dinv[s] * dinv[d]
    msg = h[s] * norm[:, None]
    out = jnp.zeros((n, h.shape[1]), h.dtype).at[d].add(msg)
    return out + b


def reference(x, edge_index, W1, b1, W2, b2, W3, b3, Wl, bl, Wl2, bl2):
    src, dst = edge_index[0], edge_index[1]
    n = x.shape[0]
    # encoder
    z = jax.nn.relu(_gcn_conv(x, src, dst, W1, b1, n))
    z = jax.nn.relu(_gcn_conv(z, src, dst, W2, b2, n))
    z = jax.nn.relu(_gcn_conv(z, src, dst, W3, b3, n))
    # decoder (link prediction over the graph edges)
    z_src = z[src]
    z_dst = z[dst]
    h = jnp.concatenate([z_src, z_dst], axis=1) @ Wl + bl
    h = jax.nn.relu(h)
    edge_scores = h @ Wl2 + bl2
    return edge_scores

if __name__ == "__main__":
    import jax
    _d = setup_inputs()
    print(jax.jit(kernel)(*tuple(_d.values())))

</pallas_src>

<mosaic_0001>
#map = affine_map<(d0, d1) -> (0, 0, 0, 0)>
#map1 = affine_map<(d0, d1) -> (0, 0)>
#map2 = affine_map<(d0, d1) -> (0, 0, 0)>
module attributes {stable_mosaic.version = 14 : i64} {
  func.func @_deg_body(%arg0: i32, %arg1: i32, %arg2: memref<32x5x25x80xi32, #tpu.memory_space<hbm>>, %arg3: memref<80x128xf32, #tpu.memory_space<hbm>>, %arg4: memref<640x128xf32, #tpu.memory_space<hbm>>, %arg5: memref<2x10240x128xf32, #tpu.memory_space<hbm>>, %arg6: memref<80x128xf32, #tpu.memory_space<vmem>>, %arg7: memref<25x80xi32, #tpu.memory_space<vmem>>, %arg8: memref<10240x128xf32, #tpu.memory_space<vmem_shared>>, %arg9: memref<!tpu.dma_semaphore, #tpu.memory_space<semaphore_mem>>) attributes {dimension_semantics = [#tpu.dimension_semantics<core_parallel>, #tpu.dimension_semantics<subcore_parallel>], iteration_bounds = array<i64: 2, 16>, scalar_prefetch = 0 : i64, scratch_operands = 4 : i64, tpu.core_type = #tpu.core_type<sc_vector_subcore>, window_params = [{transform_indices = #map}, {transform_indices = #map1}, {transform_indices = #map1}, {transform_indices = #map2}]} {
    %mul3A = arith.constant 2 : i32
    %mul3A_0 = arith.muli %arg1, %mul3A : i32
    %add3A = arith.addi %mul3A_0, %arg0 : i32
    %mul3A_1 = arith.constant 640 : i32
    %mul3A_2 = arith.muli %arg1, %mul3A_1 : i32
    "tpu.region"() ({
      %run_scoped3A = tpu.sem_alloc : memref<!tpu.dma_semaphore, #tpu.memory_space<semaphore_mem>>
      %dma_start3A = arith.constant 0 : i32
      %dma_start3A_13 = tpu.memref_slice %arg8[%mul3A_2, %dma_start3A] : memref<10240x128xf32, #tpu.memory_space<vmem_shared>> -> memref<640x128xf32, #tpu.memory_space<vmem_shared>>
      tpu.enqueue_dma source(%arg4 : memref<640x128xf32, #tpu.memory_space<hbm>>) target(%dma_start3A_13 : memref<640x128xf32, #tpu.memory_space<vmem_shared>>) target_semaphore(%run_scoped3A : memref<!tpu.dma_semaphore, #tpu.memory_space<semaphore_mem>>)
      %dma_wait3A = arith.constant 0 : i32
      %dma_wait3A_14 = tpu.memref_slice %arg8[%mul3A_2, %dma_wait3A] : memref<10240x128xf32, #tpu.memory_space<vmem_shared>> -> memref<640x128xf32, #tpu.memory_space<vmem_shared>>
      tpu.wait_dma2 semaphore(%run_scoped3A : memref<!tpu.dma_semaphore, #tpu.memory_space<semaphore_mem>>) src(%arg4 : memref<640x128xf32, #tpu.memory_space<hbm>>) dst(%dma_wait3A_14 : memref<640x128xf32, #tpu.memory_space<vmem_shared>>)
      tpu.yield
    }) : () -> ()
    "tpu.region"() ({
      %run_scoped3A = tpu.sem_alloc : memref<!tpu.dma_semaphore, #tpu.memory_space<semaphore_mem>>
      tpu.enqueue_dma source(%arg3 : memref<80x128xf32, #tpu.memory_space<hbm>>) target(%arg6 : memref<80x128xf32, #tpu.memory_space<vmem>>) target_semaphore(%run_scoped3A : memref<!tpu.dma_semaphore, #tpu.memory_space<semaphore_mem>>)
      tpu.wait_dma2 semaphore(%run_scoped3A : memref<!tpu.dma_semaphore, #tpu.memory_space<semaphore_mem>>) src(%arg3 : memref<80x128xf32, #tpu.memory_space<hbm>>) dst(%arg6 : memref<80x128xf32, #tpu.memory_space<vmem>>)
      tpu.yield
    }) : () -> ()
    %barrier3A = arith.constant 0 : index
    tpu.barrier barrier_id(%barrier3A)
    %scan3A = arith.constant 0 : i32
    %scan3A_3 = arith.constant 0 : i32
    %scan3A_4 = arith.constant 5 : i32
    %scan3A_5 = arith.addi %scan3A_3, %scan3A_4 : i32
    %scan3A_6 = arith.constant 1 : i32
    scf.for %scan3A_13 = %scan3A_3 to %scan3A_5 step %scan3A_6  : i32 {
      "tpu.region"() ({
        %run_scoped3A = tpu.sem_alloc : memref<!tpu.dma_semaphore, #tpu.memory_space<semaphore_mem>>
        %dma_start3A = arith.constant 0 : i32
        %dma_start3A_20 = arith.constant 0 : i32
        %dma_start3A_21 = tpu.memref_slice %arg2[%add3A, %scan3A_13, %dma_start3A, %dma_start3A_20] : memref<32x5x25x80xi32, #tpu.memory_space<hbm>> -> memref<1x1x25x80xi32, #tpu.memory_space<hbm>>
        %dma_start3A_22 = tpu.memref_squeeze %dma_start3A_21 : memref<1x1x25x80xi32, #tpu.memory_space<hbm>> -> memref<25x80xi32, #tpu.memory_space<hbm>>
        %dma_start3A_23 = arith.constant 0 : i32
        %dma_start3A_24 = arith.constant 0 : i32
        %dma_start3A_25 = tpu.memref_slice %arg2[%add3A, %scan3A_13, %dma_start3A_23, %dma_start3A_24] : memref<32x5x25x80xi32, #tpu.memory_space<hbm>> -> memref<1x1x25x80xi32, #tpu.memory_space<hbm>>
        %dma_start3A_26 = tpu.memref_squeeze %dma_start3A_25 : memref<1x1x25x80xi32, #tpu.memory_space<hbm>> -> memref<25x80xi32, #tpu.memory_space<hbm>>
        tpu.enqueue_dma source(%dma_start3A_26 : memref<25x80xi32, #tpu.memory_space<hbm>>) target(%arg7 : memref<25x80xi32, #tpu.memory_space<vmem>>) target_semaphore(%run_scoped3A : memref<!tpu.dma_semaphore, #tpu.memory_space<semaphore_mem>>)
        %dma_wait3A = arith.constant 0 : i32
        %dma_wait3A_27 = arith.constant 0 : i32
        %dma_wait3A_28 = tpu.memref_slice %arg2[%add3A, %scan3A_13, %dma_wait3A, %dma_wait3A_27] : memref<32x5x25x80xi32, #tpu.memory_space<hbm>> -> memref<1x1x25x80xi32, #tpu.memory_space<hbm>>
        %dma_wait3A_29 = tpu.memref_squeeze %dma_wait3A_28 : memref<1x1x25x80xi32, #tpu.memory_space<hbm>> -> memref<25x80xi32, #tpu.memory_space<hbm>>
        %dma_wait3A_30 = arith.constant 0 : i32
        %dma_wait3A_31 = arith.constant 0 : i32
        %dma_wait3A_32 = tpu.memref_slice %arg2[%add3A, %scan3A_13, %dma_wait3A_30, %dma_wait3A_31] : memref<32x5x25x80xi32, #tpu.memory_space<hbm>> -> memref<1x1x25x80xi32, #tpu.memory_space<hbm>>
        %dma_wait3A_33 = tpu.memref_squeeze %dma_wait3A_32 : memref<1x1x25x80xi32, #tpu.memory_space<hbm>> -> memref<25x80xi32, #tpu.memory_space<hbm>>
        tpu.wait_dma2 semaphore(%run_scoped3A : memref<!tpu.dma_semaphore, #tpu.memory_space<semaphore_mem>>) src(%dma_wait3A_33 : memref<25x80xi32, #tpu.memory_space<hbm>>) dst(%arg7 : memref<25x80xi32, #tpu.memory_space<vmem>>)
        tpu.yield
      }) : () -> ()
      %scan3A_14 = arith.constant 0 : i32
      %scan3A_15 = arith.constant 0 : i32
      %scan3A_16 = arith.constant 5 : i32
      %scan3A_17 = arith.addi %scan3A_15, %scan3A_16 : i32
      %scan3A_18 = arith.constant 1 : i32
      scf.for %scan3A_20 = %scan3A_15 to %scan3A_17 step %scan3A_18  : i32 {
        %mul3A_21 = arith.constant 5 : i32
        %mul3A_22 = arith.muli %scan3A_20, %mul3A_21 : i32
        %add3A_23 = arith.constant 0 : i32
        %add3A_24 = arith.addi %mul3A_22, %add3A_23 : i32
        %dma_start3A = arith.constant 0 : i32
        %dma_start3A_25 = tpu.memref_slice %arg7[%add3A_24, %dma_start3A] : memref<25x80xi32, #tpu.memory_space<vmem>> -> memref<1x80xi32, #tpu.memory_space<vmem>>
        %dma_start3A_26 = tpu.memref_squeeze %dma_start3A_25 : memref<1x80xi32, #tpu.memory_space<vmem>> -> memref<80xi32, #tpu.memory_space<vmem>>
        %dma_start3A_27 = arith.constant 0 : i32
        %dma_start3A_28 = arith.constant 0 : i32
        %dma_start3A_29 = tpu.memref_slice %arg8[%dma_start3A_27, %dma_start3A_28] : memref<10240x128xf32, #tpu.memory_space<vmem_shared>> -> memref<10240x128xf32, #tpu.memory_space<vmem_shared>>
        tpu.enqueue_indirect_dma source(%arg6 : memref<80x128xf32, #tpu.memory_space<vmem>>) target(%dma_start3A_29 : memref<10240x128xf32, #tpu.memory_space<vmem_shared>>) offsets(%dma_start3A_26 : memref<80xi32, #tpu.memory_space<vmem>>) semaphore(%arg9 : memref<!tpu.dma_semaphore, #tpu.memory_space<semaphore_mem>>) {add = true}
        %add3A_30 = arith.constant 1 : i32
        %add3A_31 = arith.addi %mul3A_22, %add3A_30 : i32
        %dma_start3A_32 = arith.constant 0 : i32
        %dma_start3A_33 = tpu.memref_slice %arg7[%add3A_31, %dma_start3A_32] : memref<25x80xi32, #tpu.memory_space<vmem>> -> memref<1x80xi32, #tpu.memory_space<vmem>>
        %dma_start3A_34 = tpu.memref_squeeze %dma_start3A_33 : memref<1x80xi32, #tpu.memory_space<vmem>> -> memref<80xi32, #tpu.memory_space<vmem>>
        %dma_start3A_35 = arith.constant 0 : i32
        %dma_start3A_36 = arith.constant 0 : i32
        %dma_start3A_37 = tpu.memref_slice %arg8[%dma_start3A_35, %dma_start3A_36] : memref<10240x128xf32, #tpu.memory_space<vmem_shared>> -> memref<10240x128xf32, #tpu.memory_space<vmem_shared>>
        tpu.enqueue_indirect_dma source(%arg6 : memref<80x128xf32, #tpu.memory_space<vmem>>) target(%dma_start3A_37 : memref<10240x128xf32, #tpu.memory_space<vmem_shared>>) offsets(%dma_start3A_34 : memref<80xi32, #tpu.memory_space<vmem>>) semaphore(%arg9 : memref<!tpu.dma_semaphore, #tpu.memory_space<semaphore_mem>>) {add = true}
        %add3A_38 = arith.constant 2 : i32
        %add3A_39 = arith.addi %mul3A_22, %add3A_38 : i32
        %dma_start3A_40 = arith.constant 0 : i32
        %dma_start3A_41 = tpu.memref_slice %arg7[%add3A_39, %dma_start3A_40] : memref<25x80xi32, #tpu.memory_space<vmem>> -> memref<1x80xi32, #tpu.memory_space<vmem>>
        %dma_start3A_42 = tpu.memref_squeeze %dma_start3A_41 : memref<1x80xi32, #tpu.memory_space<vmem>> -> memref<80xi32, #tpu.memory_space<vmem>>
        %dma_start3A_43 = arith.constant 0 : i32
        %dma_start3A_44 = arith.constant 0 : i32
        %dma_start3A_45 = tpu.memref_slice %arg8[%dma_start3A_43, %dma_start3A_44] : memref<10240x128xf32, #tpu.memory_space<vmem_shared>> -> memref<10240x128xf32, #tpu.memory_space<vmem_shared>>
        tpu.enqueue_indirect_dma source(%arg6 : memref<80x128xf32, #tpu.memory_space<vmem>>) target(%dma_start3A_45 : memref<10240x128xf32, #tpu.memory_space<vmem_shared>>) offsets(%dma_start3A_42 : memref<80xi32, #tpu.memory_space<vmem>>) semaphore(%arg9 : memref<!tpu.dma_semaphore, #tpu.memory_space<semaphore_mem>>) {add = true}
        %add3A_46 = arith.constant 3 : i32
        %add3A_47 = arith.addi %mul3A_22, %add3A_46 : i32
        %dma_start3A_48 = arith.constant 0 : i32
        %dma_start3A_49 = tpu.memref_slice %arg7[%add3A_47, %dma_start3A_48] : memref<25x80xi32, #tpu.memory_space<vmem>> -> memref<1x80xi32, #tpu.memory_space<vmem>>
        %dma_start3A_50 = tpu.memref_squeeze %dma_start3A_49 : memref<1x80xi32, #tpu.memory_space<vmem>> -> memref<80xi32, #tpu.memory_space<vmem>>
        %dma_start3A_51 = arith.constant 0 : i32
        %dma_start3A_52 = arith.constant 0 : i32
        %dma_start3A_53 = tpu.memref_slice %arg8[%dma_start3A_51, %dma_start3A_52] : memref<10240x128xf32, #tpu.memory_space<vmem_shared>> -> memref<10240x128xf32, #tpu.memory_space<vmem_shared>>
        tpu.enqueue_indirect_dma source(%arg6 : memref<80x128xf32, #tpu.memory_space<vmem>>) target(%dma_start3A_53 : memref<10240x128xf32, #tpu.memory_space<vmem_shared>>) offsets(%dma_start3A_50 : memref<80xi32, #tpu.memory_space<vmem>>) semaphore(%arg9 : memref<!tpu.dma_semaphore, #tpu.memory_space<semaphore_mem>>) {add = true}
        %add3A_54 = arith.constant 4 : i32
        %add3A_55 = arith.addi %mul3A_22, %add3A_54 : i32
        %dma_start3A_56 = arith.constant 0 : i32
        %dma_start3A_57 = tpu.memref_slice %arg7[%add3A_55, %dma_start3A_56] : memref<25x80xi32, #tpu.memory_space<vmem>> -> memref<1x80xi32, #tpu.memory_space<vmem>>
        %dma_start3A_58 = tpu.memref_squeeze %dma_start3A_57 : memref<1x80xi32, #tpu.memory_space<vmem>> -> memref<80xi32, #tpu.memory_space<vmem>>
        %dma_start3A_59 = arith.constant 0 : i32
        %dma_start3A_60 = arith.constant 0 : i32
        %dma_start3A_61 = tpu.memref_slice %arg8[%dma_start3A_59, %dma_start3A_60] : memref<10240x128xf32, #tpu.memory_space<vmem_shared>> -> memref<10240x128xf32, #tpu.memory_space<vmem_shared>>
        tpu.enqueue_indirect_dma source(%arg6 : memref<80x128xf32, #tpu.memory_space<vmem>>) target(%dma_start3A_61 : memref<10240x128xf32, #tpu.memory_space<vmem_shared>>) offsets(%dma_start3A_58 : memref<80xi32, #tpu.memory_space<vmem>>) semaphore(%arg9 : memref<!tpu.dma_semaphore, #tpu.memory_space<semaphore_mem>>) {add = true}
        %add3A_62 = arith.constant 0 : i32
        %add3A_63 = arith.addi %mul3A_22, %add3A_62 : i32
        %dma_wait3A = arith.constant 0 : i32
        %dma_wait3A_64 = tpu.memref_slice %arg7[%add3A_63, %dma_wait3A] : memref<25x80xi32, #tpu.memory_space<vmem>> -> memref<1x80xi32, #tpu.memory_space<vmem>>
        %dma_wait3A_65 = tpu.memref_squeeze %dma_wait3A_64 : memref<1x80xi32, #tpu.memory_space<vmem>> -> memref<80xi32, #tpu.memory_space<vmem>>
        %dma_wait3A_66 = arith.constant 0 : i32
        %dma_wait3A_67 = arith.constant 0 : i32
        %dma_wait3A_68 = tpu.memref_slice %arg8[%dma_wait3A_66, %dma_wait3A_67] : memref<10240x128xf32, #tpu.memory_space<vmem_shared>> -> memref<10240x128xf32, #tpu.memory_space<vmem_shared>>
        tpu.wait_indirect_dma semaphore(%arg9 : memref<!tpu.dma_semaphore, #tpu.memory_space<semaphore_mem>>) src(%arg6 : memref<80x128xf32, #tpu.memory_space<vmem>>) dst(%dma_wait3A_68 : memref<10240x128xf32, #tpu.memory_space<vmem_shared>>)
        %add3A_69 = arith.constant 1 : i32
        %add3A_70 = arith.addi %mul3A_22, %add3A_69 : i32
        %dma_wait3A_71 = arith.constant 0 : i32
        %dma_wait3A_72 = tpu.memref_slice %arg7[%add3A_70, %dma_wait3A_71] : memref<25x80xi32, #tpu.memory_space<vmem>> -> memref<1x80xi32, #tpu.memory_space<vmem>>
        %dma_wait3A_73 = tpu.memref_squeeze %dma_wait3A_72 : memref<1x80xi32, #tpu.memory_space<vmem>> -> memref<80xi32, #tpu.memory_space<vmem>>
        %dma_wait3A_74 = arith.constant 0 : i32
        %dma_wait3A_75 = arith.constant 0 : i32
        %dma_wait3A_76 = tpu.memref_slice %arg8[%dma_wait3A_74, %dma_wait3A_75] : memref<10240x128xf32, #tpu.memory_space<vmem_shared>> -> memref<10240x128xf32, #tpu.memory_space<vmem_shared>>
        tpu.wait_indirect_dma semaphore(%arg9 : memref<!tpu.dma_semaphore, #tpu.memory_space<semaphore_mem>>) src(%arg6 : memref<80x128xf32, #tpu.memory_space<vmem>>) dst(%dma_wait3A_76 : memref<10240x128xf32, #tpu.memory_space<vmem_shared>>)
        %add3A_77 = arith.constant 2 : i32
        %add3A_78 = arith.addi %mul3A_22, %add3A_77 : i32
        %dma_wait3A_79 = arith.constant 0 : i32
        %dma_wait3A_80 = tpu.memref_slice %arg7[%add3A_78, %dma_wait3A_79] : memref<25x80xi32, #tpu.memory_space<vmem>> -> memref<1x80xi32, #tpu.memory_space<vmem>>
        %dma_wait3A_81 = tpu.memref_squeeze %dma_wait3A_80 : memref<1x80xi32, #tpu.memory_space<vmem>> -> memref<80xi32, #tpu.memory_space<vmem>>
        %dma_wait3A_82 = arith.constant 0 : i32
        %dma_wait3A_83 = arith.constant 0 : i32
        %dma_wait3A_84 = tpu.memref_slice %arg8[%dma_wait3A_82, %dma_wait3A_83] : memref<10240x128xf32, #tpu.memory_space<vmem_shared>> -> memref<10240x128xf32, #tpu.memory_space<vmem_shared>>
        tpu.wait_indirect_dma semaphore(%arg9 : memref<!tpu.dma_semaphore, #tpu.memory_space<semaphore_mem>>) src(%arg6 : memref<80x128xf32, #tpu.memory_space<vmem>>) dst(%dma_wait3A_84 : memref<10240x128xf32, #tpu.memory_space<vmem_shared>>)
        %add3A_85 = arith.constant 3 : i32
        %add3A_86 = arith.addi %mul3A_22, %add3A_85 : i32
        %dma_wait3A_87 = arith.constant 0 : i32
        %dma_wait3A_88 = tpu.memref_slice %arg7[%add3A_86, %dma_wait3A_87] : memref<25x80xi32, #tpu.memory_space<vmem>> -> memref<1x80xi32, #tpu.memory_space<vmem>>
        %dma_wait3A_89 = tpu.memref_squeeze %dma_wait3A_88 : memref<1x80xi32, #tpu.memory_space<vmem>> -> memref<80xi32, #tpu.memory_space<vmem>>
        %dma_wait3A_90 = arith.constant 0 : i32
        %dma_wait3A_91 = arith.constant 0 : i32
        %dma_wait3A_92 = tpu.memref_slice %arg8[%dma_wait3A_90, %dma_wait3A_91] : memref<10240x128xf32, #tpu.memory_space<vmem_shared>> -> memref<10240x128xf32, #tpu.memory_space<vmem_shared>>
        tpu.wait_indirect_dma semaphore(%arg9 : memref<!tpu.dma_semaphore, #tpu.memory_space<semaphore_mem>>) src(%arg6 : memref<80x128xf32, #tpu.memory_space<vmem>>) dst(%dma_wait3A_92 : memref<10240x128xf32, #tpu.memory_space<vmem_shared>>)
        %add3A_93 = arith.constant 4 : i32
        %add3A_94 = arith.addi %mul3A_22, %add3A_93 : i32
        %dma_wait3A_95 = arith.constant 0 : i32
        %dma_wait3A_96 = tpu.memref_slice %arg7[%add3A_94, %dma_wait3A_95] : memref<25x80xi32, #tpu.memory_space<vmem>> -> memref<1x80xi32, #tpu.memory_space<vmem>>
        %dma_wait3A_97 = tpu.memref_squeeze %dma_wait3A_96 : memref<1x80xi32, #tpu.memory_space<vmem>> -> memref<80xi32, #tpu.memory_space<vmem>>
        %dma_wait3A_98 = arith.constant 0 : i32
        %dma_wait3A_99 = arith.constant 0 : i32
        %dma_wait3A_100 = tpu.memref_slice %arg8[%dma_wait3A_98, %dma_wait3A_99] : memref<10240x128xf32, #tpu.memory_space<vmem_shared>> -> memref<10240x128xf32, #tpu.memory_space<vmem_shared>>
        tpu.wait_indirect_dma semaphore(%arg9 : memref<!tpu.dma_semaphore, #tpu.memory_space<semaphore_mem>>) src(%arg6 : memref<80x128xf32, #tpu.memory_space<vmem>>) dst(%dma_wait3A_100 : memref<10240x128xf32, #tpu.memory_space<vmem_shared>>)
      }
      %scan3A_19 = arith.constant 5 : i32
    }
    %scan3A_7 = arith.constant 5 : i32
    %barrier3A_8 = arith.constant 0 : index
    tpu.barrier barrier_id(%barrier3A_8)
    %mul3A_9 = arith.constant 640 : i32
    %mul3A_10 = arith.muli %arg1, %mul3A_9 : i32
    %mul3A_11 = arith.constant 640 : i32
    %mul3A_12 = arith.muli %arg1, %mul3A_11 : i32
    "tpu.region"() ({
      %run_scoped3A = tpu.sem_alloc : memref<!tpu.dma_semaphore, #tpu.memory_space<semaphore_mem>>
      %dma_start3A = arith.constant 0 : i32
      %dma_start3A_13 = tpu.memref_slice %arg5[%arg0, %mul3A_12, %dma_start3A] : memref<2x10240x128xf32, #tpu.memory_space<hbm>> -> memref<1x640x128xf32, #tpu.memory_space<hbm>>
      %dma_start3A_14 = tpu.memref_squeeze %dma_start3A_13 : memref<1x640x128xf32, #tpu.memory_space<hbm>> -> memref<640x128xf32, #tpu.memory_space<hbm>>
      %dma_start3A_15 = arith.constant 0 : i32
      %dma_start3A_16 = tpu.memref_slice %arg8[%mul3A_10, %dma_start3A_15] : memref<10240x128xf32, #tpu.memory_space<vmem_shared>> -> memref<640x128xf32, #tpu.memory_space<vmem_shared>>
      tpu.enqueue_dma source(%dma_start3A_16 : memref<640x128xf32, #tpu.memory_space<vmem_shared>>) target(%dma_start3A_14 : memref<640x128xf32, #tpu.memory_space<hbm>>) target_semaphore(%run_scoped3A : memref<!tpu.dma_semaphore, #tpu.memory_space<semaphore_mem>>)
      %dma_wait3A = arith.constant 0 : i32
      %dma_wait3A_17 = tpu.memref_slice %arg5[%arg0, %mul3A_12, %dma_wait3A] : memref<2x10240x128xf32, #tpu.memory_space<hbm>> -> memref<1x640x128xf32, #tpu.memory_space<hbm>>
      %dma_wait3A_18 = tpu.memref_squeeze %dma_wait3A_17 : memref<1x640x128xf32, #tpu.memory_space<hbm>> -> memref<640x128xf32, #tpu.memory_space<hbm>>
      %dma_wait3A_19 = arith.constant 0 : i32
      %dma_wait3A_20 = tpu.memref_slice %arg8[%mul3A_10, %dma_wait3A_19] : memref<10240x128xf32, #tpu.memory_space<vmem_shared>> -> memref<640x128xf32, #tpu.memory_space<vmem_shared>>
      tpu.wait_dma2 semaphore(%run_scoped3A : memref<!tpu.dma_semaphore, #tpu.memory_space<semaphore_mem>>) src(%dma_wait3A_20 : memref<640x128xf32, #tpu.memory_space<vmem_shared>>) dst(%dma_wait3A_18 : memref<640x128xf32, #tpu.memory_space<hbm>>)
      tpu.yield
    }) : () -> ()
    return
  }
}

#map = affine_map<(d0, d1) -> (0, 0)>
#map1 = affine_map<(d0, d1) -> (0, 0, 0, 0)>
module attributes {stable_mosaic.version = 14 : i64} {
  func.func @_mp_body(%arg0: i32, %arg1: i32, %arg2: memref<10000x128xf32, #tpu.memory_space<hbm>>, %arg3: memref<10000x128xf32, #tpu.memory_space<hbm>>, %arg4: memref<16x5x50x80xi32, #tpu.memory_space<hbm>>, %arg5: memref<16x5x50x80xi32, #tpu.memory_space<hbm>>, %arg6: memref<640x128xf32, #tpu.memory_space<hbm>>, %arg7: memref<10240x128xf32, #tpu.memory_space<hbm>>, %arg8: memref<10240x128xf32, #tpu.memory_space<hbm>>, %arg9: memref<50x80xi32, #tpu.memory_space<vmem>>, %arg10: memref<50x80xi32, #tpu.memory_space<vmem>>, %arg11: memref<80x128xf32, #tpu.memory_space<vmem>>, %arg12: memref<80x128xf32, #tpu.memory_space<vmem>>, %arg13: memref<10240x128xf32, #tpu.memory_space<vmem_shared>>, %arg14: memref<!tpu.dma_semaphore, #tpu.memory_space<semaphore_mem>>, %arg15: memref<!tpu.dma_semaphore, #tpu.memory_space<semaphore_mem>>) attributes {dimension_semantics = [#tpu.dimension_semantics<core_parallel>, #tpu.dimension_semantics<subcore_parallel>], iteration_bounds = array<i64: 2, 16>, scalar_prefetch = 0 : i64, scratch_operands = 7 : i64, tpu.core_type = #tpu.core_type<sc_vector_subcore>, window_params = [{transform_indices = #map}, {transform_indices = #map}, {transform_indices = #map1}, {transform_indices = #map1}, {transform_indices = #map}, {transform_indices = #map}, {transform_indices = #map}]} {
    %mul3A = arith.constant 640 : i32
    %mul3A_0 = arith.muli %arg1, %mul3A : i32
    "tpu.region"() ({
      %run_scoped3A = tpu.sem_alloc : memref<!tpu.dma_semaphore, #tpu.memory_space<semaphore_mem>>
      %dma_start3A = arith.constant 0 : i32
      %dma_start3A_8 = tpu.memref_slice %arg13[%mul3A_0, %dma_start3A] : memref<10240x128xf32, #tpu.memory_space<vmem_shared>> -> memref<640x128xf32, #tpu.memory_space<vmem_shared>>
      tpu.enqueue_dma source(%arg6 : memref<640x128xf32, #tpu.memory_space<hbm>>) target(%dma_start3A_8 : memref<640x128xf32, #tpu.memory_space<vmem_shared>>) target_semaphore(%run_scoped3A : memref<!tpu.dma_semaphore, #tpu.memory_space<semaphore_mem>>)
      %dma_wait3A = arith.constant 0 : i32
      %dma_wait3A_9 = tpu.memref_slice %arg13[%mul3A_0, %dma_wait3A] : memref<10240x128xf32, #tpu.memory_space<vmem_shared>> -> memref<640x128xf32, #tpu.memory_space<vmem_shared>>
      tpu.wait_dma2 semaphore(%run_scoped3A : memref<!tpu.dma_semaphore, #tpu.memory_space<semaphore_mem>>) src(%arg6 : memref<640x128xf32, #tpu.memory_space<hbm>>) dst(%dma_wait3A_9 : memref<640x128xf32, #tpu.memory_space<vmem_shared>>)
      tpu.yield
    }) : () -> ()
    %barrier3A = arith.constant 0 : index
    tpu.barrier barrier_id(%barrier3A)
    %eq3A = arith.constant 0 : i32
    %eq3A_1 = arith.cmpi eq, %arg0, %eq3A : i32
    %convert_element_type3A = arith.extui %eq3A_1 : i1 to i32
    %cond3A = arith.constant 0 : i32
    %cond3A_2 = arith.cmpi ne, %convert_element_type3A, %cond3A : i32
    scf.if %cond3A_2 {
      %scan3A = arith.constant 0 : i32
      %scan3A_8 = arith.constant 0 : i32
      %scan3A_9 = arith.constant 5 : i32
      %scan3A_10 = arith.addi %scan3A_8, %scan3A_9 : i32
      %scan3A_11 = arith.constant 1 : i32
      scf.for %scan3A_18 = %scan3A_8 to %scan3A_10 step %scan3A_11  : i32 {
        "tpu.region"() ({
          %run_scoped3A = tpu.sem_alloc : memref<!tpu.dma_semaphore, #tpu.memory_space<semaphore_mem>>
          %dma_start3A_31 = arith.constant 0 : i32
          %dma_start3A_32 = arith.constant 0 : i32
          %dma_start3A_33 = tpu.memref_slice %arg4[%arg1, %scan3A_18, %dma_start3A_31, %dma_start3A_32] : memref<16x5x50x80xi32, #tpu.memory_space<hbm>> -> memref<1x1x50x80xi32, #tpu.memory_space<hbm>>
          %dma_start3A_34 = tpu.memref_squeeze %dma_start3A_33 : memref<1x1x50x80xi32, #tpu.memory_space<hbm>> -> memref<50x80xi32, #tpu.memory_space<hbm>>
          %dma_start3A_35 = arith.constant 0 : i32
          %dma_start3A_36 = arith.constant 0 : i32
          %dma_start3A_37 = tpu.memref_slice %arg4[%arg1, %scan3A_18, %dma_start3A_35, %dma_start3A_36] : memref<16x5x50x80xi32, #tpu.memory_space<hbm>> -> memref<1x1x50x80xi32, #tpu.memory_space<hbm>>
          %dma_start3A_38 = tpu.memref_squeeze %dma_start3A_37 : memref<1x1x50x80xi32, #tpu.memory_space<hbm>> -> memref<50x80xi32, #tpu.memory_space<hbm>>
          tpu.enqueue_dma source(%dma_start3A_38 : memref<50x80xi32, #tpu.memory_space<hbm>>) target(%arg9 : memref<50x80xi32, #tpu.memory_space<vmem>>) target_semaphore(%run_scoped3A : memref<!tpu.dma_semaphore, #tpu.memory_space<semaphore_mem>>)
          %dma_wait3A = arith.constant 0 : i32
          %dma_wait3A_39 = arith.constant 0 : i32
          %dma_wait3A_40 = tpu.memref_slice %arg4[%arg1, %scan3A_18, %dma_wait3A, %dma_wait3A_39] : memref<16x5x50x80xi32, #tpu.memory_space<hbm>> -> memref<1x1x50x80xi32, #tpu.memory_space<hbm>>
          %dma_wait3A_41 = tpu.memref_squeeze %dma_wait3A_40 : memref<1x1x50x80xi32, #tpu.memory_space<hbm>> -> memref<50x80xi32, #tpu.memory_space<hbm>>
          %dma_wait3A_42 = arith.constant 0 : i32
          %dma_wait3A_43 = arith.constant 0 : i32
          %dma_wait3A_44 = tpu.memref_slice %arg4[%arg1, %scan3A_18, %dma_wait3A_42, %dma_wait3A_43] : memref<16x5x50x80xi32, #tpu.memory_space<hbm>> -> memref<1x1x50x80xi32, #tpu.memory_space<hbm>>
          %dma_wait3A_45 = tpu.memref_squeeze %dma_wait3A_44 : memref<1x1x50x80xi32, #tpu.memory_space<hbm>> -> memref<50x80xi32, #tpu.memory_space<hbm>>
          tpu.wait_dma2 semaphore(%run_scoped3A : memref<!tpu.dma_semaphore, #tpu.memory_space<semaphore_mem>>) src(%dma_wait3A_45 : memref<50x80xi32, #tpu.memory_space<hbm>>) dst(%arg9 : memref<50x80xi32, #tpu.memory_space<vmem>>)
          tpu.yield
        }) : () -> ()
        "tpu.region"() ({
          %run_scoped3A = tpu.sem_alloc : memref<!tpu.dma_semaphore, #tpu.memory_space<semaphore_mem>>
          %dma_start3A_31 = arith.constant 0 : i32
          %dma_start3A_32 = arith.constant 0 : i32
          %dma_start3A_33 = tpu.memref_slice %arg5[%arg1, %scan3A_18, %dma_start3A_31, %dma_start3A_32] : memref<16x5x50x80xi32, #tpu.memory_space<hbm>> -> memref<1x1x50x80xi32, #tpu.memory_space<hbm>>
          %dma_start3A_34 = tpu.memref_squeeze %dma_start3A_33 : memref<1x1x50x80xi32, #tpu.memory_space<hbm>> -> memref<50x80xi32, #tpu.memory_space<hbm>>
          %dma_start3A_35 = arith.constant 0 : i32
          %dma_start3A_36 = arith.constant 0 : i32
          %dma_start3A_37 = tpu.memref_slice %arg5[%arg1, %scan3A_18, %dma_start3A_35, %dma_start3A_36] : memref<16x5x50x80xi32, #tpu.memory_space<hbm>> -> memref<1x1x50x80xi32, #tpu.memory_space<hbm>>
          %dma_start3A_38 = tpu.memref_squeeze %dma_start3A_37 : memref<1x1x50x80xi32, #tpu.memory_space<hbm>> -> memref<50x80xi32, #tpu.memory_space<hbm>>
          tpu.enqueue_dma source(%dma_start3A_38 : memref<50x80xi32, #tpu.memory_space<hbm>>) target(%arg10 : memref<50x80xi32, #tpu.memory_space<vmem>>) target_semaphore(%run_scoped3A : memref<!tpu.dma_semaphore, #tpu.memory_space<semaphore_mem>>)
          %dma_wait3A = arith.constant 0 : i32
          %dma_wait3A_39 = arith.constant 0 : i32
          %dma_wait3A_40 = tpu.memref_slice %arg5[%arg1, %scan3A_18, %dma_wait3A, %dma_wait3A_39] : memref<16x5x50x80xi32, #tpu.memory_space<hbm>> -> memref<1x1x50x80xi32, #tpu.memory_space<hbm>>
          %dma_wait3A_41 = tpu.memref_squeeze %dma_wait3A_40 : memref<1x1x50x80xi32, #tpu.memory_space<hbm>> -> memref<50x80xi32, #tpu.memory_space<hbm>>
          %dma_wait3A_42 = arith.constant 0 : i32
          %dma_wait3A_43 = arith.constant 0 : i32
          %dma_wait3A_44 = tpu.memref_slice %arg5[%arg1, %scan3A_18, %dma_wait3A_42, %dma_wait3A_43] : memref<16x5x50x80xi32, #tpu.memory_space<hbm>> -> memref<1x1x50x80xi32, #tpu.memory_space<hbm>>
          %dma_wait3A_45 = tpu.memref_squeeze %dma_wait3A_44 : memref<1x1x50x80xi32, #tpu.memory_space<hbm>> -> memref<50x80xi32, #tpu.memory_space<hbm>>
          tpu.wait_dma2 semaphore(%run_scoped3A : memref<!tpu.dma_semaphore, #tpu.memory_space<semaphore_mem>>) src(%dma_wait3A_45 : memref<50x80xi32, #tpu.memory_space<hbm>>) dst(%arg10 : memref<50x80xi32, #tpu.memory_space<vmem>>)
          tpu.yield
        }) : () -> ()
        %dma_start3A = arith.constant 0 : i32
        %dma_start3A_19 = arith.constant 0 : i32
        %dma_start3A_20 = tpu.memref_slice %arg9[%dma_start3A, %dma_start3A_19] : memref<50x80xi32, #tpu.memory_space<vmem>> -> memref<1x80xi32, #tpu.memory_space<vmem>>
        %dma_start3A_21 = tpu.memref_squeeze %dma_start3A_20 : memref<1x80xi32, #tpu.memory_space<vmem>> -> memref<80xi32, #tpu.memory_space<vmem>>
        %dma_start3A_22 = arith.constant 0 : i32
        %dma_start3A_23 = arith.constant 0 : i32
        %dma_start3A_24 = tpu.memref_slice %arg2[%dma_start3A_22, %dma_start3A_23] : memref<10000x128xf32, #tpu.memory_space<hbm>> -> memref<10000x128xf32, #tpu.memory_space<hbm>>
        tpu.enqueue_indirect_dma source(%dma_start3A_24 : memref<10000x128xf32, #tpu.memory_space<hbm>>) target(%arg11 : memref<80x128xf32, #tpu.memory_space<vmem>>) offsets(%dma_start3A_21 : memref<80xi32, #tpu.memory_space<vmem>>) semaphore(%arg14 : memref<!tpu.dma_semaphore, #tpu.memory_space<semaphore_mem>>)
        %scan3A_25 = arith.constant 0 : i32
        %scan3A_26 = arith.constant 0 : i32
        %scan3A_27 = arith.constant 50 : i32
        %scan3A_28 = arith.addi %scan3A_26, %scan3A_27 : i32
        %scan3A_29 = arith.constant 1 : i32
        scf.for %scan3A_31 = %scan3A_26 to %scan3A_28 step %scan3A_29  : i32 {
          %and3A = arith.constant 1 : i32
          %and3A_32 = arith.andi %scan3A_31, %and3A : i32
          %eq3A_33 = arith.constant 0 : i32
          %eq3A_34 = arith.cmpi eq, %and3A_32, %eq3A_33 : i32
          %convert_element_type3A_35 = arith.extui %eq3A_34 : i1 to i32
          %cond3A_36 = arith.constant 0 : i32
          %cond3A_37 = arith.cmpi ne, %convert_element_type3A_35, %cond3A_36 : i32
          scf.if %cond3A_37 {
            %dma_wait3A = arith.constant 0 : i32
            %dma_wait3A_42 = tpu.memref_slice %arg9[%scan3A_31, %dma_wait3A] : memref<50x80xi32, #tpu.memory_space<vmem>> -> memref<1x80xi32, #tpu.memory_space<vmem>>
            %dma_wait3A_43 = tpu.memref_squeeze %dma_wait3A_42 : memref<1x80xi32, #tpu.memory_space<vmem>> -> memref<80xi32, #tpu.memory_space<vmem>>
            %dma_wait3A_44 = arith.constant 0 : i32
            %dma_wait3A_45 = arith.constant 0 : i32
            %dma_wait3A_46 = tpu.memref_slice %arg2[%dma_wait3A_44, %dma_wait3A_45] : memref<10000x128xf32, #tpu.memory_space<hbm>> -> memref<10000x128xf32, #tpu.memory_space<hbm>>
            tpu.wait_indirect_dma semaphore(%arg14 : memref<!tpu.dma_semaphore, #tpu.memory_space<semaphore_mem>>) src(%dma_wait3A_46 : memref<10000x128xf32, #tpu.memory_space<hbm>>) dst(%arg11 : memref<80x128xf32, #tpu.memory_space<vmem>>)
            %add3A = arith.constant 1 : i32
            %add3A_47 = arith.addi %scan3A_31, %add3A : i32
            %lt3A = arith.constant 50 : i32
            %lt3A_48 = arith.cmpi slt, %add3A_47, %lt3A : i32
            %convert_element_type3A_49 = arith.extui %lt3A_48 : i1 to i32
            %cond3A_50 = arith.constant 0 : i32
            %cond3A_51 = arith.cmpi ne, %convert_element_type3A_49, %cond3A_50 : i32
            scf.if %cond3A_51 {
              %add3A_52 = arith.constant 1 : i32
              %add3A_53 = arith.addi %scan3A_31, %add3A_52 : i32
              %dma_start3A_54 = arith.constant 0 : i32
              %dma_start3A_55 = tpu.memref_slice %arg9[%add3A_53, %dma_start3A_54] : memref<50x80xi32, #tpu.memory_space<vmem>> -> memref<1x80xi32, #tpu.memory_space<vmem>>
              %dma_start3A_56 = tpu.memref_squeeze %dma_start3A_55 : memref<1x80xi32, #tpu.memory_space<vmem>> -> memref<80xi32, #tpu.memory_space<vmem>>
              %dma_start3A_57 = arith.constant 0 : i32
              %dma_start3A_58 = arith.constant 0 : i32
              %dma_start3A_59 = tpu.memref_slice %arg2[%dma_start3A_57, %dma_start3A_58] : memref<10000x128xf32, #tpu.memory_space<hbm>> -> memref<10000x128xf32, #tpu.memory_space<hbm>>
              tpu.enqueue_indirect_dma source(%dma_start3A_59 : memref<10000x128xf32, #tpu.memory_space<hbm>>) target(%arg12 : memref<80x128xf32, #tpu.memory_space<vmem>>) offsets(%dma_start3A_56 : memref<80xi32, #tpu.memory_space<vmem>>) semaphore(%arg15 : memref<!tpu.dma_semaphore, #tpu.memory_space<semaphore_mem>>)
            } else {
            }
            "tpu.region"() ({
              %run_scoped3A = tpu.sem_alloc : memref<!tpu.dma_semaphore, #tpu.memory_space<semaphore_mem>>
              %dma_start3A_52 = arith.constant 0 : i32
              %dma_start3A_53 = tpu.memref_slice %arg10[%scan3A_31, %dma_start3A_52] : memref<50x80xi32, #tpu.memory_space<vmem>> -> memref<1x80xi32, #tpu.memory_space<vmem>>
              %dma_start3A_54 = tpu.memref_squeeze %dma_start3A_53 : memref<1x80xi32, #tpu.memory_space<vmem>> -> memref<80xi32, #tpu.memory_space<vmem>>
              %dma_start3A_55 = arith.constant 0 : i32
              %dma_start3A_56 = arith.constant 0 : i32
              %dma_start3A_57 = tpu.memref_slice %arg13[%dma_start3A_55, %dma_start3A_56] : memref<10240x128xf32, #tpu.memory_space<vmem_shared>> -> memref<10240x128xf32, #tpu.memory_space<vmem_shared>>
              tpu.enqueue_indirect_dma source(%arg11 : memref<80x128xf32, #tpu.memory_space<vmem>>) target(%dma_start3A_57 : memref<10240x128xf32, #tpu.memory_space<vmem_shared>>) offsets(%dma_start3A_54 : memref<80xi32, #tpu.memory_space<vmem>>) semaphore(%run_scoped3A : memref<!tpu.dma_semaphore, #tpu.memory_space<semaphore_mem>>) {add = true}
              %dma_wait3A_58 = arith.constant 0 : i32
              %dma_wait3A_59 = tpu.memref_slice %arg10[%scan3A_31, %dma_wait3A_58] : memref<50x80xi32, #tpu.memory_space<vmem>> -> memref<1x80xi32, #tpu.memory_space<vmem>>
              %dma_wait3A_60 = tpu.memref_squeeze %dma_wait3A_59 : memref<1x80xi32, #tpu.memory_space<vmem>> -> memref<80xi32, #tpu.memory_space<vmem>>
              %dma_wait3A_61 = arith.constant 0 : i32
              %dma_wait3A_62 = arith.constant 0 : i32
              %dma_wait3A_63 = tpu.memref_slice %arg13[%dma_wait3A_61, %dma_wait3A_62] : memref<10240x128xf32, #tpu.memory_space<vmem_shared>> -> memref<10240x128xf32, #tpu.memory_space<vmem_shared>>
              tpu.wait_indirect_dma semaphore(%run_scoped3A : memref<!tpu.dma_semaphore, #tpu.memory_space<semaphore_mem>>) src(%arg11 : memref<80x128xf32, #tpu.memory_space<vmem>>) dst(%dma_wait3A_63 : memref<10240x128xf32, #tpu.memory_space<vmem_shared>>)
              tpu.yield
            }) : () -> ()
          } else {
          }
          %not3A = arith.constant true
          %not3A_38 = arith.xori %eq3A_34, %not3A : i1
          %convert_element_type3A_39 = arith.extui %not3A_38 : i1 to i32
          %cond3A_40 = arith.constant 0 : i32
          %cond3A_41 = arith.cmpi ne, %convert_element_type3A_39, %cond3A_40 : i32
          scf.if %cond3A_41 {
            %dma_wait3A = arith.constant 0 : i32
            %dma_wait3A_42 = tpu.memref_slice %arg9[%scan3A_31, %dma_wait3A] : memref<50x80xi32, #tpu.memory_space<vmem>> -> memref<1x80xi32, #tpu.memory_space<vmem>>
            %dma_wait3A_43 = tpu.memref_squeeze %dma_wait3A_42 : memref<1x80xi32, #tpu.memory_space<vmem>> -> memref<80xi32, #tpu.memory_space<vmem>>
            %dma_wait3A_44 = arith.constant 0 : i32
            %dma_wait3A_45 = arith.constant 0 : i32
            %dma_wait3A_46 = tpu.memref_slice %arg2[%dma_wait3A_44, %dma_wait3A_45] : memref<10000x128xf32, #tpu.memory_space<hbm>> -> memref<10000x128xf32, #tpu.memory_space<hbm>>
            tpu.wait_indirect_dma semaphore(%arg15 : memref<!tpu.dma_semaphore, #tpu.memory_space<semaphore_mem>>) src(%dma_wait3A_46 : memref<10000x128xf32, #tpu.memory_space<hbm>>) dst(%arg12 : memref<80x128xf32, #tpu.memory_space<vmem>>)
            %add3A = arith.constant 1 : i32
            %add3A_47 = arith.addi %scan3A_31, %add3A : i32
            %lt3A = arith.constant 50 : i32
            %lt3A_48 = arith.cmpi slt, %add3A_47, %lt3A : i32
            %convert_element_type3A_49 = arith.extui %lt3A_48 : i1 to i32
            %cond3A_50 = arith.constant 0 : i32
            %cond3A_51 = arith.cmpi ne, %convert_element_type3A_49, %cond3A_50 : i32
            scf.if %cond3A_51 {
              %add3A_52 = arith.constant 1 : i32
              %add3A_53 = arith.addi %scan3A_31, %add3A_52 : i32
              %dma_start3A_54 = arith.constant 0 : i32
              %dma_start3A_55 = tpu.memref_slice %arg9[%add3A_53, %dma_start3A_54] : memref<50x80xi32, #tpu.memory_space<vmem>> -> memref<1x80xi32, #tpu.memory_space<vmem>>
              %dma_start3A_56 = tpu.memref_squeeze %dma_start3A_55 : memref<1x80xi32, #tpu.memory_space<vmem>> -> memref<80xi32, #tpu.memory_space<vmem>>
              %dma_start3A_57 = arith.constant 0 : i32
              %dma_start3A_58 = arith.constant 0 : i32
              %dma_start3A_59 = tpu.memref_slice %arg2[%dma_start3A_57, %dma_start3A_58] : memref<10000x128xf32, #tpu.memory_space<hbm>> -> memref<10000x128xf32, #tpu.memory_space<hbm>>
              tpu.enqueue_indirect_dma source(%dma_start3A_59 : memref<10000x128xf32, #tpu.memory_space<hbm>>) target(%arg11 : memref<80x128xf32, #tpu.memory_space<vmem>>) offsets(%dma_start3A_56 : memref<80xi32, #tpu.memory_space<vmem>>) semaphore(%arg14 : memref<!tpu.dma_semaphore, #tpu.memory_space<semaphore_mem>>)
            } else {
            }
            "tpu.region"() ({
              %run_scoped3A = tpu.sem_alloc : memref<!tpu.dma_semaphore, #tpu.memory_space<semaphore_mem>>
              %dma_start3A_52 = arith.constant 0 : i32
              %dma_start3A_53 = tpu.memref_slice %arg10[%scan3A_31, %dma_start3A_52] : memref<50x80xi32, #tpu.memory_space<vmem>> -> memref<1x80xi32, #tpu.memory_space<vmem>>
              %dma_start3A_54 = tpu.memref_squeeze %dma_start3A_53 : memref<1x80xi32, #tpu.memory_space<vmem>> -> memref<80xi32, #tpu.memory_space<vmem>>
              %dma_start3A_55 = arith.constant 0 : i32
              %dma_start3A_56 = arith.constant 0 : i32
              %dma_start3A_57 = tpu.memref_slice %arg13[%dma_start3A_55, %dma_start3A_56] : memref<10240x128xf32, #tpu.memory_space<vmem_shared>> -> memref<10240x128xf32, #tpu.memory_space<vmem_shared>>
              tpu.enqueue_indirect_dma source(%arg12 : memref<80x128xf32, #tpu.memory_space<vmem>>) target(%dma_start3A_57 : memref<10240x128xf32, #tpu.memory_space<vmem_shared>>) offsets(%dma_start3A_54 : memref<80xi32, #tpu.memory_space<vmem>>) semaphore(%run_scoped3A : memref<!tpu.dma_semaphore, #tpu.memory_space<semaphore_mem>>) {add = true}
              %dma_wait3A_58 = arith.constant 0 : i32
              %dma_wait3A_59 = tpu.memref_slice %arg10[%scan3A_31, %dma_wait3A_58] : memref<50x80xi32, #tpu.memory_space<vmem>> -> memref<1x80xi32, #tpu.memory_space<vmem>>
              %dma_wait3A_60 = tpu.memref_squeeze %dma_wait3A_59 : memref<1x80xi32, #tpu.memory_space<vmem>> -> memref<80xi32, #tpu.memory_space<vmem>>
              %dma_wait3A_61 = arith.constant 0 : i32
              %dma_wait3A_62 = arith.constant 0 : i32
              %dma_wait3A_63 = tpu.memref_slice %arg13[%dma_wait3A_61, %dma_wait3A_62] : memref<10240x128xf32, #tpu.memory_space<vmem_shared>> -> memref<10240x128xf32, #tpu.memory_space<vmem_shared>>
              tpu.wait_indirect_dma semaphore(%run_scoped3A : memref<!tpu.dma_semaphore, #tpu.memory_space<semaphore_mem>>) src(%arg12 : memref<80x128xf32, #tpu.memory_space<vmem>>) dst(%dma_wait3A_63 : memref<10240x128xf32, #tpu.memory_space<vmem_shared>>)
              tpu.yield
            }) : () -> ()
          } else {
          }
        }
        %scan3A_30 = arith.constant 50 : i32
      }
      %scan3A_12 = arith.constant 5 : i32
      %barrier3A_13 = arith.constant 0 : index
      tpu.barrier barrier_id(%barrier3A_13)
      %mul3A_14 = arith.constant 640 : i32
      %mul3A_15 = arith.muli %arg1, %mul3A_14 : i32
      %mul3A_16 = arith.constant 640 : i32
      %mul3A_17 = arith.muli %arg1, %mul3A_16 : i32
      "tpu.region"() ({
        %run_scoped3A = tpu.sem_alloc : memref<!tpu.dma_semaphore, #tpu.memory_space<semaphore_mem>>
        %dma_start3A = arith.constant 0 : i32
        %dma_start3A_18 = tpu.memref_slice %arg7[%mul3A_17, %dma_start3A] : memref<10240x128xf32, #tpu.memory_space<hbm>> -> memref<640x128xf32, #tpu.memory_space<hbm>>
        %dma_start3A_19 = arith.constant 0 : i32
        %dma_start3A_20 = tpu.memref_slice %arg13[%mul3A_15, %dma_start3A_19] : memref<10240x128xf32, #tpu.memory_space<vmem_shared>> -> memref<640x128xf32, #tpu.memory_space<vmem_shared>>
        tpu.enqueue_dma source(%dma_start3A_20 : memref<640x128xf32, #tpu.memory_space<vmem_shared>>) target(%dma_start3A_18 : memref<640x128xf32, #tpu.memory_space<hbm>>) target_semaphore(%run_scoped3A : memref<!tpu.dma_semaphore, #tpu.memory_space<semaphore_mem>>)
        %dma_wait3A = arith.constant 0 : i32
        %dma_wait3A_21 = tpu.memref_slice %arg7[%mul3A_17, %dma_wait3A] : memref<10240x128xf32, #tpu.memory_space<hbm>> -> memref<640x128xf32, #tpu.memory_space<hbm>>
        %dma_wait3A_22 = arith.constant 0 : i32
        %dma_wait3A_23 = tpu.memref_slice %arg13[%mul3A_15, %dma_wait3A_22] : memref<10240x128xf32, #tpu.memory_space<vmem_shared>> -> memref<640x128xf32, #tpu.memory_space<vmem_shared>>
        tpu.wait_dma2 semaphore(%run_scoped3A : memref<!tpu.dma_semaphore, #tpu.memory_space<semaphore_mem>>) src(%dma_wait3A_23 : memref<640x128xf32, #tpu.memory_space<vmem_shared>>) dst(%dma_wait3A_21 : memref<640x128xf32, #tpu.memory_space<hbm>>)
        tpu.yield
      }) : () -> ()
    } else {
    }
    %eq3A_3 = arith.constant 1 : i32
    %eq3A_4 = arith.cmpi eq, %arg0, %eq3A_3 : i32
    %convert_element_type3A_5 = arith.extui %eq3A_4 : i1 to i32
    %cond3A_6 = arith.constant 0 : i32
    %cond3A_7 = arith.cmpi ne, %convert_element_type3A_5, %cond3A_6 : i32
    scf.if %cond3A_7 {
      %scan3A = arith.constant 0 : i32
      %scan3A_8 = arith.constant 0 : i32
      %scan3A_9 = arith.constant 5 : i32
      %scan3A_10 = arith.addi %scan3A_8, %scan3A_9 : i32
      %scan3A_11 = arith.constant 1 : i32
      scf.for %scan3A_18 = %scan3A_8 to %scan3A_10 step %scan3A_11  : i32 {
        "tpu.region"() ({
          %run_scoped3A = tpu.sem_alloc : memref<!tpu.dma_semaphore, #tpu.memory_space<semaphore_mem>>
          %dma_start3A_31 = arith.constant 0 : i32
          %dma_start3A_32 = arith.constant 0 : i32
          %dma_start3A_33 = tpu.memref_slice %arg4[%arg1, %scan3A_18, %dma_start3A_31, %dma_start3A_32] : memref<16x5x50x80xi32, #tpu.memory_space<hbm>> -> memref<1x1x50x80xi32, #tpu.memory_space<hbm>>
          %dma_start3A_34 = tpu.memref_squeeze %dma_start3A_33 : memref<1x1x50x80xi32, #tpu.memory_space<hbm>> -> memref<50x80xi32, #tpu.memory_space<hbm>>
          %dma_start3A_35 = arith.constant 0 : i32
          %dma_start3A_36 = arith.constant 0 : i32
          %dma_start3A_37 = tpu.memref_slice %arg4[%arg1, %scan3A_18, %dma_start3A_35, %dma_start3A_36] : memref<16x5x50x80xi32, #tpu.memory_space<hbm>> -> memref<1x1x50x80xi32, #tpu.memory_space<hbm>>
          %dma_start3A_38 = tpu.memref_squeeze %dma_start3A_37 : memref<1x1x50x80xi32, #tpu.memory_space<hbm>> -> memref<50x80xi32, #tpu.memory_space<hbm>>
          tpu.enqueue_dma source(%dma_start3A_38 : memref<50x80xi32, #tpu.memory_space<hbm>>) target(%arg9 : memref<50x80xi32, #tpu.memory_space<vmem>>) target_semaphore(%run_scoped3A : memref<!tpu.dma_semaphore, #tpu.memory_space<semaphore_mem>>)
          %dma_wait3A = arith.constant 0 : i32
          %dma_wait3A_39 = arith.constant 0 : i32
          %dma_wait3A_40 = tpu.memref_slice %arg4[%arg1, %scan3A_18, %dma_wait3A, %dma_wait3A_39] : memref<16x5x50x80xi32, #tpu.memory_space<hbm>> -> memref<1x1x50x80xi32, #tpu.memory_space<hbm>>
          %dma_wait3A_41 = tpu.memref_squeeze %dma_wait3A_40 : memref<1x1x50x80xi32, #tpu.memory_space<hbm>> -> memref<50x80xi32, #tpu.memory_space<hbm>>
          %dma_wait3A_42 = arith.constant 0 : i32
          %dma_wait3A_43 = arith.constant 0 : i32
          %dma_wait3A_44 = tpu.memref_slice %arg4[%arg1, %scan3A_18, %dma_wait3A_42, %dma_wait3A_43] : memref<16x5x50x80xi32, #tpu.memory_space<hbm>> -> memref<1x1x50x80xi32, #tpu.memory_space<hbm>>
          %dma_wait3A_45 = tpu.memref_squeeze %dma_wait3A_44 : memref<1x1x50x80xi32, #tpu.memory_space<hbm>> -> memref<50x80xi32, #tpu.memory_space<hbm>>
          tpu.wait_dma2 semaphore(%run_scoped3A : memref<!tpu.dma_semaphore, #tpu.memory_space<semaphore_mem>>) src(%dma_wait3A_45 : memref<50x80xi32, #tpu.memory_space<hbm>>) dst(%arg9 : memref<50x80xi32, #tpu.memory_space<vmem>>)
          tpu.yield
        }) : () -> ()
        "tpu.region"() ({
          %run_scoped3A = tpu.sem_alloc : memref<!tpu.dma_semaphore, #tpu.memory_space<semaphore_mem>>
          %dma_start3A_31 = arith.constant 0 : i32
          %dma_start3A_32 = arith.constant 0 : i32
          %dma_start3A_33 = tpu.memref_slice %arg5[%arg1, %scan3A_18, %dma_start3A_31, %dma_start3A_32] : memref<16x5x50x80xi32, #tpu.memory_space<hbm>> -> memref<1x1x50x80xi32, #tpu.memory_space<hbm>>
          %dma_start3A_34 = tpu.memref_squeeze %dma_start3A_33 : memref<1x1x50x80xi32, #tpu.memory_space<hbm>> -> memref<50x80xi32, #tpu.memory_space<hbm>>
          %dma_start3A_35 = arith.constant 0 : i32
          %dma_start3A_36 = arith.constant 0 : i32
          %dma_start3A_37 = tpu.memref_slice %arg5[%arg1, %scan3A_18, %dma_start3A_35, %dma_start3A_36] : memref<16x5x50x80xi32, #tpu.memory_space<hbm>> -> memref<1x1x50x80xi32, #tpu.memory_space<hbm>>
          %dma_start3A_38 = tpu.memref_squeeze %dma_start3A_37 : memref<1x1x50x80xi32, #tpu.memory_space<hbm>> -> memref<50x80xi32, #tpu.memory_space<hbm>>
          tpu.enqueue_dma source(%dma_start3A_38 : memref<50x80xi32, #tpu.memory_space<hbm>>) target(%arg10 : memref<50x80xi32, #tpu.memory_space<vmem>>) target_semaphore(%run_scoped3A : memref<!tpu.dma_semaphore, #tpu.memory_space<semaphore_mem>>)
          %dma_wait3A = arith.constant 0 : i32
          %dma_wait3A_39 = arith.constant 0 : i32
          %dma_wait3A_40 = tpu.memref_slice %arg5[%arg1, %scan3A_18, %dma_wait3A, %dma_wait3A_39] : memref<16x5x50x80xi32, #tpu.memory_space<hbm>> -> memref<1x1x50x80xi32, #tpu.memory_space<hbm>>
          %dma_wait3A_41 = tpu.memref_squeeze %dma_wait3A_40 : memref<1x1x50x80xi32, #tpu.memory_space<hbm>> -> memref<50x80xi32, #tpu.memory_space<hbm>>
          %dma_wait3A_42 = arith.constant 0 : i32
          %dma_wait3A_43 = arith.constant 0 : i32
          %dma_wait3A_44 = tpu.memref_slice %arg5[%arg1, %scan3A_18, %dma_wait3A_42, %dma_wait3A_43] : memref<16x5x50x80xi32, #tpu.memory_space<hbm>> -> memref<1x1x50x80xi32, #tpu.memory_space<hbm>>
          %dma_wait3A_45 = tpu.memref_squeeze %dma_wait3A_44 : memref<1x1x50x80xi32, #tpu.memory_space<hbm>> -> memref<50x80xi32, #tpu.memory_space<hbm>>
          tpu.wait_dma2 semaphore(%run_scoped3A : memref<!tpu.dma_semaphore, #tpu.memory_space<semaphore_mem>>) src(%dma_wait3A_45 : memref<50x80xi32, #tpu.memory_space<hbm>>) dst(%arg10 : memref<50x80xi32, #tpu.memory_space<vmem>>)
          tpu.yield
        }) : () -> ()
        %dma_start3A = arith.constant 0 : i32
        %dma_start3A_19 = arith.constant 0 : i32
        %dma_start3A_20 = tpu.memref_slice %arg9[%dma_start3A, %dma_start3A_19] : memref<50x80xi32, #tpu.memory_space<vmem>> -> memref<1x80xi32, #tpu.memory_space<vmem>>
        %dma_start3A_21 = tpu.memref_squeeze %dma_start3A_20 : memref<1x80xi32, #tpu.memory_space<vmem>> -> memref<80xi32, #tpu.memory_space<vmem>>
        %dma_start3A_22 = arith.constant 0 : i32
        %dma_start3A_23 = arith.constant 0 : i32
        %dma_start3A_24 = tpu.memref_slice %arg3[%dma_start3A_22, %dma_start3A_23] : memref<10000x128xf32, #tpu.memory_space<hbm>> -> memref<10000x128xf32, #tpu.memory_space<hbm>>
        tpu.enqueue_indirect_dma source(%dma_start3A_24 : memref<10000x128xf32, #tpu.memory_space<hbm>>) target(%arg11 : memref<80x128xf32, #tpu.memory_space<vmem>>) offsets(%dma_start3A_21 : memref<80xi32, #tpu.memory_space<vmem>>) semaphore(%arg14 : memref<!tpu.dma_semaphore, #tpu.memory_space<semaphore_mem>>)
        %scan3A_25 = arith.constant 0 : i32
        %scan3A_26 = arith.constant 0 : i32
        %scan3A_27 = arith.constant 50 : i32
        %scan3A_28 = arith.addi %scan3A_26, %scan3A_27 : i32
        %scan3A_29 = arith.constant 1 : i32
        scf.for %scan3A_31 = %scan3A_26 to %scan3A_28 step %scan3A_29  : i32 {
          %and3A = arith.constant 1 : i32
          %and3A_32 = arith.andi %scan3A_31, %and3A : i32
          %eq3A_33 = arith.constant 0 : i32
          %eq3A_34 = arith.cmpi eq, %and3A_32, %eq3A_33 : i32
          %convert_element_type3A_35 = arith.extui %eq3A_34 : i1 to i32
          %cond3A_36 = arith.constant 0 : i32
          %cond3A_37 = arith.cmpi ne, %convert_element_type3A_35, %cond3A_36 : i32
          scf.if %cond3A_37 {
            %dma_wait3A = arith.constant 0 : i32
            %dma_wait3A_42 = tpu.memref_slice %arg9[%scan3A_31, %dma_wait3A] : memref<50x80xi32, #tpu.memory_space<vmem>> -> memref<1x80xi32, #tpu.memory_space<vmem>>
            %dma_wait3A_43 = tpu.memref_squeeze %dma_wait3A_42 : memref<1x80xi32, #tpu.memory_space<vmem>> -> memref<80xi32, #tpu.memory_space<vmem>>
            %dma_wait3A_44 = arith.constant 0 : i32
            %dma_wait3A_45 = arith.constant 0 : i32
            %dma_wait3A_46 = tpu.memref_slice %arg3[%dma_wait3A_44, %dma_wait3A_45] : memref<10000x128xf32, #tpu.memory_space<hbm>> -> memref<10000x128xf32, #tpu.memory_space<hbm>>
            tpu.wait_indirect_dma semaphore(%arg14 : memref<!tpu.dma_semaphore, #tpu.memory_space<semaphore_mem>>) src(%dma_wait3A_46 : memref<10000x128xf32, #tpu.memory_space<hbm>>) dst(%arg11 : memref<80x128xf32, #tpu.memory_space<vmem>>)
            %add3A = arith.constant 1 : i32
            %add3A_47 = arith.addi %scan3A_31, %add3A : i32
            %lt3A = arith.constant 50 : i32
            %lt3A_48 = arith.cmpi slt, %add3A_47, %lt3A : i32
            %convert_element_type3A_49 = arith.extui %lt3A_48 : i1 to i32
            %cond3A_50 = arith.constant 0 : i32
            %cond3A_51 = arith.cmpi ne, %convert_element_type3A_49, %cond3A_50 : i32
            scf.if %cond3A_51 {
              %add3A_52 = arith.constant 1 : i32
              %add3A_53 = arith.addi %scan3A_31, %add3A_52 : i32
              %dma_start3A_54 = arith.constant 0 : i32
              %dma_start3A_55 = tpu.memref_slice %arg9[%add3A_53, %dma_start3A_54] : memref<50x80xi32, #tpu.memory_space<vmem>> -> memref<1x80xi32, #tpu.memory_space<vmem>>
              %dma_start3A_56 = tpu.memref_squeeze %dma_start3A_55 : memref<1x80xi32, #tpu.memory_space<vmem>> -> memref<80xi32, #tpu.memory_space<vmem>>
              %dma_start3A_57 = arith.constant 0 : i32
              %dma_start3A_58 = arith.constant 0 : i32
              %dma_start3A_59 = tpu.memref_slice %arg3[%dma_start3A_57, %dma_start3A_58] : memref<10000x128xf32, #tpu.memory_space<hbm>> -> memref<10000x128xf32, #tpu.memory_space<hbm>>
              tpu.enqueue_indirect_dma source(%dma_start3A_59 : memref<10000x128xf32, #tpu.memory_space<hbm>>) target(%arg12 : memref<80x128xf32, #tpu.memory_space<vmem>>) offsets(%dma_start3A_56 : memref<80xi32, #tpu.memory_space<vmem>>) semaphore(%arg15 : memref<!tpu.dma_semaphore, #tpu.memory_space<semaphore_mem>>)
            } else {
            }
            "tpu.region"() ({
              %run_scoped3A = tpu.sem_alloc : memref<!tpu.dma_semaphore, #tpu.memory_space<semaphore_mem>>
              %dma_start3A_52 = arith.constant 0 : i32
              %dma_start3A_53 = tpu.memref_slice %arg10[%scan3A_31, %dma_start3A_52] : memref<50x80xi32, #tpu.memory_space<vmem>> -> memref<1x80xi32, #tpu.memory_space<vmem>>
              %dma_start3A_54 = tpu.memref_squeeze %dma_start3A_53 : memref<1x80xi32, #tpu.memory_space<vmem>> -> memref<80xi32, #tpu.memory_space<vmem>>
              %dma_start3A_55 = arith.constant 0 : i32
              %dma_start3A_56 = arith.constant 0 : i32
              %dma_start3A_57 = tpu.memref_slice %arg13[%dma_start3A_55, %dma_start3A_56] : memref<10240x128xf32, #tpu.memory_space<vmem_shared>> -> memref<10240x128xf32, #tpu.memory_space<vmem_shared>>
              tpu.enqueue_indirect_dma source(%arg11 : memref<80x128xf32, #tpu.memory_space<vmem>>) target(%dma_start3A_57 : memref<10240x128xf32, #tpu.memory_space<vmem_shared>>) offsets(%dma_start3A_54 : memref<80xi32, #tpu.memory_space<vmem>>) semaphore(%run_scoped3A : memref<!tpu.dma_semaphore, #tpu.memory_space<semaphore_mem>>) {add = true}
              %dma_wait3A_58 = arith.constant 0 : i32
              %dma_wait3A_59 = tpu.memref_slice %arg10[%scan3A_31, %dma_wait3A_58] : memref<50x80xi32, #tpu.memory_space<vmem>> -> memref<1x80xi32, #tpu.memory_space<vmem>>
              %dma_wait3A_60 = tpu.memref_squeeze %dma_wait3A_59 : memref<1x80xi32, #tpu.memory_space<vmem>> -> memref<80xi32, #tpu.memory_space<vmem>>
              %dma_wait3A_61 = arith.constant 0 : i32
              %dma_wait3A_62 = arith.constant 0 : i32
              %dma_wait3A_63 = tpu.memref_slice %arg13[%dma_wait3A_61, %dma_wait3A_62] : memref<10240x128xf32, #tpu.memory_space<vmem_shared>> -> memref<10240x128xf32, #tpu.memory_space<vmem_shared>>
              tpu.wait_indirect_dma semaphore(%run_scoped3A : memref<!tpu.dma_semaphore, #tpu.memory_space<semaphore_mem>>) src(%arg11 : memref<80x128xf32, #tpu.memory_space<vmem>>) dst(%dma_wait3A_63 : memref<10240x128xf32, #tpu.memory_space<vmem_shared>>)
              tpu.yield
            }) : () -> ()
          } else {
          }
          %not3A = arith.constant true
          %not3A_38 = arith.xori %eq3A_34, %not3A : i1
          %convert_element_type3A_39 = arith.extui %not3A_38 : i1 to i32
          %cond3A_40 = arith.constant 0 : i32
          %cond3A_41 = arith.cmpi ne, %convert_element_type3A_39, %cond3A_40 : i32
          scf.if %cond3A_41 {
            %dma_wait3A = arith.constant 0 : i32
            %dma_wait3A_42 = tpu.memref_slice %arg9[%scan3A_31, %dma_wait3A] : memref<50x80xi32, #tpu.memory_space<vmem>> -> memref<1x80xi32, #tpu.memory_space<vmem>>
            %dma_wait3A_43 = tpu.memref_squeeze %dma_wait3A_42 : memref<1x80xi32, #tpu.memory_space<vmem>> -> memref<80xi32, #tpu.memory_space<vmem>>
            %dma_wait3A_44 = arith.constant 0 : i32
            %dma_wait3A_45 = arith.constant 0 : i32
            %dma_wait3A_46 = tpu.memref_slice %arg3[%dma_wait3A_44, %dma_wait3A_45] : memref<10000x128xf32, #tpu.memory_space<hbm>> -> memref<10000x128xf32, #tpu.memory_space<hbm>>
            tpu.wait_indirect_dma semaphore(%arg15 : memref<!tpu.dma_semaphore, #tpu.memory_space<semaphore_mem>>) src(%dma_wait3A_46 : memref<10000x128xf32, #tpu.memory_space<hbm>>) dst(%arg12 : memref<80x128xf32, #tpu.memory_space<vmem>>)
            %add3A = arith.constant 1 : i32
            %add3A_47 = arith.addi %scan3A_31, %add3A : i32
            %lt3A = arith.constant 50 : i32
            %lt3A_48 = arith.cmpi slt, %add3A_47, %lt3A : i32
            %convert_element_type3A_49 = arith.extui %lt3A_48 : i1 to i32
            %cond3A_50 = arith.constant 0 : i32
            %cond3A_51 = arith.cmpi ne, %convert_element_type3A_49, %cond3A_50 : i32
            scf.if %cond3A_51 {
              %add3A_52 = arith.constant 1 : i32
              %add3A_53 = arith.addi %scan3A_31, %add3A_52 : i32
              %dma_start3A_54 = arith.constant 0 : i32
              %dma_start3A_55 = tpu.memref_slice %arg9[%add3A_53, %dma_start3A_54] : memref<50x80xi32, #tpu.memory_space<vmem>> -> memref<1x80xi32, #tpu.memory_space<vmem>>
              %dma_start3A_56 = tpu.memref_squeeze %dma_start3A_55 : memref<1x80xi32, #tpu.memory_space<vmem>> -> memref<80xi32, #tpu.memory_space<vmem>>
              %dma_start3A_57 = arith.constant 0 : i32
              %dma_start3A_58 = arith.constant 0 : i32
              %dma_start3A_59 = tpu.memref_slice %arg3[%dma_start3A_57, %dma_start3A_58] : memref<10000x128xf32, #tpu.memory_space<hbm>> -> memref<10000x128xf32, #tpu.memory_space<hbm>>
              tpu.enqueue_indirect_dma source(%dma_start3A_59 : memref<10000x128xf32, #tpu.memory_space<hbm>>) target(%arg11 : memref<80x128xf32, #tpu.memory_space<vmem>>) offsets(%dma_start3A_56 : memref<80xi32, #tpu.memory_space<vmem>>) semaphore(%arg14 : memref<!tpu.dma_semaphore, #tpu.memory_space<semaphore_mem>>)
            } else {
            }
            "tpu.region"() ({
              %run_scoped3A = tpu.sem_alloc : memref<!tpu.dma_semaphore, #tpu.memory_space<semaphore_mem>>
              %dma_start3A_52 = arith.constant 0 : i32
              %dma_start3A_53 = tpu.memref_slice %arg10[%scan3A_31, %dma_start3A_52] : memref<50x80xi32, #tpu.memory_space<vmem>> -> memref<1x80xi32, #tpu.memory_space<vmem>>
              %dma_start3A_54 = tpu.memref_squeeze %dma_start3A_53 : memref<1x80xi32, #tpu.memory_space<vmem>> -> memref<80xi32, #tpu.memory_space<vmem>>
              %dma_start3A_55 = arith.constant 0 : i32
              %dma_start3A_56 = arith.constant 0 : i32
              %dma_start3A_57 = tpu.memref_slice %arg13[%dma_start3A_55, %dma_start3A_56] : memref<10240x128xf32, #tpu.memory_space<vmem_shared>> -> memref<10240x128xf32, #tpu.memory_space<vmem_shared>>
              tpu.enqueue_indirect_dma source(%arg12 : memref<80x128xf32, #tpu.memory_space<vmem>>) target(%dma_start3A_57 : memref<10240x128xf32, #tpu.memory_space<vmem_shared>>) offsets(%dma_start3A_54 : memref<80xi32, #tpu.memory_space<vmem>>) semaphore(%run_scoped3A : memref<!tpu.dma_semaphore, #tpu.memory_space<semaphore_mem>>) {add = true}
              %dma_wait3A_58 = arith.constant 0 : i32
              %dma_wait3A_59 = tpu.memref_slice %arg10[%scan3A_31, %dma_wait3A_58] : memref<50x80xi32, #tpu.memory_space<vmem>> -> memref<1x80xi32, #tpu.memory_space<vmem>>
              %dma_wait3A_60 = tpu.memref_squeeze %dma_wait3A_59 : memref<1x80xi32, #tpu.memory_space<vmem>> -> memref<80xi32, #tpu.memory_space<vmem>>
              %dma_wait3A_61 = arith.constant 0 : i32
              %dma_wait3A_62 = arith.constant 0 : i32
              %dma_wait3A_63 = tpu.memref_slice %arg13[%dma_wait3A_61, %dma_wait3A_62] : memref<10240x128xf32, #tpu.memory_space<vmem_shared>> -> memref<10240x128xf32, #tpu.memory_space<vmem_shared>>
              tpu.wait_indirect_dma semaphore(%run_scoped3A : memref<!tpu.dma_semaphore, #tpu.memory_space<semaphore_mem>>) src(%arg12 : memref<80x128xf32, #tpu.memory_space<vmem>>) dst(%dma_wait3A_63 : memref<10240x128xf32, #tpu.memory_space<vmem_shared>>)
              tpu.yield
            }) : () -> ()
          } else {
          }
        }
        %scan3A_30 = arith.constant 50 : i32
      }
      %scan3A_12 = arith.constant 5 : i32
      %barrier3A_13 = arith.constant 0 : index
      tpu.barrier barrier_id(%barrier3A_13)
      %mul3A_14 = arith.constant 640 : i32
      %mul3A_15 = arith.muli %arg1, %mul3A_14 : i32
      %mul3A_16 = arith.constant 640 : i32
      %mul3A_17 = arith.muli %arg1, %mul3A_16 : i32
      "tpu.region"() ({
        %run_scoped3A = tpu.sem_alloc : memref<!tpu.dma_semaphore, #tpu.memory_space<semaphore_mem>>
        %dma_start3A = arith.constant 0 : i32
        %dma_start3A_18 = tpu.memref_slice %arg8[%mul3A_17, %dma_start3A] : memref<10240x128xf32, #tpu.memory_space<hbm>> -> memref<640x128xf32, #tpu.memory_space<hbm>>
        %dma_start3A_19 = arith.constant 0 : i32
        %dma_start3A_20 = tpu.memref_slice %arg13[%mul3A_15, %dma_start3A_19] : memref<10240x128xf32, #tpu.memory_space<vmem_shared>> -> memref<640x128xf32, #tpu.memory_space<vmem_shared>>
        tpu.enqueue_dma source(%dma_start3A_20 : memref<640x128xf32, #tpu.memory_space<vmem_shared>>) target(%dma_start3A_18 : memref<640x128xf32, #tpu.memory_space<hbm>>) target_semaphore(%run_scoped3A : memref<!tpu.dma_semaphore, #tpu.memory_space<semaphore_mem>>)
        %dma_wait3A = arith.constant 0 : i32
        %dma_wait3A_21 = tpu.memref_slice %arg8[%mul3A_17, %dma_wait3A] : memref<10240x128xf32, #tpu.memory_space<hbm>> -> memref<640x128xf32, #tpu.memory_space<hbm>>
        %dma_wait3A_22 = arith.constant 0 : i32
        %dma_wait3A_23 = tpu.memref_slice %arg13[%mul3A_15, %dma_wait3A_22] : memref<10240x128xf32, #tpu.memory_space<vmem_shared>> -> memref<640x128xf32, #tpu.memory_space<vmem_shared>>
        tpu.wait_dma2 semaphore(%run_scoped3A : memref<!tpu.dma_semaphore, #tpu.memory_space<semaphore_mem>>) src(%dma_wait3A_23 : memref<640x128xf32, #tpu.memory_space<vmem_shared>>) dst(%dma_wait3A_21 : memref<640x128xf32, #tpu.memory_space<hbm>>)
        tpu.yield
      }) : () -> ()
    } else {
    }
    return
  }
}

#map = affine_map<(d0, d1) -> (0, 0)>
#map1 = affine_map<(d0, d1) -> (0, 0, 0, 0)>
module attributes {stable_mosaic.version = 14 : i64} {
  func.func @_mp_body(%arg0: i32, %arg1: i32, %arg2: memref<10000x128xf32, #tpu.memory_space<hbm>>, %arg3: memref<10000x128xf32, #tpu.memory_space<hbm>>, %arg4: memref<16x5x50x80xi32, #tpu.memory_space<hbm>>, %arg5: memref<16x5x50x80xi32, #tpu.memory_space<hbm>>, %arg6: memref<640x128xf32, #tpu.memory_space<hbm>>, %arg7: memref<10240x128xf32, #tpu.memory_space<hbm>>, %arg8: memref<10240x128xf32, #tpu.memory_space<hbm>>, %arg9: memref<50x80xi32, #tpu.memory_space<vmem>>, %arg10: memref<50x80xi32, #tpu.memory_space<vmem>>, %arg11: memref<80x128xf32, #tpu.memory_space<vmem>>, %arg12: memref<80x128xf32, #tpu.memory_space<vmem>>, %arg13: memref<10240x128xf32, #tpu.memory_space<vmem_shared>>, %arg14: memref<!tpu.dma_semaphore, #tpu.memory_space<semaphore_mem>>, %arg15: memref<!tpu.dma_semaphore, #tpu.memory_space<semaphore_mem>>) attributes {dimension_semantics = [#tpu.dimension_semantics<core_parallel>, #tpu.dimension_semantics<subcore_parallel>], iteration_bounds = array<i64: 2, 16>, scalar_prefetch = 0 : i64, scratch_operands = 7 : i64, tpu.core_type = #tpu.core_type<sc_vector_subcore>, window_params = [{transform_indices = #map}, {transform_indices = #map}, {transform_indices = #map1}, {transform_indices = #map1}, {transform_indices = #map}, {transform_indices = #map}, {transform_indices = #map}]} {
    %mul3A = arith.constant 640 : i32
    %mul3A_0 = arith.muli %arg1, %mul3A : i32
    "tpu.region"() ({
      %run_scoped3A = tpu.sem_alloc : memref<!tpu.dma_semaphore, #tpu.memory_space<semaphore_mem>>
      %dma_start3A = arith.constant 0 : i32
      %dma_start3A_8 = tpu.memref_slice %arg13[%mul3A_0, %dma_start3A] : memref<10240x128xf32, #tpu.memory_space<vmem_shared>> -> memref<640x128xf32, #tpu.memory_space<vmem_shared>>
      tpu.enqueue_dma source(%arg6 : memref<640x128xf32, #tpu.memory_space<hbm>>) target(%dma_start3A_8 : memref<640x128xf32, #tpu.memory_space<vmem_shared>>) target_semaphore(%run_scoped3A : memref<!tpu.dma_semaphore, #tpu.memory_space<semaphore_mem>>)
      %dma_wait3A = arith.constant 0 : i32
      %dma_wait3A_9 = tpu.memref_slice %arg13[%mul3A_0, %dma_wait3A] : memref<10240x128xf32, #tpu.memory_space<vmem_shared>> -> memref<640x128xf32, #tpu.memory_space<vmem_shared>>
      tpu.wait_dma2 semaphore(%run_scoped3A : memref<!tpu.dma_semaphore, #tpu.memory_space<semaphore_mem>>) src(%arg6 : memref<640x128xf32, #tpu.memory_space<hbm>>) dst(%dma_wait3A_9 : memref<640x128xf32, #tpu.memory_space<vmem_shared>>)
      tpu.yield
    }) : () -> ()
    %barrier3A = arith.constant 0 : index
    tpu.barrier barrier_id(%barrier3A)
    %eq3A = arith.constant 0 : i32
    %eq3A_1 = arith.cmpi eq, %arg0, %eq3A : i32
    %convert_element_type3A = arith.extui %eq3A_1 : i1 to i32
    %cond3A = arith.constant 0 : i32
    %cond3A_2 = arith.cmpi ne, %convert_element_type3A, %cond3A : i32
    scf.if %cond3A_2 {
      %scan3A = arith.constant 0 : i32
      %scan3A_8 = arith.constant 0 : i32
      %scan3A_9 = arith.constant 5 : i32
      %scan3A_10 = arith.addi %scan3A_8, %scan3A_9 : i32
      %scan3A_11 = arith.constant 1 : i32
      scf.for %scan3A_18 = %scan3A_8 to %scan3A_10 step %scan3A_11  : i32 {
        "tpu.region"() ({
          %run_scoped3A = tpu.sem_alloc : memref<!tpu.dma_semaphore, #tpu.memory_space<semaphore_mem>>
          %dma_start3A_31 = arith.constant 0 : i32
          %dma_start3A_32 = arith.constant 0 : i32
          %dma_start3A_33 = tpu.memref_slice %arg4[%arg1, %scan3A_18, %dma_start3A_31, %dma_start3A_32] : memref<16x5x50x80xi32, #tpu.memory_space<hbm>> -> memref<1x1x50x80xi32, #tpu.memory_space<hbm>>
          %dma_start3A_34 = tpu.memref_squeeze %dma_start3A_33 : memref<1x1x50x80xi32, #tpu.memory_space<hbm>> -> memref<50x80xi32, #tpu.memory_space<hbm>>
          %dma_start3A_35 = arith.constant 0 : i32
          %dma_start3A_36 = arith.constant 0 : i32
          %dma_start3A_37 = tpu.memref_slice %arg4[%arg1, %scan3A_18, %dma_start3A_35, %dma_start3A_36] : memref<16x5x50x80xi32, #tpu.memory_space<hbm>> -> memref<1x1x50x80xi32, #tpu.memory_space<hbm>>
          %dma_start3A_38 = tpu.memref_squeeze %dma_start3A_37 : memref<1x1x50x80xi32, #tpu.memory_space<hbm>> -> memref<50x80xi32, #tpu.memory_space<hbm>>
          tpu.enqueue_dma source(%dma_start3A_38 : memref<50x80xi32, #tpu.memory_space<hbm>>) target(%arg9 : memref<50x80xi32, #tpu.memory_space<vmem>>) target_semaphore(%run_scoped3A : memref<!tpu.dma_semaphore, #tpu.memory_space<semaphore_mem>>)
          %dma_wait3A = arith.constant 0 : i32
          %dma_wait3A_39 = arith.constant 0 : i32
          %dma_wait3A_40 = tpu.memref_slice %arg4[%arg1, %scan3A_18, %dma_wait3A, %dma_wait3A_39] : memref<16x5x50x80xi32, #tpu.memory_space<hbm>> -> memref<1x1x50x80xi32, #tpu.memory_space<hbm>>
          %dma_wait3A_41 = tpu.memref_squeeze %dma_wait3A_40 : memref<1x1x50x80xi32, #tpu.memory_space<hbm>> -> memref<50x80xi32, #tpu.memory_space<hbm>>
          %dma_wait3A_42 = arith.constant 0 : i32
          %dma_wait3A_43 = arith.constant 0 : i32
          %dma_wait3A_44 = tpu.memref_slice %arg4[%arg1, %scan3A_18, %dma_wait3A_42, %dma_wait3A_43] : memref<16x5x50x80xi32, #tpu.memory_space<hbm>> -> memref<1x1x50x80xi32, #tpu.memory_space<hbm>>
          %dma_wait3A_45 = tpu.memref_squeeze %dma_wait3A_44 : memref<1x1x50x80xi32, #tpu.memory_space<hbm>> -> memref<50x80xi32, #tpu.memory_space<hbm>>
          tpu.wait_dma2 semaphore(%run_scoped3A : memref<!tpu.dma_semaphore, #tpu.memory_space<semaphore_mem>>) src(%dma_wait3A_45 : memref<50x80xi32, #tpu.memory_space<hbm>>) dst(%arg9 : memref<50x80xi32, #tpu.memory_space<vmem>>)
          tpu.yield
        }) : () -> ()
        "tpu.region"() ({
          %run_scoped3A = tpu.sem_alloc : memref<!tpu.dma_semaphore, #tpu.memory_space<semaphore_mem>>
          %dma_start3A_31 = arith.constant 0 : i32
          %dma_start3A_32 = arith.constant 0 : i32
          %dma_start3A_33 = tpu.memref_slice %arg5[%arg1, %scan3A_18, %dma_start3A_31, %dma_start3A_32] : memref<16x5x50x80xi32, #tpu.memory_space<hbm>> -> memref<1x1x50x80xi32, #tpu.memory_space<hbm>>
          %dma_start3A_34 = tpu.memref_squeeze %dma_start3A_33 : memref<1x1x50x80xi32, #tpu.memory_space<hbm>> -> memref<50x80xi32, #tpu.memory_space<hbm>>
          %dma_start3A_35 = arith.constant 0 : i32
          %dma_start3A_36 = arith.constant 0 : i32
          %dma_start3A_37 = tpu.memref_slice %arg5[%arg1, %scan3A_18, %dma_start3A_35, %dma_start3A_36] : memref<16x5x50x80xi32, #tpu.memory_space<hbm>> -> memref<1x1x50x80xi32, #tpu.memory_space<hbm>>
          %dma_start3A_38 = tpu.memref_squeeze %dma_start3A_37 : memref<1x1x50x80xi32, #tpu.memory_space<hbm>> -> memref<50x80xi32, #tpu.memory_space<hbm>>
          tpu.enqueue_dma source(%dma_start3A_38 : memref<50x80xi32, #tpu.memory_space<hbm>>) target(%arg10 : memref<50x80xi32, #tpu.memory_space<vmem>>) target_semaphore(%run_scoped3A : memref<!tpu.dma_semaphore, #tpu.memory_space<semaphore_mem>>)
          %dma_wait3A = arith.constant 0 : i32
          %dma_wait3A_39 = arith.constant 0 : i32
          %dma_wait3A_40 = tpu.memref_slice %arg5[%arg1, %scan3A_18, %dma_wait3A, %dma_wait3A_39] : memref<16x5x50x80xi32, #tpu.memory_space<hbm>> -> memref<1x1x50x80xi32, #tpu.memory_space<hbm>>
          %dma_wait3A_41 = tpu.memref_squeeze %dma_wait3A_40 : memref<1x1x50x80xi32, #tpu.memory_space<hbm>> -> memref<50x80xi32, #tpu.memory_space<hbm>>
          %dma_wait3A_42 = arith.constant 0 : i32
          %dma_wait3A_43 = arith.constant 0 : i32
          %dma_wait3A_44 = tpu.memref_slice %arg5[%arg1, %scan3A_18, %dma_wait3A_42, %dma_wait3A_43] : memref<16x5x50x80xi32, #tpu.memory_space<hbm>> -> memref<1x1x50x80xi32, #tpu.memory_space<hbm>>
          %dma_wait3A_45 = tpu.memref_squeeze %dma_wait3A_44 : memref<1x1x50x80xi32, #tpu.memory_space<hbm>> -> memref<50x80xi32, #tpu.memory_space<hbm>>
          tpu.wait_dma2 semaphore(%run_scoped3A : memref<!tpu.dma_semaphore, #tpu.memory_space<semaphore_mem>>) src(%dma_wait3A_45 : memref<50x80xi32, #tpu.memory_space<hbm>>) dst(%arg10 : memref<50x80xi32, #tpu.memory_space<vmem>>)
          tpu.yield
        }) : () -> ()
        %dma_start3A = arith.constant 0 : i32
        %dma_start3A_19 = arith.constant 0 : i32
        %dma_start3A_20 = tpu.memref_slice %arg9[%dma_start3A, %dma_start3A_19] : memref<50x80xi32, #tpu.memory_space<vmem>> -> memref<1x80xi32, #tpu.memory_space<vmem>>
        %dma_start3A_21 = tpu.memref_squeeze %dma_start3A_20 : memref<1x80xi32, #tpu.memory_space<vmem>> -> memref<80xi32, #tpu.memory_space<vmem>>
        %dma_start3A_22 = arith.constant 0 : i32
        %dma_start3A_23 = arith.constant 0 : i32
        %dma_start3A_24 = tpu.memref_slice %arg2[%dma_start3A_22, %dma_start3A_23] : memref<10000x128xf32, #tpu.memory_space<hbm>> -> memref<10000x128xf32, #tpu.memory_space<hbm>>
        tpu.enqueue_indirect_dma source(%dma_start3A_24 : memref<10000x128xf32, #tpu.memory_space<hbm>>) target(%arg11 : memref<80x128xf32, #tpu.memory_space<vmem>>) offsets(%dma_start3A_21 : memref<80xi32, #tpu.memory_space<vmem>>) semaphore(%arg14 : memref<!tpu.dma_semaphore, #tpu.memory_space<semaphore_mem>>)
        %scan3A_25 = arith.constant 0 : i32
        %scan3A_26 = arith.constant 0 : i32
        %scan3A_27 = arith.constant 50 : i32
        %scan3A_28 = arith.addi %scan3A_26, %scan3A_27 : i32
        %scan3A_29 = arith.constant 1 : i32
        scf.for %scan3A_31 = %scan3A_26 to %scan3A_28 step %scan3A_29  : i32 {
          %and3A = arith.constant 1 : i32
          %and3A_32 = arith.andi %scan3A_31, %and3A : i32
          %eq3A_33 = arith.constant 0 : i32
          %eq3A_34 = arith.cmpi eq, %and3A_32, %eq3A_33 : i32
          %convert_element_type3A_35 = arith.extui %eq3A_34 : i1 to i32
          %cond3A_36 = arith.constant 0 : i32
          %cond3A_37 = arith.cmpi ne, %convert_element_type3A_35, %cond3A_36 : i32
          scf.if %cond3A_37 {
            %dma_wait3A = arith.constant 0 : i32
            %dma_wait3A_42 = tpu.memref_slice %arg9[%scan3A_31, %dma_wait3A] : memref<50x80xi32, #tpu.memory_space<vmem>> -> memref<1x80xi32, #tpu.memory_space<vmem>>
            %dma_wait3A_43 = tpu.memref_squeeze %dma_wait3A_42 : memref<1x80xi32, #tpu.memory_space<vmem>> -> memref<80xi32, #tpu.memory_space<vmem>>
            %dma_wait3A_44 = arith.constant 0 : i32
            %dma_wait3A_45 = arith.constant 0 : i32
            %dma_wait3A_46 = tpu.memref_slice %arg2[%dma_wait3A_44, %dma_wait3A_45] : memref<10000x128xf32, #tpu.memory_space<hbm>> -> memref<10000x128xf32, #tpu.memory_space<hbm>>
            tpu.wait_indirect_dma semaphore(%arg14 : memref<!tpu.dma_semaphore, #tpu.memory_space<semaphore_mem>>) src(%dma_wait3A_46 : memref<10000x128xf32, #tpu.memory_space<hbm>>) dst(%arg11 : memref<80x128xf32, #tpu.memory_space<vmem>>)
            %add3A = arith.constant 1 : i32
            %add3A_47 = arith.addi %scan3A_31, %add3A : i32
            %lt3A = arith.constant 50 : i32
            %lt3A_48 = arith.cmpi slt, %add3A_47, %lt3A : i32
            %convert_element_type3A_49 = arith.extui %lt3A_48 : i1 to i32
            %cond3A_50 = arith.constant 0 : i32
            %cond3A_51 = arith.cmpi ne, %convert_element_type3A_49, %cond3A_50 : i32
            scf.if %cond3A_51 {
              %add3A_52 = arith.constant 1 : i32
              %add3A_53 = arith.addi %scan3A_31, %add3A_52 : i32
              %dma_start3A_54 = arith.constant 0 : i32
              %dma_start3A_55 = tpu.memref_slice %arg9[%add3A_53, %dma_start3A_54] : memref<50x80xi32, #tpu.memory_space<vmem>> -> memref<1x80xi32, #tpu.memory_space<vmem>>
              %dma_start3A_56 = tpu.memref_squeeze %dma_start3A_55 : memref<1x80xi32, #tpu.memory_space<vmem>> -> memref<80xi32, #tpu.memory_space<vmem>>
              %dma_start3A_57 = arith.constant 0 : i32
              %dma_start3A_58 = arith.constant 0 : i32
              %dma_start3A_59 = tpu.memref_slice %arg2[%dma_start3A_57, %dma_start3A_58] : memref<10000x128xf32, #tpu.memory_space<hbm>> -> memref<10000x128xf32, #tpu.memory_space<hbm>>
              tpu.enqueue_indirect_dma source(%dma_start3A_59 : memref<10000x128xf32, #tpu.memory_space<hbm>>) target(%arg12 : memref<80x128xf32, #tpu.memory_space<vmem>>) offsets(%dma_start3A_56 : memref<80xi32, #tpu.memory_space<vmem>>) semaphore(%arg15 : memref<!tpu.dma_semaphore, #tpu.memory_space<semaphore_mem>>)
            } else {
            }
            "tpu.region"() ({
              %run_scoped3A = tpu.sem_alloc : memref<!tpu.dma_semaphore, #tpu.memory_space<semaphore_mem>>
              %dma_start3A_52 = arith.constant 0 : i32
              %dma_start3A_53 = tpu.memref_slice %arg10[%scan3A_31, %dma_start3A_52] : memref<50x80xi32, #tpu.memory_space<vmem>> -> memref<1x80xi32, #tpu.memory_space<vmem>>
              %dma_start3A_54 = tpu.memref_squeeze %dma_start3A_53 : memref<1x80xi32, #tpu.memory_space<vmem>> -> memref<80xi32, #tpu.memory_space<vmem>>
              %dma_start3A_55 = arith.constant 0 : i32
              %dma_start3A_56 = arith.constant 0 : i32
              %dma_start3A_57 = tpu.memref_slice %arg13[%dma_start3A_55, %dma_start3A_56] : memref<10240x128xf32, #tpu.memory_space<vmem_shared>> -> memref<10240x128xf32, #tpu.memory_space<vmem_shared>>
              tpu.enqueue_indirect_dma source(%arg11 : memref<80x128xf32, #tpu.memory_space<vmem>>) target(%dma_start3A_57 : memref<10240x128xf32, #tpu.memory_space<vmem_shared>>) offsets(%dma_start3A_54 : memref<80xi32, #tpu.memory_space<vmem>>) semaphore(%run_scoped3A : memref<!tpu.dma_semaphore, #tpu.memory_space<semaphore_mem>>) {add = true}
              %dma_wait3A_58 = arith.constant 0 : i32
              %dma_wait3A_59 = tpu.memref_slice %arg10[%scan3A_31, %dma_wait3A_58] : memref<50x80xi32, #tpu.memory_space<vmem>> -> memref<1x80xi32, #tpu.memory_space<vmem>>
              %dma_wait3A_60 = tpu.memref_squeeze %dma_wait3A_59 : memref<1x80xi32, #tpu.memory_space<vmem>> -> memref<80xi32, #tpu.memory_space<vmem>>
              %dma_wait3A_61 = arith.constant 0 : i32
              %dma_wait3A_62 = arith.constant 0 : i32
              %dma_wait3A_63 = tpu.memref_slice %arg13[%dma_wait3A_61, %dma_wait3A_62] : memref<10240x128xf32, #tpu.memory_space<vmem_shared>> -> memref<10240x128xf32, #tpu.memory_space<vmem_shared>>
              tpu.wait_indirect_dma semaphore(%run_scoped3A : memref<!tpu.dma_semaphore, #tpu.memory_space<semaphore_mem>>) src(%arg11 : memref<80x128xf32, #tpu.memory_space<vmem>>) dst(%dma_wait3A_63 : memref<10240x128xf32, #tpu.memory_space<vmem_shared>>)
              tpu.yield
            }) : () -> ()
          } else {
          }
          %not3A = arith.constant true
          %not3A_38 = arith.xori %eq3A_34, %not3A : i1
          %convert_element_type3A_39 = arith.extui %not3A_38 : i1 to i32
          %cond3A_40 = arith.constant 0 : i32
          %cond3A_41 = arith.cmpi ne, %convert_element_type3A_39, %cond3A_40 : i32
          scf.if %cond3A_41 {
            %dma_wait3A = arith.constant 0 : i32
            %dma_wait3A_42 = tpu.memref_slice %arg9[%scan3A_31, %dma_wait3A] : memref<50x80xi32, #tpu.memory_space<vmem>> -> memref<1x80xi32, #tpu.memory_space<vmem>>
            %dma_wait3A_43 = tpu.memref_squeeze %dma_wait3A_42 : memref<1x80xi32, #tpu.memory_space<vmem>> -> memref<80xi32, #tpu.memory_space<vmem>>
            %dma_wait3A_44 = arith.constant 0 : i32
            %dma_wait3A_45 = arith.constant 0 : i32
            %dma_wait3A_46 = tpu.memref_slice %arg2[%dma_wait3A_44, %dma_wait3A_45] : memref<10000x128xf32, #tpu.memory_space<hbm>> -> memref<10000x128xf32, #tpu.memory_space<hbm>>
            tpu.wait_indirect_dma semaphore(%arg15 : memref<!tpu.dma_semaphore, #tpu.memory_space<semaphore_mem>>) src(%dma_wait3A_46 : memref<10000x128xf32, #tpu.memory_space<hbm>>) dst(%arg12 : memref<80x128xf32, #tpu.memory_space<vmem>>)
            %add3A = arith.constant 1 : i32
            %add3A_47 = arith.addi %scan3A_31, %add3A : i32
            %lt3A = arith.constant 50 : i32
            %lt3A_48 = arith.cmpi slt, %add3A_47, %lt3A : i32
            %convert_element_type3A_49 = arith.extui %lt3A_48 : i1 to i32
            %cond3A_50 = arith.constant 0 : i32
            %cond3A_51 = arith.cmpi ne, %convert_element_type3A_49, %cond3A_50 : i32
            scf.if %cond3A_51 {
              %add3A_52 = arith.constant 1 : i32
              %add3A_53 = arith.addi %scan3A_31, %add3A_52 : i32
              %dma_start3A_54 = arith.constant 0 : i32
              %dma_start3A_55 = tpu.memref_slice %arg9[%add3A_53, %dma_start3A_54] : memref<50x80xi32, #tpu.memory_space<vmem>> -> memref<1x80xi32, #tpu.memory_space<vmem>>
              %dma_start3A_56 = tpu.memref_squeeze %dma_start3A_55 : memref<1x80xi32, #tpu.memory_space<vmem>> -> memref<80xi32, #tpu.memory_space<vmem>>
              %dma_start3A_57 = arith.constant 0 : i32
              %dma_start3A_58 = arith.constant 0 : i32
              %dma_start3A_59 = tpu.memref_slice %arg2[%dma_start3A_57, %dma_start3A_58] : memref<10000x128xf32, #tpu.memory_space<hbm>> -> memref<10000x128xf32, #tpu.memory_space<hbm>>
              tpu.enqueue_indirect_dma source(%dma_start3A_59 : memref<10000x128xf32, #tpu.memory_space<hbm>>) target(%arg11 : memref<80x128xf32, #tpu.memory_space<vmem>>) offsets(%dma_start3A_56 : memref<80xi32, #tpu.memory_space<vmem>>) semaphore(%arg14 : memref<!tpu.dma_semaphore, #tpu.memory_space<semaphore_mem>>)
            } else {
            }
            "tpu.region"() ({
              %run_scoped3A = tpu.sem_alloc : memref<!tpu.dma_semaphore, #tpu.memory_space<semaphore_mem>>
              %dma_start3A_52 = arith.constant 0 : i32
              %dma_start3A_53 = tpu.memref_slice %arg10[%scan3A_31, %dma_start3A_52] : memref<50x80xi32, #tpu.memory_space<vmem>> -> memref<1x80xi32, #tpu.memory_space<vmem>>
              %dma_start3A_54 = tpu.memref_squeeze %dma_start3A_53 : memref<1x80xi32, #tpu.memory_space<vmem>> -> memref<80xi32, #tpu.memory_space<vmem>>
              %dma_start3A_55 = arith.constant 0 : i32
              %dma_start3A_56 = arith.constant 0 : i32
              %dma_start3A_57 = tpu.memref_slice %arg13[%dma_start3A_55, %dma_start3A_56] : memref<10240x128xf32, #tpu.memory_space<vmem_shared>> -> memref<10240x128xf32, #tpu.memory_space<vmem_shared>>
              tpu.enqueue_indirect_dma source(%arg12 : memref<80x128xf32, #tpu.memory_space<vmem>>) target(%dma_start3A_57 : memref<10240x128xf32, #tpu.memory_space<vmem_shared>>) offsets(%dma_start3A_54 : memref<80xi32, #tpu.memory_space<vmem>>) semaphore(%run_scoped3A : memref<!tpu.dma_semaphore, #tpu.memory_space<semaphore_mem>>) {add = true}
              %dma_wait3A_58 = arith.constant 0 : i32
              %dma_wait3A_59 = tpu.memref_slice %arg10[%scan3A_31, %dma_wait3A_58] : memref<50x80xi32, #tpu.memory_space<vmem>> -> memref<1x80xi32, #tpu.memory_space<vmem>>
              %dma_wait3A_60 = tpu.memref_squeeze %dma_wait3A_59 : memref<1x80xi32, #tpu.memory_space<vmem>> -> memref<80xi32, #tpu.memory_space<vmem>>
              %dma_wait3A_61 = arith.constant 0 : i32
              %dma_wait3A_62 = arith.constant 0 : i32
              %dma_wait3A_63 = tpu.memref_slice %arg13[%dma_wait3A_61, %dma_wait3A_62] : memref<10240x128xf32, #tpu.memory_space<vmem_shared>> -> memref<10240x128xf32, #tpu.memory_space<vmem_shared>>
              tpu.wait_indirect_dma semaphore(%run_scoped3A : memref<!tpu.dma_semaphore, #tpu.memory_space<semaphore_mem>>) src(%arg12 : memref<80x128xf32, #tpu.memory_space<vmem>>) dst(%dma_wait3A_63 : memref<10240x128xf32, #tpu.memory_space<vmem_shared>>)
              tpu.yield
            }) : () -> ()
          } else {
          }
        }
        %scan3A_30 = arith.constant 50 : i32
      }
      %scan3A_12 = arith.constant 5 : i32
      %barrier3A_13 = arith.constant 0 : index
      tpu.barrier barrier_id(%barrier3A_13)
      %mul3A_14 = arith.constant 640 : i32
      %mul3A_15 = arith.muli %arg1, %mul3A_14 : i32
      %mul3A_16 = arith.constant 640 : i32
      %mul3A_17 = arith.muli %arg1, %mul3A_16 : i32
      "tpu.region"() ({
        %run_scoped3A = tpu.sem_alloc : memref<!tpu.dma_semaphore, #tpu.memory_space<semaphore_mem>>
        %dma_start3A = arith.constant 0 : i32
        %dma_start3A_18 = tpu.memref_slice %arg7[%mul3A_17, %dma_start3A] : memref<10240x128xf32, #tpu.memory_space<hbm>> -> memref<640x128xf32, #tpu.memory_space<hbm>>
        %dma_start3A_19 = arith.constant 0 : i32
        %dma_start3A_20 = tpu.memref_slice %arg13[%mul3A_15, %dma_start3A_19] : memref<10240x128xf32, #tpu.memory_space<vmem_shared>> -> memref<640x128xf32, #tpu.memory_space<vmem_shared>>
        tpu.enqueue_dma source(%dma_start3A_20 : memref<640x128xf32, #tpu.memory_space<vmem_shared>>) target(%dma_start3A_18 : memref<640x128xf32, #tpu.memory_space<hbm>>) target_semaphore(%run_scoped3A : memref<!tpu.dma_semaphore, #tpu.memory_space<semaphore_mem>>)
        %dma_wait3A = arith.constant 0 : i32
        %dma_wait3A_21 = tpu.memref_slice %arg7[%mul3A_17, %dma_wait3A] : memref<10240x128xf32, #tpu.memory_space<hbm>> -> memref<640x128xf32, #tpu.memory_space<hbm>>
        %dma_wait3A_22 = arith.constant 0 : i32
        %dma_wait3A_23 = tpu.memref_slice %arg13[%mul3A_15, %dma_wait3A_22] : memref<10240x128xf32, #tpu.memory_space<vmem_shared>> -> memref<640x128xf32, #tpu.memory_space<vmem_shared>>
        tpu.wait_dma2 semaphore(%run_scoped3A : memref<!tpu.dma_semaphore, #tpu.memory_space<semaphore_mem>>) src(%dma_wait3A_23 : memref<640x128xf32, #tpu.memory_space<vmem_shared>>) dst(%dma_wait3A_21 : memref<640x128xf32, #tpu.memory_space<hbm>>)
        tpu.yield
      }) : () -> ()
    } else {
    }
    %eq3A_3 = arith.constant 1 : i32
    %eq3A_4 = arith.cmpi eq, %arg0, %eq3A_3 : i32
    %convert_element_type3A_5 = arith.extui %eq3A_4 : i1 to i32
    %cond3A_6 = arith.constant 0 : i32
    %cond3A_7 = arith.cmpi ne, %convert_element_type3A_5, %cond3A_6 : i32
    scf.if %cond3A_7 {
      %scan3A = arith.constant 0 : i32
      %scan3A_8 = arith.constant 0 : i32
      %scan3A_9 = arith.constant 5 : i32
      %scan3A_10 = arith.addi %scan3A_8, %scan3A_9 : i32
      %scan3A_11 = arith.constant 1 : i32
      scf.for %scan3A_18 = %scan3A_8 to %scan3A_10 step %scan3A_11  : i32 {
        "tpu.region"() ({
          %run_scoped3A = tpu.sem_alloc : memref<!tpu.dma_semaphore, #tpu.memory_space<semaphore_mem>>
          %dma_start3A_31 = arith.constant 0 : i32
          %dma_start3A_32 = arith.constant 0 : i32
          %dma_start3A_33 = tpu.memref_slice %arg4[%arg1, %scan3A_18, %dma_start3A_31, %dma_start3A_32] : memref<16x5x50x80xi32, #tpu.memory_space<hbm>> -> memref<1x1x50x80xi32, #tpu.memory_space<hbm>>
          %dma_start3A_34 = tpu.memref_squeeze %dma_start3A_33 : memref<1x1x50x80xi32, #tpu.memory_space<hbm>> -> memref<50x80xi32, #tpu.memory_space<hbm>>
          %dma_start3A_35 = arith.constant 0 : i32
          %dma_start3A_36 = arith.constant 0 : i32
          %dma_start3A_37 = tpu.memref_slice %arg4[%arg1, %scan3A_18, %dma_start3A_35, %dma_start3A_36] : memref<16x5x50x80xi32, #tpu.memory_space<hbm>> -> memref<1x1x50x80xi32, #tpu.memory_space<hbm>>
          %dma_start3A_38 = tpu.memref_squeeze %dma_start3A_37 : memref<1x1x50x80xi32, #tpu.memory_space<hbm>> -> memref<50x80xi32, #tpu.memory_space<hbm>>
          tpu.enqueue_dma source(%dma_start3A_38 : memref<50x80xi32, #tpu.memory_space<hbm>>) target(%arg9 : memref<50x80xi32, #tpu.memory_space<vmem>>) target_semaphore(%run_scoped3A : memref<!tpu.dma_semaphore, #tpu.memory_space<semaphore_mem>>)
          %dma_wait3A = arith.constant 0 : i32
          %dma_wait3A_39 = arith.constant 0 : i32
          %dma_wait3A_40 = tpu.memref_slice %arg4[%arg1, %scan3A_18, %dma_wait3A, %dma_wait3A_39] : memref<16x5x50x80xi32, #tpu.memory_space<hbm>> -> memref<1x1x50x80xi32, #tpu.memory_space<hbm>>
          %dma_wait3A_41 = tpu.memref_squeeze %dma_wait3A_40 : memref<1x1x50x80xi32, #tpu.memory_space<hbm>> -> memref<50x80xi32, #tpu.memory_space<hbm>>
          %dma_wait3A_42 = arith.constant 0 : i32
          %dma_wait3A_43 = arith.constant 0 : i32
          %dma_wait3A_44 = tpu.memref_slice %arg4[%arg1, %scan3A_18, %dma_wait3A_42, %dma_wait3A_43] : memref<16x5x50x80xi32, #tpu.memory_space<hbm>> -> memref<1x1x50x80xi32, #tpu.memory_space<hbm>>
          %dma_wait3A_45 = tpu.memref_squeeze %dma_wait3A_44 : memref<1x1x50x80xi32, #tpu.memory_space<hbm>> -> memref<50x80xi32, #tpu.memory_space<hbm>>
          tpu.wait_dma2 semaphore(%run_scoped3A : memref<!tpu.dma_semaphore, #tpu.memory_space<semaphore_mem>>) src(%dma_wait3A_45 : memref<50x80xi32, #tpu.memory_space<hbm>>) dst(%arg9 : memref<50x80xi32, #tpu.memory_space<vmem>>)
          tpu.yield
        }) : () -> ()
        "tpu.region"() ({
          %run_scoped3A = tpu.sem_alloc : memref<!tpu.dma_semaphore, #tpu.memory_space<semaphore_mem>>
          %dma_start3A_31 = arith.constant 0 : i32
          %dma_start3A_32 = arith.constant 0 : i32
          %dma_start3A_33 = tpu.memref_slice %arg5[%arg1, %scan3A_18, %dma_start3A_31, %dma_start3A_32] : memref<16x5x50x80xi32, #tpu.memory_space<hbm>> -> memref<1x1x50x80xi32, #tpu.memory_space<hbm>>
          %dma_start3A_34 = tpu.memref_squeeze %dma_start3A_33 : memref<1x1x50x80xi32, #tpu.memory_space<hbm>> -> memref<50x80xi32, #tpu.memory_space<hbm>>
          %dma_start3A_35 = arith.constant 0 : i32
          %dma_start3A_36 = arith.constant 0 : i32
          %dma_start3A_37 = tpu.memref_slice %arg5[%arg1, %scan3A_18, %dma_start3A_35, %dma_start3A_36] : memref<16x5x50x80xi32, #tpu.memory_space<hbm>> -> memref<1x1x50x80xi32, #tpu.memory_space<hbm>>
          %dma_start3A_38 = tpu.memref_squeeze %dma_start3A_37 : memref<1x1x50x80xi32, #tpu.memory_space<hbm>> -> memref<50x80xi32, #tpu.memory_space<hbm>>
          tpu.enqueue_dma source(%dma_start3A_38 : memref<50x80xi32, #tpu.memory_space<hbm>>) target(%arg10 : memref<50x80xi32, #tpu.memory_space<vmem>>) target_semaphore(%run_scoped3A : memref<!tpu.dma_semaphore, #tpu.memory_space<semaphore_mem>>)
          %dma_wait3A = arith.constant 0 : i32
          %dma_wait3A_39 = arith.constant 0 : i32
          %dma_wait3A_40 = tpu.memref_slice %arg5[%arg1, %scan3A_18, %dma_wait3A, %dma_wait3A_39] : memref<16x5x50x80xi32, #tpu.memory_space<hbm>> -> memref<1x1x50x80xi32, #tpu.memory_space<hbm>>
          %dma_wait3A_41 = tpu.memref_squeeze %dma_wait3A_40 : memref<1x1x50x80xi32, #tpu.memory_space<hbm>> -> memref<50x80xi32, #tpu.memory_space<hbm>>
          %dma_wait3A_42 = arith.constant 0 : i32
          %dma_wait3A_43 = arith.constant 0 : i32
          %dma_wait3A_44 = tpu.memref_slice %arg5[%arg1, %scan3A_18, %dma_wait3A_42, %dma_wait3A_43] : memref<16x5x50x80xi32, #tpu.memory_space<hbm>> -> memref<1x1x50x80xi32, #tpu.memory_space<hbm>>
          %dma_wait3A_45 = tpu.memref_squeeze %dma_wait3A_44 : memref<1x1x50x80xi32, #tpu.memory_space<hbm>> -> memref<50x80xi32, #tpu.memory_space<hbm>>
          tpu.wait_dma2 semaphore(%run_scoped3A : memref<!tpu.dma_semaphore, #tpu.memory_space<semaphore_mem>>) src(%dma_wait3A_45 : memref<50x80xi32, #tpu.memory_space<hbm>>) dst(%arg10 : memref<50x80xi32, #tpu.memory_space<vmem>>)
          tpu.yield
        }) : () -> ()
        %dma_start3A = arith.constant 0 : i32
        %dma_start3A_19 = arith.constant 0 : i32
        %dma_start3A_20 = tpu.memref_slice %arg9[%dma_start3A, %dma_start3A_19] : memref<50x80xi32, #tpu.memory_space<vmem>> -> memref<1x80xi32, #tpu.memory_space<vmem>>
        %dma_start3A_21 = tpu.memref_squeeze %dma_start3A_20 : memref<1x80xi32, #tpu.memory_space<vmem>> -> memref<80xi32, #tpu.memory_space<vmem>>
        %dma_start3A_22 = arith.constant 0 : i32
        %dma_start3A_23 = arith.constant 0 : i32
        %dma_start3A_24 = tpu.memref_slice %arg3[%dma_start3A_22, %dma_start3A_23] : memref<10000x128xf32, #tpu.memory_space<hbm>> -> memref<10000x128xf32, #tpu.memory_space<hbm>>
        tpu.enqueue_indirect_dma source(%dma_start3A_24 : memref<10000x128xf32, #tpu.memory_space<hbm>>) target(%arg11 : memref<80x128xf32, #tpu.memory_space<vmem>>) offsets(%dma_start3A_21 : memref<80xi32, #tpu.memory_space<vmem>>) semaphore(%arg14 : memref<!tpu.dma_semaphore, #tpu.memory_space<semaphore_mem>>)
        %scan3A_25 = arith.constant 0 : i32
        %scan3A_26 = arith.constant 0 : i32
        %scan3A_27 = arith.constant 50 : i32
        %scan3A_28 = arith.addi %scan3A_26, %scan3A_27 : i32
        %scan3A_29 = arith.constant 1 : i32
        scf.for %scan3A_31 = %scan3A_26 to %scan3A_28 step %scan3A_29  : i32 {
          %and3A = arith.constant 1 : i32
          %and3A_32 = arith.andi %scan3A_31, %and3A : i32
          %eq3A_33 = arith.constant 0 : i32
          %eq3A_34 = arith.cmpi eq, %and3A_32, %eq3A_33 : i32
          %convert_element_type3A_35 = arith.extui %eq3A_34 : i1 to i32
          %cond3A_36 = arith.constant 0 : i32
          %cond3A_37 = arith.cmpi ne, %convert_element_type3A_35, %cond3A_36 : i32
          scf.if %cond3A_37 {
            %dma_wait3A = arith.constant 0 : i32
            %dma_wait3A_42 = tpu.memref_slice %arg9[%scan3A_31, %dma_wait3A] : memref<50x80xi32, #tpu.memory_space<vmem>> -> memref<1x80xi32, #tpu.memory_space<vmem>>
            %dma_wait3A_43 = tpu.memref_squeeze %dma_wait3A_42 : memref<1x80xi32, #tpu.memory_space<vmem>> -> memref<80xi32, #tpu.memory_space<vmem>>
            %dma_wait3A_44 = arith.constant 0 : i32
            %dma_wait3A_45 = arith.constant 0 : i32
            %dma_wait3A_46 = tpu.memref_slice %arg3[%dma_wait3A_44, %dma_wait3A_45] : memref<10000x128xf32, #tpu.memory_space<hbm>> -> memref<10000x128xf32, #tpu.memory_space<hbm>>
            tpu.wait_indirect_dma semaphore(%arg14 : memref<!tpu.dma_semaphore, #tpu.memory_space<semaphore_mem>>) src(%dma_wait3A_46 : memref<10000x128xf32, #tpu.memory_space<hbm>>) dst(%arg11 : memref<80x128xf32, #tpu.memory_space<vmem>>)
            %add3A = arith.constant 1 : i32
            %add3A_47 = arith.addi %scan3A_31, %add3A : i32
            %lt3A = arith.constant 50 : i32
            %lt3A_48 = arith.cmpi slt, %add3A_47, %lt3A : i32
            %convert_element_type3A_49 = arith.extui %lt3A_48 : i1 to i32
            %cond3A_50 = arith.constant 0 : i32
            %cond3A_51 = arith.cmpi ne, %convert_element_type3A_49, %cond3A_50 : i32
            scf.if %cond3A_51 {
              %add3A_52 = arith.constant 1 : i32
              %add3A_53 = arith.addi %scan3A_31, %add3A_52 : i32
              %dma_start3A_54 = arith.constant 0 : i32
              %dma_start3A_55 = tpu.memref_slice %arg9[%add3A_53, %dma_start3A_54] : memref<50x80xi32, #tpu.memory_space<vmem>> -> memref<1x80xi32, #tpu.memory_space<vmem>>
              %dma_start3A_56 = tpu.memref_squeeze %dma_start3A_55 : memref<1x80xi32, #tpu.memory_space<vmem>> -> memref<80xi32, #tpu.memory_space<vmem>>
              %dma_start3A_57 = arith.constant 0 : i32
              %dma_start3A_58 = arith.constant 0 : i32
              %dma_start3A_59 = tpu.memref_slice %arg3[%dma_start3A_57, %dma_start3A_58] : memref<10000x128xf32, #tpu.memory_space<hbm>> -> memref<10000x128xf32, #tpu.memory_space<hbm>>
              tpu.enqueue_indirect_dma source(%dma_start3A_59 : memref<10000x128xf32, #tpu.memory_space<hbm>>) target(%arg12 : memref<80x128xf32, #tpu.memory_space<vmem>>) offsets(%dma_start3A_56 : memref<80xi32, #tpu.memory_space<vmem>>) semaphore(%arg15 : memref<!tpu.dma_semaphore, #tpu.memory_space<semaphore_mem>>)
            } else {
            }
            "tpu.region"() ({
              %run_scoped3A = tpu.sem_alloc : memref<!tpu.dma_semaphore, #tpu.memory_space<semaphore_mem>>
              %dma_start3A_52 = arith.constant 0 : i32
              %dma_start3A_53 = tpu.memref_slice %arg10[%scan3A_31, %dma_start3A_52] : memref<50x80xi32, #tpu.memory_space<vmem>> -> memref<1x80xi32, #tpu.memory_space<vmem>>
              %dma_start3A_54 = tpu.memref_squeeze %dma_start3A_53 : memref<1x80xi32, #tpu.memory_space<vmem>> -> memref<80xi32, #tpu.memory_space<vmem>>
              %dma_start3A_55 = arith.constant 0 : i32
              %dma_start3A_56 = arith.constant 0 : i32
              %dma_start3A_57 = tpu.memref_slice %arg13[%dma_start3A_55, %dma_start3A_56] : memref<10240x128xf32, #tpu.memory_space<vmem_shared>> -> memref<10240x128xf32, #tpu.memory_space<vmem_shared>>
              tpu.enqueue_indirect_dma source(%arg11 : memref<80x128xf32, #tpu.memory_space<vmem>>) target(%dma_start3A_57 : memref<10240x128xf32, #tpu.memory_space<vmem_shared>>) offsets(%dma_start3A_54 : memref<80xi32, #tpu.memory_space<vmem>>) semaphore(%run_scoped3A : memref<!tpu.dma_semaphore, #tpu.memory_space<semaphore_mem>>) {add = true}
              %dma_wait3A_58 = arith.constant 0 : i32
              %dma_wait3A_59 = tpu.memref_slice %arg10[%scan3A_31, %dma_wait3A_58] : memref<50x80xi32, #tpu.memory_space<vmem>> -> memref<1x80xi32, #tpu.memory_space<vmem>>
              %dma_wait3A_60 = tpu.memref_squeeze %dma_wait3A_59 : memref<1x80xi32, #tpu.memory_space<vmem>> -> memref<80xi32, #tpu.memory_space<vmem>>
              %dma_wait3A_61 = arith.constant 0 : i32
              %dma_wait3A_62 = arith.constant 0 : i32
              %dma_wait3A_63 = tpu.memref_slice %arg13[%dma_wait3A_61, %dma_wait3A_62] : memref<10240x128xf32, #tpu.memory_space<vmem_shared>> -> memref<10240x128xf32, #tpu.memory_space<vmem_shared>>
              tpu.wait_indirect_dma semaphore(%run_scoped3A : memref<!tpu.dma_semaphore, #tpu.memory_space<semaphore_mem>>) src(%arg11 : memref<80x128xf32, #tpu.memory_space<vmem>>) dst(%dma_wait3A_63 : memref<10240x128xf32, #tpu.memory_space<vmem_shared>>)
              tpu.yield
            }) : () -> ()
          } else {
          }
          %not3A = arith.constant true
          %not3A_38 = arith.xori %eq3A_34, %not3A : i1
          %convert_element_type3A_39 = arith.extui %not3A_38 : i1 to i32
          %cond3A_40 = arith.constant 0 : i32
          %cond3A_41 = arith.cmpi ne, %convert_element_type3A_39, %cond3A_40 : i32
          scf.if %cond3A_41 {
            %dma_wait3A = arith.constant 0 : i32
            %dma_wait3A_42 = tpu.memref_slice %arg9[%scan3A_31, %dma_wait3A] : memref<50x80xi32, #tpu.memory_space<vmem>> -> memref<1x80xi32, #tpu.memory_space<vmem>>
            %dma_wait3A_43 = tpu.memref_squeeze %dma_wait3A_42 : memref<1x80xi32, #tpu.memory_space<vmem>> -> memref<80xi32, #tpu.memory_space<vmem>>
            %dma_wait3A_44 = arith.constant 0 : i32
            %dma_wait3A_45 = arith.constant 0 : i32
            %dma_wait3A_46 = tpu.memref_slice %arg3[%dma_wait3A_44, %dma_wait3A_45] : memref<10000x128xf32, #tpu.memory_space<hbm>> -> memref<10000x128xf32, #tpu.memory_space<hbm>>
            tpu.wait_indirect_dma semaphore(%arg15 : memref<!tpu.dma_semaphore, #tpu.memory_space<semaphore_mem>>) src(%dma_wait3A_46 : memref<10000x128xf32, #tpu.memory_space<hbm>>) dst(%arg12 : memref<80x128xf32, #tpu.memory_space<vmem>>)
            %add3A = arith.constant 1 : i32
            %add3A_47 = arith.addi %scan3A_31, %add3A : i32
            %lt3A = arith.constant 50 : i32
            %lt3A_48 = arith.cmpi slt, %add3A_47, %lt3A : i32
            %convert_element_type3A_49 = arith.extui %lt3A_48 : i1 to i32
            %cond3A_50 = arith.constant 0 : i32
            %cond3A_51 = arith.cmpi ne, %convert_element_type3A_49, %cond3A_50 : i32
            scf.if %cond3A_51 {
              %add3A_52 = arith.constant 1 : i32
              %add3A_53 = arith.addi %scan3A_31, %add3A_52 : i32
              %dma_start3A_54 = arith.constant 0 : i32
              %dma_start3A_55 = tpu.memref_slice %arg9[%add3A_53, %dma_start3A_54] : memref<50x80xi32, #tpu.memory_space<vmem>> -> memref<1x80xi32, #tpu.memory_space<vmem>>
              %dma_start3A_56 = tpu.memref_squeeze %dma_start3A_55 : memref<1x80xi32, #tpu.memory_space<vmem>> -> memref<80xi32, #tpu.memory_space<vmem>>
              %dma_start3A_57 = arith.constant 0 : i32
              %dma_start3A_58 = arith.constant 0 : i32
              %dma_start3A_59 = tpu.memref_slice %arg3[%dma_start3A_57, %dma_start3A_58] : memref<10000x128xf32, #tpu.memory_space<hbm>> -> memref<10000x128xf32, #tpu.memory_space<hbm>>
              tpu.enqueue_indirect_dma source(%dma_start3A_59 : memref<10000x128xf32, #tpu.memory_space<hbm>>) target(%arg11 : memref<80x128xf32, #tpu.memory_space<vmem>>) offsets(%dma_start3A_56 : memref<80xi32, #tpu.memory_space<vmem>>) semaphore(%arg14 : memref<!tpu.dma_semaphore, #tpu.memory_space<semaphore_mem>>)
            } else {
            }
            "tpu.region"() ({
              %run_scoped3A = tpu.sem_alloc : memref<!tpu.dma_semaphore, #tpu.memory_space<semaphore_mem>>
              %dma_start3A_52 = arith.constant 0 : i32
              %dma_start3A_53 = tpu.memref_slice %arg10[%scan3A_31, %dma_start3A_52] : memref<50x80xi32, #tpu.memory_space<vmem>> -> memref<1x80xi32, #tpu.memory_space<vmem>>
              %dma_start3A_54 = tpu.memref_squeeze %dma_start3A_53 : memref<1x80xi32, #tpu.memory_space<vmem>> -> memref<80xi32, #tpu.memory_space<vmem>>
              %dma_start3A_55 = arith.constant 0 : i32
              %dma_start3A_56 = arith.constant 0 : i32
              %dma_start3A_57 = tpu.memref_slice %arg13[%dma_start3A_55, %dma_start3A_56] : memref<10240x128xf32, #tpu.memory_space<vmem_shared>> -> memref<10240x128xf32, #tpu.memory_space<vmem_shared>>
              tpu.enqueue_indirect_dma source(%arg12 : memref<80x128xf32, #tpu.memory_space<vmem>>) target(%dma_start3A_57 : memref<10240x128xf32, #tpu.memory_space<vmem_shared>>) offsets(%dma_start3A_54 : memref<80xi32, #tpu.memory_space<vmem>>) semaphore(%run_scoped3A : memref<!tpu.dma_semaphore, #tpu.memory_space<semaphore_mem>>) {add = true}
              %dma_wait3A_58 = arith.constant 0 : i32
              %dma_wait3A_59 = tpu.memref_slice %arg10[%scan3A_31, %dma_wait3A_58] : memref<50x80xi32, #tpu.memory_space<vmem>> -> memref<1x80xi32, #tpu.memory_space<vmem>>
              %dma_wait3A_60 = tpu.memref_squeeze %dma_wait3A_59 : memref<1x80xi32, #tpu.memory_space<vmem>> -> memref<80xi32, #tpu.memory_space<vmem>>
              %dma_wait3A_61 = arith.constant 0 : i32
              %dma_wait3A_62 = arith.constant 0 : i32
              %dma_wait3A_63 = tpu.memref_slice %arg13[%dma_wait3A_61, %dma_wait3A_62] : memref<10240x128xf32, #tpu.memory_space<vmem_shared>> -> memref<10240x128xf32, #tpu.memory_space<vmem_shared>>
              tpu.wait_indirect_dma semaphore(%run_scoped3A : memref<!tpu.dma_semaphore, #tpu.memory_space<semaphore_mem>>) src(%arg12 : memref<80x128xf32, #tpu.memory_space<vmem>>) dst(%dma_wait3A_63 : memref<10240x128xf32, #tpu.memory_space<vmem_shared>>)
              tpu.yield
            }) : () -> ()
          } else {
          }
        }
        %scan3A_30 = arith.constant 50 : i32
      }
      %scan3A_12 = arith.constant 5 : i32
      %barrier3A_13 = arith.constant 0 : index
      tpu.barrier barrier_id(%barrier3A_13)
      %mul3A_14 = arith.constant 640 : i32
      %mul3A_15 = arith.muli %arg1, %mul3A_14 : i32
      %mul3A_16 = arith.constant 640 : i32
      %mul3A_17 = arith.muli %arg1, %mul3A_16 : i32
      "tpu.region"() ({
        %run_scoped3A = tpu.sem_alloc : memref<!tpu.dma_semaphore, #tpu.memory_space<semaphore_mem>>
        %dma_start3A = arith.constant 0 : i32
        %dma_start3A_18 = tpu.memref_slice %arg8[%mul3A_17, %dma_start3A] : memref<10240x128xf32, #tpu.memory_space<hbm>> -> memref<640x128xf32, #tpu.memory_space<hbm>>
        %dma_start3A_19 = arith.constant 0 : i32
        %dma_start3A_20 = tpu.memref_slice %arg13[%mul3A_15, %dma_start3A_19] : memref<10240x128xf32, #tpu.memory_space<vmem_shared>> -> memref<640x128xf32, #tpu.memory_space<vmem_shared>>
        tpu.enqueue_dma source(%dma_start3A_20 : memref<640x128xf32, #tpu.memory_space<vmem_shared>>) target(%dma_start3A_18 : memref<640x128xf32, #tpu.memory_space<hbm>>) target_semaphore(%run_scoped3A : memref<!tpu.dma_semaphore, #tpu.memory_space<semaphore_mem>>)
        %dma_wait3A = arith.constant 0 : i32
        %dma_wait3A_21 = tpu.memref_slice %arg8[%mul3A_17, %dma_wait3A] : memref<10240x128xf32, #tpu.memory_space<hbm>> -> memref<640x128xf32, #tpu.memory_space<hbm>>
        %dma_wait3A_22 = arith.constant 0 : i32
        %dma_wait3A_23 = tpu.memref_slice %arg13[%mul3A_15, %dma_wait3A_22] : memref<10240x128xf32, #tpu.memory_space<vmem_shared>> -> memref<640x128xf32, #tpu.memory_space<vmem_shared>>
        tpu.wait_dma2 semaphore(%run_scoped3A : memref<!tpu.dma_semaphore, #tpu.memory_space<semaphore_mem>>) src(%dma_wait3A_23 : memref<640x128xf32, #tpu.memory_space<vmem_shared>>) dst(%dma_wait3A_21 : memref<640x128xf32, #tpu.memory_space<hbm>>)
        tpu.yield
      }) : () -> ()
    } else {
    }
    return
  }
}

#map = affine_map<(d0, d1) -> (0, 0)>
#map1 = affine_map<(d0, d1) -> (0, 0, 0, 0)>
module attributes {stable_mosaic.version = 14 : i64} {
  func.func @_mp_body(%arg0: i32, %arg1: i32, %arg2: memref<10000x128xf32, #tpu.memory_space<hbm>>, %arg3: memref<10000x128xf32, #tpu.memory_space<hbm>>, %arg4: memref<16x5x50x80xi32, #tpu.memory_space<hbm>>, %arg5: memref<16x5x50x80xi32, #tpu.memory_space<hbm>>, %arg6: memref<640x128xf32, #tpu.memory_space<hbm>>, %arg7: memref<10240x128xf32, #tpu.memory_space<hbm>>, %arg8: memref<10240x128xf32, #tpu.memory_space<hbm>>, %arg9: memref<50x80xi32, #tpu.memory_space<vmem>>, %arg10: memref<50x80xi32, #tpu.memory_space<vmem>>, %arg11: memref<80x128xf32, #tpu.memory_space<vmem>>, %arg12: memref<80x128xf32, #tpu.memory_space<vmem>>, %arg13: memref<10240x128xf32, #tpu.memory_space<vmem_shared>>, %arg14: memref<!tpu.dma_semaphore, #tpu.memory_space<semaphore_mem>>, %arg15: memref<!tpu.dma_semaphore, #tpu.memory_space<semaphore_mem>>) attributes {dimension_semantics = [#tpu.dimension_semantics<core_parallel>, #tpu.dimension_semantics<subcore_parallel>], iteration_bounds = array<i64: 2, 16>, scalar_prefetch = 0 : i64, scratch_operands = 7 : i64, tpu.core_type = #tpu.core_type<sc_vector_subcore>, window_params = [{transform_indices = #map}, {transform_indices = #map}, {transform_indices = #map1}, {transform_indices = #map1}, {transform_indices = #map}, {transform_indices = #map}, {transform_indices = #map}]} {
    %mul3A = arith.constant 640 : i32
    %mul3A_0 = arith.muli %arg1, %mul3A : i32
    "tpu.region"() ({
      %run_scoped3A = tpu.sem_alloc : memref<!tpu.dma_semaphore, #tpu.memory_space<semaphore_mem>>
      %dma_start3A = arith.constant 0 : i32
      %dma_start3A_8 = tpu.memref_slice %arg13[%mul3A_0, %dma_start3A] : memref<10240x128xf32, #tpu.memory_space<vmem_shared>> -> memref<640x128xf32, #tpu.memory_space<vmem_shared>>
      tpu.enqueue_dma source(%arg6 : memref<640x128xf32, #tpu.memory_space<hbm>>) target(%dma_start3A_8 : memref<640x128xf32, #tpu.memory_space<vmem_shared>>) target_semaphore(%run_scoped3A : memref<!tpu.dma_semaphore, #tpu.memory_space<semaphore_mem>>)
      %dma_wait3A = arith.constant 0 : i32
      %dma_wait3A_9 = tpu.memref_slice %arg13[%mul3A_0, %dma_wait3A] : memref<10240x128xf32, #tpu.memory_space<vmem_shared>> -> memref<640x128xf32, #tpu.memory_space<vmem_shared>>
      tpu.wait_dma2 semaphore(%run_scoped3A : memref<!tpu.dma_semaphore, #tpu.memory_space<semaphore_mem>>) src(%arg6 : memref<640x128xf32, #tpu.memory_space<hbm>>) dst(%dma_wait3A_9 : memref<640x128xf32, #tpu.memory_space<vmem_shared>>)
      tpu.yield
    }) : () -> ()
    %barrier3A = arith.constant 0 : index
    tpu.barrier barrier_id(%barrier3A)
    %eq3A = arith.constant 0 : i32
    %eq3A_1 = arith.cmpi eq, %arg0, %eq3A : i32
    %convert_element_type3A = arith.extui %eq3A_1 : i1 to i32
    %cond3A = arith.constant 0 : i32
    %cond3A_2 = arith.cmpi ne, %convert_element_type3A, %cond3A : i32
    scf.if %cond3A_2 {
      %scan3A = arith.constant 0 : i32
      %scan3A_8 = arith.constant 0 : i32
      %scan3A_9 = arith.constant 5 : i32
      %scan3A_10 = arith.addi %scan3A_8, %scan3A_9 : i32
      %scan3A_11 = arith.constant 1 : i32
      scf.for %scan3A_18 = %scan3A_8 to %scan3A_10 step %scan3A_11  : i32 {
        "tpu.region"() ({
          %run_scoped3A = tpu.sem_alloc : memref<!tpu.dma_semaphore, #tpu.memory_space<semaphore_mem>>
          %dma_start3A_31 = arith.constant 0 : i32
          %dma_start3A_32 = arith.constant 0 : i32
          %dma_start3A_33 = tpu.memref_slice %arg4[%arg1, %scan3A_18, %dma_start3A_31, %dma_start3A_32] : memref<16x5x50x80xi32, #tpu.memory_space<hbm>> -> memref<1x1x50x80xi32, #tpu.memory_space<hbm>>
          %dma_start3A_34 = tpu.memref_squeeze %dma_start3A_33 : memref<1x1x50x80xi32, #tpu.memory_space<hbm>> -> memref<50x80xi32, #tpu.memory_space<hbm>>
          %dma_start3A_35 = arith.constant 0 : i32
          %dma_start3A_36 = arith.constant 0 : i32
          %dma_start3A_37 = tpu.memref_slice %arg4[%arg1, %scan3A_18, %dma_start3A_35, %dma_start3A_36] : memref<16x5x50x80xi32, #tpu.memory_space<hbm>> -> memref<1x1x50x80xi32, #tpu.memory_space<hbm>>
          %dma_start3A_38 = tpu.memref_squeeze %dma_start3A_37 : memref<1x1x50x80xi32, #tpu.memory_space<hbm>> -> memref<50x80xi32, #tpu.memory_space<hbm>>
          tpu.enqueue_dma source(%dma_start3A_38 : memref<50x80xi32, #tpu.memory_space<hbm>>) target(%arg9 : memref<50x80xi32, #tpu.memory_space<vmem>>) target_semaphore(%run_scoped3A : memref<!tpu.dma_semaphore, #tpu.memory_space<semaphore_mem>>)
          %dma_wait3A = arith.constant 0 : i32
          %dma_wait3A_39 = arith.constant 0 : i32
          %dma_wait3A_40 = tpu.memref_slice %arg4[%arg1, %scan3A_18, %dma_wait3A, %dma_wait3A_39] : memref<16x5x50x80xi32, #tpu.memory_space<hbm>> -> memref<1x1x50x80xi32, #tpu.memory_space<hbm>>
          %dma_wait3A_41 = tpu.memref_squeeze %dma_wait3A_40 : memref<1x1x50x80xi32, #tpu.memory_space<hbm>> -> memref<50x80xi32, #tpu.memory_space<hbm>>
          %dma_wait3A_42 = arith.constant 0 : i32
          %dma_wait3A_43 = arith.constant 0 : i32
          %dma_wait3A_44 = tpu.memref_slice %arg4[%arg1, %scan3A_18, %dma_wait3A_42, %dma_wait3A_43] : memref<16x5x50x80xi32, #tpu.memory_space<hbm>> -> memref<1x1x50x80xi32, #tpu.memory_space<hbm>>
          %dma_wait3A_45 = tpu.memref_squeeze %dma_wait3A_44 : memref<1x1x50x80xi32, #tpu.memory_space<hbm>> -> memref<50x80xi32, #tpu.memory_space<hbm>>
          tpu.wait_dma2 semaphore(%run_scoped3A : memref<!tpu.dma_semaphore, #tpu.memory_space<semaphore_mem>>) src(%dma_wait3A_45 : memref<50x80xi32, #tpu.memory_space<hbm>>) dst(%arg9 : memref<50x80xi32, #tpu.memory_space<vmem>>)
          tpu.yield
        }) : () -> ()
        "tpu.region"() ({
          %run_scoped3A = tpu.sem_alloc : memref<!tpu.dma_semaphore, #tpu.memory_space<semaphore_mem>>
          %dma_start3A_31 = arith.constant 0 : i32
          %dma_start3A_32 = arith.constant 0 : i32
          %dma_start3A_33 = tpu.memref_slice %arg5[%arg1, %scan3A_18, %dma_start3A_31, %dma_start3A_32] : memref<16x5x50x80xi32, #tpu.memory_space<hbm>> -> memref<1x1x50x80xi32, #tpu.memory_space<hbm>>
          %dma_start3A_34 = tpu.memref_squeeze %dma_start3A_33 : memref<1x1x50x80xi32, #tpu.memory_space<hbm>> -> memref<50x80xi32, #tpu.memory_space<hbm>>
          %dma_start3A_35 = arith.constant 0 : i32
          %dma_start3A_36 = arith.constant 0 : i32
          %dma_start3A_37 = tpu.memref_slice %arg5[%arg1, %scan3A_18, %dma_start3A_35, %dma_start3A_36] : memref<16x5x50x80xi32, #tpu.memory_space<hbm>> -> memref<1x1x50x80xi32, #tpu.memory_space<hbm>>
          %dma_start3A_38 = tpu.memref_squeeze %dma_start3A_37 : memref<1x1x50x80xi32, #tpu.memory_space<hbm>> -> memref<50x80xi32, #tpu.memory_space<hbm>>
          tpu.enqueue_dma source(%dma_start3A_38 : memref<50x80xi32, #tpu.memory_space<hbm>>) target(%arg10 : memref<50x80xi32, #tpu.memory_space<vmem>>) target_semaphore(%run_scoped3A : memref<!tpu.dma_semaphore, #tpu.memory_space<semaphore_mem>>)
          %dma_wait3A = arith.constant 0 : i32
          %dma_wait3A_39 = arith.constant 0 : i32
          %dma_wait3A_40 = tpu.memref_slice %arg5[%arg1, %scan3A_18, %dma_wait3A, %dma_wait3A_39] : memref<16x5x50x80xi32, #tpu.memory_space<hbm>> -> memref<1x1x50x80xi32, #tpu.memory_space<hbm>>
          %dma_wait3A_41 = tpu.memref_squeeze %dma_wait3A_40 : memref<1x1x50x80xi32, #tpu.memory_space<hbm>> -> memref<50x80xi32, #tpu.memory_space<hbm>>
          %dma_wait3A_42 = arith.constant 0 : i32
          %dma_wait3A_43 = arith.constant 0 : i32
          %dma_wait3A_44 = tpu.memref_slice %arg5[%arg1, %scan3A_18, %dma_wait3A_42, %dma_wait3A_43] : memref<16x5x50x80xi32, #tpu.memory_space<hbm>> -> memref<1x1x50x80xi32, #tpu.memory_space<hbm>>
          %dma_wait3A_45 = tpu.memref_squeeze %dma_wait3A_44 : memref<1x1x50x80xi32, #tpu.memory_space<hbm>> -> memref<50x80xi32, #tpu.memory_space<hbm>>
          tpu.wait_dma2 semaphore(%run_scoped3A : memref<!tpu.dma_semaphore, #tpu.memory_space<semaphore_mem>>) src(%dma_wait3A_45 : memref<50x80xi32, #tpu.memory_space<hbm>>) dst(%arg10 : memref<50x80xi32, #tpu.memory_space<vmem>>)
          tpu.yield
        }) : () -> ()
        %dma_start3A = arith.constant 0 : i32
        %dma_start3A_19 = arith.constant 0 : i32
        %dma_start3A_20 = tpu.memref_slice %arg9[%dma_start3A, %dma_start3A_19] : memref<50x80xi32, #tpu.memory_space<vmem>> -> memref<1x80xi32, #tpu.memory_space<vmem>>
        %dma_start3A_21 = tpu.memref_squeeze %dma_start3A_20 : memref<1x80xi32, #tpu.memory_space<vmem>> -> memref<80xi32, #tpu.memory_space<vmem>>
        %dma_start3A_22 = arith.constant 0 : i32
        %dma_start3A_23 = arith.constant 0 : i32
        %dma_start3A_24 = tpu.memref_slice %arg2[%dma_start3A_22, %dma_start3A_23] : memref<10000x128xf32, #tpu.memory_space<hbm>> -> memref<10000x128xf32, #tpu.memory_space<hbm>>
        tpu.enqueue_indirect_dma source(%dma_start3A_24 : memref<10000x128xf32, #tpu.memory_space<hbm>>) target(%arg11 : memref<80x128xf32, #tpu.memory_space<vmem>>) offsets(%dma_start3A_21 : memref<80xi32, #tpu.memory_space<vmem>>) semaphore(%arg14 : memref<!tpu.dma_semaphore, #tpu.memory_space<semaphore_mem>>)
        %scan3A_25 = arith.constant 0 : i32
        %scan3A_26 = arith.constant 0 : i32
        %scan3A_27 = arith.constant 50 : i32
        %scan3A_28 = arith.addi %scan3A_26, %scan3A_27 : i32
        %scan3A_29 = arith.constant 1 : i32
        scf.for %scan3A_31 = %scan3A_26 to %scan3A_28 step %scan3A_29  : i32 {
          %and3A = arith.constant 1 : i32
          %and3A_32 = arith.andi %scan3A_31, %and3A : i32
          %eq3A_33 = arith.constant 0 : i32
          %eq3A_34 = arith.cmpi eq, %and3A_32, %eq3A_33 : i32
          %convert_element_type3A_35 = arith.extui %eq3A_34 : i1 to i32
          %cond3A_36 = arith.constant 0 : i32
          %cond3A_37 = arith.cmpi ne, %convert_element_type3A_35, %cond3A_36 : i32
          scf.if %cond3A_37 {
            %dma_wait3A = arith.constant 0 : i32
            %dma_wait3A_42 = tpu.memref_slice %arg9[%scan3A_31, %dma_wait3A] : memref<50x80xi32, #tpu.memory_space<vmem>> -> memref<1x80xi32, #tpu.memory_space<vmem>>
            %dma_wait3A_43 = tpu.memref_squeeze %dma_wait3A_42 : memref<1x80xi32, #tpu.memory_space<vmem>> -> memref<80xi32, #tpu.memory_space<vmem>>
            %dma_wait3A_44 = arith.constant 0 : i32
            %dma_wait3A_45 = arith.constant 0 : i32
            %dma_wait3A_46 = tpu.memref_slice %arg2[%dma_wait3A_44, %dma_wait3A_45] : memref<10000x128xf32, #tpu.memory_space<hbm>> -> memref<10000x128xf32, #tpu.memory_space<hbm>>
            tpu.wait_indirect_dma semaphore(%arg14 : memref<!tpu.dma_semaphore, #tpu.memory_space<semaphore_mem>>) src(%dma_wait3A_46 : memref<10000x128xf32, #tpu.memory_space<hbm>>) dst(%arg11 : memref<80x128xf32, #tpu.memory_space<vmem>>)
            %add3A = arith.constant 1 : i32
            %add3A_47 = arith.addi %scan3A_31, %add3A : i32
            %lt3A = arith.constant 50 : i32
            %lt3A_48 = arith.cmpi slt, %add3A_47, %lt3A : i32
            %convert_element_type3A_49 = arith.extui %lt3A_48 : i1 to i32
            %cond3A_50 = arith.constant 0 : i32
            %cond3A_51 = arith.cmpi ne, %convert_element_type3A_49, %cond3A_50 : i32
            scf.if %cond3A_51 {
              %add3A_52 = arith.constant 1 : i32
              %add3A_53 = arith.addi %scan3A_31, %add3A_52 : i32
              %dma_start3A_54 = arith.constant 0 : i32
              %dma_start3A_55 = tpu.memref_slice %arg9[%add3A_53, %dma_start3A_54] : memref<50x80xi32, #tpu.memory_space<vmem>> -> memref<1x80xi32, #tpu.memory_space<vmem>>
              %dma_start3A_56 = tpu.memref_squeeze %dma_start3A_55 : memref<1x80xi32, #tpu.memory_space<vmem>> -> memref<80xi32, #tpu.memory_space<vmem>>
              %dma_start3A_57 = arith.constant 0 : i32
              %dma_start3A_58 = arith.constant 0 : i32
              %dma_start3A_59 = tpu.memref_slice %arg2[%dma_start3A_57, %dma_start3A_58] : memref<10000x128xf32, #tpu.memory_space<hbm>> -> memref<10000x128xf32, #tpu.memory_space<hbm>>
              tpu.enqueue_indirect_dma source(%dma_start3A_59 : memref<10000x128xf32, #tpu.memory_space<hbm>>) target(%arg12 : memref<80x128xf32, #tpu.memory_space<vmem>>) offsets(%dma_start3A_56 : memref<80xi32, #tpu.memory_space<vmem>>) semaphore(%arg15 : memref<!tpu.dma_semaphore, #tpu.memory_space<semaphore_mem>>)
            } else {
            }
            "tpu.region"() ({
              %run_scoped3A = tpu.sem_alloc : memref<!tpu.dma_semaphore, #tpu.memory_space<semaphore_mem>>
              %dma_start3A_52 = arith.constant 0 : i32
              %dma_start3A_53 = tpu.memref_slice %arg10[%scan3A_31, %dma_start3A_52] : memref<50x80xi32, #tpu.memory_space<vmem>> -> memref<1x80xi32, #tpu.memory_space<vmem>>
              %dma_start3A_54 = tpu.memref_squeeze %dma_start3A_53 : memref<1x80xi32, #tpu.memory_space<vmem>> -> memref<80xi32, #tpu.memory_space<vmem>>
              %dma_start3A_55 = arith.constant 0 : i32
              %dma_start3A_56 = arith.constant 0 : i32
              %dma_start3A_57 = tpu.memref_slice %arg13[%dma_start3A_55, %dma_start3A_56] : memref<10240x128xf32, #tpu.memory_space<vmem_shared>> -> memref<10240x128xf32, #tpu.memory_space<vmem_shared>>
              tpu.enqueue_indirect_dma source(%arg11 : memref<80x128xf32, #tpu.memory_space<vmem>>) target(%dma_start3A_57 : memref<10240x128xf32, #tpu.memory_space<vmem_shared>>) offsets(%dma_start3A_54 : memref<80xi32, #tpu.memory_space<vmem>>) semaphore(%run_scoped3A : memref<!tpu.dma_semaphore, #tpu.memory_space<semaphore_mem>>) {add = true}
              %dma_wait3A_58 = arith.constant 0 : i32
              %dma_wait3A_59 = tpu.memref_slice %arg10[%scan3A_31, %dma_wait3A_58] : memref<50x80xi32, #tpu.memory_space<vmem>> -> memref<1x80xi32, #tpu.memory_space<vmem>>
              %dma_wait3A_60 = tpu.memref_squeeze %dma_wait3A_59 : memref<1x80xi32, #tpu.memory_space<vmem>> -> memref<80xi32, #tpu.memory_space<vmem>>
              %dma_wait3A_61 = arith.constant 0 : i32
              %dma_wait3A_62 = arith.constant 0 : i32
              %dma_wait3A_63 = tpu.memref_slice %arg13[%dma_wait3A_61, %dma_wait3A_62] : memref<10240x128xf32, #tpu.memory_space<vmem_shared>> -> memref<10240x128xf32, #tpu.memory_space<vmem_shared>>
              tpu.wait_indirect_dma semaphore(%run_scoped3A : memref<!tpu.dma_semaphore, #tpu.memory_space<semaphore_mem>>) src(%arg11 : memref<80x128xf32, #tpu.memory_space<vmem>>) dst(%dma_wait3A_63 : memref<10240x128xf32, #tpu.memory_space<vmem_shared>>)
              tpu.yield
            }) : () -> ()
          } else {
          }
          %not3A = arith.constant true
          %not3A_38 = arith.xori %eq3A_34, %not3A : i1
          %convert_element_type3A_39 = arith.extui %not3A_38 : i1 to i32
          %cond3A_40 = arith.constant 0 : i32
          %cond3A_41 = arith.cmpi ne, %convert_element_type3A_39, %cond3A_40 : i32
          scf.if %cond3A_41 {
            %dma_wait3A = arith.constant 0 : i32
            %dma_wait3A_42 = tpu.memref_slice %arg9[%scan3A_31, %dma_wait3A] : memref<50x80xi32, #tpu.memory_space<vmem>> -> memref<1x80xi32, #tpu.memory_space<vmem>>
            %dma_wait3A_43 = tpu.memref_squeeze %dma_wait3A_42 : memref<1x80xi32, #tpu.memory_space<vmem>> -> memref<80xi32, #tpu.memory_space<vmem>>
            %dma_wait3A_44 = arith.constant 0 : i32
            %dma_wait3A_45 = arith.constant 0 : i32
            %dma_wait3A_46 = tpu.memref_slice %arg2[%dma_wait3A_44, %dma_wait3A_45] : memref<10000x128xf32, #tpu.memory_space<hbm>> -> memref<10000x128xf32, #tpu.memory_space<hbm>>
            tpu.wait_indirect_dma semaphore(%arg15 : memref<!tpu.dma_semaphore, #tpu.memory_space<semaphore_mem>>) src(%dma_wait3A_46 : memref<10000x128xf32, #tpu.memory_space<hbm>>) dst(%arg12 : memref<80x128xf32, #tpu.memory_space<vmem>>)
            %add3A = arith.constant 1 : i32
            %add3A_47 = arith.addi %scan3A_31, %add3A : i32
            %lt3A = arith.constant 50 : i32
            %lt3A_48 = arith.cmpi slt, %add3A_47, %lt3A : i32
            %convert_element_type3A_49 = arith.extui %lt3A_48 : i1 to i32
            %cond3A_50 = arith.constant 0 : i32
            %cond3A_51 = arith.cmpi ne, %convert_element_type3A_49, %cond3A_50 : i32
            scf.if %cond3A_51 {
              %add3A_52 = arith.constant 1 : i32
              %add3A_53 = arith.addi %scan3A_31, %add3A_52 : i32
              %dma_start3A_54 = arith.constant 0 : i32
              %dma_start3A_55 = tpu.memref_slice %arg9[%add3A_53, %dma_start3A_54] : memref<50x80xi32, #tpu.memory_space<vmem>> -> memref<1x80xi32, #tpu.memory_space<vmem>>
              %dma_start3A_56 = tpu.memref_squeeze %dma_start3A_55 : memref<1x80xi32, #tpu.memory_space<vmem>> -> memref<80xi32, #tpu.memory_space<vmem>>
              %dma_start3A_57 = arith.constant 0 : i32
              %dma_start3A_58 = arith.constant 0 : i32
              %dma_start3A_59 = tpu.memref_slice %arg2[%dma_start3A_57, %dma_start3A_58] : memref<10000x128xf32, #tpu.memory_space<hbm>> -> memref<10000x128xf32, #tpu.memory_space<hbm>>
              tpu.enqueue_indirect_dma source(%dma_start3A_59 : memref<10000x128xf32, #tpu.memory_space<hbm>>) target(%arg11 : memref<80x128xf32, #tpu.memory_space<vmem>>) offsets(%dma_start3A_56 : memref<80xi32, #tpu.memory_space<vmem>>) semaphore(%arg14 : memref<!tpu.dma_semaphore, #tpu.memory_space<semaphore_mem>>)
            } else {
            }
            "tpu.region"() ({
              %run_scoped3A = tpu.sem_alloc : memref<!tpu.dma_semaphore, #tpu.memory_space<semaphore_mem>>
              %dma_start3A_52 = arith.constant 0 : i32
              %dma_start3A_53 = tpu.memref_slice %arg10[%scan3A_31, %dma_start3A_52] : memref<50x80xi32, #tpu.memory_space<vmem>> -> memref<1x80xi32, #tpu.memory_space<vmem>>
              %dma_start3A_54 = tpu.memref_squeeze %dma_start3A_53 : memref<1x80xi32, #tpu.memory_space<vmem>> -> memref<80xi32, #tpu.memory_space<vmem>>
              %dma_start3A_55 = arith.constant 0 : i32
              %dma_start3A_56 = arith.constant 0 : i32
              %dma_start3A_57 = tpu.memref_slice %arg13[%dma_start3A_55, %dma_start3A_56] : memref<10240x128xf32, #tpu.memory_space<vmem_shared>> -> memref<10240x128xf32, #tpu.memory_space<vmem_shared>>
              tpu.enqueue_indirect_dma source(%arg12 : memref<80x128xf32, #tpu.memory_space<vmem>>) target(%dma_start3A_57 : memref<10240x128xf32, #tpu.memory_space<vmem_shared>>) offsets(%dma_start3A_54 : memref<80xi32, #tpu.memory_space<vmem>>) semaphore(%run_scoped3A : memref<!tpu.dma_semaphore, #tpu.memory_space<semaphore_mem>>) {add = true}
              %dma_wait3A_58 = arith.constant 0 : i32
              %dma_wait3A_59 = tpu.memref_slice %arg10[%scan3A_31, %dma_wait3A_58] : memref<50x80xi32, #tpu.memory_space<vmem>> -> memref<1x80xi32, #tpu.memory_space<vmem>>
              %dma_wait3A_60 = tpu.memref_squeeze %dma_wait3A_59 : memref<1x80xi32, #tpu.memory_space<vmem>> -> memref<80xi32, #tpu.memory_space<vmem>>
              %dma_wait3A_61 = arith.constant 0 : i32
              %dma_wait3A_62 = arith.constant 0 : i32
              %dma_wait3A_63 = tpu.memref_slice %arg13[%dma_wait3A_61, %dma_wait3A_62] : memref<10240x128xf32, #tpu.memory_space<vmem_shared>> -> memref<10240x128xf32, #tpu.memory_space<vmem_shared>>
              tpu.wait_indirect_dma semaphore(%run_scoped3A : memref<!tpu.dma_semaphore, #tpu.memory_space<semaphore_mem>>) src(%arg12 : memref<80x128xf32, #tpu.memory_space<vmem>>) dst(%dma_wait3A_63 : memref<10240x128xf32, #tpu.memory_space<vmem_shared>>)
              tpu.yield
            }) : () -> ()
          } else {
          }
        }
        %scan3A_30 = arith.constant 50 : i32
      }
      %scan3A_12 = arith.constant 5 : i32
      %barrier3A_13 = arith.constant 0 : index
      tpu.barrier barrier_id(%barrier3A_13)
      %mul3A_14 = arith.constant 640 : i32
      %mul3A_15 = arith.muli %arg1, %mul3A_14 : i32
      %mul3A_16 = arith.constant 640 : i32
      %mul3A_17 = arith.muli %arg1, %mul3A_16 : i32
      "tpu.region"() ({
        %run_scoped3A = tpu.sem_alloc : memref<!tpu.dma_semaphore, #tpu.memory_space<semaphore_mem>>
        %dma_start3A = arith.constant 0 : i32
        %dma_start3A_18 = tpu.memref_slice %arg7[%mul3A_17, %dma_start3A] : memref<10240x128xf32, #tpu.memory_space<hbm>> -> memref<640x128xf32, #tpu.memory_space<hbm>>
        %dma_start3A_19 = arith.constant 0 : i32
        %dma_start3A_20 = tpu.memref_slice %arg13[%mul3A_15, %dma_start3A_19] : memref<10240x128xf32, #tpu.memory_space<vmem_shared>> -> memref<640x128xf32, #tpu.memory_space<vmem_shared>>
        tpu.enqueue_dma source(%dma_start3A_20 : memref<640x128xf32, #tpu.memory_space<vmem_shared>>) target(%dma_start3A_18 : memref<640x128xf32, #tpu.memory_space<hbm>>) target_semaphore(%run_scoped3A : memref<!tpu.dma_semaphore, #tpu.memory_space<semaphore_mem>>)
        %dma_wait3A = arith.constant 0 : i32
        %dma_wait3A_21 = tpu.memref_slice %arg7[%mul3A_17, %dma_wait3A] : memref<10240x128xf32, #tpu.memory_space<hbm>> -> memref<640x128xf32, #tpu.memory_space<hbm>>
        %dma_wait3A_22 = arith.constant 0 : i32
        %dma_wait3A_23 = tpu.memref_slice %arg13[%mul3A_15, %dma_wait3A_22] : memref<10240x128xf32, #tpu.memory_space<vmem_shared>> -> memref<640x128xf32, #tpu.memory_space<vmem_shared>>
        tpu.wait_dma2 semaphore(%run_scoped3A : memref<!tpu.dma_semaphore, #tpu.memory_space<semaphore_mem>>) src(%dma_wait3A_23 : memref<640x128xf32, #tpu.memory_space<vmem_shared>>) dst(%dma_wait3A_21 : memref<640x128xf32, #tpu.memory_space<hbm>>)
        tpu.yield
      }) : () -> ()
    } else {
    }
    %eq3A_3 = arith.constant 1 : i32
    %eq3A_4 = arith.cmpi eq, %arg0, %eq3A_3 : i32
    %convert_element_type3A_5 = arith.extui %eq3A_4 : i1 to i32
    %cond3A_6 = arith.constant 0 : i32
    %cond3A_7 = arith.cmpi ne, %convert_element_type3A_5, %cond3A_6 : i32
    scf.if %cond3A_7 {
      %scan3A = arith.constant 0 : i32
      %scan3A_8 = arith.constant 0 : i32
      %scan3A_9 = arith.constant 5 : i32
      %scan3A_10 = arith.addi %scan3A_8, %scan3A_9 : i32
      %scan3A_11 = arith.constant 1 : i32
      scf.for %scan3A_18 = %scan3A_8 to %scan3A_10 step %scan3A_11  : i32 {
        "tpu.region"() ({
          %run_scoped3A = tpu.sem_alloc : memref<!tpu.dma_semaphore, #tpu.memory_space<semaphore_mem>>
          %dma_start3A_31 = arith.constant 0 : i32
          %dma_start3A_32 = arith.constant 0 : i32
          %dma_start3A_33 = tpu.memref_slice %arg4[%arg1, %scan3A_18, %dma_start3A_31, %dma_start3A_32] : memref<16x5x50x80xi32, #tpu.memory_space<hbm>> -> memref<1x1x50x80xi32, #tpu.memory_space<hbm>>
          %dma_start3A_34 = tpu.memref_squeeze %dma_start3A_33 : memref<1x1x50x80xi32, #tpu.memory_space<hbm>> -> memref<50x80xi32, #tpu.memory_space<hbm>>
          %dma_start3A_35 = arith.constant 0 : i32
          %dma_start3A_36 = arith.constant 0 : i32
          %dma_start3A_37 = tpu.memref_slice %arg4[%arg1, %scan3A_18, %dma_start3A_35, %dma_start3A_36] : memref<16x5x50x80xi32, #tpu.memory_space<hbm>> -> memref<1x1x50x80xi32, #tpu.memory_space<hbm>>
          %dma_start3A_38 = tpu.memref_squeeze %dma_start3A_37 : memref<1x1x50x80xi32, #tpu.memory_space<hbm>> -> memref<50x80xi32, #tpu.memory_space<hbm>>
          tpu.enqueue_dma source(%dma_start3A_38 : memref<50x80xi32, #tpu.memory_space<hbm>>) target(%arg9 : memref<50x80xi32, #tpu.memory_space<vmem>>) target_semaphore(%run_scoped3A : memref<!tpu.dma_semaphore, #tpu.memory_space<semaphore_mem>>)
          %dma_wait3A = arith.constant 0 : i32
          %dma_wait3A_39 = arith.constant 0 : i32
          %dma_wait3A_40 = tpu.memref_slice %arg4[%arg1, %scan3A_18, %dma_wait3A, %dma_wait3A_39] : memref<16x5x50x80xi32, #tpu.memory_space<hbm>> -> memref<1x1x50x80xi32, #tpu.memory_space<hbm>>
          %dma_wait3A_41 = tpu.memref_squeeze %dma_wait3A_40 : memref<1x1x50x80xi32, #tpu.memory_space<hbm>> -> memref<50x80xi32, #tpu.memory_space<hbm>>
          %dma_wait3A_42 = arith.constant 0 : i32
          %dma_wait3A_43 = arith.constant 0 : i32
          %dma_wait3A_44 = tpu.memref_slice %arg4[%arg1, %scan3A_18, %dma_wait3A_42, %dma_wait3A_43] : memref<16x5x50x80xi32, #tpu.memory_space<hbm>> -> memref<1x1x50x80xi32, #tpu.memory_space<hbm>>
          %dma_wait3A_45 = tpu.memref_squeeze %dma_wait3A_44 : memref<1x1x50x80xi32, #tpu.memory_space<hbm>> -> memref<50x80xi32, #tpu.memory_space<hbm>>
          tpu.wait_dma2 semaphore(%run_scoped3A : memref<!tpu.dma_semaphore, #tpu.memory_space<semaphore_mem>>) src(%dma_wait3A_45 : memref<50x80xi32, #tpu.memory_space<hbm>>) dst(%arg9 : memref<50x80xi32, #tpu.memory_space<vmem>>)
          tpu.yield
        }) : () -> ()
        "tpu.region"() ({
          %run_scoped3A = tpu.sem_alloc : memref<!tpu.dma_semaphore, #tpu.memory_space<semaphore_mem>>
          %dma_start3A_31 = arith.constant 0 : i32
          %dma_start3A_32 = arith.constant 0 : i32
          %dma_start3A_33 = tpu.memref_slice %arg5[%arg1, %scan3A_18, %dma_start3A_31, %dma_start3A_32] : memref<16x5x50x80xi32, #tpu.memory_space<hbm>> -> memref<1x1x50x80xi32, #tpu.memory_space<hbm>>
          %dma_start3A_34 = tpu.memref_squeeze %dma_start3A_33 : memref<1x1x50x80xi32, #tpu.memory_space<hbm>> -> memref<50x80xi32, #tpu.memory_space<hbm>>
          %dma_start3A_35 = arith.constant 0 : i32
          %dma_start3A_36 = arith.constant 0 : i32
          %dma_start3A_37 = tpu.memref_slice %arg5[%arg1, %scan3A_18, %dma_start3A_35, %dma_start3A_36] : memref<16x5x50x80xi32, #tpu.memory_space<hbm>> -> memref<1x1x50x80xi32, #tpu.memory_space<hbm>>
          %dma_start3A_38 = tpu.memref_squeeze %dma_start3A_37 : memref<1x1x50x80xi32, #tpu.memory_space<hbm>> -> memref<50x80xi32, #tpu.memory_space<hbm>>
          tpu.enqueue_dma source(%dma_start3A_38 : memref<50x80xi32, #tpu.memory_space<hbm>>) target(%arg10 : memref<50x80xi32, #tpu.memory_space<vmem>>) target_semaphore(%run_scoped3A : memref<!tpu.dma_semaphore, #tpu.memory_space<semaphore_mem>>)
          %dma_wait3A = arith.constant 0 : i32
          %dma_wait3A_39 = arith.constant 0 : i32
          %dma_wait3A_40 = tpu.memref_slice %arg5[%arg1, %scan3A_18, %dma_wait3A, %dma_wait3A_39] : memref<16x5x50x80xi32, #tpu.memory_space<hbm>> -> memref<1x1x50x80xi32, #tpu.memory_space<hbm>>
          %dma_wait3A_41 = tpu.memref_squeeze %dma_wait3A_40 : memref<1x1x50x80xi32, #tpu.memory_space<hbm>> -> memref<50x80xi32, #tpu.memory_space<hbm>>
          %dma_wait3A_42 = arith.constant 0 : i32
          %dma_wait3A_43 = arith.constant 0 : i32
          %dma_wait3A_44 = tpu.memref_slice %arg5[%arg1, %scan3A_18, %dma_wait3A_42, %dma_wait3A_43] : memref<16x5x50x80xi32, #tpu.memory_space<hbm>> -> memref<1x1x50x80xi32, #tpu.memory_space<hbm>>
          %dma_wait3A_45 = tpu.memref_squeeze %dma_wait3A_44 : memref<1x1x50x80xi32, #tpu.memory_space<hbm>> -> memref<50x80xi32, #tpu.memory_space<hbm>>
          tpu.wait_dma2 semaphore(%run_scoped3A : memref<!tpu.dma_semaphore, #tpu.memory_space<semaphore_mem>>) src(%dma_wait3A_45 : memref<50x80xi32, #tpu.memory_space<hbm>>) dst(%arg10 : memref<50x80xi32, #tpu.memory_space<vmem>>)
          tpu.yield
        }) : () -> ()
        %dma_start3A = arith.constant 0 : i32
        %dma_start3A_19 = arith.constant 0 : i32
        %dma_start3A_20 = tpu.memref_slice %arg9[%dma_start3A, %dma_start3A_19] : memref<50x80xi32, #tpu.memory_space<vmem>> -> memref<1x80xi32, #tpu.memory_space<vmem>>
        %dma_start3A_21 = tpu.memref_squeeze %dma_start3A_20 : memref<1x80xi32, #tpu.memory_space<vmem>> -> memref<80xi32, #tpu.memory_space<vmem>>
        %dma_start3A_22 = arith.constant 0 : i32
        %dma_start3A_23 = arith.constant 0 : i32
        %dma_start3A_24 = tpu.memref_slice %arg3[%dma_start3A_22, %dma_start3A_23] : memref<10000x128xf32, #tpu.memory_space<hbm>> -> memref<10000x128xf32, #tpu.memory_space<hbm>>
        tpu.enqueue_indirect_dma source(%dma_start3A_24 : memref<10000x128xf32, #tpu.memory_space<hbm>>) target(%arg11 : memref<80x128xf32, #tpu.memory_space<vmem>>) offsets(%dma_start3A_21 : memref<80xi32, #tpu.memory_space<vmem>>) semaphore(%arg14 : memref<!tpu.dma_semaphore, #tpu.memory_space<semaphore_mem>>)
        %scan3A_25 = arith.constant 0 : i32
        %scan3A_26 = arith.constant 0 : i32
        %scan3A_27 = arith.constant 50 : i32
        %scan3A_28 = arith.addi %scan3A_26, %scan3A_27 : i32
        %scan3A_29 = arith.constant 1 : i32
        scf.for %scan3A_31 = %scan3A_26 to %scan3A_28 step %scan3A_29  : i32 {
          %and3A = arith.constant 1 : i32
          %and3A_32 = arith.andi %scan3A_31, %and3A : i32
          %eq3A_33 = arith.constant 0 : i32
          %eq3A_34 = arith.cmpi eq, %and3A_32, %eq3A_33 : i32
          %convert_element_type3A_35 = arith.extui %eq3A_34 : i1 to i32
          %cond3A_36 = arith.constant 0 : i32
          %cond3A_37 = arith.cmpi ne, %convert_element_type3A_35, %cond3A_36 : i32
          scf.if %cond3A_37 {
            %dma_wait3A = arith.constant 0 : i32
            %dma_wait3A_42 = tpu.memref_slice %arg9[%scan3A_31, %dma_wait3A] : memref<50x80xi32, #tpu.memory_space<vmem>> -> memref<1x80xi32, #tpu.memory_space<vmem>>
            %dma_wait3A_43 = tpu.memref_squeeze %dma_wait3A_42 : memref<1x80xi32, #tpu.memory_space<vmem>> -> memref<80xi32, #tpu.memory_space<vmem>>
            %dma_wait3A_44 = arith.constant 0 : i32
            %dma_wait3A_45 = arith.constant 0 : i32
            %dma_wait3A_46 = tpu.memref_slice %arg3[%dma_wait3A_44, %dma_wait3A_45] : memref<10000x128xf32, #tpu.memory_space<hbm>> -> memref<10000x128xf32, #tpu.memory_space<hbm>>
            tpu.wait_indirect_dma semaphore(%arg14 : memref<!tpu.dma_semaphore, #tpu.memory_space<semaphore_mem>>) src(%dma_wait3A_46 : memref<10000x128xf32, #tpu.memory_space<hbm>>) dst(%arg11 : memref<80x128xf32, #tpu.memory_space<vmem>>)
            %add3A = arith.constant 1 : i32
            %add3A_47 = arith.addi %scan3A_31, %add3A : i32
            %lt3A = arith.constant 50 : i32
            %lt3A_48 = arith.cmpi slt, %add3A_47, %lt3A : i32
            %convert_element_type3A_49 = arith.extui %lt3A_48 : i1 to i32
            %cond3A_50 = arith.constant 0 : i32
            %cond3A_51 = arith.cmpi ne, %convert_element_type3A_49, %cond3A_50 : i32
            scf.if %cond3A_51 {
              %add3A_52 = arith.constant 1 : i32
              %add3A_53 = arith.addi %scan3A_31, %add3A_52 : i32
              %dma_start3A_54 = arith.constant 0 : i32
              %dma_start3A_55 = tpu.memref_slice %arg9[%add3A_53, %dma_start3A_54] : memref<50x80xi32, #tpu.memory_space<vmem>> -> memref<1x80xi32, #tpu.memory_space<vmem>>
              %dma_start3A_56 = tpu.memref_squeeze %dma_start3A_55 : memref<1x80xi32, #tpu.memory_space<vmem>> -> memref<80xi32, #tpu.memory_space<vmem>>
              %dma_start3A_57 = arith.constant 0 : i32
              %dma_start3A_58 = arith.constant 0 : i32
              %dma_start3A_59 = tpu.memref_slice %arg3[%dma_start3A_57, %dma_start3A_58] : memref<10000x128xf32, #tpu.memory_space<hbm>> -> memref<10000x128xf32, #tpu.memory_space<hbm>>
              tpu.enqueue_indirect_dma source(%dma_start3A_59 : memref<10000x128xf32, #tpu.memory_space<hbm>>) target(%arg12 : memref<80x128xf32, #tpu.memory_space<vmem>>) offsets(%dma_start3A_56 : memref<80xi32, #tpu.memory_space<vmem>>) semaphore(%arg15 : memref<!tpu.dma_semaphore, #tpu.memory_space<semaphore_mem>>)
            } else {
            }
            "tpu.region"() ({
              %run_scoped3A = tpu.sem_alloc : memref<!tpu.dma_semaphore, #tpu.memory_space<semaphore_mem>>
              %dma_start3A_52 = arith.constant 0 : i32
              %dma_start3A_53 = tpu.memref_slice %arg10[%scan3A_31, %dma_start3A_52] : memref<50x80xi32, #tpu.memory_space<vmem>> -> memref<1x80xi32, #tpu.memory_space<vmem>>
              %dma_start3A_54 = tpu.memref_squeeze %dma_start3A_53 : memref<1x80xi32, #tpu.memory_space<vmem>> -> memref<80xi32, #tpu.memory_space<vmem>>
              %dma_start3A_55 = arith.constant 0 : i32
              %dma_start3A_56 = arith.constant 0 : i32
              %dma_start3A_57 = tpu.memref_slice %arg13[%dma_start3A_55, %dma_start3A_56] : memref<10240x128xf32, #tpu.memory_space<vmem_shared>> -> memref<10240x128xf32, #tpu.memory_space<vmem_shared>>
              tpu.enqueue_indirect_dma source(%arg11 : memref<80x128xf32, #tpu.memory_space<vmem>>) target(%dma_start3A_57 : memref<10240x128xf32, #tpu.memory_space<vmem_shared>>) offsets(%dma_start3A_54 : memref<80xi32, #tpu.memory_space<vmem>>) semaphore(%run_scoped3A : memref<!tpu.dma_semaphore, #tpu.memory_space<semaphore_mem>>) {add = true}
              %dma_wait3A_58 = arith.constant 0 : i32
              %dma_wait3A_59 = tpu.memref_slice %arg10[%scan3A_31, %dma_wait3A_58] : memref<50x80xi32, #tpu.memory_space<vmem>> -> memref<1x80xi32, #tpu.memory_space<vmem>>
              %dma_wait3A_60 = tpu.memref_squeeze %dma_wait3A_59 : memref<1x80xi32, #tpu.memory_space<vmem>> -> memref<80xi32, #tpu.memory_space<vmem>>
              %dma_wait3A_61 = arith.constant 0 : i32
              %dma_wait3A_62 = arith.constant 0 : i32
              %dma_wait3A_63 = tpu.memref_slice %arg13[%dma_wait3A_61, %dma_wait3A_62] : memref<10240x128xf32, #tpu.memory_space<vmem_shared>> -> memref<10240x128xf32, #tpu.memory_space<vmem_shared>>
              tpu.wait_indirect_dma semaphore(%run_scoped3A : memref<!tpu.dma_semaphore, #tpu.memory_space<semaphore_mem>>) src(%arg11 : memref<80x128xf32, #tpu.memory_space<vmem>>) dst(%dma_wait3A_63 : memref<10240x128xf32, #tpu.memory_space<vmem_shared>>)
              tpu.yield
            }) : () -> ()
          } else {
          }
          %not3A = arith.constant true
          %not3A_38 = arith.xori %eq3A_34, %not3A : i1
          %convert_element_type3A_39 = arith.extui %not3A_38 : i1 to i32
          %cond3A_40 = arith.constant 0 : i32
          %cond3A_41 = arith.cmpi ne, %convert_element_type3A_39, %cond3A_40 : i32
          scf.if %cond3A_41 {
            %dma_wait3A = arith.constant 0 : i32
            %dma_wait3A_42 = tpu.memref_slice %arg9[%scan3A_31, %dma_wait3A] : memref<50x80xi32, #tpu.memory_space<vmem>> -> memref<1x80xi32, #tpu.memory_space<vmem>>
            %dma_wait3A_43 = tpu.memref_squeeze %dma_wait3A_42 : memref<1x80xi32, #tpu.memory_space<vmem>> -> memref<80xi32, #tpu.memory_space<vmem>>
            %dma_wait3A_44 = arith.constant 0 : i32
            %dma_wait3A_45 = arith.constant 0 : i32
            %dma_wait3A_46 = tpu.memref_slice %arg3[%dma_wait3A_44, %dma_wait3A_45] : memref<10000x128xf32, #tpu.memory_space<hbm>> -> memref<10000x128xf32, #tpu.memory_space<hbm>>
            tpu.wait_indirect_dma semaphore(%arg15 : memref<!tpu.dma_semaphore, #tpu.memory_space<semaphore_mem>>) src(%dma_wait3A_46 : memref<10000x128xf32, #tpu.memory_space<hbm>>) dst(%arg12 : memref<80x128xf32, #tpu.memory_space<vmem>>)
            %add3A = arith.constant 1 : i32
            %add3A_47 = arith.addi %scan3A_31, %add3A : i32
            %lt3A = arith.constant 50 : i32
            %lt3A_48 = arith.cmpi slt, %add3A_47, %lt3A : i32
            %convert_element_type3A_49 = arith.extui %lt3A_48 : i1 to i32
            %cond3A_50 = arith.constant 0 : i32
            %cond3A_51 = arith.cmpi ne, %convert_element_type3A_49, %cond3A_50 : i32
            scf.if %cond3A_51 {
              %add3A_52 = arith.constant 1 : i32
              %add3A_53 = arith.addi %scan3A_31, %add3A_52 : i32
              %dma_start3A_54 = arith.constant 0 : i32
              %dma_start3A_55 = tpu.memref_slice %arg9[%add3A_53, %dma_start3A_54] : memref<50x80xi32, #tpu.memory_space<vmem>> -> memref<1x80xi32, #tpu.memory_space<vmem>>
              %dma_start3A_56 = tpu.memref_squeeze %dma_start3A_55 : memref<1x80xi32, #tpu.memory_space<vmem>> -> memref<80xi32, #tpu.memory_space<vmem>>
              %dma_start3A_57 = arith.constant 0 : i32
              %dma_start3A_58 = arith.constant 0 : i32
              %dma_start3A_59 = tpu.memref_slice %arg3[%dma_start3A_57, %dma_start3A_58] : memref<10000x128xf32, #tpu.memory_space<hbm>> -> memref<10000x128xf32, #tpu.memory_space<hbm>>
              tpu.enqueue_indirect_dma source(%dma_start3A_59 : memref<10000x128xf32, #tpu.memory_space<hbm>>) target(%arg11 : memref<80x128xf32, #tpu.memory_space<vmem>>) offsets(%dma_start3A_56 : memref<80xi32, #tpu.memory_space<vmem>>) semaphore(%arg14 : memref<!tpu.dma_semaphore, #tpu.memory_space<semaphore_mem>>)
            } else {
            }
            "tpu.region"() ({
              %run_scoped3A = tpu.sem_alloc : memref<!tpu.dma_semaphore, #tpu.memory_space<semaphore_mem>>
              %dma_start3A_52 = arith.constant 0 : i32
              %dma_start3A_53 = tpu.memref_slice %arg10[%scan3A_31, %dma_start3A_52] : memref<50x80xi32, #tpu.memory_space<vmem>> -> memref<1x80xi32, #tpu.memory_space<vmem>>
              %dma_start3A_54 = tpu.memref_squeeze %dma_start3A_53 : memref<1x80xi32, #tpu.memory_space<vmem>> -> memref<80xi32, #tpu.memory_space<vmem>>
              %dma_start3A_55 = arith.constant 0 : i32
              %dma_start3A_56 = arith.constant 0 : i32
              %dma_start3A_57 = tpu.memref_slice %arg13[%dma_start3A_55, %dma_start3A_56] : memref<10240x128xf32, #tpu.memory_space<vmem_shared>> -> memref<10240x128xf32, #tpu.memory_space<vmem_shared>>
              tpu.enqueue_indirect_dma source(%arg12 : memref<80x128xf32, #tpu.memory_space<vmem>>) target(%dma_start3A_57 : memref<10240x128xf32, #tpu.memory_space<vmem_shared>>) offsets(%dma_start3A_54 : memref<80xi32, #tpu.memory_space<vmem>>) semaphore(%run_scoped3A : memref<!tpu.dma_semaphore, #tpu.memory_space<semaphore_mem>>) {add = true}
              %dma_wait3A_58 = arith.constant 0 : i32
              %dma_wait3A_59 = tpu.memref_slice %arg10[%scan3A_31, %dma_wait3A_58] : memref<50x80xi32, #tpu.memory_space<vmem>> -> memref<1x80xi32, #tpu.memory_space<vmem>>
              %dma_wait3A_60 = tpu.memref_squeeze %dma_wait3A_59 : memref<1x80xi32, #tpu.memory_space<vmem>> -> memref<80xi32, #tpu.memory_space<vmem>>
              %dma_wait3A_61 = arith.constant 0 : i32
              %dma_wait3A_62 = arith.constant 0 : i32
              %dma_wait3A_63 = tpu.memref_slice %arg13[%dma_wait3A_61, %dma_wait3A_62] : memref<10240x128xf32, #tpu.memory_space<vmem_shared>> -> memref<10240x128xf32, #tpu.memory_space<vmem_shared>>
              tpu.wait_indirect_dma semaphore(%run_scoped3A : memref<!tpu.dma_semaphore, #tpu.memory_space<semaphore_mem>>) src(%arg12 : memref<80x128xf32, #tpu.memory_space<vmem>>) dst(%dma_wait3A_63 : memref<10240x128xf32, #tpu.memory_space<vmem_shared>>)
              tpu.yield
            }) : () -> ()
          } else {
          }
        }
        %scan3A_30 = arith.constant 50 : i32
      }
      %scan3A_12 = arith.constant 5 : i32
      %barrier3A_13 = arith.constant 0 : index
      tpu.barrier barrier_id(%barrier3A_13)
      %mul3A_14 = arith.constant 640 : i32
      %mul3A_15 = arith.muli %arg1, %mul3A_14 : i32
      %mul3A_16 = arith.constant 640 : i32
      %mul3A_17 = arith.muli %arg1, %mul3A_16 : i32
      "tpu.region"() ({
        %run_scoped3A = tpu.sem_alloc : memref<!tpu.dma_semaphore, #tpu.memory_space<semaphore_mem>>
        %dma_start3A = arith.constant 0 : i32
        %dma_start3A_18 = tpu.memref_slice %arg8[%mul3A_17, %dma_start3A] : memref<10240x128xf32, #tpu.memory_space<hbm>> -> memref<640x128xf32, #tpu.memory_space<hbm>>
        %dma_start3A_19 = arith.constant 0 : i32
        %dma_start3A_20 = tpu.memref_slice %arg13[%mul3A_15, %dma_start3A_19] : memref<10240x128xf32, #tpu.memory_space<vmem_shared>> -> memref<640x128xf32, #tpu.memory_space<vmem_shared>>
        tpu.enqueue_dma source(%dma_start3A_20 : memref<640x128xf32, #tpu.memory_space<vmem_shared>>) target(%dma_start3A_18 : memref<640x128xf32, #tpu.memory_space<hbm>>) target_semaphore(%run_scoped3A : memref<!tpu.dma_semaphore, #tpu.memory_space<semaphore_mem>>)
        %dma_wait3A = arith.constant 0 : i32
        %dma_wait3A_21 = tpu.memref_slice %arg8[%mul3A_17, %dma_wait3A] : memref<10240x128xf32, #tpu.memory_space<hbm>> -> memref<640x128xf32, #tpu.memory_space<hbm>>
        %dma_wait3A_22 = arith.constant 0 : i32
        %dma_wait3A_23 = tpu.memref_slice %arg13[%mul3A_15, %dma_wait3A_22] : memref<10240x128xf32, #tpu.memory_space<vmem_shared>> -> memref<640x128xf32, #tpu.memory_space<vmem_shared>>
        tpu.wait_dma2 semaphore(%run_scoped3A : memref<!tpu.dma_semaphore, #tpu.memory_space<semaphore_mem>>) src(%dma_wait3A_23 : memref<640x128xf32, #tpu.memory_space<vmem_shared>>) dst(%dma_wait3A_21 : memref<640x128xf32, #tpu.memory_space<hbm>>)
        tpu.yield
      }) : () -> ()
    } else {
    }
    return
  }
}

#map = affine_map<(d0, d1) -> (0, 0)>
#map1 = affine_map<(d0, d1) -> (0, 0, 0, 0)>
#map2 = affine_map<(d0, d1) -> (0)>
module attributes {stable_mosaic.version = 14 : i64} {
  func.func @_dec_body(%arg0: i32, %arg1: i32, %arg2: memref<10000x256xf32, #tpu.memory_space<hbm>>, %arg3: memref<10000x256xf32, #tpu.memory_space<hbm>>, %arg4: memref<32x5x125x16xi32, #tpu.memory_space<hbm>>, %arg5: memref<32x5x125x16xi32, #tpu.memory_space<hbm>>, %arg6: memref<16x16xf32, #tpu.memory_space<hbm>>, %arg7: memref<16xf32, #tpu.memory_space<hbm>>, %arg8: memref<32x5x125x16xf32, #tpu.memory_space<hbm>>, %arg9: memref<16x256xf32, #tpu.memory_space<vmem>>, %arg10: memref<16x256xf32, #tpu.memory_space<vmem>>, %arg11: memref<16x256xf32, #tpu.memory_space<vmem>>, %arg12: memref<16x256xf32, #tpu.memory_space<vmem>>, %arg13: memref<125x16xi32, #tpu.memory_space<vmem>>, %arg14: memref<125x16xi32, #tpu.memory_space<vmem>>, %arg15: memref<16x16xf32, #tpu.memory_space<vmem>>, %arg16: memref<16xf32, #tpu.memory_space<vmem>>, %arg17: memref<125x16xf32, #tpu.memory_space<vmem>>, %arg18: memref<16x16xf32, #tpu.memory_space<vmem>>, %arg19: memref<!tpu.dma_semaphore, #tpu.memory_space<semaphore_mem>>, %arg20: memref<!tpu.dma_semaphore, #tpu.memory_space<semaphore_mem>>, %arg21: memref<!tpu.dma_semaphore, #tpu.memory_space<semaphore_mem>>, %arg22: memref<!tpu.dma_semaphore, #tpu.memory_space<semaphore_mem>>) attributes {dimension_semantics = [#tpu.dimension_semantics<core_parallel>, #tpu.dimension_semantics<subcore_parallel>], iteration_bounds = array<i64: 2, 16>, scalar_prefetch = 0 : i64, scratch_operands = 14 : i64, tpu.core_type = #tpu.core_type<sc_vector_subcore>, window_params = [{transform_indices = #map}, {transform_indices = #map}, {transform_indices = #map1}, {transform_indices = #map1}, {transform_indices = #map}, {transform_indices = #map2}, {transform_indices = #map1}]} {
    %mul3A = arith.constant 2 : i32
    %mul3A_0 = arith.muli %arg1, %mul3A : i32
    %add3A = arith.addi %mul3A_0, %arg0 : i32
    "tpu.region"() ({
      %run_scoped3A = tpu.sem_alloc : memref<!tpu.dma_semaphore, #tpu.memory_space<semaphore_mem>>
      tpu.enqueue_dma source(%arg6 : memref<16x16xf32, #tpu.memory_space<hbm>>) target(%arg15 : memref<16x16xf32, #tpu.memory_space<vmem>>) target_semaphore(%run_scoped3A : memref<!tpu.dma_semaphore, #tpu.memory_space<semaphore_mem>>)
      tpu.wait_dma2 semaphore(%run_scoped3A : memref<!tpu.dma_semaphore, #tpu.memory_space<semaphore_mem>>) src(%arg6 : memref<16x16xf32, #tpu.memory_space<hbm>>) dst(%arg15 : memref<16x16xf32, #tpu.memory_space<vmem>>)
      tpu.yield
    }) : () -> ()
    "tpu.region"() ({
      %run_scoped3A = tpu.sem_alloc : memref<!tpu.dma_semaphore, #tpu.memory_space<semaphore_mem>>
      tpu.enqueue_dma source(%arg7 : memref<16xf32, #tpu.memory_space<hbm>>) target(%arg16 : memref<16xf32, #tpu.memory_space<vmem>>) target_semaphore(%run_scoped3A : memref<!tpu.dma_semaphore, #tpu.memory_space<semaphore_mem>>)
      tpu.wait_dma2 semaphore(%run_scoped3A : memref<!tpu.dma_semaphore, #tpu.memory_space<semaphore_mem>>) src(%arg7 : memref<16xf32, #tpu.memory_space<hbm>>) dst(%arg16 : memref<16xf32, #tpu.memory_space<vmem>>)
      tpu.yield
    }) : () -> ()
    %get3A = arith.constant 0 : index
    %get3A_1 = tpu.vector_load %arg16[%get3A] {strides = array<i32>} : memref<16xf32, #tpu.memory_space<vmem>>, vector<16xf32>,
    %iota3A = tpu.iota {dimensions = array<i32: 0>} : vector<16xi32>
    %scan3A = arith.constant 0 : i32
    %scan3A_2 = arith.constant 0 : i32
    %scan3A_3 = arith.constant 5 : i32
    %scan3A_4 = arith.addi %scan3A_2, %scan3A_3 : i32
    %scan3A_5 = arith.constant 1 : i32
    scf.for %scan3A_7 = %scan3A_2 to %scan3A_4 step %scan3A_5  : i32 {
      "tpu.region"() ({
        %run_scoped3A = tpu.sem_alloc : memref<!tpu.dma_semaphore, #tpu.memory_space<semaphore_mem>>
        %dma_start3A_27 = arith.constant 0 : i32
        %dma_start3A_28 = arith.constant 0 : i32
        %dma_start3A_29 = tpu.memref_slice %arg4[%add3A, %scan3A_7, %dma_start3A_27, %dma_start3A_28] : memref<32x5x125x16xi32, #tpu.memory_space<hbm>> -> memref<1x1x125x16xi32, #tpu.memory_space<hbm>>
        %dma_start3A_30 = tpu.memref_squeeze %dma_start3A_29 : memref<1x1x125x16xi32, #tpu.memory_space<hbm>> -> memref<125x16xi32, #tpu.memory_space<hbm>>
        %dma_start3A_31 = arith.constant 0 : i32
        %dma_start3A_32 = arith.constant 0 : i32
        %dma_start3A_33 = tpu.memref_slice %arg4[%add3A, %scan3A_7, %dma_start3A_31, %dma_start3A_32] : memref<32x5x125x16xi32, #tpu.memory_space<hbm>> -> memref<1x1x125x16xi32, #tpu.memory_space<hbm>>
        %dma_start3A_34 = tpu.memref_squeeze %dma_start3A_33 : memref<1x1x125x16xi32, #tpu.memory_space<hbm>> -> memref<125x16xi32, #tpu.memory_space<hbm>>
        tpu.enqueue_dma source(%dma_start3A_34 : memref<125x16xi32, #tpu.memory_space<hbm>>) target(%arg13 : memref<125x16xi32, #tpu.memory_space<vmem>>) target_semaphore(%run_scoped3A : memref<!tpu.dma_semaphore, #tpu.memory_space<semaphore_mem>>)
        %dma_wait3A = arith.constant 0 : i32
        %dma_wait3A_35 = arith.constant 0 : i32
        %dma_wait3A_36 = tpu.memref_slice %arg4[%add3A, %scan3A_7, %dma_wait3A, %dma_wait3A_35] : memref<32x5x125x16xi32, #tpu.memory_space<hbm>> -> memref<1x1x125x16xi32, #tpu.memory_space<hbm>>
        %dma_wait3A_37 = tpu.memref_squeeze %dma_wait3A_36 : memref<1x1x125x16xi32, #tpu.memory_space<hbm>> -> memref<125x16xi32, #tpu.memory_space<hbm>>
        %dma_wait3A_38 = arith.constant 0 : i32
        %dma_wait3A_39 = arith.constant 0 : i32
        %dma_wait3A_40 = tpu.memref_slice %arg4[%add3A, %scan3A_7, %dma_wait3A_38, %dma_wait3A_39] : memref<32x5x125x16xi32, #tpu.memory_space<hbm>> -> memref<1x1x125x16xi32, #tpu.memory_space<hbm>>
        %dma_wait3A_41 = tpu.memref_squeeze %dma_wait3A_40 : memref<1x1x125x16xi32, #tpu.memory_space<hbm>> -> memref<125x16xi32, #tpu.memory_space<hbm>>
        tpu.wait_dma2 semaphore(%run_scoped3A : memref<!tpu.dma_semaphore, #tpu.memory_space<semaphore_mem>>) src(%dma_wait3A_41 : memref<125x16xi32, #tpu.memory_space<hbm>>) dst(%arg13 : memref<125x16xi32, #tpu.memory_space<vmem>>)
        tpu.yield
      }) : () -> ()
      "tpu.region"() ({
        %run_scoped3A = tpu.sem_alloc : memref<!tpu.dma_semaphore, #tpu.memory_space<semaphore_mem>>
        %dma_start3A_27 = arith.constant 0 : i32
        %dma_start3A_28 = arith.constant 0 : i32
        %dma_start3A_29 = tpu.memref_slice %arg5[%add3A, %scan3A_7, %dma_start3A_27, %dma_start3A_28] : memref<32x5x125x16xi32, #tpu.memory_space<hbm>> -> memref<1x1x125x16xi32, #tpu.memory_space<hbm>>
        %dma_start3A_30 = tpu.memref_squeeze %dma_start3A_29 : memref<1x1x125x16xi32, #tpu.memory_space<hbm>> -> memref<125x16xi32, #tpu.memory_space<hbm>>
        %dma_start3A_31 = arith.constant 0 : i32
        %dma_start3A_32 = arith.constant 0 : i32
        %dma_start3A_33 = tpu.memref_slice %arg5[%add3A, %scan3A_7, %dma_start3A_31, %dma_start3A_32] : memref<32x5x125x16xi32, #tpu.memory_space<hbm>> -> memref<1x1x125x16xi32, #tpu.memory_space<hbm>>
        %dma_start3A_34 = tpu.memref_squeeze %dma_start3A_33 : memref<1x1x125x16xi32, #tpu.memory_space<hbm>> -> memref<125x16xi32, #tpu.memory_space<hbm>>
        tpu.enqueue_dma source(%dma_start3A_34 : memref<125x16xi32, #tpu.memory_space<hbm>>) target(%arg14 : memref<125x16xi32, #tpu.memory_space<vmem>>) target_semaphore(%run_scoped3A : memref<!tpu.dma_semaphore, #tpu.memory_space<semaphore_mem>>)
        %dma_wait3A = arith.constant 0 : i32
        %dma_wait3A_35 = arith.constant 0 : i32
        %dma_wait3A_36 = tpu.memref_slice %arg5[%add3A, %scan3A_7, %dma_wait3A, %dma_wait3A_35] : memref<32x5x125x16xi32, #tpu.memory_space<hbm>> -> memref<1x1x125x16xi32, #tpu.memory_space<hbm>>
        %dma_wait3A_37 = tpu.memref_squeeze %dma_wait3A_36 : memref<1x1x125x16xi32, #tpu.memory_space<hbm>> -> memref<125x16xi32, #tpu.memory_space<hbm>>
        %dma_wait3A_38 = arith.constant 0 : i32
        %dma_wait3A_39 = arith.constant 0 : i32
        %dma_wait3A_40 = tpu.memref_slice %arg5[%add3A, %scan3A_7, %dma_wait3A_38, %dma_wait3A_39] : memref<32x5x125x16xi32, #tpu.memory_space<hbm>> -> memref<1x1x125x16xi32, #tpu.memory_space<hbm>>
        %dma_wait3A_41 = tpu.memref_squeeze %dma_wait3A_40 : memref<1x1x125x16xi32, #tpu.memory_space<hbm>> -> memref<125x16xi32, #tpu.memory_space<hbm>>
        tpu.wait_dma2 semaphore(%run_scoped3A : memref<!tpu.dma_semaphore, #tpu.memory_space<semaphore_mem>>) src(%dma_wait3A_41 : memref<125x16xi32, #tpu.memory_space<hbm>>) dst(%arg14 : memref<125x16xi32, #tpu.memory_space<vmem>>)
        tpu.yield
      }) : () -> ()
      %dma_start3A = arith.constant 0 : i32
      %dma_start3A_8 = arith.constant 0 : i32
      %dma_start3A_9 = tpu.memref_slice %arg13[%dma_start3A, %dma_start3A_8] : memref<125x16xi32, #tpu.memory_space<vmem>> -> memref<1x16xi32, #tpu.memory_space<vmem>>
      %dma_start3A_10 = tpu.memref_squeeze %dma_start3A_9 : memref<1x16xi32, #tpu.memory_space<vmem>> -> memref<16xi32, #tpu.memory_space<vmem>>
      %dma_start3A_11 = arith.constant 0 : i32
      %dma_start3A_12 = arith.constant 0 : i32
      %dma_start3A_13 = tpu.memref_slice %arg2[%dma_start3A_11, %dma_start3A_12] : memref<10000x256xf32, #tpu.memory_space<hbm>> -> memref<10000x256xf32, #tpu.memory_space<hbm>>
      tpu.enqueue_indirect_dma source(%dma_start3A_13 : memref<10000x256xf32, #tpu.memory_space<hbm>>) target(%arg9 : memref<16x256xf32, #tpu.memory_space<vmem>>) offsets(%dma_start3A_10 : memref<16xi32, #tpu.memory_space<vmem>>) semaphore(%arg19 : memref<!tpu.dma_semaphore, #tpu.memory_space<semaphore_mem>>)
      %dma_start3A_14 = arith.constant 0 : i32
      %dma_start3A_15 = arith.constant 0 : i32
      %dma_start3A_16 = tpu.memref_slice %arg14[%dma_start3A_14, %dma_start3A_15] : memref<125x16xi32, #tpu.memory_space<vmem>> -> memref<1x16xi32, #tpu.memory_space<vmem>>
      %dma_start3A_17 = tpu.memref_squeeze %dma_start3A_16 : memref<1x16xi32, #tpu.memory_space<vmem>> -> memref<16xi32, #tpu.memory_space<vmem>>
      %dma_start3A_18 = arith.constant 0 : i32
      %dma_start3A_19 = arith.constant 0 : i32
      %dma_start3A_20 = tpu.memref_slice %arg3[%dma_start3A_18, %dma_start3A_19] : memref<10000x256xf32, #tpu.memory_space<hbm>> -> memref<10000x256xf32, #tpu.memory_space<hbm>>
      tpu.enqueue_indirect_dma source(%dma_start3A_20 : memref<10000x256xf32, #tpu.memory_space<hbm>>) target(%arg11 : memref<16x256xf32, #tpu.memory_space<vmem>>) offsets(%dma_start3A_17 : memref<16xi32, #tpu.memory_space<vmem>>) semaphore(%arg21 : memref<!tpu.dma_semaphore, #tpu.memory_space<semaphore_mem>>)
      %scan3A_21 = arith.constant 0 : i32
      %scan3A_22 = arith.constant 0 : i32
      %scan3A_23 = arith.constant 125 : i32
      %scan3A_24 = arith.addi %scan3A_22, %scan3A_23 : i32
      %scan3A_25 = arith.constant 1 : i32
      scf.for %scan3A_27 = %scan3A_22 to %scan3A_24 step %scan3A_25  : i32 {
        %and3A = arith.constant 1 : i32
        %and3A_28 = arith.andi %scan3A_27, %and3A : i32
        %eq3A = arith.constant 0 : i32
        %eq3A_29 = arith.cmpi eq, %and3A_28, %eq3A : i32
        %convert_element_type3A = arith.extui %eq3A_29 : i1 to i32
        %cond3A = arith.constant 0 : i32
        %cond3A_30 = arith.cmpi ne, %convert_element_type3A, %cond3A : i32
        scf.if %cond3A_30 {
          %dma_wait3A = arith.constant 0 : i32
          %dma_wait3A_35 = tpu.memref_slice %arg13[%scan3A_27, %dma_wait3A] : memref<125x16xi32, #tpu.memory_space<vmem>> -> memref<1x16xi32, #tpu.memory_space<vmem>>
          %dma_wait3A_36 = tpu.memref_squeeze %dma_wait3A_35 : memref<1x16xi32, #tpu.memory_space<vmem>> -> memref<16xi32, #tpu.memory_space<vmem>>
          %dma_wait3A_37 = arith.constant 0 : i32
          %dma_wait3A_38 = arith.constant 0 : i32
          %dma_wait3A_39 = tpu.memref_slice %arg2[%dma_wait3A_37, %dma_wait3A_38] : memref<10000x256xf32, #tpu.memory_space<hbm>> -> memref<10000x256xf32, #tpu.memory_space<hbm>>
          tpu.wait_indirect_dma semaphore(%arg19 : memref<!tpu.dma_semaphore, #tpu.memory_space<semaphore_mem>>) src(%dma_wait3A_39 : memref<10000x256xf32, #tpu.memory_space<hbm>>) dst(%arg9 : memref<16x256xf32, #tpu.memory_space<vmem>>)
          %dma_wait3A_40 = arith.constant 0 : i32
          %dma_wait3A_41 = tpu.memref_slice %arg14[%scan3A_27, %dma_wait3A_40] : memref<125x16xi32, #tpu.memory_space<vmem>> -> memref<1x16xi32, #tpu.memory_space<vmem>>
          %dma_wait3A_42 = tpu.memref_squeeze %dma_wait3A_41 : memref<1x16xi32, #tpu.memory_space<vmem>> -> memref<16xi32, #tpu.memory_space<vmem>>
          %dma_wait3A_43 = arith.constant 0 : i32
          %dma_wait3A_44 = arith.constant 0 : i32
          %dma_wait3A_45 = tpu.memref_slice %arg3[%dma_wait3A_43, %dma_wait3A_44] : memref<10000x256xf32, #tpu.memory_space<hbm>> -> memref<10000x256xf32, #tpu.memory_space<hbm>>
          tpu.wait_indirect_dma semaphore(%arg21 : memref<!tpu.dma_semaphore, #tpu.memory_space<semaphore_mem>>) src(%dma_wait3A_45 : memref<10000x256xf32, #tpu.memory_space<hbm>>) dst(%arg11 : memref<16x256xf32, #tpu.memory_space<vmem>>)
          %add3A_46 = arith.constant 1 : i32
          %add3A_47 = arith.addi %scan3A_27, %add3A_46 : i32
          %lt3A = arith.constant 125 : i32
          %lt3A_48 = arith.cmpi slt, %add3A_47, %lt3A : i32
          %convert_element_type3A_49 = arith.extui %lt3A_48 : i1 to i32
          %cond3A_50 = arith.constant 0 : i32
          %cond3A_51 = arith.cmpi ne, %convert_element_type3A_49, %cond3A_50 : i32
          scf.if %cond3A_51 {
            %add3A_124 = arith.constant 1 : i32
            %add3A_125 = arith.addi %scan3A_27, %add3A_124 : i32
            %dma_start3A_126 = arith.constant 0 : i32
            %dma_start3A_127 = tpu.memref_slice %arg13[%add3A_125, %dma_start3A_126] : memref<125x16xi32, #tpu.memory_space<vmem>> -> memref<1x16xi32, #tpu.memory_space<vmem>>
            %dma_start3A_128 = tpu.memref_squeeze %dma_start3A_127 : memref<1x16xi32, #tpu.memory_space<vmem>> -> memref<16xi32, #tpu.memory_space<vmem>>
            %dma_start3A_129 = arith.constant 0 : i32
            %dma_start3A_130 = arith.constant 0 : i32
            %dma_start3A_131 = tpu.memref_slice %arg2[%dma_start3A_129, %dma_start3A_130] : memref<10000x256xf32, #tpu.memory_space<hbm>> -> memref<10000x256xf32, #tpu.memory_space<hbm>>
            tpu.enqueue_indirect_dma source(%dma_start3A_131 : memref<10000x256xf32, #tpu.memory_space<hbm>>) target(%arg10 : memref<16x256xf32, #tpu.memory_space<vmem>>) offsets(%dma_start3A_128 : memref<16xi32, #tpu.memory_space<vmem>>) semaphore(%arg20 : memref<!tpu.dma_semaphore, #tpu.memory_space<semaphore_mem>>)
            %add3A_132 = arith.constant 1 : i32
            %add3A_133 = arith.addi %scan3A_27, %add3A_132 : i32
            %dma_start3A_134 = arith.constant 0 : i32
            %dma_start3A_135 = tpu.memref_slice %arg14[%add3A_133, %dma_start3A_134] : memref<125x16xi32, #tpu.memory_space<vmem>> -> memref<1x16xi32, #tpu.memory_space<vmem>>
            %dma_start3A_136 = tpu.memref_squeeze %dma_start3A_135 : memref<1x16xi32, #tpu.memory_space<vmem>> -> memref<16xi32, #tpu.memory_space<vmem>>
            %dma_start3A_137 = arith.constant 0 : i32
            %dma_start3A_138 = arith.constant 0 : i32
            %dma_start3A_139 = tpu.memref_slice %arg3[%dma_start3A_137, %dma_start3A_138] : memref<10000x256xf32, #tpu.memory_space<hbm>> -> memref<10000x256xf32, #tpu.memory_space<hbm>>
            tpu.enqueue_indirect_dma source(%dma_start3A_139 : memref<10000x256xf32, #tpu.memory_space<hbm>>) target(%arg12 : memref<16x256xf32, #tpu.memory_space<vmem>>) offsets(%dma_start3A_136 : memref<16xi32, #tpu.memory_space<vmem>>) semaphore(%arg22 : memref<!tpu.dma_semaphore, #tpu.memory_space<semaphore_mem>>)
          } else {
          }
          %scan3A_52 = arith.constant 0 : i32
          %scan3A_53 = arith.constant 0 : i32
          %scan3A_54 = arith.constant 16 : i32
          %scan3A_55 = arith.addi %scan3A_53, %scan3A_54 : i32
          %scan3A_56 = arith.constant 1 : i32
          scf.for %scan3A_124 = %scan3A_53 to %scan3A_55 step %scan3A_56  : i32 {
            %broadcast_in_dim3A_125 = arith.constant 0.000000e+00 : f32
            %broadcast_in_dim3A_126 = vector.broadcast %broadcast_in_dim3A_125 : f32 to vector<16xf32>
            %get3A_127 = arith.index_cast %scan3A_124 : i32 to index
            %get3A_128 = arith.constant 0 : index
            %get3A_129 = tpu.vector_load %arg9[%get3A_127, %get3A_128] {strides = array<i32>} : memref<16x256xf32, #tpu.memory_space<vmem>>, vector<16xf32>,
            %get3A_130 = arith.index_cast %scan3A_124 : i32 to index
            %get3A_131 = arith.constant 0 : index
            %get3A_132 = tpu.vector_load %arg11[%get3A_130, %get3A_131] {strides = array<i32>} : memref<16x256xf32, #tpu.memory_space<vmem>>, vector<16xf32>,
            %add3A_133 = arith.addf %get3A_129, %get3A_132 : vector<16xf32>
            %max3A = arith.constant 0.000000e+00 : f32
            %max3A_134 = vector.broadcast %max3A : f32 to vector<16xf32>
            %max3A_135 = arith.maximumf %add3A_133, %max3A_134 : vector<16xf32>
            %get3A_136 = arith.constant 0 : i32
            %get3A_137 = arith.index_cast %get3A_136 : i32 to index
            %get3A_138 = arith.constant 0 : index
            %get3A_139 = tpu.vector_load %arg15[%get3A_137, %get3A_138] {strides = array<i32>} : memref<16x16xf32, #tpu.memory_space<vmem>>, vector<16xf32>,
            %mul3A_140 = arith.mulf %max3A_135, %get3A_139 : vector<16xf32>
            %add3A_141 = arith.addf %get3A_1, %mul3A_140 : vector<16xf32>
            %get3A_142 = arith.index_cast %scan3A_124 : i32 to index
            %get3A_143 = arith.constant 16 : index
            %get3A_144 = tpu.vector_load %arg9[%get3A_142, %get3A_143] {strides = array<i32>} : memref<16x256xf32, #tpu.memory_space<vmem>>, vector<16xf32>,
            %get3A_145 = arith.index_cast %scan3A_124 : i32 to index
            %get3A_146 = arith.constant 16 : index
            %get3A_147 = tpu.vector_load %arg11[%get3A_145, %get3A_146] {strides = array<i32>} : memref<16x256xf32, #tpu.memory_space<vmem>>, vector<16xf32>,
            %add3A_148 = arith.addf %get3A_144, %get3A_147 : vector<16xf32>
            %max3A_149 = arith.constant 0.000000e+00 : f32
            %max3A_150 = vector.broadcast %max3A_149 : f32 to vector<16xf32>
            %max3A_151 = arith.maximumf %add3A_148, %max3A_150 : vector<16xf32>
            %get3A_152 = arith.constant 1 : i32
            %get3A_153 = arith.index_cast %get3A_152 : i32 to index
            %get3A_154 = arith.constant 0 : index
            %get3A_155 = tpu.vector_load %arg15[%get3A_153, %get3A_154] {strides = array<i32>} : memref<16x16xf32, #tpu.memory_space<vmem>>, vector<16xf32>,
            %mul3A_156 = arith.mulf %max3A_151, %get3A_155 : vector<16xf32>
            %add3A_157 = arith.addf %broadcast_in_dim3A_126, %mul3A_156 : vector<16xf32>
            %get3A_158 = arith.index_cast %scan3A_124 : i32 to index
            %get3A_159 = arith.constant 32 : index
            %get3A_160 = tpu.vector_load %arg9[%get3A_158, %get3A_159] {strides = array<i32>} : memref<16x256xf32, #tpu.memory_space<vmem>>, vector<16xf32>,
            %get3A_161 = arith.index_cast %scan3A_124 : i32 to index
            %get3A_162 = arith.constant 32 : index
            %get3A_163 = tpu.vector_load %arg11[%get3A_161, %get3A_162] {strides = array<i32>} : memref<16x256xf32, #tpu.memory_space<vmem>>, vector<16xf32>,
            %add3A_164 = arith.addf %get3A_160, %get3A_163 : vector<16xf32>
            %max3A_165 = arith.constant 0.000000e+00 : f32
            %max3A_166 = vector.broadcast %max3A_165 : f32 to vector<16xf32>
            %max3A_167 = arith.maximumf %add3A_164, %max3A_166 : vector<16xf32>
            %get3A_168 = arith.constant 2 : i32
            %get3A_169 = arith.index_cast %get3A_168 : i32 to index
            %get3A_170 = arith.constant 0 : index
            %get3A_171 = tpu.vector_load %arg15[%get3A_169, %get3A_170] {strides = array<i32>} : memref<16x16xf32, #tpu.memory_space<vmem>>, vector<16xf32>,
            %mul3A_172 = arith.mulf %max3A_167, %get3A_171 : vector<16xf32>
            %add3A_173 = arith.addf %broadcast_in_dim3A_126, %mul3A_172 : vector<16xf32>
            %get3A_174 = arith.index_cast %scan3A_124 : i32 to index
            %get3A_175 = arith.constant 48 : index
            %get3A_176 = tpu.vector_load %arg9[%get3A_174, %get3A_175] {strides = array<i32>} : memref<16x256xf32, #tpu.memory_space<vmem>>, vector<16xf32>,
            %get3A_177 = arith.index_cast %scan3A_124 : i32 to index
            %get3A_178 = arith.constant 48 : index
            %get3A_179 = tpu.vector_load %arg11[%get3A_177, %get3A_178] {strides = array<i32>} : memref<16x256xf32, #tpu.memory_space<vmem>>, vector<16xf32>,
            %add3A_180 = arith.addf %get3A_176, %get3A_179 : vector<16xf32>
            %max3A_181 = arith.constant 0.000000e+00 : f32
            %max3A_182 = vector.broadcast %max3A_181 : f32 to vector<16xf32>
            %max3A_183 = arith.maximumf %add3A_180, %max3A_182 : vector<16xf32>
            %get3A_184 = arith.constant 3 : i32
            %get3A_185 = arith.index_cast %get3A_184 : i32 to index
            %get3A_186 = arith.constant 0 : index
            %get3A_187 = tpu.vector_load %arg15[%get3A_185, %get3A_186] {strides = array<i32>} : memref<16x16xf32, #tpu.memory_space<vmem>>, vector<16xf32>,
            %mul3A_188 = arith.mulf %max3A_183, %get3A_187 : vector<16xf32>
            %add3A_189 = arith.addf %broadcast_in_dim3A_126, %mul3A_188 : vector<16xf32>
            %get3A_190 = arith.index_cast %scan3A_124 : i32 to index
            %get3A_191 = arith.constant 64 : index
            %get3A_192 = tpu.vector_load %arg9[%get3A_190, %get3A_191] {strides = array<i32>} : memref<16x256xf32, #tpu.memory_space<vmem>>, vector<16xf32>,
            %get3A_193 = arith.index_cast %scan3A_124 : i32 to index
            %get3A_194 = arith.constant 64 : index
            %get3A_195 = tpu.vector_load %arg11[%get3A_193, %get3A_194] {strides = array<i32>} : memref<16x256xf32, #tpu.memory_space<vmem>>, vector<16xf32>,
            %add3A_196 = arith.addf %get3A_192, %get3A_195 : vector<16xf32>
            %max3A_197 = arith.constant 0.000000e+00 : f32
            %max3A_198 = vector.broadcast %max3A_197 : f32 to vector<16xf32>
            %max3A_199 = arith.maximumf %add3A_196, %max3A_198 : vector<16xf32>
            %get3A_200 = arith.constant 4 : i32
            %get3A_201 = arith.index_cast %get3A_200 : i32 to index
            %get3A_202 = arith.constant 0 : index
            %get3A_203 = tpu.vector_load %arg15[%get3A_201, %get3A_202] {strides = array<i32>} : memref<16x16xf32, #tpu.memory_space<vmem>>, vector<16xf32>,
            %mul3A_204 = arith.mulf %max3A_199, %get3A_203 : vector<16xf32>
            %add3A_205 = arith.addf %add3A_141, %mul3A_204 : vector<16xf32>
            %get3A_206 = arith.index_cast %scan3A_124 : i32 to index
            %get3A_207 = arith.constant 80 : index
            %get3A_208 = tpu.vector_load %arg9[%get3A_206, %get3A_207] {strides = array<i32>} : memref<16x256xf32, #tpu.memory_space<vmem>>, vector<16xf32>,
            %get3A_209 = arith.index_cast %scan3A_124 : i32 to index
            %get3A_210 = arith.constant 80 : index
            %get3A_211 = tpu.vector_load %arg11[%get3A_209, %get3A_210] {strides = array<i32>} : memref<16x256xf32, #tpu.memory_space<vmem>>, vector<16xf32>,
            %add3A_212 = arith.addf %get3A_208, %get3A_211 : vector<16xf32>
            %max3A_213 = arith.constant 0.000000e+00 : f32
            %max3A_214 = vector.broadcast %max3A_213 : f32 to vector<16xf32>
            %max3A_215 = arith.maximumf %add3A_212, %max3A_214 : vector<16xf32>
            %get3A_216 = arith.constant 5 : i32
            %get3A_217 = arith.index_cast %get3A_216 : i32 to index
            %get3A_218 = arith.constant 0 : index
            %get3A_219 = tpu.vector_load %arg15[%get3A_217, %get3A_218] {strides = array<i32>} : memref<16x16xf32, #tpu.memory_space<vmem>>, vector<16xf32>,
            %mul3A_220 = arith.mulf %max3A_215, %get3A_219 : vector<16xf32>
            %add3A_221 = arith.addf %add3A_157, %mul3A_220 : vector<16xf32>
            %get3A_222 = arith.index_cast %scan3A_124 : i32 to index
            %get3A_223 = arith.constant 96 : index
            %get3A_224 = tpu.vector_load %arg9[%get3A_222, %get3A_223] {strides = array<i32>} : memref<16x256xf32, #tpu.memory_space<vmem>>, vector<16xf32>,
            %get3A_225 = arith.index_cast %scan3A_124 : i32 to index
            %get3A_226 = arith.constant 96 : index
            %get3A_227 = tpu.vector_load %arg11[%get3A_225, %get3A_226] {strides = array<i32>} : memref<16x256xf32, #tpu.memory_space<vmem>>, vector<16xf32>,
            %add3A_228 = arith.addf %get3A_224, %get3A_227 : vector<16xf32>
            %max3A_229 = arith.constant 0.000000e+00 : f32
            %max3A_230 = vector.broadcast %max3A_229 : f32 to vector<16xf32>
            %max3A_231 = arith.maximumf %add3A_228, %max3A_230 : vector<16xf32>
            %get3A_232 = arith.constant 6 : i32
            %get3A_233 = arith.index_cast %get3A_232 : i32 to index
            %get3A_234 = arith.constant 0 : index
            %get3A_235 = tpu.vector_load %arg15[%get3A_233, %get3A_234] {strides = array<i32>} : memref<16x16xf32, #tpu.memory_space<vmem>>, vector<16xf32>,
            %mul3A_236 = arith.mulf %max3A_231, %get3A_235 : vector<16xf32>
            %add3A_237 = arith.addf %add3A_173, %mul3A_236 : vector<16xf32>
            %get3A_238 = arith.index_cast %scan3A_124 : i32 to index
            %get3A_239 = arith.constant 112 : index
            %get3A_240 = tpu.vector_load %arg9[%get3A_238, %get3A_239] {strides = array<i32>} : memref<16x256xf32, #tpu.memory_space<vmem>>, vector<16xf32>,
            %get3A_241 = arith.index_cast %scan3A_124 : i32 to index
            %get3A_242 = arith.constant 112 : index
            %get3A_243 = tpu.vector_load %arg11[%get3A_241, %get3A_242] {strides = array<i32>} : memref<16x256xf32, #tpu.memory_space<vmem>>, vector<16xf32>,
            %add3A_244 = arith.addf %get3A_240, %get3A_243 : vector<16xf32>
            %max3A_245 = arith.constant 0.000000e+00 : f32
            %max3A_246 = vector.broadcast %max3A_245 : f32 to vector<16xf32>
            %max3A_247 = arith.maximumf %add3A_244, %max3A_246 : vector<16xf32>
            %get3A_248 = arith.constant 7 : i32
            %get3A_249 = arith.index_cast %get3A_248 : i32 to index
            %get3A_250 = arith.constant 0 : index
            %get3A_251 = tpu.vector_load %arg15[%get3A_249, %get3A_250] {strides = array<i32>} : memref<16x16xf32, #tpu.memory_space<vmem>>, vector<16xf32>,
            %mul3A_252 = arith.mulf %max3A_247, %get3A_251 : vector<16xf32>
            %add3A_253 = arith.addf %add3A_189, %mul3A_252 : vector<16xf32>
            %get3A_254 = arith.index_cast %scan3A_124 : i32 to index
            %get3A_255 = arith.constant 128 : index
            %get3A_256 = tpu.vector_load %arg9[%get3A_254, %get3A_255] {strides = array<i32>} : memref<16x256xf32, #tpu.memory_space<vmem>>, vector<16xf32>,
            %get3A_257 = arith.index_cast %scan3A_124 : i32 to index
            %get3A_258 = arith.constant 128 : index
            %get3A_259 = tpu.vector_load %arg11[%get3A_257, %get3A_258] {strides = array<i32>} : memref<16x256xf32, #tpu.memory_space<vmem>>, vector<16xf32>,
            %add3A_260 = arith.addf %get3A_256, %get3A_259 : vector<16xf32>
            %max3A_261 = arith.constant 0.000000e+00 : f32
            %max3A_262 = vector.broadcast %max3A_261 : f32 to vector<16xf32>
            %max3A_263 = arith.maximumf %add3A_260, %max3A_262 : vector<16xf32>
            %get3A_264 = arith.constant 8 : i32
            %get3A_265 = arith.index_cast %get3A_264 : i32 to index
            %get3A_266 = arith.constant 0 : index
            %get3A_267 = tpu.vector_load %arg15[%get3A_265, %get3A_266] {strides = array<i32>} : memref<16x16xf32, #tpu.memory_space<vmem>>, vector<16xf32>,
            %mul3A_268 = arith.mulf %max3A_263, %get3A_267 : vector<16xf32>
            %add3A_269 = arith.addf %add3A_205, %mul3A_268 : vector<16xf32>
            %get3A_270 = arith.index_cast %scan3A_124 : i32 to index
            %get3A_271 = arith.constant 144 : index
            %get3A_272 = tpu.vector_load %arg9[%get3A_270, %get3A_271] {strides = array<i32>} : memref<16x256xf32, #tpu.memory_space<vmem>>, vector<16xf32>,
            %get3A_273 = arith.index_cast %scan3A_124 : i32 to index
            %get3A_274 = arith.constant 144 : index
            %get3A_275 = tpu.vector_load %arg11[%get3A_273, %get3A_274] {strides = array<i32>} : memref<16x256xf32, #tpu.memory_space<vmem>>, vector<16xf32>,
            %add3A_276 = arith.addf %get3A_272, %get3A_275 : vector<16xf32>
            %max3A_277 = arith.constant 0.000000e+00 : f32
            %max3A_278 = vector.broadcast %max3A_277 : f32 to vector<16xf32>
            %max3A_279 = arith.maximumf %add3A_276, %max3A_278 : vector<16xf32>
            %get3A_280 = arith.constant 9 : i32
            %get3A_281 = arith.index_cast %get3A_280 : i32 to index
            %get3A_282 = arith.constant 0 : index
            %get3A_283 = tpu.vector_load %arg15[%get3A_281, %get3A_282] {strides = array<i32>} : memref<16x16xf32, #tpu.memory_space<vmem>>, vector<16xf32>,
            %mul3A_284 = arith.mulf %max3A_279, %get3A_283 : vector<16xf32>
            %add3A_285 = arith.addf %add3A_221, %mul3A_284 : vector<16xf32>
            %get3A_286 = arith.index_cast %scan3A_124 : i32 to index
            %get3A_287 = arith.constant 160 : index
            %get3A_288 = tpu.vector_load %arg9[%get3A_286, %get3A_287] {strides = array<i32>} : memref<16x256xf32, #tpu.memory_space<vmem>>, vector<16xf32>,
            %get3A_289 = arith.index_cast %scan3A_124 : i32 to index
            %get3A_290 = arith.constant 160 : index
            %get3A_291 = tpu.vector_load %arg11[%get3A_289, %get3A_290] {strides = array<i32>} : memref<16x256xf32, #tpu.memory_space<vmem>>, vector<16xf32>,
            %add3A_292 = arith.addf %get3A_288, %get3A_291 : vector<16xf32>
            %max3A_293 = arith.constant 0.000000e+00 : f32
            %max3A_294 = vector.broadcast %max3A_293 : f32 to vector<16xf32>
            %max3A_295 = arith.maximumf %add3A_292, %max3A_294 : vector<16xf32>
            %get3A_296 = arith.constant 10 : i32
            %get3A_297 = arith.index_cast %get3A_296 : i32 to index
            %get3A_298 = arith.constant 0 : index
            %get3A_299 = tpu.vector_load %arg15[%get3A_297, %get3A_298] {strides = array<i32>} : memref<16x16xf32, #tpu.memory_space<vmem>>, vector<16xf32>,
            %mul3A_300 = arith.mulf %max3A_295, %get3A_299 : vector<16xf32>
            %add3A_301 = arith.addf %add3A_237, %mul3A_300 : vector<16xf32>
            %get3A_302 = arith.index_cast %scan3A_124 : i32 to index
            %get3A_303 = arith.constant 176 : index
            %get3A_304 = tpu.vector_load %arg9[%get3A_302, %get3A_303] {strides = array<i32>} : memref<16x256xf32, #tpu.memory_space<vmem>>, vector<16xf32>,
            %get3A_305 = arith.index_cast %scan3A_124 : i32 to index
            %get3A_306 = arith.constant 176 : index
            %get3A_307 = tpu.vector_load %arg11[%get3A_305, %get3A_306] {strides = array<i32>} : memref<16x256xf32, #tpu.memory_space<vmem>>, vector<16xf32>,
            %add3A_308 = arith.addf %get3A_304, %get3A_307 : vector<16xf32>
            %max3A_309 = arith.constant 0.000000e+00 : f32
            %max3A_310 = vector.broadcast %max3A_309 : f32 to vector<16xf32>
            %max3A_311 = arith.maximumf %add3A_308, %max3A_310 : vector<16xf32>
            %get3A_312 = arith.constant 11 : i32
            %get3A_313 = arith.index_cast %get3A_312 : i32 to index
            %get3A_314 = arith.constant 0 : index
            %get3A_315 = tpu.vector_load %arg15[%get3A_313, %get3A_314] {strides = array<i32>} : memref<16x16xf32, #tpu.memory_space<vmem>>, vector<16xf32>,
            %mul3A_316 = arith.mulf %max3A_311, %get3A_315 : vector<16xf32>
            %add3A_317 = arith.addf %add3A_253, %mul3A_316 : vector<16xf32>
            %get3A_318 = arith.index_cast %scan3A_124 : i32 to index
            %get3A_319 = arith.constant 192 : index
            %get3A_320 = tpu.vector_load %arg9[%get3A_318, %get3A_319] {strides = array<i32>} : memref<16x256xf32, #tpu.memory_space<vmem>>, vector<16xf32>,
            %get3A_321 = arith.index_cast %scan3A_124 : i32 to index
            %get3A_322 = arith.constant 192 : index
            %get3A_323 = tpu.vector_load %arg11[%get3A_321, %get3A_322] {strides = array<i32>} : memref<16x256xf32, #tpu.memory_space<vmem>>, vector<16xf32>,
            %add3A_324 = arith.addf %get3A_320, %get3A_323 : vector<16xf32>
            %max3A_325 = arith.constant 0.000000e+00 : f32
            %max3A_326 = vector.broadcast %max3A_325 : f32 to vector<16xf32>
            %max3A_327 = arith.maximumf %add3A_324, %max3A_326 : vector<16xf32>
            %get3A_328 = arith.constant 12 : i32
            %get3A_329 = arith.index_cast %get3A_328 : i32 to index
            %get3A_330 = arith.constant 0 : index
            %get3A_331 = tpu.vector_load %arg15[%get3A_329, %get3A_330] {strides = array<i32>} : memref<16x16xf32, #tpu.memory_space<vmem>>, vector<16xf32>,
            %mul3A_332 = arith.mulf %max3A_327, %get3A_331 : vector<16xf32>
            %add3A_333 = arith.addf %add3A_269, %mul3A_332 : vector<16xf32>
            %get3A_334 = arith.index_cast %scan3A_124 : i32 to index
            %get3A_335 = arith.constant 208 : index
            %get3A_336 = tpu.vector_load %arg9[%get3A_334, %get3A_335] {strides = array<i32>} : memref<16x256xf32, #tpu.memory_space<vmem>>, vector<16xf32>,
            %get3A_337 = arith.index_cast %scan3A_124 : i32 to index
            %get3A_338 = arith.constant 208 : index
            %get3A_339 = tpu.vector_load %arg11[%get3A_337, %get3A_338] {strides = array<i32>} : memref<16x256xf32, #tpu.memory_space<vmem>>, vector<16xf32>,
            %add3A_340 = arith.addf %get3A_336, %get3A_339 : vector<16xf32>
            %max3A_341 = arith.constant 0.000000e+00 : f32
            %max3A_342 = vector.broadcast %max3A_341 : f32 to vector<16xf32>
            %max3A_343 = arith.maximumf %add3A_340, %max3A_342 : vector<16xf32>
            %get3A_344 = arith.constant 13 : i32
            %get3A_345 = arith.index_cast %get3A_344 : i32 to index
            %get3A_346 = arith.constant 0 : index
            %get3A_347 = tpu.vector_load %arg15[%get3A_345, %get3A_346] {strides = array<i32>} : memref<16x16xf32, #tpu.memory_space<vmem>>, vector<16xf32>,
            %mul3A_348 = arith.mulf %max3A_343, %get3A_347 : vector<16xf32>
            %add3A_349 = arith.addf %add3A_285, %mul3A_348 : vector<16xf32>
            %get3A_350 = arith.index_cast %scan3A_124 : i32 to index
            %get3A_351 = arith.constant 224 : index
            %get3A_352 = tpu.vector_load %arg9[%get3A_350, %get3A_351] {strides = array<i32>} : memref<16x256xf32, #tpu.memory_space<vmem>>, vector<16xf32>,
            %get3A_353 = arith.index_cast %scan3A_124 : i32 to index
            %get3A_354 = arith.constant 224 : index
            %get3A_355 = tpu.vector_load %arg11[%get3A_353, %get3A_354] {strides = array<i32>} : memref<16x256xf32, #tpu.memory_space<vmem>>, vector<16xf32>,
            %add3A_356 = arith.addf %get3A_352, %get3A_355 : vector<16xf32>
            %max3A_357 = arith.constant 0.000000e+00 : f32
            %max3A_358 = vector.broadcast %max3A_357 : f32 to vector<16xf32>
            %max3A_359 = arith.maximumf %add3A_356, %max3A_358 : vector<16xf32>
            %get3A_360 = arith.constant 14 : i32
            %get3A_361 = arith.index_cast %get3A_360 : i32 to index
            %get3A_362 = arith.constant 0 : index
            %get3A_363 = tpu.vector_load %arg15[%get3A_361, %get3A_362] {strides = array<i32>} : memref<16x16xf32, #tpu.memory_space<vmem>>, vector<16xf32>,
            %mul3A_364 = arith.mulf %max3A_359, %get3A_363 : vector<16xf32>
            %add3A_365 = arith.addf %add3A_301, %mul3A_364 : vector<16xf32>
            %get3A_366 = arith.index_cast %scan3A_124 : i32 to index
            %get3A_367 = arith.constant 240 : index
            %get3A_368 = tpu.vector_load %arg9[%get3A_366, %get3A_367] {strides = array<i32>} : memref<16x256xf32, #tpu.memory_space<vmem>>, vector<16xf32>,
            %get3A_369 = arith.index_cast %scan3A_124 : i32 to index
            %get3A_370 = arith.constant 240 : index
            %get3A_371 = tpu.vector_load %arg11[%get3A_369, %get3A_370] {strides = array<i32>} : memref<16x256xf32, #tpu.memory_space<vmem>>, vector<16xf32>,
            %add3A_372 = arith.addf %get3A_368, %get3A_371 : vector<16xf32>
            %max3A_373 = arith.constant 0.000000e+00 : f32
            %max3A_374 = vector.broadcast %max3A_373 : f32 to vector<16xf32>
            %max3A_375 = arith.maximumf %add3A_372, %max3A_374 : vector<16xf32>
            %get3A_376 = arith.constant 15 : i32
            %get3A_377 = arith.index_cast %get3A_376 : i32 to index
            %get3A_378 = arith.constant 0 : index
            %get3A_379 = tpu.vector_load %arg15[%get3A_377, %get3A_378] {strides = array<i32>} : memref<16x16xf32, #tpu.memory_space<vmem>>, vector<16xf32>,
            %mul3A_380 = arith.mulf %max3A_375, %get3A_379 : vector<16xf32>
            %add3A_381 = arith.addf %add3A_317, %mul3A_380 : vector<16xf32>
            %add3A_382 = arith.addf %add3A_333, %add3A_349 : vector<16xf32>
            %add3A_383 = arith.addf %add3A_365, %add3A_381 : vector<16xf32>
            %add3A_384 = arith.addf %add3A_382, %add3A_383 : vector<16xf32>
            %swap3A_385 = arith.index_cast %scan3A_124 : i32 to index
            %swap3A_386 = arith.constant 0 : index
            %swap3A_387 = tpu.vector_load %arg18[%swap3A_385, %swap3A_386] {strides = array<i32>} : memref<16x16xf32, #tpu.memory_space<vmem>>, vector<16xf32>,
            tpu.vector_store %arg18[%swap3A_385, %swap3A_386], %add3A_384 {strides = array<i32>} : memref<16x16xf32, #tpu.memory_space<vmem>>, vector<16xf32>,
          }
          %scan3A_57 = arith.constant 16 : i32
          %broadcast_in_dim3A = arith.constant 0.000000e+00 : f32
          %broadcast_in_dim3A_58 = vector.broadcast %broadcast_in_dim3A : f32 to vector<16xf32>
          %broadcast_in_dim3A_59 = arith.constant 0 : i32
          %broadcast_in_dim3A_60 = vector.broadcast %broadcast_in_dim3A_59 : i32 to vector<16xi32>
          %gather3A = tpu.vector_load_idx %arg18[%iota3A, %broadcast_in_dim3A_60] : memref<16x16xf32, #tpu.memory_space<vmem>>[vector<16xi32>, vector<16xi32>], vector<16xf32>,
          %add3A_61 = arith.addf %broadcast_in_dim3A_58, %gather3A : vector<16xf32>
          %broadcast_in_dim3A_62 = arith.constant 1 : i32
          %broadcast_in_dim3A_63 = vector.broadcast %broadcast_in_dim3A_62 : i32 to vector<16xi32>
          %gather3A_64 = tpu.vector_load_idx %arg18[%iota3A, %broadcast_in_dim3A_63] : memref<16x16xf32, #tpu.memory_space<vmem>>[vector<16xi32>, vector<16xi32>], vector<16xf32>,
          %add3A_65 = arith.addf %add3A_61, %gather3A_64 : vector<16xf32>
          %broadcast_in_dim3A_66 = arith.constant 2 : i32
          %broadcast_in_dim3A_67 = vector.broadcast %broadcast_in_dim3A_66 : i32 to vector<16xi32>
          %gather3A_68 = tpu.vector_load_idx %arg18[%iota3A, %broadcast_in_dim3A_67] : memref<16x16xf32, #tpu.memory_space<vmem>>[vector<16xi32>, vector<16xi32>], vector<16xf32>,
          %add3A_69 = arith.addf %add3A_65, %gather3A_68 : vector<16xf32>
          %broadcast_in_dim3A_70 = arith.constant 3 : i32
          %broadcast_in_dim3A_71 = vector.broadcast %broadcast_in_dim3A_70 : i32 to vector<16xi32>
          %gather3A_72 = tpu.vector_load_idx %arg18[%iota3A, %broadcast_in_dim3A_71] : memref<16x16xf32, #tpu.memory_space<vmem>>[vector<16xi32>, vector<16xi32>], vector<16xf32>,
          %add3A_73 = arith.addf %add3A_69, %gather3A_72 : vector<16xf32>
          %broadcast_in_dim3A_74 = arith.constant 4 : i32
          %broadcast_in_dim3A_75 = vector.broadcast %broadcast_in_dim3A_74 : i32 to vector<16xi32>
          %gather3A_76 = tpu.vector_load_idx %arg18[%iota3A, %broadcast_in_dim3A_75] : memref<16x16xf32, #tpu.memory_space<vmem>>[vector<16xi32>, vector<16xi32>], vector<16xf32>,
          %add3A_77 = arith.addf %add3A_73, %gather3A_76 : vector<16xf32>
          %broadcast_in_dim3A_78 = arith.constant 5 : i32
          %broadcast_in_dim3A_79 = vector.broadcast %broadcast_in_dim3A_78 : i32 to vector<16xi32>
          %gather3A_80 = tpu.vector_load_idx %arg18[%iota3A, %broadcast_in_dim3A_79] : memref<16x16xf32, #tpu.memory_space<vmem>>[vector<16xi32>, vector<16xi32>], vector<16xf32>,
          %add3A_81 = arith.addf %add3A_77, %gather3A_80 : vector<16xf32>
          %broadcast_in_dim3A_82 = arith.constant 6 : i32
          %broadcast_in_dim3A_83 = vector.broadcast %broadcast_in_dim3A_82 : i32 to vector<16xi32>
          %gather3A_84 = tpu.vector_load_idx %arg18[%iota3A, %broadcast_in_dim3A_83] : memref<16x16xf32, #tpu.memory_space<vmem>>[vector<16xi32>, vector<16xi32>], vector<16xf32>,
          %add3A_85 = arith.addf %add3A_81, %gather3A_84 : vector<16xf32>
          %broadcast_in_dim3A_86 = arith.constant 7 : i32
          %broadcast_in_dim3A_87 = vector.broadcast %broadcast_in_dim3A_86 : i32 to vector<16xi32>
          %gather3A_88 = tpu.vector_load_idx %arg18[%iota3A, %broadcast_in_dim3A_87] : memref<16x16xf32, #tpu.memory_space<vmem>>[vector<16xi32>, vector<16xi32>], vector<16xf32>,
          %add3A_89 = arith.addf %add3A_85, %gather3A_88 : vector<16xf32>
          %broadcast_in_dim3A_90 = arith.constant 8 : i32
          %broadcast_in_dim3A_91 = vector.broadcast %broadcast_in_dim3A_90 : i32 to vector<16xi32>
          %gather3A_92 = tpu.vector_load_idx %arg18[%iota3A, %broadcast_in_dim3A_91] : memref<16x16xf32, #tpu.memory_space<vmem>>[vector<16xi32>, vector<16xi32>], vector<16xf32>,
          %add3A_93 = arith.addf %add3A_89, %gather3A_92 : vector<16xf32>
          %broadcast_in_dim3A_94 = arith.constant 9 : i32
          %broadcast_in_dim3A_95 = vector.broadcast %broadcast_in_dim3A_94 : i32 to vector<16xi32>
          %gather3A_96 = tpu.vector_load_idx %arg18[%iota3A, %broadcast_in_dim3A_95] : memref<16x16xf32, #tpu.memory_space<vmem>>[vector<16xi32>, vector<16xi32>], vector<16xf32>,
          %add3A_97 = arith.addf %add3A_93, %gather3A_96 : vector<16xf32>
          %broadcast_in_dim3A_98 = arith.constant 10 : i32
          %broadcast_in_dim3A_99 = vector.broadcast %broadcast_in_dim3A_98 : i32 to vector<16xi32>
          %gather3A_100 = tpu.vector_load_idx %arg18[%iota3A, %broadcast_in_dim3A_99] : memref<16x16xf32, #tpu.memory_space<vmem>>[vector<16xi32>, vector<16xi32>], vector<16xf32>,
          %add3A_101 = arith.addf %add3A_97, %gather3A_100 : vector<16xf32>
          %broadcast_in_dim3A_102 = arith.constant 11 : i32
          %broadcast_in_dim3A_103 = vector.broadcast %broadcast_in_dim3A_102 : i32 to vector<16xi32>
          %gather3A_104 = tpu.vector_load_idx %arg18[%iota3A, %broadcast_in_dim3A_103] : memref<16x16xf32, #tpu.memory_space<vmem>>[vector<16xi32>, vector<16xi32>], vector<16xf32>,
          %add3A_105 = arith.addf %add3A_101, %gather3A_104 : vector<16xf32>
          %broadcast_in_dim3A_106 = arith.constant 12 : i32
          %broadcast_in_dim3A_107 = vector.broadcast %broadcast_in_dim3A_106 : i32 to vector<16xi32>
          %gather3A_108 = tpu.vector_load_idx %arg18[%iota3A, %broadcast_in_dim3A_107] : memref<16x16xf32, #tpu.memory_space<vmem>>[vector<16xi32>, vector<16xi32>], vector<16xf32>,
          %add3A_109 = arith.addf %add3A_105, %gather3A_108 : vector<16xf32>
          %broadcast_in_dim3A_110 = arith.constant 13 : i32
          %broadcast_in_dim3A_111 = vector.broadcast %broadcast_in_dim3A_110 : i32 to vector<16xi32>
          %gather3A_112 = tpu.vector_load_idx %arg18[%iota3A, %broadcast_in_dim3A_111] : memref<16x16xf32, #tpu.memory_space<vmem>>[vector<16xi32>, vector<16xi32>], vector<16xf32>,
          %add3A_113 = arith.addf %add3A_109, %gather3A_112 : vector<16xf32>
          %broadcast_in_dim3A_114 = arith.constant 14 : i32
          %broadcast_in_dim3A_115 = vector.broadcast %broadcast_in_dim3A_114 : i32 to vector<16xi32>
          %gather3A_116 = tpu.vector_load_idx %arg18[%iota3A, %broadcast_in_dim3A_115] : memref<16x16xf32, #tpu.memory_space<vmem>>[vector<16xi32>, vector<16xi32>], vector<16xf32>,
          %add3A_117 = arith.addf %add3A_113, %gather3A_116 : vector<16xf32>
          %broadcast_in_dim3A_118 = arith.constant 15 : i32
          %broadcast_in_dim3A_119 = vector.broadcast %broadcast_in_dim3A_118 : i32 to vector<16xi32>
          %gather3A_120 = tpu.vector_load_idx %arg18[%iota3A, %broadcast_in_dim3A_119] : memref<16x16xf32, #tpu.memory_space<vmem>>[vector<16xi32>, vector<16xi32>], vector<16xf32>,
          %add3A_121 = arith.addf %add3A_117, %gather3A_120 : vector<16xf32>
          %swap3A = arith.index_cast %scan3A_27 : i32 to index
          %swap3A_122 = arith.constant 0 : index
          %swap3A_123 = tpu.vector_load %arg17[%swap3A, %swap3A_122] {strides = array<i32>} : memref<125x16xf32, #tpu.memory_space<vmem>>, vector<16xf32>,
          tpu.vector_store %arg17[%swap3A, %swap3A_122], %add3A_121 {strides = array<i32>} : memref<125x16xf32, #tpu.memory_space<vmem>>, vector<16xf32>,
        } else {
        }
        %not3A = arith.constant true
        %not3A_31 = arith.xori %eq3A_29, %not3A : i1
        %convert_element_type3A_32 = arith.extui %not3A_31 : i1 to i32
        %cond3A_33 = arith.constant 0 : i32
        %cond3A_34 = arith.cmpi ne, %convert_element_type3A_32, %cond3A_33 : i32
        scf.if %cond3A_34 {
          %dma_wait3A = arith.constant 0 : i32
          %dma_wait3A_35 = tpu.memref_slice %arg13[%scan3A_27, %dma_wait3A] : memref<125x16xi32, #tpu.memory_space<vmem>> -> memref<1x16xi32, #tpu.memory_space<vmem>>
          %dma_wait3A_36 = tpu.memref_squeeze %dma_wait3A_35 : memref<1x16xi32, #tpu.memory_space<vmem>> -> memref<16xi32, #tpu.memory_space<vmem>>
          %dma_wait3A_37 = arith.constant 0 : i32
          %dma_wait3A_38 = arith.constant 0 : i32
          %dma_wait3A_39 = tpu.memref_slice %arg2[%dma_wait3A_37, %dma_wait3A_38] : memref<10000x256xf32, #tpu.memory_space<hbm>> -> memref<10000x256xf32, #tpu.memory_space<hbm>>
          tpu.wait_indirect_dma semaphore(%arg20 : memref<!tpu.dma_semaphore, #tpu.memory_space<semaphore_mem>>) src(%dma_wait3A_39 : memref<10000x256xf32, #tpu.memory_space<hbm>>) dst(%arg10 : memref<16x256xf32, #tpu.memory_space<vmem>>)
          %dma_wait3A_40 = arith.constant 0 : i32
          %dma_wait3A_41 = tpu.memref_slice %arg14[%scan3A_27, %dma_wait3A_40] : memref<125x16xi32, #tpu.memory_space<vmem>> -> memref<1x16xi32, #tpu.memory_space<vmem>>
          %dma_wait3A_42 = tpu.memref_squeeze %dma_wait3A_41 : memref<1x16xi32, #tpu.memory_space<vmem>> -> memref<16xi32, #tpu.memory_space<vmem>>
          %dma_wait3A_43 = arith.constant 0 : i32
          %dma_wait3A_44 = arith.constant 0 : i32
          %dma_wait3A_45 = tpu.memref_slice %arg3[%dma_wait3A_43, %dma_wait3A_44] : memref<10000x256xf32, #tpu.memory_space<hbm>> -> memref<10000x256xf32, #tpu.memory_space<hbm>>
          tpu.wait_indirect_dma semaphore(%arg22 : memref<!tpu.dma_semaphore, #tpu.memory_space<semaphore_mem>>) src(%dma_wait3A_45 : memref<10000x256xf32, #tpu.memory_space<hbm>>) dst(%arg12 : memref<16x256xf32, #tpu.memory_space<vmem>>)
          %add3A_46 = arith.constant 1 : i32
          %add3A_47 = arith.addi %scan3A_27, %add3A_46 : i32
          %lt3A = arith.constant 125 : i32
          %lt3A_48 = arith.cmpi slt, %add3A_47, %lt3A : i32
          %convert_element_type3A_49 = arith.extui %lt3A_48 : i1 to i32
          %cond3A_50 = arith.constant 0 : i32
          %cond3A_51 = arith.cmpi ne, %convert_element_type3A_49, %cond3A_50 : i32
          scf.if %cond3A_51 {
            %add3A_124 = arith.constant 1 : i32
            %add3A_125 = arith.addi %scan3A_27, %add3A_124 : i32
            %dma_start3A_126 = arith.constant 0 : i32
            %dma_start3A_127 = tpu.memref_slice %arg13[%add3A_125, %dma_start3A_126] : memref<125x16xi32, #tpu.memory_space<vmem>> -> memref<1x16xi32, #tpu.memory_space<vmem>>
            %dma_start3A_128 = tpu.memref_squeeze %dma_start3A_127 : memref<1x16xi32, #tpu.memory_space<vmem>> -> memref<16xi32, #tpu.memory_space<vmem>>
            %dma_start3A_129 = arith.constant 0 : i32
            %dma_start3A_130 = arith.constant 0 : i32
            %dma_start3A_131 = tpu.memref_slice %arg2[%dma_start3A_129, %dma_start3A_130] : memref<10000x256xf32, #tpu.memory_space<hbm>> -> memref<10000x256xf32, #tpu.memory_space<hbm>>
            tpu.enqueue_indirect_dma source(%dma_start3A_131 : memref<10000x256xf32, #tpu.memory_space<hbm>>) target(%arg9 : memref<16x256xf32, #tpu.memory_space<vmem>>) offsets(%dma_start3A_128 : memref<16xi32, #tpu.memory_space<vmem>>) semaphore(%arg19 : memref<!tpu.dma_semaphore, #tpu.memory_space<semaphore_mem>>)
            %add3A_132 = arith.constant 1 : i32
            %add3A_133 = arith.addi %scan3A_27, %add3A_132 : i32
            %dma_start3A_134 = arith.constant 0 : i32
            %dma_start3A_135 = tpu.memref_slice %arg14[%add3A_133, %dma_start3A_134] : memref<125x16xi32, #tpu.memory_space<vmem>> -> memref<1x16xi32, #tpu.memory_space<vmem>>
            %dma_start3A_136 = tpu.memref_squeeze %dma_start3A_135 : memref<1x16xi32, #tpu.memory_space<vmem>> -> memref<16xi32, #tpu.memory_space<vmem>>
            %dma_start3A_137 = arith.constant 0 : i32
            %dma_start3A_138 = arith.constant 0 : i32
            %dma_start3A_139 = tpu.memref_slice %arg3[%dma_start3A_137, %dma_start3A_138] : memref<10000x256xf32, #tpu.memory_space<hbm>> -> memref<10000x256xf32, #tpu.memory_space<hbm>>
            tpu.enqueue_indirect_dma source(%dma_start3A_139 : memref<10000x256xf32, #tpu.memory_space<hbm>>) target(%arg11 : memref<16x256xf32, #tpu.memory_space<vmem>>) offsets(%dma_start3A_136 : memref<16xi32, #tpu.memory_space<vmem>>) semaphore(%arg21 : memref<!tpu.dma_semaphore, #tpu.memory_space<semaphore_mem>>)
          } else {
          }
          %scan3A_52 = arith.constant 0 : i32
          %scan3A_53 = arith.constant 0 : i32
          %scan3A_54 = arith.constant 16 : i32
          %scan3A_55 = arith.addi %scan3A_53, %scan3A_54 : i32
          %scan3A_56 = arith.constant 1 : i32
          scf.for %scan3A_124 = %scan3A_53 to %scan3A_55 step %scan3A_56  : i32 {
            %broadcast_in_dim3A_125 = arith.constant 0.000000e+00 : f32
            %broadcast_in_dim3A_126 = vector.broadcast %broadcast_in_dim3A_125 : f32 to vector<16xf32>
            %get3A_127 = arith.index_cast %scan3A_124 : i32 to index
            %get3A_128 = arith.constant 0 : index
            %get3A_129 = tpu.vector_load %arg10[%get3A_127, %get3A_128] {strides = array<i32>} : memref<16x256xf32, #tpu.memory_space<vmem>>, vector<16xf32>,
            %get3A_130 = arith.index_cast %scan3A_124 : i32 to index
            %get3A_131 = arith.constant 0 : index
            %get3A_132 = tpu.vector_load %arg12[%get3A_130, %get3A_131] {strides = array<i32>} : memref<16x256xf32, #tpu.memory_space<vmem>>, vector<16xf32>,
            %add3A_133 = arith.addf %get3A_129, %get3A_132 : vector<16xf32>
            %max3A = arith.constant 0.000000e+00 : f32
            %max3A_134 = vector.broadcast %max3A : f32 to vector<16xf32>
            %max3A_135 = arith.maximumf %add3A_133, %max3A_134 : vector<16xf32>
            %get3A_136 = arith.constant 0 : i32
            %get3A_137 = arith.index_cast %get3A_136 : i32 to index
            %get3A_138 = arith.constant 0 : index
            %get3A_139 = tpu.vector_load %arg15[%get3A_137, %get3A_138] {strides = array<i32>} : memref<16x16xf32, #tpu.memory_space<vmem>>, vector<16xf32>,
            %mul3A_140 = arith.mulf %max3A_135, %get3A_139 : vector<16xf32>
            %add3A_141 = arith.addf %get3A_1, %mul3A_140 : vector<16xf32>
            %get3A_142 = arith.index_cast %scan3A_124 : i32 to index
            %get3A_143 = arith.constant 16 : index
            %get3A_144 = tpu.vector_load %arg10[%get3A_142, %get3A_143] {strides = array<i32>} : memref<16x256xf32, #tpu.memory_space<vmem>>, vector<16xf32>,
            %get3A_145 = arith.index_cast %scan3A_124 : i32 to index
            %get3A_146 = arith.constant 16 : index
            %get3A_147 = tpu.vector_load %arg12[%get3A_145, %get3A_146] {strides = array<i32>} : memref<16x256xf32, #tpu.memory_space<vmem>>, vector<16xf32>,
            %add3A_148 = arith.addf %get3A_144, %get3A_147 : vector<16xf32>
            %max3A_149 = arith.constant 0.000000e+00 : f32
            %max3A_150 = vector.broadcast %max3A_149 : f32 to vector<16xf32>
            %max3A_151 = arith.maximumf %add3A_148, %max3A_150 : vector<16xf32>
            %get3A_152 = arith.constant 1 : i32
            %get3A_153 = arith.index_cast %get3A_152 : i32 to index
            %get3A_154 = arith.constant 0 : index
            %get3A_155 = tpu.vector_load %arg15[%get3A_153, %get3A_154] {strides = array<i32>} : memref<16x16xf32, #tpu.memory_space<vmem>>, vector<16xf32>,
            %mul3A_156 = arith.mulf %max3A_151, %get3A_155 : vector<16xf32>
            %add3A_157 = arith.addf %broadcast_in_dim3A_126, %mul3A_156 : vector<16xf32>
            %get3A_158 = arith.index_cast %scan3A_124 : i32 to index
            %get3A_159 = arith.constant 32 : index
            %get3A_160 = tpu.vector_load %arg10[%get3A_158, %get3A_159] {strides = array<i32>} : memref<16x256xf32, #tpu.memory_space<vmem>>, vector<16xf32>,
            %get3A_161 = arith.index_cast %scan3A_124 : i32 to index
            %get3A_162 = arith.constant 32 : index
            %get3A_163 = tpu.vector_load %arg12[%get3A_161, %get3A_162] {strides = array<i32>} : memref<16x256xf32, #tpu.memory_space<vmem>>, vector<16xf32>,
            %add3A_164 = arith.addf %get3A_160, %get3A_163 : vector<16xf32>
            %max3A_165 = arith.constant 0.000000e+00 : f32
            %max3A_166 = vector.broadcast %max3A_165 : f32 to vector<16xf32>
            %max3A_167 = arith.maximumf %add3A_164, %max3A_166 : vector<16xf32>
            %get3A_168 = arith.constant 2 : i32
            %get3A_169 = arith.index_cast %get3A_168 : i32 to index
            %get3A_170 = arith.constant 0 : index
            %get3A_171 = tpu.vector_load %arg15[%get3A_169, %get3A_170] {strides = array<i32>} : memref<16x16xf32, #tpu.memory_space<vmem>>, vector<16xf32>,
            %mul3A_172 = arith.mulf %max3A_167, %get3A_171 : vector<16xf32>
            %add3A_173 = arith.addf %broadcast_in_dim3A_126, %mul3A_172 : vector<16xf32>
            %get3A_174 = arith.index_cast %scan3A_124 : i32 to index
            %get3A_175 = arith.constant 48 : index
            %get3A_176 = tpu.vector_load %arg10[%get3A_174, %get3A_175] {strides = array<i32>} : memref<16x256xf32, #tpu.memory_space<vmem>>, vector<16xf32>,
            %get3A_177 = arith.index_cast %scan3A_124 : i32 to index
            %get3A_178 = arith.constant 48 : index
            %get3A_179 = tpu.vector_load %arg12[%get3A_177, %get3A_178] {strides = array<i32>} : memref<16x256xf32, #tpu.memory_space<vmem>>, vector<16xf32>,
            %add3A_180 = arith.addf %get3A_176, %get3A_179 : vector<16xf32>
            %max3A_181 = arith.constant 0.000000e+00 : f32
            %max3A_182 = vector.broadcast %max3A_181 : f32 to vector<16xf32>
            %max3A_183 = arith.maximumf %add3A_180, %max3A_182 : vector<16xf32>
            %get3A_184 = arith.constant 3 : i32
            %get3A_185 = arith.index_cast %get3A_184 : i32 to index
            %get3A_186 = arith.constant 0 : index
            %get3A_187 = tpu.vector_load %arg15[%get3A_185, %get3A_186] {strides = array<i32>} : memref<16x16xf32, #tpu.memory_space<vmem>>, vector<16xf32>,
            %mul3A_188 = arith.mulf %max3A_183, %get3A_187 : vector<16xf32>
            %add3A_189 = arith.addf %broadcast_in_dim3A_126, %mul3A_188 : vector<16xf32>
            %get3A_190 = arith.index_cast %scan3A_124 : i32 to index
            %get3A_191 = arith.constant 64 : index
            %get3A_192 = tpu.vector_load %arg10[%get3A_190, %get3A_191] {strides = array<i32>} : memref<16x256xf32, #tpu.memory_space<vmem>>, vector<16xf32>,
            %get3A_193 = arith.index_cast %scan3A_124 : i32 to index
            %get3A_194 = arith.constant 64 : index
            %get3A_195 = tpu.vector_load %arg12[%get3A_193, %get3A_194] {strides = array<i32>} : memref<16x256xf32, #tpu.memory_space<vmem>>, vector<16xf32>,
            %add3A_196 = arith.addf %get3A_192, %get3A_195 : vector<16xf32>
            %max3A_197 = arith.constant 0.000000e+00 : f32
            %max3A_198 = vector.broadcast %max3A_197 : f32 to vector<16xf32>
            %max3A_199 = arith.maximumf %add3A_196, %max3A_198 : vector<16xf32>
            %get3A_200 = arith.constant 4 : i32
            %get3A_201 = arith.index_cast %get3A_200 : i32 to index
            %get3A_202 = arith.constant 0 : index
            %get3A_203 = tpu.vector_load %arg15[%get3A_201, %get3A_202] {strides = array<i32>} : memref<16x16xf32, #tpu.memory_space<vmem>>, vector<16xf32>,
            %mul3A_204 = arith.mulf %max3A_199, %get3A_203 : vector<16xf32>
            %add3A_205 = arith.addf %add3A_141, %mul3A_204 : vector<16xf32>
            %get3A_206 = arith.index_cast %scan3A_124 : i32 to index
            %get3A_207 = arith.constant 80 : index
            %get3A_208 = tpu.vector_load %arg10[%get3A_206, %get3A_207] {strides = array<i32>} : memref<16x256xf32, #tpu.memory_space<vmem>>, vector<16xf32>,
            %get3A_209 = arith.index_cast %scan3A_124 : i32 to index
            %get3A_210 = arith.constant 80 : index
            %get3A_211 = tpu.vector_load %arg12[%get3A_209, %get3A_210] {strides = array<i32>} : memref<16x256xf32, #tpu.memory_space<vmem>>, vector<16xf32>,
            %add3A_212 = arith.addf %get3A_208, %get3A_211 : vector<16xf32>
            %max3A_213 = arith.constant 0.000000e+00 : f32
            %max3A_214 = vector.broadcast %max3A_213 : f32 to vector<16xf32>
            %max3A_215 = arith.maximumf %add3A_212, %max3A_214 : vector<16xf32>
            %get3A_216 = arith.constant 5 : i32
            %get3A_217 = arith.index_cast %get3A_216 : i32 to index
            %get3A_218 = arith.constant 0 : index
            %get3A_219 = tpu.vector_load %arg15[%get3A_217, %get3A_218] {strides = array<i32>} : memref<16x16xf32, #tpu.memory_space<vmem>>, vector<16xf32>,
            %mul3A_220 = arith.mulf %max3A_215, %get3A_219 : vector<16xf32>
            %add3A_221 = arith.addf %add3A_157, %mul3A_220 : vector<16xf32>
            %get3A_222 = arith.index_cast %scan3A_124 : i32 to index
            %get3A_223 = arith.constant 96 : index
            %get3A_224 = tpu.vector_load %arg10[%get3A_222, %get3A_223] {strides = array<i32>} : memref<16x256xf32, #tpu.memory_space<vmem>>, vector<16xf32>,
            %get3A_225 = arith.index_cast %scan3A_124 : i32 to index
            %get3A_226 = arith.constant 96 : index
            %get3A_227 = tpu.vector_load %arg12[%get3A_225, %get3A_226] {strides = array<i32>} : memref<16x256xf32, #tpu.memory_space<vmem>>, vector<16xf32>,
            %add3A_228 = arith.addf %get3A_224, %get3A_227 : vector<16xf32>
            %max3A_229 = arith.constant 0.000000e+00 : f32
            %max3A_230 = vector.broadcast %max3A_229 : f32 to vector<16xf32>
            %max3A_231 = arith.maximumf %add3A_228, %max3A_230 : vector<16xf32>
            %get3A_232 = arith.constant 6 : i32
            %get3A_233 = arith.index_cast %get3A_232 : i32 to index
            %get3A_234 = arith.constant 0 : index
            %get3A_235 = tpu.vector_load %arg15[%get3A_233, %get3A_234] {strides = array<i32>} : memref<16x16xf32, #tpu.memory_space<vmem>>, vector<16xf32>,
            %mul3A_236 = arith.mulf %max3A_231, %get3A_235 : vector<16xf32>
            %add3A_237 = arith.addf %add3A_173, %mul3A_236 : vector<16xf32>
            %get3A_238 = arith.index_cast %scan3A_124 : i32 to index
            %get3A_239 = arith.constant 112 : index
            %get3A_240 = tpu.vector_load %arg10[%get3A_238, %get3A_239] {strides = array<i32>} : memref<16x256xf32, #tpu.memory_space<vmem>>, vector<16xf32>,
            %get3A_241 = arith.index_cast %scan3A_124 : i32 to index
            %get3A_242 = arith.constant 112 : index
            %get3A_243 = tpu.vector_load %arg12[%get3A_241, %get3A_242] {strides = array<i32>} : memref<16x256xf32, #tpu.memory_space<vmem>>, vector<16xf32>,
            %add3A_244 = arith.addf %get3A_240, %get3A_243 : vector<16xf32>
            %max3A_245 = arith.constant 0.000000e+00 : f32
            %max3A_246 = vector.broadcast %max3A_245 : f32 to vector<16xf32>
            %max3A_247 = arith.maximumf %add3A_244, %max3A_246 : vector<16xf32>
            %get3A_248 = arith.constant 7 : i32
            %get3A_249 = arith.index_cast %get3A_248 : i32 to index
            %get3A_250 = arith.constant 0 : index
            %get3A_251 = tpu.vector_load %arg15[%get3A_249, %get3A_250] {strides = array<i32>} : memref<16x16xf32, #tpu.memory_space<vmem>>, vector<16xf32>,
            %mul3A_252 = arith.mulf %max3A_247, %get3A_251 : vector<16xf32>
            %add3A_253 = arith.addf %add3A_189, %mul3A_252 : vector<16xf32>
            %get3A_254 = arith.index_cast %scan3A_124 : i32 to index
            %get3A_255 = arith.constant 128 : index
            %get3A_256 = tpu.vector_load %arg10[%get3A_254, %get3A_255] {strides = array<i32>} : memref<16x256xf32, #tpu.memory_space<vmem>>, vector<16xf32>,
            %get3A_257 = arith.index_cast %scan3A_124 : i32 to index
            %get3A_258 = arith.constant 128 : index
            %get3A_259 = tpu.vector_load %arg12[%get3A_257, %get3A_258] {strides = array<i32>} : memref<16x256xf32, #tpu.memory_space<vmem>>, vector<16xf32>,
            %add3A_260 = arith.addf %get3A_256, %get3A_259 : vector<16xf32>
            %max3A_261 = arith.constant 0.000000e+00 : f32
            %max3A_262 = vector.broadcast %max3A_261 : f32 to vector<16xf32>
            %max3A_263 = arith.maximumf %add3A_260, %max3A_262 : vector<16xf32>
            %get3A_264 = arith.constant 8 : i32
            %get3A_265 = arith.index_cast %get3A_264 : i32 to index
            %get3A_266 = arith.constant 0 : index
            %get3A_267 = tpu.vector_load %arg15[%get3A_265, %get3A_266] {strides = array<i32>} : memref<16x16xf32, #tpu.memory_space<vmem>>, vector<16xf32>,
            %mul3A_268 = arith.mulf %max3A_263, %get3A_267 : vector<16xf32>
            %add3A_269 = arith.addf %add3A_205, %mul3A_268 : vector<16xf32>
            %get3A_270 = arith.index_cast %scan3A_124 : i32 to index
            %get3A_271 = arith.constant 144 : index
            %get3A_272 = tpu.vector_load %arg10[%get3A_270, %get3A_271] {strides = array<i32>} : memref<16x256xf32, #tpu.memory_space<vmem>>, vector<16xf32>,
            %get3A_273 = arith.index_cast %scan3A_124 : i32 to index
            %get3A_274 = arith.constant 144 : index
            %get3A_275 = tpu.vector_load %arg12[%get3A_273, %get3A_274] {strides = array<i32>} : memref<16x256xf32, #tpu.memory_space<vmem>>, vector<16xf32>,
            %add3A_276 = arith.addf %get3A_272, %get3A_275 : vector<16xf32>
            %max3A_277 = arith.constant 0.000000e+00 : f32
            %max3A_278 = vector.broadcast %max3A_277 : f32 to vector<16xf32>
            %max3A_279 = arith.maximumf %add3A_276, %max3A_278 : vector<16xf32>
            %get3A_280 = arith.constant 9 : i32
            %get3A_281 = arith.index_cast %get3A_280 : i32 to index
            %get3A_282 = arith.constant 0 : index
            %get3A_283 = tpu.vector_load %arg15[%get3A_281, %get3A_282] {strides = array<i32>} : memref<16x16xf32, #tpu.memory_space<vmem>>, vector<16xf32>,
            %mul3A_284 = arith.mulf %max3A_279, %get3A_283 : vector<16xf32>
            %add3A_285 = arith.addf %add3A_221, %mul3A_284 : vector<16xf32>
            %get3A_286 = arith.index_cast %scan3A_124 : i32 to index
            %get3A_287 = arith.constant 160 : index
            %get3A_288 = tpu.vector_load %arg10[%get3A_286, %get3A_287] {strides = array<i32>} : memref<16x256xf32, #tpu.memory_space<vmem>>, vector<16xf32>,
            %get3A_289 = arith.index_cast %scan3A_124 : i32 to index
            %get3A_290 = arith.constant 160 : index
            %get3A_291 = tpu.vector_load %arg12[%get3A_289, %get3A_290] {strides = array<i32>} : memref<16x256xf32, #tpu.memory_space<vmem>>, vector<16xf32>,
            %add3A_292 = arith.addf %get3A_288, %get3A_291 : vector<16xf32>
            %max3A_293 = arith.constant 0.000000e+00 : f32
            %max3A_294 = vector.broadcast %max3A_293 : f32 to vector<16xf32>
            %max3A_295 = arith.maximumf %add3A_292, %max3A_294 : vector<16xf32>
            %get3A_296 = arith.constant 10 : i32
            %get3A_297 = arith.index_cast %get3A_296 : i32 to index
            %get3A_298 = arith.constant 0 : index
            %get3A_299 = tpu.vector_load %arg15[%get3A_297, %get3A_298] {strides = array<i32>} : memref<16x16xf32, #tpu.memory_space<vmem>>, vector<16xf32>,
            %mul3A_300 = arith.mulf %max3A_295, %get3A_299 : vector<16xf32>
            %add3A_301 = arith.addf %add3A_237, %mul3A_300 : vector<16xf32>
            %get3A_302 = arith.index_cast %scan3A_124 : i32 to index
            %get3A_303 = arith.constant 176 : index
            %get3A_304 = tpu.vector_load %arg10[%get3A_302, %get3A_303] {strides = array<i32>} : memref<16x256xf32, #tpu.memory_space<vmem>>, vector<16xf32>,
            %get3A_305 = arith.index_cast %scan3A_124 : i32 to index
            %get3A_306 = arith.constant 176 : index
            %get3A_307 = tpu.vector_load %arg12[%get3A_305, %get3A_306] {strides = array<i32>} : memref<16x256xf32, #tpu.memory_space<vmem>>, vector<16xf32>,
            %add3A_308 = arith.addf %get3A_304, %get3A_307 : vector<16xf32>
            %max3A_309 = arith.constant 0.000000e+00 : f32
            %max3A_310 = vector.broadcast %max3A_309 : f32 to vector<16xf32>
            %max3A_311 = arith.maximumf %add3A_308, %max3A_310 : vector<16xf32>
            %get3A_312 = arith.constant 11 : i32
            %get3A_313 = arith.index_cast %get3A_312 : i32 to index
            %get3A_314 = arith.constant 0 : index
            %get3A_315 = tpu.vector_load %arg15[%get3A_313, %get3A_314] {strides = array<i32>} : memref<16x16xf32, #tpu.memory_space<vmem>>, vector<16xf32>,
            %mul3A_316 = arith.mulf %max3A_311, %get3A_315 : vector<16xf32>
            %add3A_317 = arith.addf %add3A_253, %mul3A_316 : vector<16xf32>
            %get3A_318 = arith.index_cast %scan3A_124 : i32 to index
            %get3A_319 = arith.constant 192 : index
            %get3A_320 = tpu.vector_load %arg10[%get3A_318, %get3A_319] {strides = array<i32>} : memref<16x256xf32, #tpu.memory_space<vmem>>, vector<16xf32>,
            %get3A_321 = arith.index_cast %scan3A_124 : i32 to index
            %get3A_322 = arith.constant 192 : index
            %get3A_323 = tpu.vector_load %arg12[%get3A_321, %get3A_322] {strides = array<i32>} : memref<16x256xf32, #tpu.memory_space<vmem>>, vector<16xf32>,
            %add3A_324 = arith.addf %get3A_320, %get3A_323 : vector<16xf32>
            %max3A_325 = arith.constant 0.000000e+00 : f32
            %max3A_326 = vector.broadcast %max3A_325 : f32 to vector<16xf32>
            %max3A_327 = arith.maximumf %add3A_324, %max3A_326 : vector<16xf32>
            %get3A_328 = arith.constant 12 : i32
            %get3A_329 = arith.index_cast %get3A_328 : i32 to index
            %get3A_330 = arith.constant 0 : index
            %get3A_331 = tpu.vector_load %arg15[%get3A_329, %get3A_330] {strides = array<i32>} : memref<16x16xf32, #tpu.memory_space<vmem>>, vector<16xf32>,
            %mul3A_332 = arith.mulf %max3A_327, %get3A_331 : vector<16xf32>
            %add3A_333 = arith.addf %add3A_269, %mul3A_332 : vector<16xf32>
            %get3A_334 = arith.index_cast %scan3A_124 : i32 to index
            %get3A_335 = arith.constant 208 : index
            %get3A_336 = tpu.vector_load %arg10[%get3A_334, %get3A_335] {strides = array<i32>} : memref<16x256xf32, #tpu.memory_space<vmem>>, vector<16xf32>,
            %get3A_337 = arith.index_cast %scan3A_124 : i32 to index
            %get3A_338 = arith.constant 208 : index
            %get3A_339 = tpu.vector_load %arg12[%get3A_337, %get3A_338] {strides = array<i32>} : memref<16x256xf32, #tpu.memory_space<vmem>>, vector<16xf32>,
            %add3A_340 = arith.addf %get3A_336, %get3A_339 : vector<16xf32>
            %max3A_341 = arith.constant 0.000000e+00 : f32
            %max3A_342 = vector.broadcast %max3A_341 : f32 to vector<16xf32>
            %max3A_343 = arith.maximumf %add3A_340, %max3A_342 : vector<16xf32>
            %get3A_344 = arith.constant 13 : i32
            %get3A_345 = arith.index_cast %get3A_344 : i32 to index
            %get3A_346 = arith.constant 0 : index
            %get3A_347 = tpu.vector_load %arg15[%get3A_345, %get3A_346] {strides = array<i32>} : memref<16x16xf32, #tpu.memory_space<vmem>>, vector<16xf32>,
            %mul3A_348 = arith.mulf %max3A_343, %get3A_347 : vector<16xf32>
            %add3A_349 = arith.addf %add3A_285, %mul3A_348 : vector<16xf32>
            %get3A_350 = arith.index_cast %scan3A_124 : i32 to index
            %get3A_351 = arith.constant 224 : index
            %get3A_352 = tpu.vector_load %arg10[%get3A_350, %get3A_351] {strides = array<i32>} : memref<16x256xf32, #tpu.memory_space<vmem>>, vector<16xf32>,
            %get3A_353 = arith.index_cast %scan3A_124 : i32 to index
            %get3A_354 = arith.constant 224 : index
            %get3A_355 = tpu.vector_load %arg12[%get3A_353, %get3A_354] {strides = array<i32>} : memref<16x256xf32, #tpu.memory_space<vmem>>, vector<16xf32>,
            %add3A_356 = arith.addf %get3A_352, %get3A_355 : vector<16xf32>
            %max3A_357 = arith.constant 0.000000e+00 : f32
            %max3A_358 = vector.broadcast %max3A_357 : f32 to vector<16xf32>
            %max3A_359 = arith.maximumf %add3A_356, %max3A_358 : vector<16xf32>
            %get3A_360 = arith.constant 14 : i32
            %get3A_361 = arith.index_cast %get3A_360 : i32 to index
            %get3A_362 = arith.constant 0 : index
            %get3A_363 = tpu.vector_load %arg15[%get3A_361, %get3A_362] {strides = array<i32>} : memref<16x16xf32, #tpu.memory_space<vmem>>, vector<16xf32>,
            %mul3A_364 = arith.mulf %max3A_359, %get3A_363 : vector<16xf32>
            %add3A_365 = arith.addf %add3A_301, %mul3A_364 : vector<16xf32>
            %get3A_366 = arith.index_cast %scan3A_124 : i32 to index
            %get3A_367 = arith.constant 240 : index
            %get3A_368 = tpu.vector_load %arg10[%get3A_366, %get3A_367] {strides = array<i32>} : memref<16x256xf32, #tpu.memory_space<vmem>>, vector<16xf32>,
            %get3A_369 = arith.index_cast %scan3A_124 : i32 to index
            %get3A_370 = arith.constant 240 : index
            %get3A_371 = tpu.vector_load %arg12[%get3A_369, %get3A_370] {strides = array<i32>} : memref<16x256xf32, #tpu.memory_space<vmem>>, vector<16xf32>,
            %add3A_372 = arith.addf %get3A_368, %get3A_371 : vector<16xf32>
            %max3A_373 = arith.constant 0.000000e+00 : f32
            %max3A_374 = vector.broadcast %max3A_373 : f32 to vector<16xf32>
            %max3A_375 = arith.maximumf %add3A_372, %max3A_374 : vector<16xf32>
            %get3A_376 = arith.constant 15 : i32
            %get3A_377 = arith.index_cast %get3A_376 : i32 to index
            %get3A_378 = arith.constant 0 : index
            %get3A_379 = tpu.vector_load %arg15[%get3A_377, %get3A_378] {strides = array<i32>} : memref<16x16xf32, #tpu.memory_space<vmem>>, vector<16xf32>,
            %mul3A_380 = arith.mulf %max3A_375, %get3A_379 : vector<16xf32>
            %add3A_381 = arith.addf %add3A_317, %mul3A_380 : vector<16xf32>
            %add3A_382 = arith.addf %add3A_333, %add3A_349 : vector<16xf32>
            %add3A_383 = arith.addf %add3A_365, %add3A_381 : vector<16xf32>
            %add3A_384 = arith.addf %add3A_382, %add3A_383 : vector<16xf32>
            %swap3A_385 = arith.index_cast %scan3A_124 : i32 to index
            %swap3A_386 = arith.constant 0 : index
            %swap3A_387 = tpu.vector_load %arg18[%swap3A_385, %swap3A_386] {strides = array<i32>} : memref<16x16xf32, #tpu.memory_space<vmem>>, vector<16xf32>,
            tpu.vector_store %arg18[%swap3A_385, %swap3A_386], %add3A_384 {strides = array<i32>} : memref<16x16xf32, #tpu.memory_space<vmem>>, vector<16xf32>,
          }
          %scan3A_57 = arith.constant 16 : i32
          %broadcast_in_dim3A = arith.constant 0.000000e+00 : f32
          %broadcast_in_dim3A_58 = vector.broadcast %broadcast_in_dim3A : f32 to vector<16xf32>
          %broadcast_in_dim3A_59 = arith.constant 0 : i32
          %broadcast_in_dim3A_60 = vector.broadcast %broadcast_in_dim3A_59 : i32 to vector<16xi32>
          %gather3A = tpu.vector_load_idx %arg18[%iota3A, %broadcast_in_dim3A_60] : memref<16x16xf32, #tpu.memory_space<vmem>>[vector<16xi32>, vector<16xi32>], vector<16xf32>,
          %add3A_61 = arith.addf %broadcast_in_dim3A_58, %gather3A : vector<16xf32>
          %broadcast_in_dim3A_62 = arith.constant 1 : i32
          %broadcast_in_dim3A_63 = vector.broadcast %broadcast_in_dim3A_62 : i32 to vector<16xi32>
          %gather3A_64 = tpu.vector_load_idx %arg18[%iota3A, %broadcast_in_dim3A_63] : memref<16x16xf32, #tpu.memory_space<vmem>>[vector<16xi32>, vector<16xi32>], vector<16xf32>,
          %add3A_65 = arith.addf %add3A_61, %gather3A_64 : vector<16xf32>
          %broadcast_in_dim3A_66 = arith.constant 2 : i32
          %broadcast_in_dim3A_67 = vector.broadcast %broadcast_in_dim3A_66 : i32 to vector<16xi32>
          %gather3A_68 = tpu.vector_load_idx %arg18[%iota3A, %broadcast_in_dim3A_67] : memref<16x16xf32, #tpu.memory_space<vmem>>[vector<16xi32>, vector<16xi32>], vector<16xf32>,
          %add3A_69 = arith.addf %add3A_65, %gather3A_68 : vector<16xf32>
          %broadcast_in_dim3A_70 = arith.constant 3 : i32
          %broadcast_in_dim3A_71 = vector.broadcast %broadcast_in_dim3A_70 : i32 to vector<16xi32>
          %gather3A_72 = tpu.vector_load_idx %arg18[%iota3A, %broadcast_in_dim3A_71] : memref<16x16xf32, #tpu.memory_space<vmem>>[vector<16xi32>, vector<16xi32>], vector<16xf32>,
          %add3A_73 = arith.addf %add3A_69, %gather3A_72 : vector<16xf32>
          %broadcast_in_dim3A_74 = arith.constant 4 : i32
          %broadcast_in_dim3A_75 = vector.broadcast %broadcast_in_dim3A_74 : i32 to vector<16xi32>
          %gather3A_76 = tpu.vector_load_idx %arg18[%iota3A, %broadcast_in_dim3A_75] : memref<16x16xf32, #tpu.memory_space<vmem>>[vector<16xi32>, vector<16xi32>], vector<16xf32>,
          %add3A_77 = arith.addf %add3A_73, %gather3A_76 : vector<16xf32>
          %broadcast_in_dim3A_78 = arith.constant 5 : i32
          %broadcast_in_dim3A_79 = vector.broadcast %broadcast_in_dim3A_78 : i32 to vector<16xi32>
          %gather3A_80 = tpu.vector_load_idx %arg18[%iota3A, %broadcast_in_dim3A_79] : memref<16x16xf32, #tpu.memory_space<vmem>>[vector<16xi32>, vector<16xi32>], vector<16xf32>,
          %add3A_81 = arith.addf %add3A_77, %gather3A_80 : vector<16xf32>
          %broadcast_in_dim3A_82 = arith.constant 6 : i32
          %broadcast_in_dim3A_83 = vector.broadcast %broadcast_in_dim3A_82 : i32 to vector<16xi32>
          %gather3A_84 = tpu.vector_load_idx %arg18[%iota3A, %broadcast_in_dim3A_83] : memref<16x16xf32, #tpu.memory_space<vmem>>[vector<16xi32>, vector<16xi32>], vector<16xf32>,
          %add3A_85 = arith.addf %add3A_81, %gather3A_84 : vector<16xf32>
          %broadcast_in_dim3A_86 = arith.constant 7 : i32
          %broadcast_in_dim3A_87 = vector.broadcast %broadcast_in_dim3A_86 : i32 to vector<16xi32>
          %gather3A_88 = tpu.vector_load_idx %arg18[%iota3A, %broadcast_in_dim3A_87] : memref<16x16xf32, #tpu.memory_space<vmem>>[vector<16xi32>, vector<16xi32>], vector<16xf32>,
          %add3A_89 = arith.addf %add3A_85, %gather3A_88 : vector<16xf32>
          %broadcast_in_dim3A_90 = arith.constant 8 : i32
          %broadcast_in_dim3A_91 = vector.broadcast %broadcast_in_dim3A_90 : i32 to vector<16xi32>
          %gather3A_92 = tpu.vector_load_idx %arg18[%iota3A, %broadcast_in_dim3A_91] : memref<16x16xf32, #tpu.memory_space<vmem>>[vector<16xi32>, vector<16xi32>], vector<16xf32>,
          %add3A_93 = arith.addf %add3A_89, %gather3A_92 : vector<16xf32>
          %broadcast_in_dim3A_94 = arith.constant 9 : i32
          %broadcast_in_dim3A_95 = vector.broadcast %broadcast_in_dim3A_94 : i32 to vector<16xi32>
          %gather3A_96 = tpu.vector_load_idx %arg18[%iota3A, %broadcast_in_dim3A_95] : memref<16x16xf32, #tpu.memory_space<vmem>>[vector<16xi32>, vector<16xi32>], vector<16xf32>,
          %add3A_97 = arith.addf %add3A_93, %gather3A_96 : vector<16xf32>
          %broadcast_in_dim3A_98 = arith.constant 10 : i32
          %broadcast_in_dim3A_99 = vector.broadcast %broadcast_in_dim3A_98 : i32 to vector<16xi32>
          %gather3A_100 = tpu.vector_load_idx %arg18[%iota3A, %broadcast_in_dim3A_99] : memref<16x16xf32, #tpu.memory_space<vmem>>[vector<16xi32>, vector<16xi32>], vector<16xf32>,
          %add3A_101 = arith.addf %add3A_97, %gather3A_100 : vector<16xf32>
          %broadcast_in_dim3A_102 = arith.constant 11 : i32
          %broadcast_in_dim3A_103 = vector.broadcast %broadcast_in_dim3A_102 : i32 to vector<16xi32>
          %gather3A_104 = tpu.vector_load_idx %arg18[%iota3A, %broadcast_in_dim3A_103] : memref<16x16xf32, #tpu.memory_space<vmem>>[vector<16xi32>, vector<16xi32>], vector<16xf32>,
          %add3A_105 = arith.addf %add3A_101, %gather3A_104 : vector<16xf32>
          %broadcast_in_dim3A_106 = arith.constant 12 : i32
          %broadcast_in_dim3A_107 = vector.broadcast %broadcast_in_dim3A_106 : i32 to vector<16xi32>
          %gather3A_108 = tpu.vector_load_idx %arg18[%iota3A, %broadcast_in_dim3A_107] : memref<16x16xf32, #tpu.memory_space<vmem>>[vector<16xi32>, vector<16xi32>], vector<16xf32>,
          %add3A_109 = arith.addf %add3A_105, %gather3A_108 : vector<16xf32>
          %broadcast_in_dim3A_110 = arith.constant 13 : i32
          %broadcast_in_dim3A_111 = vector.broadcast %broadcast_in_dim3A_110 : i32 to vector<16xi32>
          %gather3A_112 = tpu.vector_load_idx %arg18[%iota3A, %broadcast_in_dim3A_111] : memref<16x16xf32, #tpu.memory_space<vmem>>[vector<16xi32>, vector<16xi32>], vector<16xf32>,
          %add3A_113 = arith.addf %add3A_109, %gather3A_112 : vector<16xf32>
          %broadcast_in_dim3A_114 = arith.constant 14 : i32
          %broadcast_in_dim3A_115 = vector.broadcast %broadcast_in_dim3A_114 : i32 to vector<16xi32>
          %gather3A_116 = tpu.vector_load_idx %arg18[%iota3A, %broadcast_in_dim3A_115] : memref<16x16xf32, #tpu.memory_space<vmem>>[vector<16xi32>, vector<16xi32>], vector<16xf32>,
          %add3A_117 = arith.addf %add3A_113, %gather3A_116 : vector<16xf32>
          %broadcast_in_dim3A_118 = arith.constant 15 : i32
          %broadcast_in_dim3A_119 = vector.broadcast %broadcast_in_dim3A_118 : i32 to vector<16xi32>
          %gather3A_120 = tpu.vector_load_idx %arg18[%iota3A, %broadcast_in_dim3A_119] : memref<16x16xf32, #tpu.memory_space<vmem>>[vector<16xi32>, vector<16xi32>], vector<16xf32>,
          %add3A_121 = arith.addf %add3A_117, %gather3A_120 : vector<16xf32>
          %swap3A = arith.index_cast %scan3A_27 : i32 to index
          %swap3A_122 = arith.constant 0 : index
          %swap3A_123 = tpu.vector_load %arg17[%swap3A, %swap3A_122] {strides = array<i32>} : memref<125x16xf32, #tpu.memory_space<vmem>>, vector<16xf32>,
          tpu.vector_store %arg17[%swap3A, %swap3A_122], %add3A_121 {strides = array<i32>} : memref<125x16xf32, #tpu.memory_space<vmem>>, vector<16xf32>,
        } else {
        }
      }
      %scan3A_26 = arith.constant 125 : i32
      "tpu.region"() ({
        %run_scoped3A = tpu.sem_alloc : memref<!tpu.dma_semaphore, #tpu.memory_space<semaphore_mem>>
        %dma_start3A_27 = arith.constant 0 : i32
        %dma_start3A_28 = arith.constant 0 : i32
        %dma_start3A_29 = tpu.memref_slice %arg8[%add3A, %scan3A_7, %dma_start3A_27, %dma_start3A_28] : memref<32x5x125x16xf32, #tpu.memory_space<hbm>> -> memref<1x1x125x16xf32, #tpu.memory_space<hbm>>
        %dma_start3A_30 = tpu.memref_squeeze %dma_start3A_29 : memref<1x1x125x16xf32, #tpu.memory_space<hbm>> -> memref<125x16xf32, #tpu.memory_space<hbm>>
        %dma_start3A_31 = arith.constant 0 : i32
        %dma_start3A_32 = arith.constant 0 : i32
        %dma_start3A_33 = tpu.memref_slice %arg8[%add3A, %scan3A_7, %dma_start3A_31, %dma_start3A_32] : memref<32x5x125x16xf32, #tpu.memory_space<hbm>> -> memref<1x1x125x16xf32, #tpu.memory_space<hbm>>
        %dma_start3A_34 = tpu.memref_squeeze %dma_start3A_33 : memref<1x1x125x16xf32, #tpu.memory_space<hbm>> -> memref<125x16xf32, #tpu.memory_space<hbm>>
        tpu.enqueue_dma source(%arg17 : memref<125x16xf32, #tpu.memory_space<vmem>>) target(%dma_start3A_34 : memref<125x16xf32, #tpu.memory_space<hbm>>) target_semaphore(%run_scoped3A : memref<!tpu.dma_semaphore, #tpu.memory_space<semaphore_mem>>)
        %dma_wait3A = arith.constant 0 : i32
        %dma_wait3A_35 = arith.constant 0 : i32
        %dma_wait3A_36 = tpu.memref_slice %arg8[%add3A, %scan3A_7, %dma_wait3A, %dma_wait3A_35] : memref<32x5x125x16xf32, #tpu.memory_space<hbm>> -> memref<1x1x125x16xf32, #tpu.memory_space<hbm>>
        %dma_wait3A_37 = tpu.memref_squeeze %dma_wait3A_36 : memref<1x1x125x16xf32, #tpu.memory_space<hbm>> -> memref<125x16xf32, #tpu.memory_space<hbm>>
        %dma_wait3A_38 = arith.constant 0 : i32
        %dma_wait3A_39 = arith.constant 0 : i32
        %dma_wait3A_40 = tpu.memref_slice %arg8[%add3A, %scan3A_7, %dma_wait3A_38, %dma_wait3A_39] : memref<32x5x125x16xf32, #tpu.memory_space<hbm>> -> memref<1x1x125x16xf32, #tpu.memory_space<hbm>>
        %dma_wait3A_41 = tpu.memref_squeeze %dma_wait3A_40 : memref<1x1x125x16xf32, #tpu.memory_space<hbm>> -> memref<125x16xf32, #tpu.memory_space<hbm>>
        tpu.wait_dma2 semaphore(%run_scoped3A : memref<!tpu.dma_semaphore, #tpu.memory_space<semaphore_mem>>) src(%arg17 : memref<125x16xf32, #tpu.memory_space<vmem>>) dst(%dma_wait3A_41 : memref<125x16xf32, #tpu.memory_space<hbm>>)
        tpu.yield
      }) : () -> ()
    }
    %scan3A_6 = arith.constant 5 : i32
    return
  }
}

module attributes {stable_mosaic.version = 14 : i64} {
  func.func @_mm1_body(%arg0: i32, %arg1: memref<1000x128xf32, #tpu.memory_space<vmem>>, %arg2: memref<128x256xf32, #tpu.memory_space<vmem>>, %arg3: memref<2x1000x128xf32, #tpu.memory_space<vmem>>, %arg4: memref<1000x128xf32, #tpu.memory_space<vmem>>, %arg5: memref<1000x128xf32, #tpu.memory_space<vmem>>, %arg6: memref<1000x1xf32, #tpu.memory_space<vmem>>) attributes {dimension_semantics = [#tpu.dimension_semantics<arbitrary>], iteration_bounds = array<i64: 10>, scalar_prefetch = 0 : i64, scratch_operands = 0 : i64, tpu.core_type = #tpu.core_type<tc>, window_params = [{transform_indices = @transform_0, window_bounds = array<i64: 1000, 128>}, {pipeline_mode = #tpu.pipeline_mode<synchronous>, transform_indices = @transform_1, window_bounds = array<i64: 128, 256>}, {transform_indices = @transform_2, window_bounds = array<i64: 2, 1000, 128>}, {transform_indices = @transform_3, window_bounds = array<i64: 1000, 128>}, {transform_indices = @transform_4, window_bounds = array<i64: 1000, 128>}, {transform_indices = @transform_5, window_bounds = array<i64: 1000, 1>}]} {
    %get3A = arith.constant 0 : index
    %get3A_0 = arith.constant 0 : index
    %get3A_1 = arith.constant 0 : index
    %get3A_2 = vector.load %arg3[%get3A, %get3A_0, %get3A_1] : memref<2x1000x128xf32, #tpu.memory_space<vmem>>, vector<2x1000x128xf32>
    %slice3A = vector.extract_strided_slice %get3A_2 {offsets = [0, 0, 0], sizes = [1, 1000, 1], strides = [1, 1, 1]} : vector<2x1000x128xf32> to vector<1x1000x1xf32>
    %squeeze3A = vector.shape_cast %slice3A : vector<1x1000x1xf32> to vector<1000x1xf32>
    %slice3A_3 = vector.extract_strided_slice %get3A_2 {offsets = [1, 0, 0], sizes = [1, 1000, 1], strides = [1, 1, 1]} : vector<2x1000x128xf32> to vector<1x1000x1xf32>
    %squeeze3A_4 = vector.shape_cast %slice3A_3 : vector<1x1000x1xf32> to vector<1000x1xf32>
    %add3A = arith.addf %squeeze3A, %squeeze3A_4 : vector<1000x1xf32>
    %add3A_5 = arith.constant 1.000000e+00 : f32
    %add3A_6 = vector.broadcast %add3A_5 : f32 to vector<1000x1xf32>
    %add3A_7 = arith.addf %add3A, %add3A_6 : vector<1000x1xf32>
    %rsqrt3A = math.rsqrt %add3A_7 : vector<1000x1xf32>
    %get3A_8 = arith.constant 0 : index
    %get3A_9 = arith.constant 0 : index
    %get3A_10 = vector.load %arg1[%get3A_8, %get3A_9] : memref<1000x128xf32, #tpu.memory_space<vmem>>, vector<1000x128xf32>
    %get3A_11 = arith.constant 0 : index
    %get3A_12 = arith.constant 0 : index
    %get3A_13 = vector.load %arg2[%get3A_11, %get3A_12] : memref<128x256xf32, #tpu.memory_space<vmem>>, vector<128x256xf32>
    %dot_general3A = arith.constant dense<0.000000e+00> : vector<1000x256xf32>
    %dot_general3A_14 = tpu.matmul %get3A_10, %get3A_13, %dot_general3A {dimension_numbers = #tpu.dot_dimension_numbers<[1], [0], [0], [1], [0, 0, 1, 1], [], []>, precision = #tpu.contract_precision<fp32>, transpose_lhs_hint = false} : vector<1000x128xf32>, vector<128x256xf32>, vector<1000x256xf32> -> vector<1000x256xf32>
    %mul3A = vector.broadcast %rsqrt3A : vector<1000x1xf32> to vector<1000x256xf32>
    %mul3A_15 = arith.mulf %dot_general3A_14, %mul3A : vector<1000x256xf32>
    %slice3A_16 = vector.extract_strided_slice %mul3A_15 {offsets = [0, 0], sizes = [1000, 128], strides = [1, 1]} : vector<1000x256xf32> to vector<1000x128xf32>
    %swap3A = arith.constant 0 : index
    %swap3A_17 = arith.constant 0 : index
    %swap3A_18 = vector.load %arg4[%swap3A, %swap3A_17] : memref<1000x128xf32, #tpu.memory_space<vmem>>, vector<1000x128xf32>
    tpu.vector_store %arg4[%swap3A, %swap3A_17], %slice3A_16 {strides = array<i32>} : memref<1000x128xf32, #tpu.memory_space<vmem>>, vector<1000x128xf32>,
    %slice3A_19 = vector.extract_strided_slice %mul3A_15 {offsets = [0, 128], sizes = [1000, 128], strides = [1, 1]} : vector<1000x256xf32> to vector<1000x128xf32>
    %swap3A_20 = arith.constant 0 : index
    %swap3A_21 = arith.constant 0 : index
    %swap3A_22 = vector.load %arg5[%swap3A_20, %swap3A_21] : memref<1000x128xf32, #tpu.memory_space<vmem>>, vector<1000x128xf32>
    tpu.vector_store %arg5[%swap3A_20, %swap3A_21], %slice3A_19 {strides = array<i32>} : memref<1000x128xf32, #tpu.memory_space<vmem>>, vector<1000x128xf32>,
    %swap3A_23 = arith.constant 0 : index
    %swap3A_24 = arith.constant 0 : index
    %swap3A_25 = vector.load %arg6[%swap3A_23, %swap3A_24] : memref<1000x1xf32, #tpu.memory_space<vmem>>, vector<1000x1xf32>
    tpu.vector_store %arg6[%swap3A_23, %swap3A_24], %rsqrt3A {strides = array<i32>} : memref<1000x1xf32, #tpu.memory_space<vmem>>, vector<1000x1xf32>,
    return
  }
  func.func @transform_0(%arg0: i32) -> (i32, i32) {
    %c0_i32 = arith.constant 0 : i32
    %c0_i32_0 = arith.constant 0 : i32
    return %arg0, %c0_i32 : i32, i32
  }
  func.func @transform_1(%arg0: i32) -> (i32, i32) {
    %c0_i32 = arith.constant 0 : i32
    %c0_i32_0 = arith.constant 0 : i32
    %c0_i32_1 = arith.constant 0 : i32
    return %c0_i32, %c0_i32_0 : i32, i32
  }
  func.func @transform_2(%arg0: i32) -> (i32, i32, i32) {
    %c0_i32 = arith.constant 0 : i32
    %c0_i32_0 = arith.constant 0 : i32
    %c0_i32_1 = arith.constant 0 : i32
    return %c0_i32, %arg0, %c0_i32_0 : i32, i32, i32
  }
  func.func @transform_3(%arg0: i32) -> (i32, i32) {
    %c0_i32 = arith.constant 0 : i32
    %c0_i32_0 = arith.constant 0 : i32
    return %arg0, %c0_i32 : i32, i32
  }
  func.func @transform_4(%arg0: i32) -> (i32, i32) {
    %c0_i32 = arith.constant 0 : i32
    %c0_i32_0 = arith.constant 0 : i32
    return %arg0, %c0_i32 : i32, i32
  }
  func.func @transform_5(%arg0: i32) -> (i32, i32) {
    %c0_i32 = arith.constant 0 : i32
    %c0_i32_0 = arith.constant 0 : i32
    return %arg0, %c0_i32 : i32, i32
  }
}

module attributes {stable_mosaic.version = 14 : i64} {
  func.func @_mm23_body(%arg0: i32, %arg1: memref<1000x128xf32, #tpu.memory_space<vmem>>, %arg2: memref<1000x128xf32, #tpu.memory_space<vmem>>, %arg3: memref<1000x128xf32, #tpu.memory_space<vmem>>, %arg4: memref<1000x128xf32, #tpu.memory_space<vmem>>, %arg5: memref<1000x1xf32, #tpu.memory_space<vmem>>, %arg6: memref<1x256xf32, #tpu.memory_space<vmem>>, %arg7: memref<256x256xf32, #tpu.memory_space<vmem>>, %arg8: memref<1000x128xf32, #tpu.memory_space<vmem>>, %arg9: memref<1000x128xf32, #tpu.memory_space<vmem>>) attributes {dimension_semantics = [#tpu.dimension_semantics<arbitrary>], iteration_bounds = array<i64: 10>, scalar_prefetch = 0 : i64, scratch_operands = 0 : i64, tpu.core_type = #tpu.core_type<tc>, window_params = [{transform_indices = @transform_0, window_bounds = array<i64: 1000, 128>}, {transform_indices = @transform_1, window_bounds = array<i64: 1000, 128>}, {transform_indices = @transform_2, window_bounds = array<i64: 1000, 128>}, {transform_indices = @transform_3, window_bounds = array<i64: 1000, 128>}, {transform_indices = @transform_4, window_bounds = array<i64: 1000, 1>}, {pipeline_mode = #tpu.pipeline_mode<synchronous>, transform_indices = @transform_5, window_bounds = array<i64: 1, 256>}, {pipeline_mode = #tpu.pipeline_mode<synchronous>, transform_indices = @transform_6, window_bounds = array<i64: 256, 256>}, {transform_indices = @transform_7, window_bounds = array<i64: 1000, 128>}, {transform_indices = @transform_8, window_bounds = array<i64: 1000, 128>}]} {
    %get3A = arith.constant 0 : index
    %get3A_0 = arith.constant 0 : index
    %get3A_1 = vector.load %arg5[%get3A, %get3A_0] : memref<1000x1xf32, #tpu.memory_space<vmem>>, vector<1000x1xf32>
    %get3A_2 = arith.constant 0 : index
    %get3A_3 = arith.constant 0 : index
    %get3A_4 = vector.load %arg6[%get3A_2, %get3A_3] : memref<1x256xf32, #tpu.memory_space<vmem>>, vector<1x256xf32>
    %get3A_5 = arith.constant 0 : index
    %get3A_6 = arith.constant 0 : index
    %get3A_7 = vector.load %arg1[%get3A_5, %get3A_6] : memref<1000x128xf32, #tpu.memory_space<vmem>>, vector<1000x128xf32>
    %get3A_8 = arith.constant 0 : index
    %get3A_9 = arith.constant 0 : index
    %get3A_10 = vector.load %arg3[%get3A_8, %get3A_9] : memref<1000x128xf32, #tpu.memory_space<vmem>>, vector<1000x128xf32>
    %add3A = arith.addf %get3A_7, %get3A_10 : vector<1000x128xf32>
    %mul3A = vector.broadcast %get3A_1 : vector<1000x1xf32> to vector<1000x128xf32>
    %mul3A_11 = arith.mulf %mul3A, %add3A : vector<1000x128xf32>
    %slice3A = vector.extract_strided_slice %get3A_4 {offsets = [0, 0], sizes = [1, 128], strides = [1, 1]} : vector<1x256xf32> to vector<1x128xf32>
    %add3A_12 = vector.broadcast %slice3A : vector<1x128xf32> to vector<1000x128xf32>
    %add3A_13 = arith.addf %mul3A_11, %add3A_12 : vector<1000x128xf32>
    %max3A = arith.constant 0.000000e+00 : f32
    %max3A_14 = vector.broadcast %max3A : f32 to vector<1000x128xf32>
    %max3A_15 = arith.maximumf %add3A_13, %max3A_14 : vector<1000x128xf32>
    %get3A_16 = arith.constant 0 : index
    %get3A_17 = arith.constant 0 : index
    %get3A_18 = vector.load %arg2[%get3A_16, %get3A_17] : memref<1000x128xf32, #tpu.memory_space<vmem>>, vector<1000x128xf32>
    %get3A_19 = arith.constant 0 : index
    %get3A_20 = arith.constant 0 : index
    %get3A_21 = vector.load %arg4[%get3A_19, %get3A_20] : memref<1000x128xf32, #tpu.memory_space<vmem>>, vector<1000x128xf32>
    %add3A_22 = arith.addf %get3A_18, %get3A_21 : vector<1000x128xf32>
    %mul3A_23 = vector.broadcast %get3A_1 : vector<1000x1xf32> to vector<1000x128xf32>
    %mul3A_24 = arith.mulf %mul3A_23, %add3A_22 : vector<1000x128xf32>
    %slice3A_25 = vector.extract_strided_slice %get3A_4 {offsets = [0, 128], sizes = [1, 128], strides = [1, 1]} : vector<1x256xf32> to vector<1x128xf32>
    %add3A_26 = vector.broadcast %slice3A_25 : vector<1x128xf32> to vector<1000x128xf32>
    %add3A_27 = arith.addf %mul3A_24, %add3A_26 : vector<1000x128xf32>
    %max3A_28 = arith.constant 0.000000e+00 : f32
    %max3A_29 = vector.broadcast %max3A_28 : f32 to vector<1000x128xf32>
    %max3A_30 = arith.maximumf %add3A_27, %max3A_29 : vector<1000x128xf32>
    %get3A_31 = arith.constant 0 : index
    %get3A_32 = arith.constant 0 : index
    %get3A_33 = vector.load %arg7[%get3A_31, %get3A_32] : memref<256x256xf32, #tpu.memory_space<vmem>>, vector<256x256xf32>
    %slice3A_34 = vector.extract_strided_slice %get3A_33 {offsets = [0, 0], sizes = [128, 256], strides = [1, 1]} : vector<256x256xf32> to vector<128x256xf32>
    %dot_general3A = arith.constant dense<0.000000e+00> : vector<1000x256xf32>
    %dot_general3A_35 = tpu.matmul %max3A_15, %slice3A_34, %dot_general3A {dimension_numbers = #tpu.dot_dimension_numbers<[1], [0], [0], [1], [0, 0, 1, 1], [], []>, precision = #tpu.contract_precision<fp32>, transpose_lhs_hint = false} : vector<1000x128xf32>, vector<128x256xf32>, vector<1000x256xf32> -> vector<1000x256xf32>
    %slice3A_36 = vector.extract_strided_slice %get3A_33 {offsets = [128, 0], sizes = [128, 256], strides = [1, 1]} : vector<256x256xf32> to vector<128x256xf32>
    %dot_general3A_37 = arith.constant dense<0.000000e+00> : vector<1000x256xf32>
    %dot_general3A_38 = tpu.matmul %max3A_30, %slice3A_36, %dot_general3A_37 {dimension_numbers = #tpu.dot_dimension_numbers<[1], [0], [0], [1], [0, 0, 1, 1], [], []>, precision = #tpu.contract_precision<fp32>, transpose_lhs_hint = false} : vector<1000x128xf32>, vector<128x256xf32>, vector<1000x256xf32> -> vector<1000x256xf32>
    %add3A_39 = arith.addf %dot_general3A_35, %dot_general3A_38 : vector<1000x256xf32>
    %mul3A_40 = vector.broadcast %get3A_1 : vector<1000x1xf32> to vector<1000x256xf32>
    %mul3A_41 = arith.mulf %add3A_39, %mul3A_40 : vector<1000x256xf32>
    %slice3A_42 = vector.extract_strided_slice %mul3A_41 {offsets = [0, 0], sizes = [1000, 128], strides = [1, 1]} : vector<1000x256xf32> to vector<1000x128xf32>
    %swap3A = arith.constant 0 : index
    %swap3A_43 = arith.constant 0 : index
    %swap3A_44 = vector.load %arg8[%swap3A, %swap3A_43] : memref<1000x128xf32, #tpu.memory_space<vmem>>, vector<1000x128xf32>
    tpu.vector_store %arg8[%swap3A, %swap3A_43], %slice3A_42 {strides = array<i32>} : memref<1000x128xf32, #tpu.memory_space<vmem>>, vector<1000x128xf32>,
    %slice3A_45 = vector.extract_strided_slice %mul3A_41 {offsets = [0, 128], sizes = [1000, 128], strides = [1, 1]} : vector<1000x256xf32> to vector<1000x128xf32>
    %swap3A_46 = arith.constant 0 : index
    %swap3A_47 = arith.constant 0 : index
    %swap3A_48 = vector.load %arg9[%swap3A_46, %swap3A_47] : memref<1000x128xf32, #tpu.memory_space<vmem>>, vector<1000x128xf32>
    tpu.vector_store %arg9[%swap3A_46, %swap3A_47], %slice3A_45 {strides = array<i32>} : memref<1000x128xf32, #tpu.memory_space<vmem>>, vector<1000x128xf32>,
    return
  }
  func.func @transform_0(%arg0: i32) -> (i32, i32) {
    %c0_i32 = arith.constant 0 : i32
    %c0_i32_0 = arith.constant 0 : i32
    return %arg0, %c0_i32 : i32, i32
  }
  func.func @transform_1(%arg0: i32) -> (i32, i32) {
    %c0_i32 = arith.constant 0 : i32
    %c0_i32_0 = arith.constant 0 : i32
    return %arg0, %c0_i32 : i32, i32
  }
  func.func @transform_2(%arg0: i32) -> (i32, i32) {
    %c0_i32 = arith.constant 0 : i32
    %c0_i32_0 = arith.constant 0 : i32
    return %arg0, %c0_i32 : i32, i32
  }
  func.func @transform_3(%arg0: i32) -> (i32, i32) {
    %c0_i32 = arith.constant 0 : i32
    %c0_i32_0 = arith.constant 0 : i32
    return %arg0, %c0_i32 : i32, i32
  }
  func.func @transform_4(%arg0: i32) -> (i32, i32) {
    %c0_i32 = arith.constant 0 : i32
    %c0_i32_0 = arith.constant 0 : i32
    return %arg0, %c0_i32 : i32, i32
  }
  func.func @transform_5(%arg0: i32) -> (i32, i32) {
    %c0_i32 = arith.constant 0 : i32
    %c0_i32_0 = arith.constant 0 : i32
    %c0_i32_1 = arith.constant 0 : i32
    return %c0_i32, %c0_i32_0 : i32, i32
  }
  func.func @transform_6(%arg0: i32) -> (i32, i32) {
    %c0_i32 = arith.constant 0 : i32
    %c0_i32_0 = arith.constant 0 : i32
    %c0_i32_1 = arith.constant 0 : i32
    return %c0_i32, %c0_i32_0 : i32, i32
  }
  func.func @transform_7(%arg0: i32) -> (i32, i32) {
    %c0_i32 = arith.constant 0 : i32
    %c0_i32_0 = arith.constant 0 : i32
    return %arg0, %c0_i32 : i32, i32
  }
  func.func @transform_8(%arg0: i32) -> (i32, i32) {
    %c0_i32 = arith.constant 0 : i32
    %c0_i32_0 = arith.constant 0 : i32
    return %arg0, %c0_i32 : i32, i32
  }
}

module attributes {stable_mosaic.version = 14 : i64} {
  func.func @_mm4_body(%arg0: i32, %arg1: memref<1000x128xf32, #tpu.memory_space<vmem>>, %arg2: memref<1000x128xf32, #tpu.memory_space<vmem>>, %arg3: memref<1000x128xf32, #tpu.memory_space<vmem>>, %arg4: memref<1000x128xf32, #tpu.memory_space<vmem>>, %arg5: memref<1000x1xf32, #tpu.memory_space<vmem>>, %arg6: memref<1x256xf32, #tpu.memory_space<vmem>>, %arg7: memref<512x256xf32, #tpu.memory_space<vmem>>, %arg8: memref<1x256xf32, #tpu.memory_space<vmem>>, %arg9: memref<1000x256xf32, #tpu.memory_space<vmem>>, %arg10: memref<1000x256xf32, #tpu.memory_space<vmem>>) attributes {dimension_semantics = [#tpu.dimension_semantics<arbitrary>], iteration_bounds = array<i64: 10>, scalar_prefetch = 0 : i64, scratch_operands = 0 : i64, tpu.core_type = #tpu.core_type<tc>, window_params = [{transform_indices = @transform_0, window_bounds = array<i64: 1000, 128>}, {transform_indices = @transform_1, window_bounds = array<i64: 1000, 128>}, {transform_indices = @transform_2, window_bounds = array<i64: 1000, 128>}, {transform_indices = @transform_3, window_bounds = array<i64: 1000, 128>}, {transform_indices = @transform_4, window_bounds = array<i64: 1000, 1>}, {pipeline_mode = #tpu.pipeline_mode<synchronous>, transform_indices = @transform_5, window_bounds = array<i64: 1, 256>}, {pipeline_mode = #tpu.pipeline_mode<synchronous>, transform_indices = @transform_6, window_bounds = array<i64: 512, 256>}, {pipeline_mode = #tpu.pipeline_mode<synchronous>, transform_indices = @transform_7, window_bounds = array<i64: 1, 256>}, {transform_indices = @transform_8, window_bounds = array<i64: 1000, 256>}, {transform_indices = @transform_9, window_bounds = array<i64: 1000, 256>}]} {
    %get3A = arith.constant 0 : index
    %get3A_0 = arith.constant 0 : index
    %get3A_1 = vector.load %arg5[%get3A, %get3A_0] : memref<1000x1xf32, #tpu.memory_space<vmem>>, vector<1000x1xf32>
    %get3A_2 = arith.constant 0 : index
    %get3A_3 = arith.constant 0 : index
    %get3A_4 = vector.load %arg6[%get3A_2, %get3A_3] : memref<1x256xf32, #tpu.memory_space<vmem>>, vector<1x256xf32>
    %get3A_5 = arith.constant 0 : index
    %get3A_6 = arith.constant 0 : index
    %get3A_7 = vector.load %arg1[%get3A_5, %get3A_6] : memref<1000x128xf32, #tpu.memory_space<vmem>>, vector<1000x128xf32>
    %get3A_8 = arith.constant 0 : index
    %get3A_9 = arith.constant 0 : index
    %get3A_10 = vector.load %arg3[%get3A_8, %get3A_9] : memref<1000x128xf32, #tpu.memory_space<vmem>>, vector<1000x128xf32>
    %add3A = arith.addf %get3A_7, %get3A_10 : vector<1000x128xf32>
    %mul3A = vector.broadcast %get3A_1 : vector<1000x1xf32> to vector<1000x128xf32>
    %mul3A_11 = arith.mulf %mul3A, %add3A : vector<1000x128xf32>
    %slice3A = vector.extract_strided_slice %get3A_4 {offsets = [0, 0], sizes = [1, 128], strides = [1, 1]} : vector<1x256xf32> to vector<1x128xf32>
    %add3A_12 = vector.broadcast %slice3A : vector<1x128xf32> to vector<1000x128xf32>
    %add3A_13 = arith.addf %mul3A_11, %add3A_12 : vector<1000x128xf32>
    %max3A = arith.constant 0.000000e+00 : f32
    %max3A_14 = vector.broadcast %max3A : f32 to vector<1000x128xf32>
    %max3A_15 = arith.maximumf %add3A_13, %max3A_14 : vector<1000x128xf32>
    %get3A_16 = arith.constant 0 : index
    %get3A_17 = arith.constant 0 : index
    %get3A_18 = vector.load %arg2[%get3A_16, %get3A_17] : memref<1000x128xf32, #tpu.memory_space<vmem>>, vector<1000x128xf32>
    %get3A_19 = arith.constant 0 : index
    %get3A_20 = arith.constant 0 : index
    %get3A_21 = vector.load %arg4[%get3A_19, %get3A_20] : memref<1000x128xf32, #tpu.memory_space<vmem>>, vector<1000x128xf32>
    %add3A_22 = arith.addf %get3A_18, %get3A_21 : vector<1000x128xf32>
    %mul3A_23 = vector.broadcast %get3A_1 : vector<1000x1xf32> to vector<1000x128xf32>
    %mul3A_24 = arith.mulf %mul3A_23, %add3A_22 : vector<1000x128xf32>
    %slice3A_25 = vector.extract_strided_slice %get3A_4 {offsets = [0, 128], sizes = [1, 128], strides = [1, 1]} : vector<1x256xf32> to vector<1x128xf32>
    %add3A_26 = vector.broadcast %slice3A_25 : vector<1x128xf32> to vector<1000x128xf32>
    %add3A_27 = arith.addf %mul3A_24, %add3A_26 : vector<1000x128xf32>
    %max3A_28 = arith.constant 0.000000e+00 : f32
    %max3A_29 = vector.broadcast %max3A_28 : f32 to vector<1000x128xf32>
    %max3A_30 = arith.maximumf %add3A_27, %max3A_29 : vector<1000x128xf32>
    %get3A_31 = arith.constant 0 : index
    %get3A_32 = arith.constant 0 : index
    %get3A_33 = vector.load %arg7[%get3A_31, %get3A_32] : memref<512x256xf32, #tpu.memory_space<vmem>>, vector<512x256xf32>
    %slice3A_34 = vector.extract_strided_slice %get3A_33 {offsets = [0, 0], sizes = [128, 256], strides = [1, 1]} : vector<512x256xf32> to vector<128x256xf32>
    %dot_general3A = arith.constant dense<0.000000e+00> : vector<1000x256xf32>
    %dot_general3A_35 = tpu.matmul %max3A_15, %slice3A_34, %dot_general3A {dimension_numbers = #tpu.dot_dimension_numbers<[1], [0], [0], [1], [0, 0, 1, 1], [], []>, precision = #tpu.contract_precision<fp32>, transpose_lhs_hint = false} : vector<1000x128xf32>, vector<128x256xf32>, vector<1000x256xf32> -> vector<1000x256xf32>
    %slice3A_36 = vector.extract_strided_slice %get3A_33 {offsets = [128, 0], sizes = [128, 256], strides = [1, 1]} : vector<512x256xf32> to vector<128x256xf32>
    %dot_general3A_37 = arith.constant dense<0.000000e+00> : vector<1000x256xf32>
    %dot_general3A_38 = tpu.matmul %max3A_30, %slice3A_36, %dot_general3A_37 {dimension_numbers = #tpu.dot_dimension_numbers<[1], [0], [0], [1], [0, 0, 1, 1], [], []>, precision = #tpu.contract_precision<fp32>, transpose_lhs_hint = false} : vector<1000x128xf32>, vector<128x256xf32>, vector<1000x256xf32> -> vector<1000x256xf32>
    %add3A_39 = arith.addf %dot_general3A_35, %dot_general3A_38 : vector<1000x256xf32>
    %slice3A_40 = vector.extract_strided_slice %get3A_33 {offsets = [256, 0], sizes = [128, 256], strides = [1, 1]} : vector<512x256xf32> to vector<128x256xf32>
    %dot_general3A_41 = arith.constant dense<0.000000e+00> : vector<1000x256xf32>
    %dot_general3A_42 = tpu.matmul %max3A_15, %slice3A_40, %dot_general3A_41 {dimension_numbers = #tpu.dot_dimension_numbers<[1], [0], [0], [1], [0, 0, 1, 1], [], []>, precision = #tpu.contract_precision<fp32>, transpose_lhs_hint = false} : vector<1000x128xf32>, vector<128x256xf32>, vector<1000x256xf32> -> vector<1000x256xf32>
    %slice3A_43 = vector.extract_strided_slice %get3A_33 {offsets = [384, 0], sizes = [128, 256], strides = [1, 1]} : vector<512x256xf32> to vector<128x256xf32>
    %dot_general3A_44 = arith.constant dense<0.000000e+00> : vector<1000x256xf32>
    %dot_general3A_45 = tpu.matmul %max3A_30, %slice3A_43, %dot_general3A_44 {dimension_numbers = #tpu.dot_dimension_numbers<[1], [0], [0], [1], [0, 0, 1, 1], [], []>, precision = #tpu.contract_precision<fp32>, transpose_lhs_hint = false} : vector<1000x128xf32>, vector<128x256xf32>, vector<1000x256xf32> -> vector<1000x256xf32>
    %add3A_46 = arith.addf %dot_general3A_42, %dot_general3A_45 : vector<1000x256xf32>
    %get3A_47 = arith.constant 0 : index
    %get3A_48 = arith.constant 0 : index
    %get3A_49 = vector.load %arg8[%get3A_47, %get3A_48] : memref<1x256xf32, #tpu.memory_space<vmem>>, vector<1x256xf32>
    %add3A_50 = vector.broadcast %get3A_49 : vector<1x256xf32> to vector<1000x256xf32>
    %add3A_51 = arith.addf %add3A_39, %add3A_50 : vector<1000x256xf32>
    %swap3A = arith.constant 0 : index
    %swap3A_52 = arith.constant 0 : index
    %swap3A_53 = vector.load %arg9[%swap3A, %swap3A_52] : memref<1000x256xf32, #tpu.memory_space<vmem>>, vector<1000x256xf32>
    tpu.vector_store %arg9[%swap3A, %swap3A_52], %add3A_51 {strides = array<i32>} : memref<1000x256xf32, #tpu.memory_space<vmem>>, vector<1000x256xf32>,
    %swap3A_54 = arith.constant 0 : index
    %swap3A_55 = arith.constant 0 : index
    %swap3A_56 = vector.load %arg10[%swap3A_54, %swap3A_55] : memref<1000x256xf32, #tpu.memory_space<vmem>>, vector<1000x256xf32>
    tpu.vector_store %arg10[%swap3A_54, %swap3A_55], %add3A_46 {strides = array<i32>} : memref<1000x256xf32, #tpu.memory_space<vmem>>, vector<1000x256xf32>,
    return
  }
  func.func @transform_0(%arg0: i32) -> (i32, i32) {
    %c0_i32 = arith.constant 0 : i32
    %c0_i32_0 = arith.constant 0 : i32
    return %arg0, %c0_i32 : i32, i32
  }
  func.func @transform_1(%arg0: i32) -> (i32, i32) {
    %c0_i32 = arith.constant 0 : i32
    %c0_i32_0 = arith.constant 0 : i32
    return %arg0, %c0_i32 : i32, i32
  }
  func.func @transform_2(%arg0: i32) -> (i32, i32) {
    %c0_i32 = arith.constant 0 : i32
    %c0_i32_0 = arith.constant 0 : i32
    return %arg0, %c0_i32 : i32, i32
  }
  func.func @transform_3(%arg0: i32) -> (i32, i32) {
    %c0_i32 = arith.constant 0 : i32
    %c0_i32_0 = arith.constant 0 : i32
    return %arg0, %c0_i32 : i32, i32
  }
  func.func @transform_4(%arg0: i32) -> (i32, i32) {
    %c0_i32 = arith.constant 0 : i32
    %c0_i32_0 = arith.constant 0 : i32
    return %arg0, %c0_i32 : i32, i32
  }
  func.func @transform_5(%arg0: i32) -> (i32, i32) {
    %c0_i32 = arith.constant 0 : i32
    %c0_i32_0 = arith.constant 0 : i32
    %c0_i32_1 = arith.constant 0 : i32
    return %c0_i32, %c0_i32_0 : i32, i32
  }
  func.func @transform_6(%arg0: i32) -> (i32, i32) {
    %c0_i32 = arith.constant 0 : i32
    %c0_i32_0 = arith.constant 0 : i32
    %c0_i32_1 = arith.constant 0 : i32
    return %c0_i32, %c0_i32_0 : i32, i32
  }
  func.func @transform_7(%arg0: i32) -> (i32, i32) {
    %c0_i32 = arith.constant 0 : i32
    %c0_i32_0 = arith.constant 0 : i32
    %c0_i32_1 = arith.constant 0 : i32
    return %c0_i32, %c0_i32_0 : i32, i32
  }
  func.func @transform_8(%arg0: i32) -> (i32, i32) {
    %c0_i32 = arith.constant 0 : i32
    %c0_i32_0 = arith.constant 0 : i32
    return %arg0, %c0_i32 : i32, i32
  }
  func.func @transform_9(%arg0: i32) -> (i32, i32) {
    %c0_i32 = arith.constant 0 : i32
    %c0_i32_0 = arith.constant 0 : i32
    return %arg0, %c0_i32 : i32, i32
  }
}

</mosaic_0001>

<sc_bundles>
// kernel: kernel.11.cloned.1.call-start
scs
__scs_entry_jumppad:
0x0: {  	(pc) =	sbr.rel $0x88, $3  }
0x1: {  	(tag) =	ssettag $0x0;
	lr =	simm.s32 $0x1  }
0x2: {  	[smem:$0x3F95] =	sst lr;
	_ =	strace $0xD0000000  }
0x3: {  	_ = 	snop  }
0x4: {  	_ = 	snop  }
0x5: {  	_ = 	snop  }
0x6: {  	_ = 	snop  }
0x7: {  	_ = 	snop  }
__scs_overlays_trampoline_lowered:
0x8: {  	[smem:$0x3FA4] =	sst s0  }
0x9: {  	[smem:$0x3FA5] =	sst s1  }
0xa: {  	[smem:$0x3FA6] =	sst s2  }
0xb: {  	[smem:$0x3FA7] =	sst s3  }
0xc: {  	[smem:$0x3FA8] =	sst s4  }
0xd: {  	[smem:$0x3FA9] =	sst s5  }
0xe: {  	[smem:$0x3FAA] =	sst s6  }
0xf: {  	[smem:$0x3FAB] =	sst s7  }
0x10: {  	[smem:$0x3FAC] =	sst s8  }
0x11: {  	[smem:$0x3FAD] =	sst s9;
	s0 =	simm.s32 @!p0 $0x0  }
0x12: {  	s1 =	sld [smem:$0x3F93];
	s0 =	simm.s32 @p0 $0x1  }
0x13: {  	[smem:$0x3FAE] =	sst s0;
	s0 =	simm.s32 @!p1 $0x0  }
0x14: {  	s2 =	sld [smem:$0x3F92];
	s0 =	simm.s32 @p1 $0x1  }
0x15: {  	[smem:$0x3FAF] =	sst s0;
	s0 =	simm.s32 @!p2 $0x0  }
0x16: {  	s3 =	sld [smem:$0x3FDB];
	s0 =	simm.s32 @p2 $0x1  }
0x17: {  	s4 =	simm.s32 $0x1BF5;
	[smem:$0x3FB1] =	sst s0  }
0x18: {  	s0 =	sld [smem:$0x3F94];
	_ =	swait.ge [sflag:s4], $0x0  }
0x19: {  	s7 =	sld [smem:$0x3F95]  }
0x1a: {  	s8 =	sadd.s32 $0xFFFFE003, lr  }
0x1b: {  	s9 =	sadd.s32 $0xFFFFFEF7, lr;
	s5 =	simm.s32 $0xFFFFFFFF;
	p2 =	slt.u32 s8, $0xFFFFF086  }
0x1c: {  	p1 =	slt.u32 s9, $0xF7A;
	s5 =	simm.s32 @!p2 $0x0  }
0x1d: {  	s5 =	simm.s32 @p1 $0x1;
	p0 =	seq.s32 s7, s2  }
0x1e: {  	s7 =	smul.u32 @!p0 $0xF7A, s2;
	p2 =	seq.s32 @!p0 s5, $0x0  }
0x1f: {  	s9 =	smul.u32 $0xF7A, s1;
	s8 =	simm.s32 @!p0 $0x1BF5;
	p2 =	por !p2, p0  }
0x20: {  	[sflag:s8] =	ssyncset.s32 @!p0 $0xFFFFF086;
	s6 =	sadd.s32 @!p0 s3, s7;
	s7 =	simm.s32 @!p0 $0x108  }
0x21: {  	s3 =	sadd.s32 s3, s9;
	s6 =	sadd.s32 @!p0 $0x88, s6;
	s7 =	simm.s32 @p2 $0x1082  }
0x22: {  	[simem:s7], [sflag:s8] =	dma.local @!p0 [hbm:s6], $0xF7A  }
0x23: {  	s9 =	sor.u32 $0xD0000000, s2;
	s6 =	simm.s32 $0x108;
	_ =	swait.ge @!p0 [sflag:s8], $0x0  }
0x24: {  	s3 =	sadd.s32 $0x88, s3;
	s6 =	simm.s32 @!p1 $0x1082;
	[sflag:s4] =	ssyncset.s32 $0xFFFFF086  }
0x25: {  	[simem:s6], [sflag:s4] =	dma.local [hbm:s3], $0xF7A  }
0x26: {  	[smem:$0x3F95] =	sst s1;
	(tag) =	ssettag s2;
	_ =	strace s9  }
0x27: {  	s1 =	sld [smem:$0x3FA5]  }
0x28: {  	s2 =	sld [smem:$0x3FA6]  }
0x29: {  	s4 =	sld [smem:$0x3FA8]  }
0x2a: {  	p0 =	seq.s32 s5, $0x0;
	s5 =	sld [smem:$0x3FA9]  }
0x2b: {  	s6 =	sld [smem:$0x3FAA]  }
0x2c: {  	s7 =	sld [smem:$0x3FAB]  }
0x2d: {  	s3 =	simm.s32 $0x108;
	s8 =	sld [smem:$0x3FAC]  }
0x2e: {  	s3 =	simm.s32 @!p0 $0x1082;
	s9 =	sld [smem:$0x3FAD]  }
0x2f: {  	lr =	sadd.s32 s0, s3;
	s0 =	sld [smem:$0x3FA4]  }
0x30: {  	s3 =	sld [smem:$0x3FA7]  }
0x31: {  	[smem:$0x3FB0] =	sst s10  }
0x32: {  	s10 =	sld [smem:$0x3FAE];
	_ =	sdelay $0x3  }
0x33: {  	p0 =	seq.s32 s10, $0x1;
	s10 =	sld [smem:$0x3FB0];
	_ =	sdelay $0x3  }
0x34: {  	[smem:$0x3FB0] =	sst s10  }
0x35: {  	s10 =	sld [smem:$0x3FAF];
	_ =	sdelay $0x3  }
0x36: {  	p1 =	seq.s32 s10, $0x1;
	s10 =	sld [smem:$0x3FB0];
	_ =	sdelay $0x3  }
0x37: {  	[smem:$0x3FB0] =	sst s10  }
0x38: {  	s10 =	sld [smem:$0x3FB1]  }
0x39: {  	_ = 	snop;
	(pc) =	sbr.ind lr, $3  }
0x3a: {  	_ = 	snop  }
0x3b: {  	_ = 	snop  }
0x3c: {  	p2 =	seq.s32 s10, $0x1;
	s10 =	sld [smem:$0x3FB0]  }
0x3d: {  	_ =	shalt  }
0x3e: {  	_ =	shalt  }
0x3f: {  	_ =	shalt  }
0x40: {  	_ =	shalt  }
0x41: {  	_ =	shalt  }
0x42: {  	_ =	shalt  }
0x43: {  	_ =	shalt  }
0x44: {  	_ =	shalt  }
0x45: {  	_ =	shalt  }
0x46: {  	_ =	shalt  }
0x47: {  	_ =	shalt  }
0x48: {  	_ =	shalt  }
0x49: {  	_ =	shalt  }
0x4a: {  	_ =	shalt  }
0x4b: {  	_ =	shalt  }
0x4c: {  	_ =	shalt  }
0x4d: {  	_ =	shalt  }
0x4e: {  	_ =	shalt  }
0x4f: {  	_ =	shalt  }
0x50: {  	_ =	shalt  }
0x51: {  	_ =	shalt  }
0x52: {  	_ =	shalt  }
0x53: {  	_ =	shalt  }
0x54: {  	_ =	shalt  }
0x55: {  	_ =	shalt  }
0x56: {  	_ =	shalt  }
0x57: {  	_ =	shalt  }
0x58: {  	_ =	shalt  }
0x59: {  	_ =	shalt  }
0x5a: {  	_ =	shalt  }
0x5b: {  	_ =	shalt  }
0x5c: {  	_ =	shalt  }
0x5d: {  	_ =	shalt  }
0x5e: {  	_ =	shalt  }
0x5f: {  	_ =	shalt  }
0x60: {  	_ =	shalt  }
0x61: {  	_ =	shalt  }
0x62: {  	_ =	shalt  }
0x63: {  	_ =	shalt  }
0x64: {  	_ =	shalt  }
0x65: {  	_ =	shalt  }
0x66: {  	_ =	shalt  }
0x67: {  	_ =	shalt  }
0x68: {  	_ =	shalt  }
0x69: {  	_ =	shalt  }
0x6a: {  	_ =	shalt  }
0x6b: {  	_ =	shalt  }
0x6c: {  	_ =	shalt  }
0x6d: {  	_ =	shalt  }
0x6e: {  	_ =	shalt  }
0x6f: {  	_ =	shalt  }
0x70: {  	_ =	shalt  }
0x71: {  	_ =	shalt  }
0x72: {  	_ =	shalt  }
0x73: {  	_ =	shalt  }
0x74: {  	_ =	shalt  }
0x75: {  	_ =	shalt  }
0x76: {  	_ =	shalt  }
0x77: {  	_ =	shalt  }
0x78: {  	_ =	shalt  }
0x79: {  	_ =	shalt  }
0x7a: {  	_ =	shalt  }
0x7b: {  	_ =	shalt  }
0x7c: {  	_ =	shalt  }
0x7d: {  	_ =	shalt  }
0x7e: {  	_ =	shalt  }
0x7f: {  	_ =	shalt  }
0x80: {  	_ =	shalt  }
0x81: {  	_ =	shalt  }
0x82: {  	_ =	shalt  }
0x83: {  	_ =	shalt  }
0x84: {  	_ =	shalt  }
0x85: {  	_ =	shalt  }
0x86: {  	_ =	shalt  }
0x87: {  	_ =	shalt  }
.Lfunc_end0:
.L_simem_size_0:
called_computation_lowered:
.L_overlay_start_0:
0x88: {  	s2 =	sld [smem:$0x3FD9]  }
0x89: {  	s3 =	sld [smem:$0x3FFE];
	_ =	sdelay $0x1  }
0x8a: {  	s1 =	srdreg.scid  }
0x8b: {  	s0 =	sand.u32 $0x1, s1  }
0x8c: {  	s17 =	sshll.u32 s0, $0xA;
	s2 =	sadd.s32 s3, s2  }
0x8d: {  	s2 =	sadd.s32 s2, s17  }
0x8e: {  	[smem:$0x3FBC] =	sst s2  }
0x8f: {  	_ = 	snop  }
0x90: {  	s2 =	sld [smem:$0x3FD0];
	(tm) =	ssettm $0x1  }
0x91: {  	s18 =	sld [smem:$0x3FFB];
	_ =	sdelay $0x3  }
0x92: {  	_ =	strace s18  }
0x93: {  	s3 =	sld [smem:$0x3FFC];
	_ =	sdelay $0x3  }
0x94: {  	_ =	strace s3  }
0x95: {  	s3 =	sld [smem:$0x3FFD];
	_ =	sdelay $0x3  }
0x96: {  	_ =	strace s3  }
0x97: {  	_ =	strace $0x8FFFFFFF  }
0x98: {  	s19 =	sld [smem:$0x3FDB];
	_ =	sdelay $0x1  }
0x99: {  	s4 =	simm.s32 $_scs_section_size  }
0x9a: {  	s5 =	simm.s32 $_size__tile_overlayer_lowered;
	s6 =	simm.s32 $_tile_overlayer_lowered  }
0x9b: {  	s22 =	simm.s32 $0x1BFF;
	s21 =	sshll.u32 s6, $0x1;
	s3 =	sadd.s32 s4, s19  }
0x9c: {  	s7 =	simm.s32 $0x0;
	s20 =	sshll.u32 s5, $0x1;
	s5 =	sadd.s32 s21, s3  }
0x9d: {  	[timem:s7], [sflag:s22] =	dma.local [hbm:s5], s20  }
0x9e: {  	_ =	swait.ge [sflag:s22], s20  }
0x9f: {  	s4 =	ssub.s32 $0x0, s20;
	[sflag:s22] =	ssyncset.done $0x0  }
0xa0: {  	[sflag:s22] =	ssyncadd.s32 s4;
	_ =	sdelay $0x1  }
0xa1: {  	s23 =	simm.s32 $0x1B8B  }
0xa2: {  	_ =	swait.ge [sflag:s23], $0x1  }
0xa3: {  	[sflag:s23] =	ssyncset.done $0x0  }
0xa4: {  	s25 =	simm.s32 $0x1B8E;
	s24 =	sld [smem:$0x3FFE];
	[sflag:s23] =	ssyncadd.s32 $0xFFFFFFFF  }
0xa5: {  	s26 =	simm.s32 $execute0_lowered;
	[smem:$0x3FD2] =	sst s25  }
0xa6: {  	s5 =	sshll.u32 s26, $0x1;
	_ =	strace $0x80000046;
	[dreg:$0x1] =	wrdreg $0xFFFFFFFF  }
0xa7: {  	s28 =	simm.s32 $_size_execute0_lowered;
	s3 =	sadd.s32 s3, s5;
	[dreg:$0x0] =	wrdreg $0x0  }
0xa8: {  	s5 =	sshll.u32 s28, $0x1;
	[dreg:$0x2] =	wrdreg s3  }
0xa9: {  	[dreg:$0x3] =	wrdreg s5  }
0xaa: {  	[dreg:$0x4] =	wrdreg $0xC0  }
0xab: {  	_ =	task [dreg:s7], $0x5FFFF  }
0xac: {  	[dreg:$0x1] =	wrdreg $0xFFFFFFFF  }
0xad: {  	[dreg:$0x0] =	wrdreg $0x60  }
0xae: {  	[dreg:$0x2] =	wrdreg s24  }
0xaf: {  	[dreg:$0x3] =	wrdreg s2  }
0xb0: {  	[dreg:$0x4] =	wrdreg $0x38000  }
0xb1: {  	[dreg:$0x5] =	wrdreg $0x9  }
0xb2: {  	_ =	task.clear_ibuf [dreg:s7], $0x6FFFF;
	_ =	strace $0x90000046  }
0xb3: {  	s29 =	simm.s32 $0x9;
	_ =	strace $0x80000048  }
0xb4: {  	_ =	swait.ge [sflag:s29], $0x1  }
0xb5: {  	[sflag:s29] =	ssyncadd.s32 $0xFFFFFFFF  }
0xb6: {  	_ =	strace $0x90000048  }
0xb7: {  	_ =	sfence  }
0xb8: {  	s30 =	sld [smem:$0x0];
	_ =	sdelay $0x2  }
0xb9: {  	s31 =	sshll.u32 s1, $0xD;
	s1 =	sshrl.u32 s1, $0x2  }
0xba: {  	s3 =	sand.u32 $0x4000, s31;
	s1 =	sadd.s32 s1, s30  }
0xbb: {  	s0 =	sor.u32 s3, s0;
	s1 =	sshll.u32 s1, $0x11  }
0xbc: {  	s0 =	sor.u32 s1, s0  }
0xbd: {  	s0 =	sadd.s32 $0x8F2B, s0  }
0xbe: {  	[sflag:s0] =	ssyncadd.remote.s32 $0x1  }
0xbf: {  	_ =	sfence.sel $0xFFFF  }
0xc0: {  	[dreg:$0x0] =	wrdreg $0xFFFFFFFF;
	(pc) =	sbr.abs _section_cstart, $3  }
0xc1: {  	[dreg:$0x1] =	wrdreg $0xFFFFFFFF  }
0xc2: {  	_ =	task.clear_ibuf [dreg:s7], $0x2FFFF;
	_ =	strace $0x9FFFFFFF  }
0xc3: {  	(tm) =	ssettm $0x7FFFFFFF  }
tec
execute0_lowered:
.L_overlay_start_1:
0x0: {  	(tag) =	ssettag $0x1  }
0x1: {  	s0 =	srdreg.scid;
	s1 =	rddreg [dreg:$0x0]  }
0x2: {  	s8 =	stileid.u32;
	s3 =	rddreg [dreg:$0x2]  }
0x3: {  	s4 =	simm.s32 $0x0;
	s25 =	simm.s32 $0x2880;
	s10 =	simm.s32 $0x2  }
0x4: {  	s26 =	simm.s32 $0x2900;
	s11 =	simm.s32 $0x2800;
	s12 =	simm.s32 $0x50  }
0x5: {  	s14 =	simm.s32 $0x2A00;
	s15 =	simm.s32 $0x1;
	s16 =	simm.s32 $0x2A80  }
0x6: {  	s17 =	simm.s32 $0x2B00;
	s28 =	simm.s32 $0x3000;
	s29 =	simm.s32 $0x3080  }
0x7: {  	s30 =	simm.s32 $0x3100;
	s31 =	simm.s32 $0x3180;
	s2 =	smul.u32 $0xA000, s8  }
0x8: {  	s13 =	simm.s32 $0x0;
	s0 =	sand.u32 $0x1, s0;
	s7 =	smul.u32 $0x14000, s8  }
0x9: {  	[smem:$0x7FF] =	sst s4;
	s19 =	smul.u32 $0x50000, s8;
	s20 =	sadd.s32 $0x1A400, s1  }
0xa: {  	s5 =	smul.u32 $0x5000, s0;
	_ =	strace $0x80000047;
	[dreg:$0x7] =	wrdreg s20  }
0xb: {  	s22 =	sshll.u32 s8, $0x6;
	s6 =	smul.u32 $0x140000, s0;
	[dreg:$0x5] =	wrdreg s25  }
0xc: {  	s0 =	ssub.s32 $0x2, s0;
	s8 =	sor.u32 $0x1C02, s22;
	[dreg:$0x6] =	wrdreg s26  }
0xd: {  	s20 =	simm.s32 $0x2C80;
	s22 =	simm.s32 $0x2D80;
	s25 =	simm.s32 $0x2F00  }
0xe: {  	s26 =	simm.s32 $0x2F80;
	s21 =	sshrl.u32 s0, $0x1;
	[dreg:$0x8] =	wrdreg s8  }
0xf: {  	s2 =	sadd.s32 s5, s2;
	s18 =	sadd.s32 s7, s6;
	s6 =	sshrl.u32 s19, $0x2  }
0x10: {  	s0 =	ssub.s32 s0, s21;
	s19 =	simm.s32 $0x2C00;
	s21 =	simm.s32 $0x2D00  }
0x11: {  	s7 =	simm.s32 $0x3400;
	s2 =	sshrl.u32 s2, $0x3;
	s5 =	sshrl.u32 s18, $0x3  }
0x12: {  	s23 =	sadd.s32 s6, s3;
	s0 =	smax.u32 s0, $0x1;
	s18 =	simm.s32 $0x2B80  }
0x13: {  	s2 =	sadd.s32 s2, s1;
	s1 =	sadd.s32 s5, s1;
	[dreg:$0xa] =	wrdreg s0  }
0x14: {  	s9 =	sshrl.u32 s23, $0x3;
	s23 =	simm.s32 $0x2E00;
	s0 =	simm.s32 $0x3280  }
0x15: {  	s5 =	simm.s32 $0x3380;
	s1 =	sadd.s32 $0x1AA00, s1;
	[dreg:$0xb] =	wrdreg s9  }
0x16: {  	s24 =	sadd.s32 $0x6400, s2;
	s2 =	simm.s32 $0x3300;
	[dreg:$0x9] =	wrdreg s1  }
0x17: {  	[dreg:$0x4] =	wrdreg s24;
	s24 =	simm.s32 $0x2E80;
	s1 =	simm.s32 $0x3200  }
.LBB2_1:
0x18: {  	[dreg:$0xc] =	wrdreg s13  }
0x19: {  	s6 =	rddreg [dreg:$0x1]  }
0x1a: {  	[spmem:s9], [sflag:s8] =	dma.local [hbm:s6], $0x2800  }
0x1b: {  	_ =	swait.ge [sflag:s10], $0x2800  }
0x1c: {  	[sflag:s10] =	ssyncset.done $0x0  }
0x1d: {  	s9 =	rddreg [dreg:$0x7];
	[sflag:s10] =	ssyncadd.s32 $0xFFFFD800  }
0x1e: {  	[tilespmem:s4], [sflag:$0x2] =	stream.linear.gather [hbm4b:s9+s4], $0x2800, $0x38;
	[tilespmem:$0x17800] =	vst v63  }
0x1f: {  	_ =	swait.ge [sflag:s10], $0x2800  }
0x20: {  	[sflag:s10] =	ssyncset.done $0x0  }
0x21: {  	[sflag:s10] =	ssyncadd.s32 $0xFFFFD800  }
0x22: {  	[bflag:$0x0] =	sbarrier.arrive $0xFFFF  }
0x23: {  	s13 =	rddreg [dreg:$0x4]  }
0x24: {  	s6 =	sadd.s32 $0x0, s13  }
0x25: {  	[tilespmem:s11], [sflag:$0x2] =	stream.linear.gather [hbm4b:s6+s4], $0xC80, $0x38;
	[tilespmem:$0x17800] =	vst v63  }
0x26: {  	_ =	swait.ge [sflag:s10], $0xC80  }
0x27: {  	[sflag:s10] =	ssyncset.done $0x0  }
0x28: {  	[sflag:s10] =	ssyncadd.s32 $0xFFFFF380  }
0x29: {  	[spmem:s3] =	stream.indirect.scatter.add.f32 [tilespmem:s4], [sflag:$0x1], $0x80, s11, s12, $0xb8;
	[tilespmem:$0x17800] =	vst v63  }
0x2a: {  	s8 =	rddreg [dreg:$0x5]  }
0x2b: {  	[spmem:s3] =	stream.indirect.scatter.add.f32 [tilespmem:s4], [sflag:$0x1], $0x80, s8, s12, $0xb8;
	[tilespmem:$0x17800] =	vst v63  }
0x2c: {  	s9 =	rddreg [dreg:$0x6]  }
0x2d: {  	[spmem:s3] =	stream.indirect.scatter.add.f32 [tilespmem:s4], [sflag:$0x1], $0x80, s9, s12, $0xb8;
	[tilespmem:$0x17800] =	vst v63  }
0x2e: {  	s13 =	simm.s32 $0x2980  }
0x2f: {  	[spmem:s3] =	stream.indirect.scatter.add.f32 [tilespmem:s4], [sflag:$0x1], $0x80, s13, s12, $0xb8;
	[tilespmem:$0x17800] =	vst v63  }
0x30: {  	_ = 	snop  }
0x31: {  	[spmem:s3] =	stream.indirect.scatter.add.f32 [tilespmem:s4], [sflag:$0x1], $0x80, s14, s12, $0xb8;
	[tilespmem:$0x17800] =	vst v63  }
0x32: {  	_ =	swait.ge [sflag:s15], $0x2800  }
0x33: {  	[sflag:s15] =	ssyncset.done $0x0  }
0x34: {  	[sflag:s15] =	ssyncadd.s32 $0xFFFFD800  }
0x35: {  	_ =	swait.ge [sflag:s15], $0x2800  }
0x36: {  	[sflag:s15] =	ssyncset.done $0x0  }
0x37: {  	[sflag:s15] =	ssyncadd.s32 $0xFFFFD800  }
0x38: {  	_ =	swait.ge [sflag:s15], $0x2800  }
0x39: {  	[sflag:s15] =	ssyncset.done $0x0  }
0x3a: {  	[sflag:s15] =	ssyncadd.s32 $0xFFFFD800  }
0x3b: {  	_ =	swait.ge [sflag:s15], $0x2800  }
0x3c: {  	[sflag:s15] =	ssyncset.done $0x0  }
0x3d: {  	[sflag:s15] =	ssyncadd.s32 $0xFFFFD800  }
0x3e: {  	_ =	swait.ge [sflag:s15], $0x2800  }
0x3f: {  	[sflag:s15] =	ssyncset.done $0x0  }
0x40: {  	[sflag:s15] =	ssyncadd.s32 $0xFFFFD800  }
0x41: {  	[spmem:s3] =	stream.indirect.scatter.add.f32 [tilespmem:s4], [sflag:$0x1], $0x80, s16, s12, $0xb8;
	[tilespmem:$0x17800] =	vst v63  }
0x42: {  	_ = 	snop  }
0x43: {  	[spmem:s3] =	stream.indirect.scatter.add.f32 [tilespmem:s4], [sflag:$0x1], $0x80, s17, s12, $0xb8;
	[tilespmem:$0x17800] =	vst v63  }
0x44: {  	_ = 	snop  }
0x45: {  	[spmem:s3] =	stream.indirect.scatter.add.f32 [tilespmem:s4], [sflag:$0x1], $0x80, s18, s12, $0xb8;
	[tilespmem:$0x17800] =	vst v63  }
0x46: {  	_ = 	snop  }
0x47: {  	[spmem:s3] =	stream.indirect.scatter.add.f32 [tilespmem:s4], [sflag:$0x1], $0x80, s19, s12, $0xb8;
	[tilespmem:$0x17800] =	vst v63  }
0x48: {  	_ = 	snop  }
0x49: {  	[spmem:s3] =	stream.indirect.scatter.add.f32 [tilespmem:s4], [sflag:$0x1], $0x80, s20, s12, $0xb8;
	[tilespmem:$0x17800] =	vst v63  }
0x4a: {  	_ =	swait.ge [sflag:s15], $0x2800  }
0x4b: {  	[sflag:s15] =	ssyncset.done $0x0  }
0x4c: {  	[sflag:s15] =	ssyncadd.s32 $0xFFFFD800  }
0x4d: {  	_ =	swait.ge [sflag:s15], $0x2800  }
0x4e: {  	[sflag:s15] =	ssyncset.done $0x0  }
0x4f: {  	[sflag:s15] =	ssyncadd.s32 $0xFFFFD800  }
0x50: {  	_ =	swait.ge [sflag:s15], $0x2800  }
0x51: {  	[sflag:s15] =	ssyncset.done $0x0  }
0x52: {  	[sflag:s15] =	ssyncadd.s32 $0xFFFFD800  }
0x53: {  	_ =	swait.ge [sflag:s15], $0x2800  }
0x54: {  	[sflag:s15] =	ssyncset.done $0x0  }
0x55: {  	[sflag:s15] =	ssyncadd.s32 $0xFFFFD800  }
0x56: {  	_ =	swait.ge [sflag:s15], $0x2800  }
0x57: {  	[sflag:s15] =	ssyncset.done $0x0  }
0x58: {  	[sflag:s15] =	ssyncadd.s32 $0xFFFFD800  }
0x59: {  	[spmem:s3] =	stream.indirect.scatter.add.f32 [tilespmem:s4], [sflag:$0x1], $0x80, s21, s12, $0xb8;
	[tilespmem:$0x17800] =	vst v63  }
0x5a: {  	_ = 	snop  }
0x5b: {  	[spmem:s3] =	stream.indirect.scatter.add.f32 [tilespmem:s4], [sflag:$0x1], $0x80, s22, s12, $0xb8;
	[tilespmem:$0x17800] =	vst v63  }
0x5c: {  	_ = 	snop  }
0x5d: {  	[spmem:s3] =	stream.indirect.scatter.add.f32 [tilespmem:s4], [sflag:$0x1], $0x80, s23, s12, $0xb8;
	[tilespmem:$0x17800] =	vst v63  }
0x5e: {  	_ = 	snop  }
0x5f: {  	[spmem:s3] =	stream.indirect.scatter.add.f32 [tilespmem:s4], [sflag:$0x1], $0x80, s24, s12, $0xb8;
	[tilespmem:$0x17800] =	vst v63  }
0x60: {  	_ = 	snop  }
0x61: {  	[spmem:s3] =	stream.indirect.scatter.add.f32 [tilespmem:s4], [sflag:$0x1], $0x80, s25, s12, $0xb8;
	[tilespmem:$0x17800] =	vst v63  }
0x62: {  	_ =	swait.ge [sflag:s15], $0x2800  }
0x63: {  	[sflag:s15] =	ssyncset.done $0x0  }
0x64: {  	[sflag:s15] =	ssyncadd.s32 $0xFFFFD800  }
0x65: {  	_ =	swait.ge [sflag:s15], $0x2800  }
0x66: {  	[sflag:s15] =	ssyncset.done $0x0  }
0x67: {  	[sflag:s15] =	ssyncadd.s32 $0xFFFFD800  }
0x68: {  	_ =	swait.ge [sflag:s15], $0x2800  }
0x69: {  	[sflag:s15] =	ssyncset.done $0x0  }
0x6a: {  	[sflag:s15] =	ssyncadd.s32 $0xFFFFD800  }
0x6b: {  	_ =	swait.ge [sflag:s15], $0x2800  }
0x6c: {  	[sflag:s15] =	ssyncset.done $0x0  }
0x6d: {  	[sflag:s15] =	ssyncadd.s32 $0xFFFFD800  }
0x6e: {  	_ =	swait.ge [sflag:s15], $0x2800  }
0x6f: {  	[sflag:s15] =	ssyncset.done $0x0  }
0x70: {  	[sflag:s15] =	ssyncadd.s32 $0xFFFFD800  }
0x71: {  	[spmem:s3] =	stream.indirect.scatter.add.f32 [tilespmem:s4], [sflag:$0x1], $0x80, s26, s12, $0xb8;
	[tilespmem:$0x17800] =	vst v63  }
0x72: {  	_ = 	snop  }
0x73: {  	[spmem:s3] =	stream.indirect.scatter.add.f32 [tilespmem:s4], [sflag:$0x1], $0x80, s28, s12, $0xb8;
	[tilespmem:$0x17800] =	vst v63  }
0x74: {  	_ = 	snop  }
0x75: {  	[spmem:s3] =	stream.indirect.scatter.add.f32 [tilespmem:s4], [sflag:$0x1], $0x80, s29, s12, $0xb8;
	[tilespmem:$0x17800] =	vst v63  }
0x76: {  	_ = 	snop  }
0x77: {  	[spmem:s3] =	stream.indirect.scatter.add.f32 [tilespmem:s4], [sflag:$0x1], $0x80, s30, s12, $0xb8;
	[tilespmem:$0x17800] =	vst v63  }
0x78: {  	_ = 	snop  }
0x79: {  	[spmem:s3] =	stream.indirect.scatter.add.f32 [tilespmem:s4], [sflag:$0x1], $0x80, s31, s12, $0xb8;
	[tilespmem:$0x17800] =	vst v63  }
0x7a: {  	_ =	swait.ge [sflag:s15], $0x2800  }
0x7b: {  	[sflag:s15] =	ssyncset.done $0x0  }
0x7c: {  	[sflag:s15] =	ssyncadd.s32 $0xFFFFD800  }
0x7d: {  	_ =	swait.ge [sflag:s15], $0x2800  }
0x7e: {  	[sflag:s15] =	ssyncset.done $0x0  }
0x7f: {  	[sflag:s15] =	ssyncadd.s32 $0xFFFFD800  }
0x80: {  	_ =	swait.ge [sflag:s15], $0x2800  }
0x81: {  	[sflag:s15] =	ssyncset.done $0x0  }
0x82: {  	[sflag:s15] =	ssyncadd.s32 $0xFFFFD800  }
0x83: {  	_ =	swait.ge [sflag:s15], $0x2800  }
0x84: {  	[sflag:s15] =	ssyncset.done $0x0  }
0x85: {  	[sflag:s15] =	ssyncadd.s32 $0xFFFFD800  }
0x86: {  	_ =	swait.ge [sflag:s15], $0x2800  }
0x87: {  	[sflag:s15] =	ssyncset.done $0x0  }
0x88: {  	[sflag:s15] =	ssyncadd.s32 $0xFFFFD800  }
0x89: {  	[spmem:s3] =	stream.indirect.scatter.add.f32 [tilespmem:s4], [sflag:$0x1], $0x80, s1, s12, $0xb8;
	[tilespmem:$0x17800] =	vst v63  }
0x8a: {  	_ = 	snop  }
0x8b: {  	[spmem:s3] =	stream.indirect.scatter.add.f32 [tilespmem:s4], [sflag:$0x1], $0x80, s0, s12, $0xb8;
	[tilespmem:$0x17800] =	vst v63  }
0x8c: {  	_ = 	snop  }
0x8d: {  	[spmem:s3] =	stream.indirect.scatter.add.f32 [tilespmem:s4], [sflag:$0x1], $0x80, s2, s12, $0xb8;
	[tilespmem:$0x17800] =	vst v63  }
0x8e: {  	_ = 	snop  }
0x8f: {  	[spmem:s3] =	stream.indirect.scatter.add.f32 [tilespmem:s4], [sflag:$0x1], $0x80, s5, s12, $0xb8;
	[tilespmem:$0x17800] =	vst v63  }
0x90: {  	_ = 	snop  }
0x91: {  	[spmem:s3] =	stream.indirect.scatter.add.f32 [tilespmem:s4], [sflag:$0x1], $0x80, s7, s12, $0xb8;
	[tilespmem:$0x17800] =	vst v63  }
0x92: {  	_ =	swait.ge [sflag:s15], $0x2800  }
0x93: {  	[sflag:s15] =	ssyncset.done $0x0  }
0x94: {  	[sflag:s15] =	ssyncadd.s32 $0xFFFFD800  }
0x95: {  	_ =	swait.ge [sflag:s15], $0x2800  }
0x96: {  	[sflag:s15] =	ssyncset.done $0x0  }
0x97: {  	[sflag:s15] =	ssyncadd.s32 $0xFFFFD800  }
0x98: {  	_ =	swait.ge [sflag:s15], $0x2800  }
0x99: {  	[sflag:s15] =	ssyncset.done $0x0  }
0x9a: {  	[sflag:s15] =	ssyncadd.s32 $0xFFFFD800  }
0x9b: {  	_ =	swait.ge [sflag:s15], $0x2800  }
0x9c: {  	[sflag:s15] =	ssyncset.done $0x0  }
0x9d: {  	[sflag:s15] =	ssyncadd.s32 $0xFFFFD800  }
0x9e: {  	s6 =	simm.s32 $0x200;
	_ =	swait.ge [sflag:s15], $0x2800  }
0x9f: {  	s9 =	simm.s32 $0x400;
	s8 =	rddreg [dreg:$0x4];
	[sflag:s15] =	ssyncset.done $0x0  }
.LBB2_2:
0xa0: {  	[sflag:s15] =	ssyncadd.s32 $0xFFFFD800;
	s8 =	sadd.s32 s6, s8  }
0xa1: {  	[tilespmem:s11], [sflag:$0x2] =	stream.linear.gather [hbm4b:s8+s4], $0xC80, $0x38;
	[tilespmem:$0x17800] =	vst v63  }
0xa2: {  	_ =	swait.ge [sflag:s10], $0xC80  }
0xa3: {  	[sflag:s10] =	ssyncset.done $0x0  }
0xa4: {  	[sflag:s10] =	ssyncadd.s32 $0xFFFFF380  }
0xa5: {  	[spmem:s3] =	stream.indirect.scatter.add.f32 [tilespmem:s4], [sflag:$0x1], $0x80, s11, s12, $0xb8;
	[tilespmem:$0x17800] =	vst v63  }
0xa6: {  	s13 =	smov.u32 s9;
	s8 =	rddreg [dreg:$0x5]  }
0xa7: {  	[spmem:s3] =	stream.indirect.scatter.add.f32 [tilespmem:s4], [sflag:$0x1], $0x80, s8, s12, $0xb8;
	[tilespmem:$0x17800] =	vst v63  }
0xa8: {  	s6 =	smov.u32 s13;
	s13 =	rddreg [dreg:$0x6]  }
0xa9: {  	[spmem:s3] =	stream.indirect.scatter.add.f32 [tilespmem:s4], [sflag:$0x1], $0x80, s13, s12, $0xb8;
	[tilespmem:$0x17800] =	vst v63  }
0xaa: {  	s13 =	simm.s32 $0x2980  }
0xab: {  	[spmem:s3] =	stream.indirect.scatter.add.f32 [tilespmem:s4], [sflag:$0x1], $0x80, s13, s12, $0xb8;
	[tilespmem:$0x17800] =	vst v63  }
0xac: {  	_ = 	snop  }
0xad: {  	[spmem:s3] =	stream.indirect.scatter.add.f32 [tilespmem:s4], [sflag:$0x1], $0x80, s14, s12, $0xb8;
	[tilespmem:$0x17800] =	vst v63  }
0xae: {  	_ =	swait.ge [sflag:s15], $0x2800  }
0xaf: {  	[sflag:s15] =	ssyncset.done $0x0  }
0xb0: {  	[sflag:s15] =	ssyncadd.s32 $0xFFFFD800  }
0xb1: {  	_ =	swait.ge [sflag:s15], $0x2800  }
0xb2: {  	[sflag:s15] =	ssyncset.done $0x0  }
0xb3: {  	[sflag:s15] =	ssyncadd.s32 $0xFFFFD800  }
0xb4: {  	_ =	swait.ge [sflag:s15], $0x2800  }
0xb5: {  	[sflag:s15] =	ssyncset.done $0x0  }
0xb6: {  	[sflag:s15] =	ssyncadd.s32 $0xFFFFD800  }
0xb7: {  	_ =	swait.ge [sflag:s15], $0x2800  }
0xb8: {  	[sflag:s15] =	ssyncset.done $0x0  }
0xb9: {  	[sflag:s15] =	ssyncadd.s32 $0xFFFFD800  }
0xba: {  	_ =	swait.ge [sflag:s15], $0x2800  }
0xbb: {  	[sflag:s15] =	ssyncset.done $0x0  }
0xbc: {  	[sflag:s15] =	ssyncadd.s32 $0xFFFFD800  }
0xbd: {  	[spmem:s3] =	stream.indirect.scatter.add.f32 [tilespmem:s4], [sflag:$0x1], $0x80, s16, s12, $0xb8;
	[tilespmem:$0x17800] =	vst v63  }
0xbe: {  	_ = 	snop  }
0xbf: {  	[spmem:s3] =	stream.indirect.scatter.add.f32 [tilespmem:s4], [sflag:$0x1], $0x80, s17, s12, $0xb8;
	[tilespmem:$0x17800] =	vst v63  }
0xc0: {  	_ = 	snop  }
0xc1: {  	[spmem:s3] =	stream.indirect.scatter.add.f32 [tilespmem:s4], [sflag:$0x1], $0x80, s18, s12, $0xb8;
	[tilespmem:$0x17800] =	vst v63  }
0xc2: {  	_ = 	snop  }
0xc3: {  	[spmem:s3] =	stream.indirect.scatter.add.f32 [tilespmem:s4], [sflag:$0x1], $0x80, s19, s12, $0xb8;
	[tilespmem:$0x17800] =	vst v63  }
0xc4: {  	_ = 	snop  }
0xc5: {  	[spmem:s3] =	stream.indirect.scatter.add.f32 [tilespmem:s4], [sflag:$0x1], $0x80, s20, s12, $0xb8;
	[tilespmem:$0x17800] =	vst v63  }
0xc6: {  	_ =	swait.ge [sflag:s15], $0x2800  }
0xc7: {  	[sflag:s15] =	ssyncset.done $0x0  }
0xc8: {  	[sflag:s15] =	ssyncadd.s32 $0xFFFFD800  }
0xc9: {  	_ =	swait.ge [sflag:s15], $0x2800  }
0xca: {  	[sflag:s15] =	ssyncset.done $0x0  }
0xcb: {  	[sflag:s15] =	ssyncadd.s32 $0xFFFFD800  }
0xcc: {  	_ =	swait.ge [sflag:s15], $0x2800  }
0xcd: {  	[sflag:s15] =	ssyncset.done $0x0  }
0xce: {  	[sflag:s15] =	ssyncadd.s32 $0xFFFFD800  }
0xcf: {  	_ =	swait.ge [sflag:s15], $0x2800  }
0xd0: {  	[sflag:s15] =	ssyncset.done $0x0  }
0xd1: {  	[sflag:s15] =	ssyncadd.s32 $0xFFFFD800  }
0xd2: {  	_ =	swait.ge [sflag:s15], $0x2800  }
0xd3: {  	[sflag:s15] =	ssyncset.done $0x0  }
0xd4: {  	[sflag:s15] =	ssyncadd.s32 $0xFFFFD800  }
0xd5: {  	[spmem:s3] =	stream.indirect.scatter.add.f32 [tilespmem:s4], [sflag:$0x1], $0x80, s21, s12, $0xb8;
	[tilespmem:$0x17800] =	vst v63  }
0xd6: {  	_ = 	snop  }
0xd7: {  	[spmem:s3] =	stream.indirect.scatter.add.f32 [tilespmem:s4], [sflag:$0x1], $0x80, s22, s12, $0xb8;
	[tilespmem:$0x17800] =	vst v63  }
0xd8: {  	_ = 	snop  }
0xd9: {  	[spmem:s3] =	stream.indirect.scatter.add.f32 [tilespmem:s4], [sflag:$0x1], $0x80, s23, s12, $0xb8;
	[tilespmem:$0x17800] =	vst v63  }
0xda: {  	_ = 	snop  }
0xdb: {  	[spmem:s3] =	stream.indirect.scatter.add.f32 [tilespmem:s4], [sflag:$0x1], $0x80, s24, s12, $0xb8;
	[tilespmem:$0x17800] =	vst v63  }
0xdc: {  	_ = 	snop  }
0xdd: {  	[spmem:s3] =	stream.indirect.scatter.add.f32 [tilespmem:s4], [sflag:$0x1], $0x80, s25, s12, $0xb8;
	[tilespmem:$0x17800] =	vst v63  }
0xde: {  	_ =	swait.ge [sflag:s15], $0x2800  }
0xdf: {  	[sflag:s15] =	ssyncset.done $0x0  }
0xe0: {  	[sflag:s15] =	ssyncadd.s32 $0xFFFFD800  }
0xe1: {  	_ =	swait.ge [sflag:s15], $0x2800  }
0xe2: {  	[sflag:s15] =	ssyncset.done $0x0  }
0xe3: {  	[sflag:s15] =	ssyncadd.s32 $0xFFFFD800  }
0xe4: {  	_ =	swait.ge [sflag:s15], $0x2800  }
0xe5: {  	[sflag:s15] =	ssyncset.done $0x0  }
0xe6: {  	[sflag:s15] =	ssyncadd.s32 $0xFFFFD800  }
0xe7: {  	_ =	swait.ge [sflag:s15], $0x2800  }
0xe8: {  	[sflag:s15] =	ssyncset.done $0x0  }
0xe9: {  	[sflag:s15] =	ssyncadd.s32 $0xFFFFD800  }
0xea: {  	_ =	swait.ge [sflag:s15], $0x2800  }
0xeb: {  	[sflag:s15] =	ssyncset.done $0x0  }
0xec: {  	[sflag:s15] =	ssyncadd.s32 $0xFFFFD800  }
0xed: {  	[spmem:s3] =	stream.indirect.scatter.add.f32 [tilespmem:s4], [sflag:$0x1], $0x80, s26, s12, $0xb8;
	[tilespmem:$0x17800] =	vst v63  }
0xee: {  	_ = 	snop  }
0xef: {  	[spmem:s3] =	stream.indirect.scatter.add.f32 [tilespmem:s4], [sflag:$0x1], $0x80, s28, s12, $0xb8;
	[tilespmem:$0x17800] =	vst v63  }
0xf0: {  	_ = 	snop  }
0xf1: {  	[spmem:s3] =	stream.indirect.scatter.add.f32 [tilespmem:s4], [sflag:$0x1], $0x80, s29, s12, $0xb8;
	[tilespmem:$0x17800] =	vst v63  }
0xf2: {  	_ = 	snop  }
0xf3: {  	[spmem:s3] =	stream.indirect.scatter.add.f32 [tilespmem:s4], [sflag:$0x1], $0x80, s30, s12, $0xb8;
	[tilespmem:$0x17800] =	vst v63  }
0xf4: {  	_ = 	snop  }
0xf5: {  	[spmem:s3] =	stream.indirect.scatter.add.f32 [tilespmem:s4], [sflag:$0x1], $0x80, s31, s12, $0xb8;
	[tilespmem:$0x17800] =	vst v63  }
0xf6: {  	_ =	swait.ge [sflag:s15], $0x2800  }
0xf7: {  	[sflag:s15] =	ssyncset.done $0x0  }
0xf8: {  	[sflag:s15] =	ssyncadd.s32 $0xFFFFD800  }
0xf9: {  	_ =	swait.ge [sflag:s15], $0x2800  }
0xfa: {  	[sflag:s15] =	ssyncset.done $0x0  }
0xfb: {  	[sflag:s15] =	ssyncadd.s32 $0xFFFFD800  }
0xfc: {  	_ =	swait.ge [sflag:s15], $0x2800  }
0xfd: {  	[sflag:s15] =	ssyncset.done $0x0  }
0xfe: {  	[sflag:s15] =	ssyncadd.s32 $0xFFFFD800  }
0xff: {  	_ =	swait.ge [sflag:s15], $0x2800  }
0x100: {  	[sflag:s15] =	ssyncset.done $0x0  }
0x101: {  	[sflag:s15] =	ssyncadd.s32 $0xFFFFD800  }
0x102: {  	_ =	swait.ge [sflag:s15], $0x2800  }
0x103: {  	[sflag:s15] =	ssyncset.done $0x0  }
0x104: {  	[sflag:s15] =	ssyncadd.s32 $0xFFFFD800  }
0x105: {  	[spmem:s3] =	stream.indirect.scatter.add.f32 [tilespmem:s4], [sflag:$0x1], $0x80, s1, s12, $0xb8;
	[tilespmem:$0x17800] =	vst v63  }
0x106: {  	_ = 	snop  }
0x107: {  	[spmem:s3] =	stream.indirect.scatter.add.f32 [tilespmem:s4], [sflag:$0x1], $0x80, s0, s12, $0xb8;
	[tilespmem:$0x17800] =	vst v63  }
0x108: {  	_ = 	snop  }
0x109: {  	[spmem:s3] =	stream.indirect.scatter.add.f32 [tilespmem:s4], [sflag:$0x1], $0x80, s2, s12, $0xb8;
	[tilespmem:$0x17800] =	vst v63  }
0x10a: {  	_ = 	snop  }
0x10b: {  	[spmem:s3] =	stream.indirect.scatter.add.f32 [tilespmem:s4], [sflag:$0x1], $0x80, s5, s12, $0xb8;
	[tilespmem:$0x17800] =	vst v63  }
0x10c: {  	_ = 	snop  }
0x10d: {  	[spmem:s3] =	stream.indirect.scatter.add.f32 [tilespmem:s4], [sflag:$0x1], $0x80, s7, s12, $0xb8;
	[tilespmem:$0x17800] =	vst v63  }
0x10e: {  	_ =	swait.ge [sflag:s15], $0x2800  }
0x10f: {  	[sflag:s15] =	ssyncset.done $0x0  }
0x110: {  	[sflag:s15] =	ssyncadd.s32 $0xFFFFD800  }
0x111: {  	_ =	swait.ge [sflag:s15], $0x2800  }
0x112: {  	[sflag:s15] =	ssyncset.done $0x0  }
0x113: {  	[sflag:s15] =	ssyncadd.s32 $0xFFFFD800  }
0x114: {  	_ =	swait.ge [sflag:s15], $0x2800  }
0x115: {  	[sflag:s15] =	ssyncset.done $0x0  }
0x116: {  	p0 =	sne.s32 s9, $0x800;
	[sflag:s15] =	ssyncadd.s32 $0xFFFFD800  }
.Ltmp0:
0x117: {  	_ =	swait.ge [sflag:s15], $0x2800;
	(pc) =	sbr.rel @p0 .LBB2_2-.Ltmp0, $4  }
0x118: {  	[sflag:s15] =	ssyncset.done $0x0  }
0x119: {  	[sflag:s15] =	ssyncadd.s32 $0xFFFFD800  }
0x11a: {  	_ =	swait.ge [sflag:s15], $0x2800  }
0x11b: {  	s9 =	sadd.s32 $0x200, s9;
	s8 =	rddreg [dreg:$0x4];
	[sflag:s15] =	ssyncset.done $0x0  }
0x11c: {  	[sflag:s15] =	ssyncadd.s32 $0xFFFFD800;
	s6 =	sadd.s32 s6, s8  }
0x11d: {  	[tilespmem:s11], [sflag:$0x2] =	stream.linear.gather [hbm4b:s6+s4], $0xC80, $0x38;
	[tilespmem:$0x17800] =	vst v63  }
0x11e: {  	_ =	swait.ge [sflag:s10], $0xC80  }
0x11f: {  	[sflag:s10] =	ssyncset.done $0x0  }
0x120: {  	[sflag:s10] =	ssyncadd.s32 $0xFFFFF380  }
0x121: {  	[spmem:s3] =	stream.indirect.scatter.add.f32 [tilespmem:s4], [sflag:$0x1], $0x80, s11, s12, $0xb8;
	[tilespmem:$0x17800] =	vst v63  }
0x122: {  	s9 =	rddreg [dreg:$0x5]  }
0x123: {  	[spmem:s3] =	stream.indirect.scatter.add.f32 [tilespmem:s4], [sflag:$0x1], $0x80, s9, s12, $0xb8;
	[tilespmem:$0x17800] =	vst v63  }
0x124: {  	s13 =	rddreg [dreg:$0x6]  }
0x125: {  	[spmem:s3] =	stream.indirect.scatter.add.f32 [tilespmem:s4], [sflag:$0x1], $0x80, s13, s12, $0xb8;
	[tilespmem:$0x17800] =	vst v63  }
0x126: {  	s9 =	simm.s32 $0x2980  }
0x127: {  	[spmem:s3] =	stream.indirect.scatter.add.f32 [tilespmem:s4], [sflag:$0x1], $0x80, s9, s12, $0xb8;
	[tilespmem:$0x17800] =	vst v63  }
0x128: {  	_ = 	snop  }
0x129: {  	[spmem:s3] =	stream.indirect.scatter.add.f32 [tilespmem:s4], [sflag:$0x1], $0x80, s14, s12, $0xb8;
	[tilespmem:$0x17800] =	vst v63  }
0x12a: {  	_ =	swait.ge [sflag:s15], $0x2800  }
0x12b: {  	[sflag:s15] =	ssyncset.done $0x0  }
0x12c: {  	[sflag:s15] =	ssyncadd.s32 $0xFFFFD800  }
0x12d: {  	_ =	swait.ge [sflag:s15], $0x2800  }
0x12e: {  	[sflag:s15] =	ssyncset.done $0x0  }
0x12f: {  	[sflag:s15] =	ssyncadd.s32 $0xFFFFD800  }
0x130: {  	_ =	swait.ge [sflag:s15], $0x2800  }
0x131: {  	[sflag:s15] =	ssyncset.done $0x0  }
0x132: {  	[sflag:s15] =	ssyncadd.s32 $0xFFFFD800  }
0x133: {  	_ =	swait.ge [sflag:s15], $0x2800  }
0x134: {  	[sflag:s15] =	ssyncset.done $0x0  }
0x135: {  	[sflag:s15] =	ssyncadd.s32 $0xFFFFD800  }
0x136: {  	_ =	swait.ge [sflag:s15], $0x2800  }
0x137: {  	[sflag:s15] =	ssyncset.done $0x0  }
0x138: {  	[sflag:s15] =	ssyncadd.s32 $0xFFFFD800  }
0x139: {  	[spmem:s3] =	stream.indirect.scatter.add.f32 [tilespmem:s4], [sflag:$0x1], $0x80, s16, s12, $0xb8;
	[tilespmem:$0x17800] =	vst v63  }
0x13a: {  	_ = 	snop  }
0x13b: {  	[spmem:s3] =	stream.indirect.scatter.add.f32 [tilespmem:s4], [sflag:$0x1], $0x80, s17, s12, $0xb8;
	[tilespmem:$0x17800] =	vst v63  }
0x13c: {  	_ = 	snop  }
0x13d: {  	[spmem:s3] =	stream.indirect.scatter.add.f32 [tilespmem:s4], [sflag:$0x1], $0x80, s18, s12, $0xb8;
	[tilespmem:$0x17800] =	vst v63  }
0x13e: {  	_ = 	snop  }
0x13f: {  	[spmem:s3] =	stream.indirect.scatter.add.f32 [tilespmem:s4], [sflag:$0x1], $0x80, s19, s12, $0xb8;
	[tilespmem:$0x17800] =	vst v63  }
0x140: {  	_ = 	snop  }
0x141: {  	[spmem:s3] =	stream.indirect.scatter.add.f32 [tilespmem:s4], [sflag:$0x1], $0x80, s20, s12, $0xb8;
	[tilespmem:$0x17800] =	vst v63  }
0x142: {  	_ =	swait.ge [sflag:s15], $0x2800  }
0x143: {  	[sflag:s15] =	ssyncset.done $0x0  }
0x144: {  	[sflag:s15] =	ssyncadd.s32 $0xFFFFD800  }
0x145: {  	_ =	swait.ge [sflag:s15], $0x2800  }
0x146: {  	[sflag:s15] =	ssyncset.done $0x0  }
0x147: {  	[sflag:s15] =	ssyncadd.s32 $0xFFFFD800  }
0x148: {  	_ =	swait.ge [sflag:s15], $0x2800  }
0x149: {  	[sflag:s15] =	ssyncset.done $0x0  }
0x14a: {  	[sflag:s15] =	ssyncadd.s32 $0xFFFFD800  }
0x14b: {  	_ =	swait.ge [sflag:s15], $0x2800  }
0x14c: {  	[sflag:s15] =	ssyncset.done $0x0  }
0x14d: {  	[sflag:s15] =	ssyncadd.s32 $0xFFFFD800  }
0x14e: {  	_ =	swait.ge [sflag:s15], $0x2800  }
0x14f: {  	[sflag:s15] =	ssyncset.done $0x0  }
0x150: {  	[sflag:s15] =	ssyncadd.s32 $0xFFFFD800  }
0x151: {  	[spmem:s3] =	stream.indirect.scatter.add.f32 [tilespmem:s4], [sflag:$0x1], $0x80, s21, s12, $0xb8;
	[tilespmem:$0x17800] =	vst v63  }
0x152: {  	_ = 	snop  }
0x153: {  	[spmem:s3] =	stream.indirect.scatter.add.f32 [tilespmem:s4], [sflag:$0x1], $0x80, s22, s12, $0xb8;
	[tilespmem:$0x17800] =	vst v63  }
0x154: {  	_ = 	snop  }
0x155: {  	[spmem:s3] =	stream.indirect.scatter.add.f32 [tilespmem:s4], [sflag:$0x1], $0x80, s23, s12, $0xb8;
	[tilespmem:$0x17800] =	vst v63  }
0x156: {  	_ = 	snop  }
0x157: {  	[spmem:s3] =	stream.indirect.scatter.add.f32 [tilespmem:s4], [sflag:$0x1], $0x80, s24, s12, $0xb8;
	[tilespmem:$0x17800] =	vst v63  }
0x158: {  	_ = 	snop  }
0x159: {  	[spmem:s3] =	stream.indirect.scatter.add.f32 [tilespmem:s4], [sflag:$0x1], $0x80, s25, s12, $0xb8;
	[tilespmem:$0x17800] =	vst v63  }
0x15a: {  	_ =	swait.ge [sflag:s15], $0x2800  }
0x15b: {  	[sflag:s15] =	ssyncset.done $0x0  }
0x15c: {  	[sflag:s15] =	ssyncadd.s32 $0xFFFFD800  }
0x15d: {  	_ =	swait.ge [sflag:s15], $0x2800  }
0x15e: {  	[sflag:s15] =	ssyncset.done $0x0  }
0x15f: {  	[sflag:s15] =	ssyncadd.s32 $0xFFFFD800  }
0x160: {  	_ =	swait.ge [sflag:s15], $0x2800  }
0x161: {  	[sflag:s15] =	ssyncset.done $0x0  }
0x162: {  	[sflag:s15] =	ssyncadd.s32 $0xFFFFD800  }
0x163: {  	_ =	swait.ge [sflag:s15], $0x2800  }
0x164: {  	[sflag:s15] =	ssyncset.done $0x0  }
0x165: {  	[sflag:s15] =	ssyncadd.s32 $0xFFFFD800  }
0x166: {  	_ =	swait.ge [sflag:s15], $0x2800  }
0x167: {  	[sflag:s15] =	ssyncset.done $0x0  }
0x168: {  	[sflag:s15] =	ssyncadd.s32 $0xFFFFD800  }
0x169: {  	[spmem:s3] =	stream.indirect.scatter.add.f32 [tilespmem:s4], [sflag:$0x1], $0x80, s26, s12, $0xb8;
	[tilespmem:$0x17800] =	vst v63  }
0x16a: {  	_ = 	snop  }
0x16b: {  	[spmem:s3] =	stream.indirect.scatter.add.f32 [tilespmem:s4], [sflag:$0x1], $0x80, s28, s12, $0xb8;
	[tilespmem:$0x17800] =	vst v63  }
0x16c: {  	_ = 	snop  }
0x16d: {  	[spmem:s3] =	stream.indirect.scatter.add.f32 [tilespmem:s4], [sflag:$0x1], $0x80, s29, s12, $0xb8;
	[tilespmem:$0x17800] =	vst v63  }
0x16e: {  	_ = 	snop  }
0x16f: {  	[spmem:s3] =	stream.indirect.scatter.add.f32 [tilespmem:s4], [sflag:$0x1], $0x80, s30, s12, $0xb8;
	[tilespmem:$0x17800] =	vst v63  }
0x170: {  	_ = 	snop  }
0x171: {  	[spmem:s3] =	stream.indirect.scatter.add.f32 [tilespmem:s4], [sflag:$0x1], $0x80, s31, s12, $0xb8;
	[tilespmem:$0x17800] =	vst v63  }
0x172: {  	_ =	swait.ge [sflag:s15], $0x2800  }
0x173: {  	[sflag:s15] =	ssyncset.done $0x0  }
0x174: {  	[sflag:s15] =	ssyncadd.s32 $0xFFFFD800  }
0x175: {  	_ =	swait.ge [sflag:s15], $0x2800  }
0x176: {  	[sflag:s15] =	ssyncset.done $0x0  }
0x177: {  	[sflag:s15] =	ssyncadd.s32 $0xFFFFD800  }
0x178: {  	_ =	swait.ge [sflag:s15], $0x2800  }
0x179: {  	[sflag:s15] =	ssyncset.done $0x0  }
0x17a: {  	[sflag:s15] =	ssyncadd.s32 $0xFFFFD800  }
0x17b: {  	_ =	swait.ge [sflag:s15], $0x2800  }
0x17c: {  	[sflag:s15] =	ssyncset.done $0x0  }
0x17d: {  	[sflag:s15] =	ssyncadd.s32 $0xFFFFD800  }
0x17e: {  	_ =	swait.ge [sflag:s15], $0x2800  }
0x17f: {  	[sflag:s15] =	ssyncset.done $0x0  }
0x180: {  	[sflag:s15] =	ssyncadd.s32 $0xFFFFD800  }
0x181: {  	[spmem:s3] =	stream.indirect.scatter.add.f32 [tilespmem:s4], [sflag:$0x1], $0x80, s1, s12, $0xb8;
	[tilespmem:$0x17800] =	vst v63  }
0x182: {  	_ = 	snop  }
0x183: {  	[spmem:s3] =	stream.indirect.scatter.add.f32 [tilespmem:s4], [sflag:$0x1], $0x80, s0, s12, $0xb8;
	[tilespmem:$0x17800] =	vst v63  }
0x184: {  	_ = 	snop  }
0x185: {  	[spmem:s3] =	stream.indirect.scatter.add.f32 [tilespmem:s4], [sflag:$0x1], $0x80, s2, s12, $0xb8;
	[tilespmem:$0x17800] =	vst v63  }
0x186: {  	_ = 	snop  }
0x187: {  	[spmem:s3] =	stream.indirect.scatter.add.f32 [tilespmem:s4], [sflag:$0x1], $0x80, s5, s12, $0xb8;
	[tilespmem:$0x17800] =	vst v63  }
0x188: {  	_ = 	snop  }
0x189: {  	[spmem:s3] =	stream.indirect.scatter.add.f32 [tilespmem:s4], [sflag:$0x1], $0x80, s7, s12, $0xb8;
	[tilespmem:$0x17800] =	vst v63  }
0x18a: {  	_ =	swait.ge [sflag:s15], $0x2800  }
0x18b: {  	[sflag:s15] =	ssyncset.done $0x0  }
0x18c: {  	[sflag:s15] =	ssyncadd.s32 $0xFFFFD800  }
0x18d: {  	_ =	swait.ge [sflag:s15], $0x2800  }
0x18e: {  	[sflag:s15] =	ssyncset.done $0x0  }
0x18f: {  	[sflag:s15] =	ssyncadd.s32 $0xFFFFD800  }
0x190: {  	_ =	swait.ge [sflag:s15], $0x2800  }
0x191: {  	[sflag:s15] =	ssyncset.done $0x0  }
0x192: {  	[sflag:s15] =	ssyncadd.s32 $0xFFFFD800  }
0x193: {  	_ =	swait.ge [sflag:s15], $0x2800  }
0x194: {  	[sflag:s15] =	ssyncset.done $0x0  }
0x195: {  	[sflag:s15] =	ssyncadd.s32 $0xFFFFD800  }
0x196: {  	_ =	swait.ge [sflag:s15], $0x2800  }
0x197: {  	[sflag:s15] =	ssyncset.done $0x0  }
0x198: {  	[sflag:s15] =	ssyncadd.s32 $0xFFFFD800  }
0x199: {  	[bflag:$0x0] =	sbarrier.arrive $0xFFFF  }
0x19a: {  	s8 =	rddreg [dreg:$0x8]  }
0x19b: {  	s13 =	rddreg [dreg:$0x9]  }
0x19c: {  	s9 =	rddreg [dreg:$0xb]  }
0x19d: {  	[hbm:s13], [sflag:s8] =	dma.local [spmem:s9], $0x2800  }
0x19e: {  	_ =	swait.ge [sflag:s10], $0x2800  }
0x19f: {  	s13 =	rddreg [dreg:$0xc]  }
0x1a0: {  	s6 =	rddreg [dreg:$0xa];
	s13 =	sadd.s32 $0x1, s13  }
0x1a1: {  	p0 =	sne.s32 s13, s6  }
.Ltmp1:
0x1a2: {  	_ = 	snop;
	(pc) =	sbr.rel @p0 .LBB2_1-.Ltmp1, $3  }
0x1a3: {  	_ =	sdelay $0x1  }
0x1a4: {  	[sflag:s10] =	ssyncset.done $0x0  }
0x1a5: {  	[sflag:s10] =	ssyncadd.s32 $0xFFFFD800  }
0x1a6: {  	_ =	sfence.sel $0x180000  }
0x1a7: {  	[bflag:$0x0] =	sbarrier.arrive $0xFFFF  }
0x1a8: {  	_ =	strace $0x90000047  }
0x1a9: {  	s0 =	stileid.u32;
	[bflag:$0x2] =	sbarrier.arrive $0xFFFF  }
0x1aa: {  	p0 =	sne.s32 s0, $0x0;
	s0 =	rddreg [dreg:$0x3]  }
0x1ab: {  	s0 =	sadd.s32 @!p0 $0x100000, s0  }
0x1ac: {  	[sflag:s0] =	ssyncadd.tile.s32 @!p0 $0x1;
	_ =	shalt  }
.Lfunc_end2:
_tile_overlayer_lowered:
.L_overlay_start_2:
0x1ad: {  	(tag) =	ssettag $0x2  }
0x1ae: {  	s0 =	rddreg [dreg:$0x0];
	s2 =	stileid.u32  }
0x1af: {  	s1 =	rddreg [dreg:$0x1];
	p0 =	sne.s32 s2, $0x0  }
0x1b0: {  	s3 =	rddreg [dreg:$0x2];
	[bflag:$0x3] =	sbarrier.arrive $0xFFFF;
	s2 =	simm.s32 @!p0 $0x1C02  }
0x1b1: {  	[timem:s3], [sflag:s2] =	dma.local @!p0 [hbm:s0], s1  }
0x1b2: {  	s0 =	simm.s32 @!p0 $0x2  }
0x1b3: {  	_ =	swait.ge @!p0 [sflag:s0], s1  }
0x1b4: {  	s1 =	ssub.s32 @!p0 $0x0, s1;
	[sflag:s0] =	ssyncset.done @!p0 $0x0  }
0x1b5: {  	[sflag:s0] =	ssyncadd.s32 @!p0 s1  }
0x1b6: {  	[bflag:$0x3] =	sbarrier.arrive $0xFFFF  }
0x1b7: {  	_ =	shalt  }

// kernel: kernel.14.cloned.1.call-start
scs
__scs_entry_jumppad:
0x0: {  	(pc) =	sbr.rel $0x88, $3  }
0x1: {  	(tag) =	ssettag $0x0;
	lr =	simm.s32 $0x1  }
0x2: {  	[smem:$0x3F95] =	sst lr;
	_ =	strace $0xD0000000  }
0x3: {  	_ = 	snop  }
0x4: {  	_ = 	snop  }
0x5: {  	_ = 	snop  }
0x6: {  	_ = 	snop  }
0x7: {  	_ = 	snop  }
__scs_overlays_trampoline_lowered:
0x8: {  	[smem:$0x3FA4] =	sst s0  }
0x9: {  	[smem:$0x3FA5] =	sst s1  }
0xa: {  	[smem:$0x3FA6] =	sst s2  }
0xb: {  	[smem:$0x3FA7] =	sst s3  }
0xc: {  	[smem:$0x3FA8] =	sst s4  }
0xd: {  	[smem:$0x3FA9] =	sst s5  }
0xe: {  	[smem:$0x3FAA] =	sst s6  }
0xf: {  	[smem:$0x3FAB] =	sst s7  }
0x10: {  	[smem:$0x3FAC] =	sst s8  }
0x11: {  	[smem:$0x3FAD] =	sst s9;
	s0 =	simm.s32 @!p0 $0x0  }
0x12: {  	s1 =	sld [smem:$0x3F93];
	s0 =	simm.s32 @p0 $0x1  }
0x13: {  	[smem:$0x3FAE] =	sst s0;
	s0 =	simm.s32 @!p1 $0x0  }
0x14: {  	s2 =	sld [smem:$0x3F92];
	s0 =	simm.s32 @p1 $0x1  }
0x15: {  	[smem:$0x3FAF] =	sst s0;
	s0 =	simm.s32 @!p2 $0x0  }
0x16: {  	s3 =	sld [smem:$0x3FDB];
	s0 =	simm.s32 @p2 $0x1  }
0x17: {  	s4 =	simm.s32 $0x1BF5;
	[smem:$0x3FB1] =	sst s0  }
0x18: {  	s0 =	sld [smem:$0x3F94];
	_ =	swait.ge [sflag:s4], $0x0  }
0x19: {  	s7 =	sld [smem:$0x3F95]  }
0x1a: {  	s8 =	sadd.s32 $0xFFFFE003, lr  }
0x1b: {  	s9 =	sadd.s32 $0xFFFFFEF7, lr;
	s5 =	simm.s32 $0xFFFFFFFF;
	p2 =	slt.u32 s8, $0xFFFFF086  }
0x1c: {  	p1 =	slt.u32 s9, $0xF7A;
	s5 =	simm.s32 @!p2 $0x0  }
0x1d: {  	s5 =	simm.s32 @p1 $0x1;
	p0 =	seq.s32 s7, s2  }
0x1e: {  	s7 =	smul.u32 @!p0 $0xF7A, s2;
	p2 =	seq.s32 @!p0 s5, $0x0  }
0x1f: {  	s9 =	smul.u32 $0xF7A, s1;
	s8 =	simm.s32 @!p0 $0x1BF5;
	p2 =	por !p2, p0  }
0x20: {  	[sflag:s8] =	ssyncset.s32 @!p0 $0xFFFFF086;
	s6 =	sadd.s32 @!p0 s3, s7;
	s7 =	simm.s32 @!p0 $0x108  }
0x21: {  	s3 =	sadd.s32 s3, s9;
	s6 =	sadd.s32 @!p0 $0x88, s6;
	s7 =	simm.s32 @p2 $0x1082  }
0x22: {  	[simem:s7], [sflag:s8] =	dma.local @!p0 [hbm:s6], $0xF7A  }
0x23: {  	s9 =	sor.u32 $0xD0000000, s2;
	s6 =	simm.s32 $0x108;
	_ =	swait.ge @!p0 [sflag:s8], $0x0  }
0x24: {  	s3 =	sadd.s32 $0x88, s3;
	s6 =	simm.s32 @!p1 $0x1082;
	[sflag:s4] =	ssyncset.s32 $0xFFFFF086  }
0x25: {  	[simem:s6], [sflag:s4] =	dma.local [hbm:s3], $0xF7A  }
0x26: {  	[smem:$0x3F95] =	sst s1;
	(tag) =	ssettag s2;
	_ =	strace s9  }
0x27: {  	s1 =	sld [smem:$0x3FA5]  }
0x28: {  	s2 =	sld [smem:$0x3FA6]  }
0x29: {  	s4 =	sld [smem:$0x3FA8]  }
0x2a: {  	p0 =	seq.s32 s5, $0x0;
	s5 =	sld [smem:$0x3FA9]  }
0x2b: {  	s6 =	sld [smem:$0x3FAA]  }
0x2c: {  	s7 =	sld [smem:$0x3FAB]  }
0x2d: {  	s3 =	simm.s32 $0x108;
	s8 =	sld [smem:$0x3FAC]  }
0x2e: {  	s3 =	simm.s32 @!p0 $0x1082;
	s9 =	sld [smem:$0x3FAD]  }
0x2f: {  	lr =	sadd.s32 s0, s3;
	s0 =	sld [smem:$0x3FA4]  }
0x30: {  	s3 =	sld [smem:$0x3FA7]  }
0x31: {  	[smem:$0x3FB0] =	sst s10  }
0x32: {  	s10 =	sld [smem:$0x3FAE];
	_ =	sdelay $0x3  }
0x33: {  	p0 =	seq.s32 s10, $0x1;
	s10 =	sld [smem:$0x3FB0];
	_ =	sdelay $0x3  }
0x34: {  	[smem:$0x3FB0] =	sst s10  }
0x35: {  	s10 =	sld [smem:$0x3FAF];
	_ =	sdelay $0x3  }
0x36: {  	p1 =	seq.s32 s10, $0x1;
	s10 =	sld [smem:$0x3FB0];
	_ =	sdelay $0x3  }
0x37: {  	[smem:$0x3FB0] =	sst s10  }
0x38: {  	s10 =	sld [smem:$0x3FB1]  }
0x39: {  	_ = 	snop;
	(pc) =	sbr.ind lr, $3  }
0x3a: {  	_ = 	snop  }
0x3b: {  	_ = 	snop  }
0x3c: {  	p2 =	seq.s32 s10, $0x1;
	s10 =	sld [smem:$0x3FB0]  }
0x3d: {  	_ =	shalt  }
0x3e: {  	_ =	shalt  }
0x3f: {  	_ =	shalt  }
0x40: {  	_ =	shalt  }
0x41: {  	_ =	shalt  }
0x42: {  	_ =	shalt  }
0x43: {  	_ =	shalt  }
0x44: {  	_ =	shalt  }
0x45: {  	_ =	shalt  }
0x46: {  	_ =	shalt  }
0x47: {  	_ =	shalt  }
0x48: {  	_ =	shalt  }
0x49: {  	_ =	shalt  }
0x4a: {  	_ =	shalt  }
0x4b: {  	_ =	shalt  }
0x4c: {  	_ =	shalt  }
0x4d: {  	_ =	shalt  }
0x4e: {  	_ =	shalt  }
0x4f: {  	_ =	shalt  }
0x50: {  	_ =	shalt  }
0x51: {  	_ =	shalt  }
0x52: {  	_ =	shalt  }
0x53: {  	_ =	shalt  }
0x54: {  	_ =	shalt  }
0x55: {  	_ =	shalt  }
0x56: {  	_ =	shalt  }
0x57: {  	_ =	shalt  }
0x58: {  	_ =	shalt  }
0x59: {  	_ =	shalt  }
0x5a: {  	_ =	shalt  }
0x5b: {  	_ =	shalt  }
0x5c: {  	_ =	shalt  }
0x5d: {  	_ =	shalt  }
0x5e: {  	_ =	shalt  }
0x5f: {  	_ =	shalt  }
0x60: {  	_ =	shalt  }
0x61: {  	_ =	shalt  }
0x62: {  	_ =	shalt  }
0x63: {  	_ =	shalt  }
0x64: {  	_ =	shalt  }
0x65: {  	_ =	shalt  }
0x66: {  	_ =	shalt  }
0x67: {  	_ =	shalt  }
0x68: {  	_ =	shalt  }
0x69: {  	_ =	shalt  }
0x6a: {  	_ =	shalt  }
0x6b: {  	_ =	shalt  }
0x6c: {  	_ =	shalt  }
0x6d: {  	_ =	shalt  }
0x6e: {  	_ =	shalt  }
0x6f: {  	_ =	shalt  }
0x70: {  	_ =	shalt  }
0x71: {  	_ =	shalt  }
0x72: {  	_ =	shalt  }
0x73: {  	_ =	shalt  }
0x74: {  	_ =	shalt  }
0x75: {  	_ =	shalt  }
0x76: {  	_ =	shalt  }
0x77: {  	_ =	shalt  }
0x78: {  	_ =	shalt  }
0x79: {  	_ =	shalt  }
0x7a: {  	_ =	shalt  }
0x7b: {  	_ =	shalt  }
0x7c: {  	_ =	shalt  }
0x7d: {  	_ =	shalt  }
0x7e: {  	_ =	shalt  }
0x7f: {  	_ =	shalt  }
0x80: {  	_ =	shalt  }
0x81: {  	_ =	shalt  }
0x82: {  	_ =	shalt  }
0x83: {  	_ =	shalt  }
0x84: {  	_ =	shalt  }
0x85: {  	_ =	shalt  }
0x86: {  	_ =	shalt  }
0x87: {  	_ =	shalt  }
.Lfunc_end0:
.L_simem_size_0:
called_computation.1_lowered:
.L_overlay_start_0:
0x88: {  	s2 =	sld [smem:$0x3FD9]  }
0x89: {  	s3 =	sld [smem:$0x3FFE];
	_ =	sdelay $0x1  }
0x8a: {  	s1 =	srdreg.scid  }
0x8b: {  	s0 =	sand.u32 $0x1, s1  }
0x8c: {  	s17 =	sshll.u32 s0, $0xA;
	s2 =	sadd.s32 s3, s2  }
0x8d: {  	s2 =	sadd.s32 s2, s17  }
0x8e: {  	[smem:$0x3FBC] =	sst s2  }
0x8f: {  	_ = 	snop  }
0x90: {  	s2 =	sld [smem:$0x3FD0];
	(tm) =	ssettm $0x1  }
0x91: {  	s18 =	sld [smem:$0x3FFB];
	_ =	sdelay $0x3  }
0x92: {  	_ =	strace s18  }
0x93: {  	s3 =	sld [smem:$0x3FFC];
	_ =	sdelay $0x3  }
0x94: {  	_ =	strace s3  }
0x95: {  	s3 =	sld [smem:$0x3FFD];
	_ =	sdelay $0x3  }
0x96: {  	_ =	strace s3  }
0x97: {  	_ =	strace $0x8FFFFFFF  }
0x98: {  	s19 =	sld [smem:$0x3FDB];
	_ =	sdelay $0x1  }
0x99: {  	s4 =	simm.s32 $_scs_section_size  }
0x9a: {  	s5 =	simm.s32 $_size__tile_overlayer_lowered;
	s6 =	simm.s32 $_tile_overlayer_lowered  }
0x9b: {  	s22 =	simm.s32 $0x1BFF;
	s21 =	sshll.u32 s6, $0x1;
	s3 =	sadd.s32 s4, s19  }
0x9c: {  	s7 =	simm.s32 $0x0;
	s20 =	sshll.u32 s5, $0x1;
	s5 =	sadd.s32 s21, s3  }
0x9d: {  	[timem:s7], [sflag:s22] =	dma.local [hbm:s5], s20  }
0x9e: {  	_ =	swait.ge [sflag:s22], s20  }
0x9f: {  	s4 =	ssub.s32 $0x0, s20;
	[sflag:s22] =	ssyncset.done $0x0  }
0xa0: {  	[sflag:s22] =	ssyncadd.s32 s4;
	_ =	sdelay $0x1  }
0xa1: {  	s23 =	simm.s32 $0x1B8B  }
0xa2: {  	_ =	swait.ge [sflag:s23], $0x1  }
0xa3: {  	[sflag:s23] =	ssyncset.done $0x0  }
0xa4: {  	s25 =	simm.s32 $0x1B8E;
	s24 =	sld [smem:$0x3FFE];
	[sflag:s23] =	ssyncadd.s32 $0xFFFFFFFF  }
0xa5: {  	s26 =	simm.s32 $execute0_lowered;
	[smem:$0x3FD2] =	sst s25  }
0xa6: {  	s5 =	sshll.u32 s26, $0x1;
	_ =	strace $0x80000049;
	[dreg:$0x1] =	wrdreg $0xFFFFFFFF  }
0xa7: {  	s28 =	simm.s32 $_size_execute0_lowered;
	s3 =	sadd.s32 s3, s5;
	[dreg:$0x0] =	wrdreg $0x0  }
0xa8: {  	s5 =	sshll.u32 s28, $0x1;
	[dreg:$0x2] =	wrdreg s3  }
0xa9: {  	[dreg:$0x3] =	wrdreg s5  }
0xaa: {  	[dreg:$0x4] =	wrdreg $0xC0  }
0xab: {  	_ =	task [dreg:s7], $0x5FFFF  }
0xac: {  	[dreg:$0x1] =	wrdreg $0xFFFFFFFF  }
0xad: {  	[dreg:$0x0] =	wrdreg $0x60  }
0xae: {  	[dreg:$0x2] =	wrdreg s24  }
0xaf: {  	[dreg:$0x3] =	wrdreg s2  }
0xb0: {  	[dreg:$0x4] =	wrdreg $0x88000  }
0xb1: {  	[dreg:$0x5] =	wrdreg $0x9  }
0xb2: {  	_ =	task.clear_ibuf [dreg:s7], $0x6FFFF;
	_ =	strace $0x90000049  }
0xb3: {  	s29 =	simm.s32 $0x9;
	_ =	strace $0x8000004B  }
0xb4: {  	_ =	swait.ge [sflag:s29], $0x1  }
0xb5: {  	[sflag:s29] =	ssyncadd.s32 $0xFFFFFFFF  }
0xb6: {  	_ =	strace $0x9000004B  }
0xb7: {  	_ =	sfence  }
0xb8: {  	s30 =	sld [smem:$0x0];
	_ =	sdelay $0x2  }
0xb9: {  	s31 =	sshll.u32 s1, $0xD;
	s1 =	sshrl.u32 s1, $0x2  }
0xba: {  	s3 =	sand.u32 $0x4000, s31;
	s1 =	sadd.s32 s1, s30  }
0xbb: {  	s0 =	sor.u32 s3, s0;
	s1 =	sshll.u32 s1, $0x11  }
0xbc: {  	s0 =	sor.u32 s1, s0  }
0xbd: {  	s0 =	sadd.s32 $0x8F2B, s0  }
0xbe: {  	[sflag:s0] =	ssyncadd.remote.s32 $0x1  }
0xbf: {  	_ =	sfence.sel $0xFFFF  }
0xc0: {  	[dreg:$0x0] =	wrdreg $0xFFFFFFFF;
	(pc) =	sbr.abs _section_cstart, $3  }
0xc1: {  	[dreg:$0x1] =	wrdreg $0xFFFFFFFF  }
0xc2: {  	_ =	task.clear_ibuf [dreg:s7], $0x2FFFF;
	_ =	strace $0x9FFFFFFF  }
0xc3: {  	(tm) =	ssettm $0x7FFFFFFF  }
tec
execute0_lowered:
.L_overlay_start_1:
0x0: {  	(tag) =	ssettag $0x1  }
0x1: {  	s10 =	rddreg [dreg:$0x0]  }
0x2: {  	s1 =	rddreg [dreg:$0x1]  }
0x3: {  	s2 =	rddreg [dreg:$0x2]  }
0x4: {  	s0 =	rddreg [dreg:$0x3];
	s3 =	simm.s32 $0x0;
	s8 =	srdreg.scid  }
0x5: {  	s4 =	stileid.u32;
	s16 =	simm.s32 $0x3;
	s17 =	simm.s32 $0x50  }
0x6: {  	s18 =	simm.s32 $0x3800;
	s19 =	simm.s32 $0x2;
	s20 =	simm.s32 $0x3480  }
0x7: {  	s21 =	simm.s32 $0x6000;
	[smem:$0x7FF] =	sst s3;
	s5 =	sadd.s32 $0x6400, s10  }
0x8: {  	s6 =	sadd.s32 $0x2D600, s10;
	s7 =	sadd.s32 $0x7C200, s10;
	s12 =	sand.u32 $0x1, s8  }
0x9: {  	s11 =	smul.u32 $0x50000, s4;
	s8 =	sadd.s32 $0x6AA00, s10;
	s9 =	sadd.s32 $0xB4C00, s10  }
.Ltmp0:
0xa: {  	s10 =	sadd.s32 $0xDCC00, s10;
	s31 =	sshll.u32 s4, $0x6;
	(pc) =	sbr.rel .LBB2_1-.Ltmp0, $4  }
0xb: {  	_ =	strace $0x8000004A;
	s13 =	ssub.s32 $0x2, s12;
	p0 =	seq.s32 s12, $0x1  }
0xc: {  	s12 =	smul.u32 $0x8C00, s4;
	s14 =	sshrl.u32 s13, $0x1;
	s11 =	sshrl.u32 s11, $0x2  }
0xd: {  	s14 =	ssub.s32 s13, s14;
	s15 =	sadd.s32 s11, s2;
	s11 =	sor.u32 $0x1C03, s31  }
0xe: {  	s13 =	smul.u32 $0x2800, s4;
	s14 =	smax.u32 s14, $0x1;
	s15 =	sshrl.u32 s15, $0x3  }
.LBB2_10:
0xf: {  	s3 =	sadd.s32 $0x1, s3  }
0x10: {  	p1 =	sne.s32 s3, s14  }
.Ltmp1:
0x11: {  	[bflag:$0x0] =	sbarrier.arrive $0xFFFF;
	s22 =	sadd.s32 s22, s13;
	(pc) =	sbr.rel @!p1 .LBB2_11-.Ltmp1, $4  }
0x12: {  	[hbm:s22], [sflag:s11] =	dma.local [spmem:s15], $0x2800  }
0x13: {  	_ =	swait.ge [sflag:s16], $0x2800  }
0x14: {  	[sflag:s16] =	ssyncset.done $0x0  }
0x15: {  	[sflag:s16] =	ssyncadd.s32 $0xFFFFD800  }
.LBB2_1:
0x16: {  	[spmem:s15], [sflag:s11] =	dma.local [hbm:s1], $0x2800  }
.Ltmp2:
0x17: {  	_ =	swait.ge [sflag:s16], $0x2800;
	(pc) =	sbr.rel @!p0 .LBB2_2-.Ltmp2, $4  }
0x18: {  	[sflag:s16] =	ssyncset.done $0x0  }
0x19: {  	[sflag:s16] =	ssyncadd.s32 $0xFFFFD800  }
0x1a: {  	[bflag:$0x0] =	sbarrier.arrive $0xFFFF  }
0x1b: {  	s22 =	simm.s32 $0x0;
	s23 =	simm.s32 $0x0  }
.LBB2_6:
0x1c: {  	s22 =	smul.u32 $0x1C00, s23;
	_ =	sdelay $0x1  }
0x1d: {  	s22 =	sadd.s32 s12, s22  }
0x1e: {  	s22 =	sshrl.u32 s22, $0x3  }
0x1f: {  	s25 =	simm.s32 $0x0;
	s24 =	sadd.s32 s7, s22  }
0x20: {  	[tilespmem:s25], [sflag:$0x3] =	stream.linear.gather [hbm4b:s24+s25], $0x1900, $0x38;
	[tilespmem:$0x1C800] =	vst v63  }
0x21: {  	_ =	swait.ge [sflag:s16], $0x1900  }
0x22: {  	[sflag:s16] =	ssyncset.done $0x0  }
0x23: {  	s22 =	sadd.s32 s8, s22;
	s24 =	simm.s32 $0x1C00;
	[sflag:s16] =	ssyncadd.s32 $0xFFFFE700  }
0x24: {  	[tilespmem:s24], [sflag:$0x3] =	stream.linear.gather [hbm4b:s22+s25], $0x1900, $0x38;
	[tilespmem:$0x1C800] =	vst v63  }
0x25: {  	s31 =	sand.u32 $0x1, s25;
	_ =	swait.ge [sflag:s16], $0x1900  }
0x26: {  	p1 =	seq.s32 s31, $0x1;
	[sflag:s16] =	ssyncset.done $0x0  }
0x27: {  	s22 =	simm.s32 @p1 $0x2;
	[sflag:s16] =	ssyncadd.s32 $0xFFFFE700  }
0x28: {  	[tilespmem:s18], [sflag:$0x1] =	stream.indirect.gather [hbm4b:s6+s17], $0x80, s25, s17, $0xb8;
	[tilespmem:$0x1C800] =	vst v63  }
0x29: {  	_ =	swait.ge @p1 [sflag:s22], $0x2800  }
0x2a: {  	s26 =	simm.s32 $0x80;
	[sflag:s22] =	ssyncset.done @p1 $0x0  }
0x2b: {  	s25 =	simm.s32 @p1 $0x3800;
	[sflag:s22] =	ssyncadd.s32 @p1 $0xFFFFD800;
	s22 =	simm.s32 @p1 $0x50  }
0x2c: {  	[tilespmem:s25], [sflag:$0x1] =	stream.indirect.gather @p1 [hbm4b:s6+s22], $0x80, s26, s22, $0xb8;
	[tilespmem:$0x1C800] =	vst v63  }
0x2d: {  	s28 =	simm.s32 @!p1 $0x1;
	s25 =	simm.s32 @p1 $0x6000  }
0x2e: {  	[spmem:s2] =	stream.indirect.scatter.add.f32 @p1 [tilespmem:s25], [sflag:$0x3], $0x80, s24, s22, $0xb8;
	[tilespmem:$0x1C800] =	vst v63  }
0x2f: {  	_ =	swait.ge @!p1 [sflag:s28], $0x2800  }
0x30: {  	s25 =	simm.s32 @!p1 $0x4;
	[sflag:s28] =	ssyncset.done @!p1 $0x0  }
0x31: {  	s22 =	simm.s32 @!p1 $0x50;
	[sflag:s28] =	ssyncadd.s32 @!p1 $0xFFFFD800;
	s28 =	simm.s32 @!p1 $0x6000  }
0x32: {  	[tilespmem:s28], [sflag:$0x2] =	stream.indirect.gather @!p1 [hbm4b:s6+s22], $0x80, s26, s22, $0xb8;
	[tilespmem:$0x1C800] =	vst v63  }
0x33: {  	s25 =	simm.s32 @p1 $0x3;
	s28 =	simm.s32 $0x1;
	s26 =	simm.s32 @!p1 $0x3800  }
0x34: {  	[spmem:s2] =	stream.indirect.scatter.add.f32 @!p1 [tilespmem:s26], [sflag:$0x4], $0x80, s24, s22, $0xb8;
	[tilespmem:$0x1C800] =	vst v63  }
0x35: {  	s28 =	sand.u32 $0x1, s28;
	s26 =	simm.s32 $0x2;
	_ =	swait.ge [sflag:s25], $0x2800  }
0x36: {  	s22 =	simm.s32 $0x100;
	s24 =	simm.s32 $0x1C80;
	[sflag:s25] =	ssyncset.done $0x0  }
.LBB2_7:
0x37: {  	p2 =	seq.s32 s28, $0x1  }
0x38: {  	[sflag:s25] =	ssyncadd.s32 $0xFFFFD800;
	s28 =	smov.u32 s26;
	s26 =	sadd.s32 $0x1, s26  }
0x39: {  	p1 =	sne.s32 s26, $0x31;
	s29 =	simm.s32 @p2 $0x2;
	s25 =	simm.s32 @!p2 $0x4  }
0x3a: {  	_ =	swait.ge @p2 [sflag:s29], $0x2800  }
0x3b: {  	[sflag:s29] =	ssyncset.done @p2 $0x0  }
0x3c: {  	s30 =	simm.s32 @p2 $0x3800;
	[sflag:s29] =	ssyncadd.s32 @p2 $0xFFFFD800;
	s29 =	simm.s32 @p2 $0x50  }
0x3d: {  	[tilespmem:s30], [sflag:$0x1] =	stream.indirect.gather @p2 [hbm4b:s6+s29], $0x80, s22, s29, $0xb8;
	[tilespmem:$0x1C800] =	vst v63  }
0x3e: {  	s31 =	simm.s32 @!p2 $0x1;
	s30 =	simm.s32 @p2 $0x6000  }
0x3f: {  	[spmem:s2] =	stream.indirect.scatter.add.f32 @p2 [tilespmem:s30], [sflag:$0x3], $0x80, s24, s29, $0xb8;
	[tilespmem:$0x1C800] =	vst v63  }
0x40: {  	_ =	swait.ge @!p2 [sflag:s31], $0x2800  }
0x41: {  	[sflag:s31] =	ssyncset.done @!p2 $0x0  }
0x42: {  	s29 =	simm.s32 @!p2 $0x50;
	s30 =	simm.s32 @!p2 $0x6000;
	[sflag:s31] =	ssyncadd.s32 @!p2 $0xFFFFD800  }
0x43: {  	[tilespmem:s30], [sflag:$0x2] =	stream.indirect.gather @!p2 [hbm4b:s6+s29], $0x80, s22, s29, $0xb8;
	[tilespmem:$0x1C800] =	vst v63  }
.Ltmp3:
0x44: {  	_ = 	snop;
	(pc) =	sbr.rel @p1 .LBB2_7-.Ltmp3, $4  }
0x45: {  	s25 =	simm.s32 @p2 $0x3;
	s30 =	simm.s32 @!p2 $0x3800  }
0x46: {  	[spmem:s2] =	stream.indirect.scatter.add.f32 @!p2 [tilespmem:s30], [sflag:$0x4], $0x80, s24, s29, $0xb8;
	[tilespmem:$0x1C800] =	vst v63  }
0x47: {  	s22 =	sadd.s32 $0x80, s22;
	_ =	swait.ge [sflag:s25], $0x2800  }
0x48: {  	s28 =	sand.u32 $0x1, s28;
	s24 =	sadd.s32 $0x80, s24;
	[sflag:s25] =	ssyncset.done $0x0  }
0x49: {  	p1 =	seq.s32 s28, $0x1  }
0x4a: {  	[sflag:s25] =	ssyncadd.s32 $0xFFFFD800;
	s25 =	simm.s32 @p1 $0x2  }
0x4b: {  	_ =	swait.ge @p1 [sflag:s25], $0x2800  }
0x4c: {  	[sflag:s25] =	ssyncset.done @p1 $0x0  }
0x4d: {  	s26 =	simm.s32 @p1 $0x3800;
	[sflag:s25] =	ssyncadd.s32 @p1 $0xFFFFD800;
	s25 =	simm.s32 @p1 $0x50  }
0x4e: {  	[tilespmem:s26], [sflag:$0x1] =	stream.indirect.gather @p1 [hbm4b:s6+s25], $0x80, s22, s25, $0xb8;
	[tilespmem:$0x1C800] =	vst v63  }
0x4f: {  	s28 =	simm.s32 @!p1 $0x1;
	s26 =	simm.s32 @p1 $0x6000  }
0x50: {  	[spmem:s2] =	stream.indirect.scatter.add.f32 @p1 [tilespmem:s26], [sflag:$0x3], $0x80, s24, s25, $0xb8;
	[tilespmem:$0x1C800] =	vst v63  }
0x51: {  	_ =	swait.ge @!p1 [sflag:s28], $0x2800  }
0x52: {  	s25 =	simm.s32 @!p1 $0x4;
	[sflag:s28] =	ssyncset.done @!p1 $0x0  }
0x53: {  	s26 =	simm.s32 @!p1 $0x50;
	[sflag:s28] =	ssyncadd.s32 @!p1 $0xFFFFD800;
	s28 =	simm.s32 @!p1 $0x6000  }
0x54: {  	[tilespmem:s28], [sflag:$0x2] =	stream.indirect.gather @!p1 [hbm4b:s6+s26], $0x80, s22, s26, $0xb8;
	[tilespmem:$0x1C800] =	vst v63  }
0x55: {  	s25 =	simm.s32 @p1 $0x3;
	s22 =	simm.s32 @!p1 $0x3800  }
0x56: {  	[spmem:s2] =	stream.indirect.scatter.add.f32 @!p1 [tilespmem:s22], [sflag:$0x4], $0x80, s24, s26, $0xb8;
	[tilespmem:$0x1C800] =	vst v63  }
0x57: {  	_ =	swait.ge [sflag:s25], $0x2800  }
0x58: {  	[sflag:s25] =	ssyncset.done $0x0  }
0x59: {  	[sflag:s25] =	ssyncadd.s32 $0xFFFFD800  }
0x5a: {  	s23 =	sadd.s32 $0x1, s23;
	_ =	swait.ge [sflag:s19], $0x2800  }
0x5b: {  	p1 =	sne.s32 s23, $0x5;
	[sflag:s19] =	ssyncset.done $0x0  }
.Ltmp4:
0x5c: {  	[sflag:s19] =	ssyncadd.s32 $0xFFFFD800;
	(pc) =	sbr.rel @p1 .LBB2_6-.Ltmp4, $4  }
0x5d: {  	[spmem:s2] =	stream.indirect.scatter.add.f32 [tilespmem:s21], [sflag:$0x3], $0x80, s20, s17, $0xb8;
	[tilespmem:$0x1C800] =	vst v63  }
0x5e: {  	_ =	swait.ge [sflag:s16], $0x2800  }
0x5f: {  	[sflag:s16] =	ssyncset.done $0x0  }
0x60: {  	[sflag:s16] =	ssyncadd.s32 $0xFFFFD800  }
.Ltmp5:
0x61: {  	(pc) =	sbr.rel .LBB2_10-.Ltmp5, $2  }
0x62: {  	_ =	sdelay $0x2  }
0x63: {  	s22 =	smov.u32 s10  }
.LBB2_2:
0x64: {  	s23 =	smul.u32 $0x1C00, s22;
	_ =	sdelay $0x1  }
0x65: {  	s23 =	sadd.s32 s12, s23  }
0x66: {  	s23 =	sshrl.u32 s23, $0x3  }
0x67: {  	s25 =	simm.s32 $0x0;
	s24 =	sadd.s32 s7, s23  }
0x68: {  	[tilespmem:s25], [sflag:$0x3] =	stream.linear.gather [hbm4b:s24+s25], $0x1900, $0x38;
	[tilespmem:$0x1C800] =	vst v63  }
0x69: {  	_ =	swait.ge [sflag:s16], $0x1900  }
0x6a: {  	[sflag:s16] =	ssyncset.done $0x0  }
0x6b: {  	s23 =	sadd.s32 s8, s23;
	s24 =	simm.s32 $0x1C00;
	[sflag:s16] =	ssyncadd.s32 $0xFFFFE700  }
0x6c: {  	[tilespmem:s24], [sflag:$0x3] =	stream.linear.gather [hbm4b:s23+s25], $0x1900, $0x38;
	[tilespmem:$0x1C800] =	vst v63  }
0x6d: {  	s31 =	sand.u32 $0x1, s25;
	_ =	swait.ge [sflag:s16], $0x1900  }
0x6e: {  	p1 =	seq.s32 s31, $0x1;
	[sflag:s16] =	ssyncset.done $0x0  }
0x6f: {  	s23 =	simm.s32 @p1 $0x2;
	[sflag:s16] =	ssyncadd.s32 $0xFFFFE700  }
0x70: {  	[tilespmem:s18], [sflag:$0x1] =	stream.indirect.gather [hbm4b:s5+s17], $0x80, s25, s17, $0xb8;
	[tilespmem:$0x1C800] =	vst v63  }
0x71: {  	_ =	swait.ge @p1 [sflag:s23], $0x2800  }
0x72: {  	s26 =	simm.s32 $0x80;
	[sflag:s23] =	ssyncset.done @p1 $0x0  }
0x73: {  	s25 =	simm.s32 @p1 $0x3800;
	[sflag:s23] =	ssyncadd.s32 @p1 $0xFFFFD800;
	s23 =	simm.s32 @p1 $0x50  }
0x74: {  	[tilespmem:s25], [sflag:$0x1] =	stream.indirect.gather @p1 [hbm4b:s5+s23], $0x80, s26, s23, $0xb8;
	[tilespmem:$0x1C800] =	vst v63  }
0x75: {  	s28 =	simm.s32 @!p1 $0x1;
	s25 =	simm.s32 @p1 $0x6000  }
0x76: {  	[spmem:s2] =	stream.indirect.scatter.add.f32 @p1 [tilespmem:s25], [sflag:$0x3], $0x80, s24, s23, $0xb8;
	[tilespmem:$0x1C800] =	vst v63  }
0x77: {  	_ =	swait.ge @!p1 [sflag:s28], $0x2800  }
0x78: {  	s25 =	simm.s32 @!p1 $0x4;
	[sflag:s28] =	ssyncset.done @!p1 $0x0  }
0x79: {  	s23 =	simm.s32 @!p1 $0x50;
	[sflag:s28] =	ssyncadd.s32 @!p1 $0xFFFFD800;
	s28 =	simm.s32 @!p1 $0x6000  }
0x7a: {  	[tilespmem:s28], [sflag:$0x2] =	stream.indirect.gather @!p1 [hbm4b:s5+s23], $0x80, s26, s23, $0xb8;
	[tilespmem:$0x1C800] =	vst v63  }
0x7b: {  	s25 =	simm.s32 @p1 $0x3;
	s28 =	simm.s32 $0x1;
	s26 =	simm.s32 @!p1 $0x3800  }
0x7c: {  	[spmem:s2] =	stream.indirect.scatter.add.f32 @!p1 [tilespmem:s26], [sflag:$0x4], $0x80, s24, s23, $0xb8;
	[tilespmem:$0x1C800] =	vst v63  }
0x7d: {  	s28 =	sand.u32 $0x1, s28;
	s26 =	simm.s32 $0x2;
	_ =	swait.ge [sflag:s25], $0x2800  }
0x7e: {  	s23 =	simm.s32 $0x100;
	s24 =	simm.s32 $0x1C80;
	[sflag:s25] =	ssyncset.done $0x0  }
.LBB2_3:
0x7f: {  	p2 =	seq.s32 s28, $0x1  }
0x80: {  	[sflag:s25] =	ssyncadd.s32 $0xFFFFD800;
	s28 =	smov.u32 s26;
	s26 =	sadd.s32 $0x1, s26  }
0x81: {  	p1 =	sne.s32 s26, $0x31;
	s29 =	simm.s32 @p2 $0x2;
	s25 =	simm.s32 @!p2 $0x4  }
0x82: {  	_ =	swait.ge @p2 [sflag:s29], $0x2800  }
0x83: {  	[sflag:s29] =	ssyncset.done @p2 $0x0  }
0x84: {  	s30 =	simm.s32 @p2 $0x3800;
	[sflag:s29] =	ssyncadd.s32 @p2 $0xFFFFD800;
	s29 =	simm.s32 @p2 $0x50  }
0x85: {  	[tilespmem:s30], [sflag:$0x1] =	stream.indirect.gather @p2 [hbm4b:s5+s29], $0x80, s23, s29, $0xb8;
	[tilespmem:$0x1C800] =	vst v63  }
0x86: {  	s31 =	simm.s32 @!p2 $0x1;
	s30 =	simm.s32 @p2 $0x6000  }
0x87: {  	[spmem:s2] =	stream.indirect.scatter.add.f32 @p2 [tilespmem:s30], [sflag:$0x3], $0x80, s24, s29, $0xb8;
	[tilespmem:$0x1C800] =	vst v63  }
0x88: {  	_ =	swait.ge @!p2 [sflag:s31], $0x2800  }
0x89: {  	[sflag:s31] =	ssyncset.done @!p2 $0x0  }
0x8a: {  	s29 =	simm.s32 @!p2 $0x50;
	s30 =	simm.s32 @!p2 $0x6000;
	[sflag:s31] =	ssyncadd.s32 @!p2 $0xFFFFD800  }
0x8b: {  	[tilespmem:s30], [sflag:$0x2] =	stream.indirect.gather @!p2 [hbm4b:s5+s29], $0x80, s23, s29, $0xb8;
	[tilespmem:$0x1C800] =	vst v63  }
.Ltmp6:
0x8c: {  	_ = 	snop;
	(pc) =	sbr.rel @p1 .LBB2_3-.Ltmp6, $4  }
0x8d: {  	s25 =	simm.s32 @p2 $0x3;
	s30 =	simm.s32 @!p2 $0x3800  }
0x8e: {  	[spmem:s2] =	stream.indirect.scatter.add.f32 @!p2 [tilespmem:s30], [sflag:$0x4], $0x80, s24, s29, $0xb8;
	[tilespmem:$0x1C800] =	vst v63  }
0x8f: {  	s23 =	sadd.s32 $0x80, s23;
	_ =	swait.ge [sflag:s25], $0x2800  }
0x90: {  	s28 =	sand.u32 $0x1, s28;
	s24 =	sadd.s32 $0x80, s24;
	[sflag:s25] =	ssyncset.done $0x0  }
0x91: {  	p1 =	seq.s32 s28, $0x1  }
0x92: {  	[sflag:s25] =	ssyncadd.s32 $0xFFFFD800;
	s25 =	simm.s32 @p1 $0x2  }
0x93: {  	_ =	swait.ge @p1 [sflag:s25], $0x2800  }
0x94: {  	[sflag:s25] =	ssyncset.done @p1 $0x0  }
0x95: {  	s26 =	simm.s32 @p1 $0x3800;
	[sflag:s25] =	ssyncadd.s32 @p1 $0xFFFFD800;
	s25 =	simm.s32 @p1 $0x50  }
0x96: {  	[tilespmem:s26], [sflag:$0x1] =	stream.indirect.gather @p1 [hbm4b:s5+s25], $0x80, s23, s25, $0xb8;
	[tilespmem:$0x1C800] =	vst v63  }
0x97: {  	s28 =	simm.s32 @!p1 $0x1;
	s26 =	simm.s32 @p1 $0x6000  }
0x98: {  	[spmem:s2] =	stream.indirect.scatter.add.f32 @p1 [tilespmem:s26], [sflag:$0x3], $0x80, s24, s25, $0xb8;
	[tilespmem:$0x1C800] =	vst v63  }
0x99: {  	_ =	swait.ge @!p1 [sflag:s28], $0x2800  }
0x9a: {  	s25 =	simm.s32 @!p1 $0x4;
	[sflag:s28] =	ssyncset.done @!p1 $0x0  }
0x9b: {  	s26 =	simm.s32 @!p1 $0x50;
	[sflag:s28] =	ssyncadd.s32 @!p1 $0xFFFFD800;
	s28 =	simm.s32 @!p1 $0x6000  }
0x9c: {  	[tilespmem:s28], [sflag:$0x2] =	stream.indirect.gather @!p1 [hbm4b:s5+s26], $0x80, s23, s26, $0xb8;
	[tilespmem:$0x1C800] =	vst v63  }
0x9d: {  	s25 =	simm.s32 @p1 $0x3;
	s23 =	simm.s32 @!p1 $0x3800  }
0x9e: {  	[spmem:s2] =	stream.indirect.scatter.add.f32 @!p1 [tilespmem:s23], [sflag:$0x4], $0x80, s24, s26, $0xb8;
	[tilespmem:$0x1C800] =	vst v63  }
0x9f: {  	_ =	swait.ge [sflag:s25], $0x2800  }
0xa0: {  	[sflag:s25] =	ssyncset.done $0x0  }
0xa1: {  	[sflag:s25] =	ssyncadd.s32 $0xFFFFD800  }
0xa2: {  	s22 =	sadd.s32 $0x1, s22;
	_ =	swait.ge [sflag:s19], $0x2800  }
0xa3: {  	p1 =	seq.s32 s22, $0x5;
	[sflag:s19] =	ssyncset.done $0x0  }
.Ltmp7:
0xa4: {  	[sflag:s19] =	ssyncadd.s32 $0xFFFFD800;
	(pc) =	sbr.rel @!p1 .LBB2_2-.Ltmp7, $4  }
0xa5: {  	[spmem:s2] =	stream.indirect.scatter.add.f32 [tilespmem:s21], [sflag:$0x3], $0x80, s20, s17, $0xb8;
	[tilespmem:$0x1C800] =	vst v63  }
0xa6: {  	_ =	swait.ge [sflag:s16], $0x2800  }
0xa7: {  	[sflag:s16] =	ssyncset.done $0x0  }
0xa8: {  	[sflag:s16] =	ssyncadd.s32 $0xFFFFD800  }
.Ltmp8:
0xa9: {  	(pc) =	sbr.rel .LBB2_10-.Ltmp8, $2  }
0xaa: {  	_ =	sdelay $0x2  }
0xab: {  	s22 =	smov.u32 s9  }
.LBB2_11:
0xac: {  	_ =	sfence.sel $0x180000  }
0xad: {  	[bflag:$0x0] =	sbarrier.arrive $0xFFFF  }
0xae: {  	p0 =	sne.s32 s4, $0x0;
	_ =	strace $0x9000004A  }
0xaf: {  	s0 =	sadd.s32 @!p0 $0x100000, s0;
	[bflag:$0x2] =	sbarrier.arrive $0xFFFF  }
0xb0: {  	[sflag:s0] =	ssyncadd.tile.s32 @!p0 $0x1;
	_ =	shalt  }
.Lfunc_end2:
_tile_overlayer_lowered:
.L_overlay_start_2:
0xb1: {  	(tag) =	ssettag $0x2  }
0xb2: {  	s0 =	rddreg [dreg:$0x0];
	s2 =	stileid.u32  }
0xb3: {  	s1 =	rddreg [dreg:$0x1];
	p0 =	sne.s32 s2, $0x0  }
0xb4: {  	s3 =	rddreg [dreg:$0x2];
	[bflag:$0x3] =	sbarrier.arrive $0xFFFF;
	s2 =	simm.s32 @!p0 $0x1C03  }
0xb5: {  	[timem:s3], [sflag:s2] =	dma.local @!p0 [hbm:s0], s1  }
0xb6: {  	s0 =	simm.s32 @!p0 $0x3  }
0xb7: {  	_ =	swait.ge @!p0 [sflag:s0], s1  }
0xb8: {  	s1 =	ssub.s32 @!p0 $0x0, s1;
	[sflag:s0] =	ssyncset.done @!p0 $0x0  }
0xb9: {  	[sflag:s0] =	ssyncadd.s32 @!p0 s1  }
0xba: {  	[bflag:$0x3] =	sbarrier.arrive $0xFFFF  }
0xbb: {  	_ =	shalt  }

// kernel: kernel.17.cloned.1.call-start
scs
__scs_entry_jumppad:
0x0: {  	(pc) =	sbr.rel $0x88, $3  }
0x1: {  	(tag) =	ssettag $0x0;
	lr =	simm.s32 $0x1  }
0x2: {  	[smem:$0x3F95] =	sst lr;
	_ =	strace $0xD0000000  }
0x3: {  	_ = 	snop  }
0x4: {  	_ = 	snop  }
0x5: {  	_ = 	snop  }
0x6: {  	_ = 	snop  }
0x7: {  	_ = 	snop  }
__scs_overlays_trampoline_lowered:
0x8: {  	[smem:$0x3FA4] =	sst s0  }
0x9: {  	[smem:$0x3FA5] =	sst s1  }
0xa: {  	[smem:$0x3FA6] =	sst s2  }
0xb: {  	[smem:$0x3FA7] =	sst s3  }
0xc: {  	[smem:$0x3FA8] =	sst s4  }
0xd: {  	[smem:$0x3FA9] =	sst s5  }
0xe: {  	[smem:$0x3FAA] =	sst s6  }
0xf: {  	[smem:$0x3FAB] =	sst s7  }
0x10: {  	[smem:$0x3FAC] =	sst s8  }
0x11: {  	[smem:$0x3FAD] =	sst s9;
	s0 =	simm.s32 @!p0 $0x0  }
0x12: {  	s1 =	sld [smem:$0x3F93];
	s0 =	simm.s32 @p0 $0x1  }
0x13: {  	[smem:$0x3FAE] =	sst s0;
	s0 =	simm.s32 @!p1 $0x0  }
0x14: {  	s2 =	sld [smem:$0x3F92];
	s0 =	simm.s32 @p1 $0x1  }
0x15: {  	[smem:$0x3FAF] =	sst s0;
	s0 =	simm.s32 @!p2 $0x0  }
0x16: {  	s3 =	sld [smem:$0x3FDB];
	s0 =	simm.s32 @p2 $0x1  }
0x17: {  	s4 =	simm.s32 $0x1BF5;
	[smem:$0x3FB1] =	sst s0  }
0x18: {  	s0 =	sld [smem:$0x3F94];
	_ =	swait.ge [sflag:s4], $0x0  }
0x19: {  	s7 =	sld [smem:$0x3F95]  }
0x1a: {  	s8 =	sadd.s32 $0xFFFFE003, lr  }
0x1b: {  	s9 =	sadd.s32 $0xFFFFFEF7, lr;
	s5 =	simm.s32 $0xFFFFFFFF;
	p2 =	slt.u32 s8, $0xFFFFF086  }
0x1c: {  	p1 =	slt.u32 s9, $0xF7A;
	s5 =	simm.s32 @!p2 $0x0  }
0x1d: {  	s5 =	simm.s32 @p1 $0x1;
	p0 =	seq.s32 s7, s2  }
0x1e: {  	s7 =	smul.u32 @!p0 $0xF7A, s2;
	p2 =	seq.s32 @!p0 s5, $0x0  }
0x1f: {  	s9 =	smul.u32 $0xF7A, s1;
	s8 =	simm.s32 @!p0 $0x1BF5;
	p2 =	por !p2, p0  }
0x20: {  	[sflag:s8] =	ssyncset.s32 @!p0 $0xFFFFF086;
	s6 =	sadd.s32 @!p0 s3, s7;
	s7 =	simm.s32 @!p0 $0x108  }
0x21: {  	s3 =	sadd.s32 s3, s9;
	s6 =	sadd.s32 @!p0 $0x88, s6;
	s7 =	simm.s32 @p2 $0x1082  }
0x22: {  	[simem:s7], [sflag:s8] =	dma.local @!p0 [hbm:s6], $0xF7A  }
0x23: {  	s9 =	sor.u32 $0xD0000000, s2;
	s6 =	simm.s32 $0x108;
	_ =	swait.ge @!p0 [sflag:s8], $0x0  }
0x24: {  	s3 =	sadd.s32 $0x88, s3;
	s6 =	simm.s32 @!p1 $0x1082;
	[sflag:s4] =	ssyncset.s32 $0xFFFFF086  }
0x25: {  	[simem:s6], [sflag:s4] =	dma.local [hbm:s3], $0xF7A  }
0x26: {  	[smem:$0x3F95] =	sst s1;
	(tag) =	ssettag s2;
	_ =	strace s9  }
0x27: {  	s1 =	sld [smem:$0x3FA5]  }
0x28: {  	s2 =	sld [smem:$0x3FA6]  }
0x29: {  	s4 =	sld [smem:$0x3FA8]  }
0x2a: {  	p0 =	seq.s32 s5, $0x0;
	s5 =	sld [smem:$0x3FA9]  }
0x2b: {  	s6 =	sld [smem:$0x3FAA]  }
0x2c: {  	s7 =	sld [smem:$0x3FAB]  }
0x2d: {  	s3 =	simm.s32 $0x108;
	s8 =	sld [smem:$0x3FAC]  }
0x2e: {  	s3 =	simm.s32 @!p0 $0x1082;
	s9 =	sld [smem:$0x3FAD]  }
0x2f: {  	lr =	sadd.s32 s0, s3;
	s0 =	sld [smem:$0x3FA4]  }
0x30: {  	s3 =	sld [smem:$0x3FA7]  }
0x31: {  	[smem:$0x3FB0] =	sst s10  }
0x32: {  	s10 =	sld [smem:$0x3FAE];
	_ =	sdelay $0x3  }
0x33: {  	p0 =	seq.s32 s10, $0x1;
	s10 =	sld [smem:$0x3FB0];
	_ =	sdelay $0x3  }
0x34: {  	[smem:$0x3FB0] =	sst s10  }
0x35: {  	s10 =	sld [smem:$0x3FAF];
	_ =	sdelay $0x3  }
0x36: {  	p1 =	seq.s32 s10, $0x1;
	s10 =	sld [smem:$0x3FB0];
	_ =	sdelay $0x3  }
0x37: {  	[smem:$0x3FB0] =	sst s10  }
0x38: {  	s10 =	sld [smem:$0x3FB1]  }
0x39: {  	_ = 	snop;
	(pc) =	sbr.ind lr, $3  }
0x3a: {  	_ = 	snop  }
0x3b: {  	_ = 	snop  }
0x3c: {  	p2 =	seq.s32 s10, $0x1;
	s10 =	sld [smem:$0x3FB0]  }
0x3d: {  	_ =	shalt  }
0x3e: {  	_ =	shalt  }
0x3f: {  	_ =	shalt  }
0x40: {  	_ =	shalt  }
0x41: {  	_ =	shalt  }
0x42: {  	_ =	shalt  }
0x43: {  	_ =	shalt  }
0x44: {  	_ =	shalt  }
0x45: {  	_ =	shalt  }
0x46: {  	_ =	shalt  }
0x47: {  	_ =	shalt  }
0x48: {  	_ =	shalt  }
0x49: {  	_ =	shalt  }
0x4a: {  	_ =	shalt  }
0x4b: {  	_ =	shalt  }
0x4c: {  	_ =	shalt  }
0x4d: {  	_ =	shalt  }
0x4e: {  	_ =	shalt  }
0x4f: {  	_ =	shalt  }
0x50: {  	_ =	shalt  }
0x51: {  	_ =	shalt  }
0x52: {  	_ =	shalt  }
0x53: {  	_ =	shalt  }
0x54: {  	_ =	shalt  }
0x55: {  	_ =	shalt  }
0x56: {  	_ =	shalt  }
0x57: {  	_ =	shalt  }
0x58: {  	_ =	shalt  }
0x59: {  	_ =	shalt  }
0x5a: {  	_ =	shalt  }
0x5b: {  	_ =	shalt  }
0x5c: {  	_ =	shalt  }
0x5d: {  	_ =	shalt  }
0x5e: {  	_ =	shalt  }
0x5f: {  	_ =	shalt  }
0x60: {  	_ =	shalt  }
0x61: {  	_ =	shalt  }
0x62: {  	_ =	shalt  }
0x63: {  	_ =	shalt  }
0x64: {  	_ =	shalt  }
0x65: {  	_ =	shalt  }
0x66: {  	_ =	shalt  }
0x67: {  	_ =	shalt  }
0x68: {  	_ =	shalt  }
0x69: {  	_ =	shalt  }
0x6a: {  	_ =	shalt  }
0x6b: {  	_ =	shalt  }
0x6c: {  	_ =	shalt  }
0x6d: {  	_ =	shalt  }
0x6e: {  	_ =	shalt  }
0x6f: {  	_ =	shalt  }
0x70: {  	_ =	shalt  }
0x71: {  	_ =	shalt  }
0x72: {  	_ =	shalt  }
0x73: {  	_ =	shalt  }
0x74: {  	_ =	shalt  }
0x75: {  	_ =	shalt  }
0x76: {  	_ =	shalt  }
0x77: {  	_ =	shalt  }
0x78: {  	_ =	shalt  }
0x79: {  	_ =	shalt  }
0x7a: {  	_ =	shalt  }
0x7b: {  	_ =	shalt  }
0x7c: {  	_ =	shalt  }
0x7d: {  	_ =	shalt  }
0x7e: {  	_ =	shalt  }
0x7f: {  	_ =	shalt  }
0x80: {  	_ =	shalt  }
0x81: {  	_ =	shalt  }
0x82: {  	_ =	shalt  }
0x83: {  	_ =	shalt  }
0x84: {  	_ =	shalt  }
0x85: {  	_ =	shalt  }
0x86: {  	_ =	shalt  }
0x87: {  	_ =	shalt  }
.Lfunc_end0:
.L_simem_size_0:
called_computation.2_lowered:
.L_overlay_start_0:
0x88: {  	s2 =	sld [smem:$0x3FD9]  }
0x89: {  	s3 =	sld [smem:$0x3FFE];
	_ =	sdelay $0x1  }
0x8a: {  	s1 =	srdreg.scid  }
0x8b: {  	s0 =	sand.u32 $0x1, s1  }
0x8c: {  	s17 =	sshll.u32 s0, $0xA;
	s2 =	sadd.s32 s3, s2  }
0x8d: {  	s2 =	sadd.s32 s2, s17  }
0x8e: {  	[smem:$0x3FBC] =	sst s2  }
0x8f: {  	_ = 	snop  }
0x90: {  	s2 =	sld [smem:$0x3FD0];
	(tm) =	ssettm $0x1  }
0x91: {  	s18 =	sld [smem:$0x3FFB];
	_ =	sdelay $0x3  }
0x92: {  	_ =	strace s18  }
0x93: {  	s3 =	sld [smem:$0x3FFC];
	_ =	sdelay $0x3  }
0x94: {  	_ =	strace s3  }
0x95: {  	s3 =	sld [smem:$0x3FFD];
	_ =	sdelay $0x3  }
0x96: {  	_ =	strace s3  }
0x97: {  	_ =	strace $0x8FFFFFFF  }
0x98: {  	s19 =	sld [smem:$0x3FDB];
	_ =	sdelay $0x1  }
0x99: {  	s4 =	simm.s32 $_scs_section_size  }
0x9a: {  	s5 =	simm.s32 $_size__tile_overlayer_lowered;
	s6 =	simm.s32 $_tile_overlayer_lowered  }
0x9b: {  	s22 =	simm.s32 $0x1BFF;
	s21 =	sshll.u32 s6, $0x1;
	s3 =	sadd.s32 s4, s19  }
0x9c: {  	s7 =	simm.s32 $0x0;
	s20 =	sshll.u32 s5, $0x1;
	s5 =	sadd.s32 s21, s3  }
0x9d: {  	[timem:s7], [sflag:s22] =	dma.local [hbm:s5], s20  }
0x9e: {  	_ =	swait.ge [sflag:s22], s20  }
0x9f: {  	s4 =	ssub.s32 $0x0, s20;
	[sflag:s22] =	ssyncset.done $0x0  }
0xa0: {  	[sflag:s22] =	ssyncadd.s32 s4;
	_ =	sdelay $0x1  }
0xa1: {  	s23 =	simm.s32 $0x1B8B  }
0xa2: {  	_ =	swait.ge [sflag:s23], $0x1  }
0xa3: {  	[sflag:s23] =	ssyncset.done $0x0  }
0xa4: {  	s25 =	simm.s32 $0x1B8E;
	s24 =	sld [smem:$0x3FFE];
	[sflag:s23] =	ssyncadd.s32 $0xFFFFFFFF  }
0xa5: {  	s26 =	simm.s32 $execute0_lowered;
	[smem:$0x3FD2] =	sst s25  }
0xa6: {  	s5 =	sshll.u32 s26, $0x1;
	_ =	strace $0x8000004C;
	[dreg:$0x1] =	wrdreg $0xFFFFFFFF  }
0xa7: {  	s28 =	simm.s32 $_size_execute0_lowered;
	s3 =	sadd.s32 s3, s5;
	[dreg:$0x0] =	wrdreg $0x0  }
0xa8: {  	s5 =	sshll.u32 s28, $0x1;
	[dreg:$0x2] =	wrdreg s3  }
0xa9: {  	[dreg:$0x3] =	wrdreg s5  }
0xaa: {  	[dreg:$0x4] =	wrdreg $0xC0  }
0xab: {  	_ =	task [dreg:s7], $0x5FFFF  }
0xac: {  	[dreg:$0x1] =	wrdreg $0xFFFFFFFF  }
0xad: {  	[dreg:$0x0] =	wrdreg $0x60  }
0xae: {  	[dreg:$0x2] =	wrdreg s24  }
0xaf: {  	[dreg:$0x3] =	wrdreg s2  }
0xb0: {  	[dreg:$0x4] =	wrdreg $0x88000  }
0xb1: {  	[dreg:$0x5] =	wrdreg $0x9  }
0xb2: {  	_ =	task.clear_ibuf [dreg:s7], $0x6FFFF;
	_ =	strace $0x9000004C  }
0xb3: {  	s29 =	simm.s32 $0x9;
	_ =	strace $0x8000004E  }
0xb4: {  	_ =	swait.ge [sflag:s29], $0x1  }
0xb5: {  	[sflag:s29] =	ssyncadd.s32 $0xFFFFFFFF  }
0xb6: {  	_ =	strace $0x9000004E  }
0xb7: {  	_ =	sfence  }
0xb8: {  	s30 =	sld [smem:$0x0];
	_ =	sdelay $0x2  }
0xb9: {  	s31 =	sshll.u32 s1, $0xD;
	s1 =	sshrl.u32 s1, $0x2  }
0xba: {  	s3 =	sand.u32 $0x4000, s31;
	s1 =	sadd.s32 s1, s30  }
0xbb: {  	s0 =	sor.u32 s3, s0;
	s1 =	sshll.u32 s1, $0x11  }
0xbc: {  	s0 =	sor.u32 s1, s0  }
0xbd: {  	s0 =	sadd.s32 $0x8F2B, s0  }
0xbe: {  	[sflag:s0] =	ssyncadd.remote.s32 $0x1  }
0xbf: {  	_ =	sfence.sel $0xFFFF  }
0xc0: {  	[dreg:$0x0] =	wrdreg $0xFFFFFFFF;
	(pc) =	sbr.abs _section_cstart, $3  }
0xc1: {  	[dreg:$0x1] =	wrdreg $0xFFFFFFFF  }
0xc2: {  	_ =	task.clear_ibuf [dreg:s7], $0x2FFFF;
	_ =	strace $0x9FFFFFFF  }
0xc3: {  	(tm) =	ssettm $0x7FFFFFFF  }
tec
execute0_lowered:
.L_overlay_start_1:
0x0: {  	(tag) =	ssettag $0x1  }
0x1: {  	s10 =	rddreg [dreg:$0x0]  }
0x2: {  	s1 =	rddreg [dreg:$0x1]  }
0x3: {  	s2 =	rddreg [dreg:$0x2]  }
0x4: {  	s0 =	rddreg [dreg:$0x3];
	s3 =	simm.s32 $0x0;
	s8 =	srdreg.scid  }
0x5: {  	s4 =	stileid.u32;
	s16 =	simm.s32 $0x3;
	s17 =	simm.s32 $0x50  }
0x6: {  	s18 =	simm.s32 $0x3800;
	s19 =	simm.s32 $0x2;
	s20 =	simm.s32 $0x3480  }
0x7: {  	s21 =	simm.s32 $0x6000;
	[smem:$0x7FF] =	sst s3;
	s5 =	sadd.s32 $0x6400, s10  }
0x8: {  	s6 =	sadd.s32 $0x2D600, s10;
	s7 =	sadd.s32 $0x7C200, s10;
	s12 =	sand.u32 $0x1, s8  }
0x9: {  	s11 =	smul.u32 $0x50000, s4;
	s8 =	sadd.s32 $0x6AA00, s10;
	s9 =	sadd.s32 $0xB4C00, s10  }
.Ltmp0:
0xa: {  	s10 =	sadd.s32 $0xDCC00, s10;
	s31 =	sshll.u32 s4, $0x6;
	(pc) =	sbr.rel .LBB2_1-.Ltmp0, $4  }
0xb: {  	_ =	strace $0x8000004D;
	s13 =	ssub.s32 $0x2, s12;
	p0 =	seq.s32 s12, $0x1  }
0xc: {  	s12 =	smul.u32 $0x8C00, s4;
	s14 =	sshrl.u32 s13, $0x1;
	s11 =	sshrl.u32 s11, $0x2  }
0xd: {  	s14 =	ssub.s32 s13, s14;
	s15 =	sadd.s32 s11, s2;
	s11 =	sor.u32 $0x1C03, s31  }
0xe: {  	s13 =	smul.u32 $0x2800, s4;
	s14 =	smax.u32 s14, $0x1;
	s15 =	sshrl.u32 s15, $0x3  }
.LBB2_10:
0xf: {  	s3 =	sadd.s32 $0x1, s3  }
0x10: {  	p1 =	sne.s32 s3, s14  }
.Ltmp1:
0x11: {  	[bflag:$0x0] =	sbarrier.arrive $0xFFFF;
	s22 =	sadd.s32 s22, s13;
	(pc) =	sbr.rel @!p1 .LBB2_11-.Ltmp1, $4  }
0x12: {  	[hbm:s22], [sflag:s11] =	dma.local [spmem:s15], $0x2800  }
0x13: {  	_ =	swait.ge [sflag:s16], $0x2800  }
0x14: {  	[sflag:s16] =	ssyncset.done $0x0  }
0x15: {  	[sflag:s16] =	ssyncadd.s32 $0xFFFFD800  }
.LBB2_1:
0x16: {  	[spmem:s15], [sflag:s11] =	dma.local [hbm:s1], $0x2800  }
.Ltmp2:
0x17: {  	_ =	swait.ge [sflag:s16], $0x2800;
	(pc) =	sbr.rel @!p0 .LBB2_2-.Ltmp2, $4  }
0x18: {  	[sflag:s16] =	ssyncset.done $0x0  }
0x19: {  	[sflag:s16] =	ssyncadd.s32 $0xFFFFD800  }
0x1a: {  	[bflag:$0x0] =	sbarrier.arrive $0xFFFF  }
0x1b: {  	s22 =	simm.s32 $0x0;
	s23 =	simm.s32 $0x0  }
.LBB2_6:
0x1c: {  	s22 =	smul.u32 $0x1C00, s23;
	_ =	sdelay $0x1  }
0x1d: {  	s22 =	sadd.s32 s12, s22  }
0x1e: {  	s22 =	sshrl.u32 s22, $0x3  }
0x1f: {  	s25 =	simm.s32 $0x0;
	s24 =	sadd.s32 s7, s22  }
0x20: {  	[tilespmem:s25], [sflag:$0x3] =	stream.linear.gather [hbm4b:s24+s25], $0x1900, $0x38;
	[tilespmem:$0x1C800] =	vst v63  }
0x21: {  	_ =	swait.ge [sflag:s16], $0x1900  }
0x22: {  	[sflag:s16] =	ssyncset.done $0x0  }
0x23: {  	s22 =	sadd.s32 s8, s22;
	s24 =	simm.s32 $0x1C00;
	[sflag:s16] =	ssyncadd.s32 $0xFFFFE700  }
0x24: {  	[tilespmem:s24], [sflag:$0x3] =	stream.linear.gather [hbm4b:s22+s25], $0x1900, $0x38;
	[tilespmem:$0x1C800] =	vst v63  }
0x25: {  	s31 =	sand.u32 $0x1, s25;
	_ =	swait.ge [sflag:s16], $0x1900  }
0x26: {  	p1 =	seq.s32 s31, $0x1;
	[sflag:s16] =	ssyncset.done $0x0  }
0x27: {  	s22 =	simm.s32 @p1 $0x2;
	[sflag:s16] =	ssyncadd.s32 $0xFFFFE700  }
0x28: {  	[tilespmem:s18], [sflag:$0x1] =	stream.indirect.gather [hbm4b:s6+s17], $0x80, s25, s17, $0xb8;
	[tilespmem:$0x1C800] =	vst v63  }
0x29: {  	_ =	swait.ge @p1 [sflag:s22], $0x2800  }
0x2a: {  	s26 =	simm.s32 $0x80;
	[sflag:s22] =	ssyncset.done @p1 $0x0  }
0x2b: {  	s25 =	simm.s32 @p1 $0x3800;
	[sflag:s22] =	ssyncadd.s32 @p1 $0xFFFFD800;
	s22 =	simm.s32 @p1 $0x50  }
0x2c: {  	[tilespmem:s25], [sflag:$0x1] =	stream.indirect.gather @p1 [hbm4b:s6+s22], $0x80, s26, s22, $0xb8;
	[tilespmem:$0x1C800] =	vst v63  }
0x2d: {  	s28 =	simm.s32 @!p1 $0x1;
	s25 =	simm.s32 @p1 $0x6000  }
0x2e: {  	[spmem:s2] =	stream.indirect.scatter.add.f32 @p1 [tilespmem:s25], [sflag:$0x3], $0x80, s24, s22, $0xb8;
	[tilespmem:$0x1C800] =	vst v63  }
0x2f: {  	_ =	swait.ge @!p1 [sflag:s28], $0x2800  }
0x30: {  	s25 =	simm.s32 @!p1 $0x4;
	[sflag:s28] =	ssyncset.done @!p1 $0x0  }
0x31: {  	s22 =	simm.s32 @!p1 $0x50;
	[sflag:s28] =	ssyncadd.s32 @!p1 $0xFFFFD800;
	s28 =	simm.s32 @!p1 $0x6000  }
0x32: {  	[tilespmem:s28], [sflag:$0x2] =	stream.indirect.gather @!p1 [hbm4b:s6+s22], $0x80, s26, s22, $0xb8;
	[tilespmem:$0x1C800] =	vst v63  }
0x33: {  	s25 =	simm.s32 @p1 $0x3;
	s28 =	simm.s32 $0x1;
	s26 =	simm.s32 @!p1 $0x3800  }
0x34: {  	[spmem:s2] =	stream.indirect.scatter.add.f32 @!p1 [tilespmem:s26], [sflag:$0x4], $0x80, s24, s22, $0xb8;
	[tilespmem:$0x1C800] =	vst v63  }
0x35: {  	s28 =	sand.u32 $0x1, s28;
	s26 =	simm.s32 $0x2;
	_ =	swait.ge [sflag:s25], $0x2800  }
0x36: {  	s22 =	simm.s32 $0x100;
	s24 =	simm.s32 $0x1C80;
	[sflag:s25] =	ssyncset.done $0x0  }
.LBB2_7:
0x37: {  	p2 =	seq.s32 s28, $0x1  }
0x38: {  	[sflag:s25] =	ssyncadd.s32 $0xFFFFD800;
	s28 =	smov.u32 s26;
	s26 =	sadd.s32 $0x1, s26  }
0x39: {  	p1 =	sne.s32 s26, $0x31;
	s29 =	simm.s32 @p2 $0x2;
	s25 =	simm.s32 @!p2 $0x4  }
0x3a: {  	_ =	swait.ge @p2 [sflag:s29], $0x2800  }
0x3b: {  	[sflag:s29] =	ssyncset.done @p2 $0x0  }
0x3c: {  	s30 =	simm.s32 @p2 $0x3800;
	[sflag:s29] =	ssyncadd.s32 @p2 $0xFFFFD800;
	s29 =	simm.s32 @p2 $0x50  }
0x3d: {  	[tilespmem:s30], [sflag:$0x1] =	stream.indirect.gather @p2 [hbm4b:s6+s29], $0x80, s22, s29, $0xb8;
	[tilespmem:$0x1C800] =	vst v63  }
0x3e: {  	s31 =	simm.s32 @!p2 $0x1;
	s30 =	simm.s32 @p2 $0x6000  }
0x3f: {  	[spmem:s2] =	stream.indirect.scatter.add.f32 @p2 [tilespmem:s30], [sflag:$0x3], $0x80, s24, s29, $0xb8;
	[tilespmem:$0x1C800] =	vst v63  }
0x40: {  	_ =	swait.ge @!p2 [sflag:s31], $0x2800  }
0x41: {  	[sflag:s31] =	ssyncset.done @!p2 $0x0  }
0x42: {  	s29 =	simm.s32 @!p2 $0x50;
	s30 =	simm.s32 @!p2 $0x6000;
	[sflag:s31] =	ssyncadd.s32 @!p2 $0xFFFFD800  }
0x43: {  	[tilespmem:s30], [sflag:$0x2] =	stream.indirect.gather @!p2 [hbm4b:s6+s29], $0x80, s22, s29, $0xb8;
	[tilespmem:$0x1C800] =	vst v63  }
.Ltmp3:
0x44: {  	_ = 	snop;
	(pc) =	sbr.rel @p1 .LBB2_7-.Ltmp3, $4  }
0x45: {  	s25 =	simm.s32 @p2 $0x3;
	s30 =	simm.s32 @!p2 $0x3800  }
0x46: {  	[spmem:s2] =	stream.indirect.scatter.add.f32 @!p2 [tilespmem:s30], [sflag:$0x4], $0x80, s24, s29, $0xb8;
	[tilespmem:$0x1C800] =	vst v63  }
0x47: {  	s22 =	sadd.s32 $0x80, s22;
	_ =	swait.ge [sflag:s25], $0x2800  }
0x48: {  	s28 =	sand.u32 $0x1, s28;
	s24 =	sadd.s32 $0x80, s24;
	[sflag:s25] =	ssyncset.done $0x0  }
0x49: {  	p1 =	seq.s32 s28, $0x1  }
0x4a: {  	[sflag:s25] =	ssyncadd.s32 $0xFFFFD800;
	s25 =	simm.s32 @p1 $0x2  }
0x4b: {  	_ =	swait.ge @p1 [sflag:s25], $0x2800  }
0x4c: {  	[sflag:s25] =	ssyncset.done @p1 $0x0  }
0x4d: {  	s26 =	simm.s32 @p1 $0x3800;
	[sflag:s25] =	ssyncadd.s32 @p1 $0xFFFFD800;
	s25 =	simm.s32 @p1 $0x50  }
0x4e: {  	[tilespmem:s26], [sflag:$0x1] =	stream.indirect.gather @p1 [hbm4b:s6+s25], $0x80, s22, s25, $0xb8;
	[tilespmem:$0x1C800] =	vst v63  }
0x4f: {  	s28 =	simm.s32 @!p1 $0x1;
	s26 =	simm.s32 @p1 $0x6000  }
0x50: {  	[spmem:s2] =	stream.indirect.scatter.add.f32 @p1 [tilespmem:s26], [sflag:$0x3], $0x80, s24, s25, $0xb8;
	[tilespmem:$0x1C800] =	vst v63  }
0x51: {  	_ =	swait.ge @!p1 [sflag:s28], $0x2800  }
0x52: {  	s25 =	simm.s32 @!p1 $0x4;
	[sflag:s28] =	ssyncset.done @!p1 $0x0  }
0x53: {  	s26 =	simm.s32 @!p1 $0x50;
	[sflag:s28] =	ssyncadd.s32 @!p1 $0xFFFFD800;
	s28 =	simm.s32 @!p1 $0x6000  }
0x54: {  	[tilespmem:s28], [sflag:$0x2] =	stream.indirect.gather @!p1 [hbm4b:s6+s26], $0x80, s22, s26, $0xb8;
	[tilespmem:$0x1C800] =	vst v63  }
0x55: {  	s25 =	simm.s32 @p1 $0x3;
	s22 =	simm.s32 @!p1 $0x3800  }
0x56: {  	[spmem:s2] =	stream.indirect.scatter.add.f32 @!p1 [tilespmem:s22], [sflag:$0x4], $0x80, s24, s26, $0xb8;
	[tilespmem:$0x1C800] =	vst v63  }
0x57: {  	_ =	swait.ge [sflag:s25], $0x2800  }
0x58: {  	[sflag:s25] =	ssyncset.done $0x0  }
0x59: {  	[sflag:s25] =	ssyncadd.s32 $0xFFFFD800  }
0x5a: {  	s23 =	sadd.s32 $0x1, s23;
	_ =	swait.ge [sflag:s19], $0x2800  }
0x5b: {  	p1 =	sne.s32 s23, $0x5;
	[sflag:s19] =	ssyncset.done $0x0  }
.Ltmp4:
0x5c: {  	[sflag:s19] =	ssyncadd.s32 $0xFFFFD800;
	(pc) =	sbr.rel @p1 .LBB2_6-.Ltmp4, $4  }
0x5d: {  	[spmem:s2] =	stream.indirect.scatter.add.f32 [tilespmem:s21], [sflag:$0x3], $0x80, s20, s17, $0xb8;
	[tilespmem:$0x1C800] =	vst v63  }
0x5e: {  	_ =	swait.ge [sflag:s16], $0x2800  }
0x5f: {  	[sflag:s16] =	ssyncset.done $0x0  }
0x60: {  	[sflag:s16] =	ssyncadd.s32 $0xFFFFD800  }
.Ltmp5:
0x61: {  	(pc) =	sbr.rel .LBB2_10-.Ltmp5, $2  }
0x62: {  	_ =	sdelay $0x2  }
0x63: {  	s22 =	smov.u32 s10  }
.LBB2_2:
0x64: {  	s23 =	smul.u32 $0x1C00, s22;
	_ =	sdelay $0x1  }
0x65: {  	s23 =	sadd.s32 s12, s23  }
0x66: {  	s23 =	sshrl.u32 s23, $0x3  }
0x67: {  	s25 =	simm.s32 $0x0;
	s24 =	sadd.s32 s7, s23  }
0x68: {  	[tilespmem:s25], [sflag:$0x3] =	stream.linear.gather [hbm4b:s24+s25], $0x1900, $0x38;
	[tilespmem:$0x1C800] =	vst v63  }
0x69: {  	_ =	swait.ge [sflag:s16], $0x1900  }
0x6a: {  	[sflag:s16] =	ssyncset.done $0x0  }
0x6b: {  	s23 =	sadd.s32 s8, s23;
	s24 =	simm.s32 $0x1C00;
	[sflag:s16] =	ssyncadd.s32 $0xFFFFE700  }
0x6c: {  	[tilespmem:s24], [sflag:$0x3] =	stream.linear.gather [hbm4b:s23+s25], $0x1900, $0x38;
	[tilespmem:$0x1C800] =	vst v63  }
0x6d: {  	s31 =	sand.u32 $0x1, s25;
	_ =	swait.ge [sflag:s16], $0x1900  }
0x6e: {  	p1 =	seq.s32 s31, $0x1;
	[sflag:s16] =	ssyncset.done $0x0  }
0x6f: {  	s23 =	simm.s32 @p1 $0x2;
	[sflag:s16] =	ssyncadd.s32 $0xFFFFE700  }
0x70: {  	[tilespmem:s18], [sflag:$0x1] =	stream.indirect.gather [hbm4b:s5+s17], $0x80, s25, s17, $0xb8;
	[tilespmem:$0x1C800] =	vst v63  }
0x71: {  	_ =	swait.ge @p1 [sflag:s23], $0x2800  }
0x72: {  	s26 =	simm.s32 $0x80;
	[sflag:s23] =	ssyncset.done @p1 $0x0  }
0x73: {  	s25 =	simm.s32 @p1 $0x3800;
	[sflag:s23] =	ssyncadd.s32 @p1 $0xFFFFD800;
	s23 =	simm.s32 @p1 $0x50  }
0x74: {  	[tilespmem:s25], [sflag:$0x1] =	stream.indirect.gather @p1 [hbm4b:s5+s23], $0x80, s26, s23, $0xb8;
	[tilespmem:$0x1C800] =	vst v63  }
0x75: {  	s28 =	simm.s32 @!p1 $0x1;
	s25 =	simm.s32 @p1 $0x6000  }
0x76: {  	[spmem:s2] =	stream.indirect.scatter.add.f32 @p1 [tilespmem:s25], [sflag:$0x3], $0x80, s24, s23, $0xb8;
	[tilespmem:$0x1C800] =	vst v63  }
0x77: {  	_ =	swait.ge @!p1 [sflag:s28], $0x2800  }
0x78: {  	s25 =	simm.s32 @!p1 $0x4;
	[sflag:s28] =	ssyncset.done @!p1 $0x0  }
0x79: {  	s23 =	simm.s32 @!p1 $0x50;
	[sflag:s28] =	ssyncadd.s32 @!p1 $0xFFFFD800;
	s28 =	simm.s32 @!p1 $0x6000  }
0x7a: {  	[tilespmem:s28], [sflag:$0x2] =	stream.indirect.gather @!p1 [hbm4b:s5+s23], $0x80, s26, s23, $0xb8;
	[tilespmem:$0x1C800] =	vst v63  }
0x7b: {  	s25 =	simm.s32 @p1 $0x3;
	s28 =	simm.s32 $0x1;
	s26 =	simm.s32 @!p1 $0x3800  }
0x7c: {  	[spmem:s2] =	stream.indirect.scatter.add.f32 @!p1 [tilespmem:s26], [sflag:$0x4], $0x80, s24, s23, $0xb8;
	[tilespmem:$0x1C800] =	vst v63  }
0x7d: {  	s28 =	sand.u32 $0x1, s28;
	s26 =	simm.s32 $0x2;
	_ =	swait.ge [sflag:s25], $0x2800  }
0x7e: {  	s23 =	simm.s32 $0x100;
	s24 =	simm.s32 $0x1C80;
	[sflag:s25] =	ssyncset.done $0x0  }
.LBB2_3:
0x7f: {  	p2 =	seq.s32 s28, $0x1  }
0x80: {  	[sflag:s25] =	ssyncadd.s32 $0xFFFFD800;
	s28 =	smov.u32 s26;
	s26 =	sadd.s32 $0x1, s26  }
0x81: {  	p1 =	sne.s32 s26, $0x31;
	s29 =	simm.s32 @p2 $0x2;
	s25 =	simm.s32 @!p2 $0x4  }
0x82: {  	_ =	swait.ge @p2 [sflag:s29], $0x2800  }
0x83: {  	[sflag:s29] =	ssyncset.done @p2 $0x0  }
0x84: {  	s30 =	simm.s32 @p2 $0x3800;
	[sflag:s29] =	ssyncadd.s32 @p2 $0xFFFFD800;
	s29 =	simm.s32 @p2 $0x50  }
0x85: {  	[tilespmem:s30], [sflag:$0x1] =	stream.indirect.gather @p2 [hbm4b:s5+s29], $0x80, s23, s29, $0xb8;
	[tilespmem:$0x1C800] =	vst v63  }
0x86: {  	s31 =	simm.s32 @!p2 $0x1;
	s30 =	simm.s32 @p2 $0x6000  }
0x87: {  	[spmem:s2] =	stream.indirect.scatter.add.f32 @p2 [tilespmem:s30], [sflag:$0x3], $0x80, s24, s29, $0xb8;
	[tilespmem:$0x1C800] =	vst v63  }
0x88: {  	_ =	swait.ge @!p2 [sflag:s31], $0x2800  }
0x89: {  	[sflag:s31] =	ssyncset.done @!p2 $0x0  }
0x8a: {  	s29 =	simm.s32 @!p2 $0x50;
	s30 =	simm.s32 @!p2 $0x6000;
	[sflag:s31] =	ssyncadd.s32 @!p2 $0xFFFFD800  }
0x8b: {  	[tilespmem:s30], [sflag:$0x2] =	stream.indirect.gather @!p2 [hbm4b:s5+s29], $0x80, s23, s29, $0xb8;
	[tilespmem:$0x1C800] =	vst v63  }
.Ltmp6:
0x8c: {  	_ = 	snop;
	(pc) =	sbr.rel @p1 .LBB2_3-.Ltmp6, $4  }
0x8d: {  	s25 =	simm.s32 @p2 $0x3;
	s30 =	simm.s32 @!p2 $0x3800  }
0x8e: {  	[spmem:s2] =	stream.indirect.scatter.add.f32 @!p2 [tilespmem:s30], [sflag:$0x4], $0x80, s24, s29, $0xb8;
	[tilespmem:$0x1C800] =	vst v63  }
0x8f: {  	s23 =	sadd.s32 $0x80, s23;
	_ =	swait.ge [sflag:s25], $0x2800  }
0x90: {  	s28 =	sand.u32 $0x1, s28;
	s24 =	sadd.s32 $0x80, s24;
	[sflag:s25] =	ssyncset.done $0x0  }
0x91: {  	p1 =	seq.s32 s28, $0x1  }
0x92: {  	[sflag:s25] =	ssyncadd.s32 $0xFFFFD800;
	s25 =	simm.s32 @p1 $0x2  }
0x93: {  	_ =	swait.ge @p1 [sflag:s25], $0x2800  }
0x94: {  	[sflag:s25] =	ssyncset.done @p1 $0x0  }
0x95: {  	s26 =	simm.s32 @p1 $0x3800;
	[sflag:s25] =	ssyncadd.s32 @p1 $0xFFFFD800;
	s25 =	simm.s32 @p1 $0x50  }
0x96: {  	[tilespmem:s26], [sflag:$0x1] =	stream.indirect.gather @p1 [hbm4b:s5+s25], $0x80, s23, s25, $0xb8;
	[tilespmem:$0x1C800] =	vst v63  }
0x97: {  	s28 =	simm.s32 @!p1 $0x1;
	s26 =	simm.s32 @p1 $0x6000  }
0x98: {  	[spmem:s2] =	stream.indirect.scatter.add.f32 @p1 [tilespmem:s26], [sflag:$0x3], $0x80, s24, s25, $0xb8;
	[tilespmem:$0x1C800] =	vst v63  }
0x99: {  	_ =	swait.ge @!p1 [sflag:s28], $0x2800  }
0x9a: {  	s25 =	simm.s32 @!p1 $0x4;
	[sflag:s28] =	ssyncset.done @!p1 $0x0  }
0x9b: {  	s26 =	simm.s32 @!p1 $0x50;
	[sflag:s28] =	ssyncadd.s32 @!p1 $0xFFFFD800;
	s28 =	simm.s32 @!p1 $0x6000  }
0x9c: {  	[tilespmem:s28], [sflag:$0x2] =	stream.indirect.gather @!p1 [hbm4b:s5+s26], $0x80, s23, s26, $0xb8;
	[tilespmem:$0x1C800] =	vst v63  }
0x9d: {  	s25 =	simm.s32 @p1 $0x3;
	s23 =	simm.s32 @!p1 $0x3800  }
0x9e: {  	[spmem:s2] =	stream.indirect.scatter.add.f32 @!p1 [tilespmem:s23], [sflag:$0x4], $0x80, s24, s26, $0xb8;
	[tilespmem:$0x1C800] =	vst v63  }
0x9f: {  	_ =	swait.ge [sflag:s25], $0x2800  }
0xa0: {  	[sflag:s25] =	ssyncset.done $0x0  }
0xa1: {  	[sflag:s25] =	ssyncadd.s32 $0xFFFFD800  }
0xa2: {  	s22 =	sadd.s32 $0x1, s22;
	_ =	swait.ge [sflag:s19], $0x2800  }
0xa3: {  	p1 =	seq.s32 s22, $0x5;
	[sflag:s19] =	ssyncset.done $0x0  }
.Ltmp7:
0xa4: {  	[sflag:s19] =	ssyncadd.s32 $0xFFFFD800;
	(pc) =	sbr.rel @!p1 .LBB2_2-.Ltmp7, $4  }
0xa5: {  	[spmem:s2] =	stream.indirect.scatter.add.f32 [tilespmem:s21], [sflag:$0x3], $0x80, s20, s17, $0xb8;
	[tilespmem:$0x1C800] =	vst v63  }
0xa6: {  	_ =	swait.ge [sflag:s16], $0x2800  }
0xa7: {  	[sflag:s16] =	ssyncset.done $0x0  }
0xa8: {  	[sflag:s16] =	ssyncadd.s32 $0xFFFFD800  }
.Ltmp8:
0xa9: {  	(pc) =	sbr.rel .LBB2_10-.Ltmp8, $2  }
0xaa: {  	_ =	sdelay $0x2  }
0xab: {  	s22 =	smov.u32 s9  }
.LBB2_11:
0xac: {  	_ =	sfence.sel $0x180000  }
0xad: {  	[bflag:$0x0] =	sbarrier.arrive $0xFFFF  }
0xae: {  	p0 =	sne.s32 s4, $0x0;
	_ =	strace $0x9000004D  }
0xaf: {  	s0 =	sadd.s32 @!p0 $0x100000, s0;
	[bflag:$0x2] =	sbarrier.arrive $0xFFFF  }
0xb0: {  	[sflag:s0] =	ssyncadd.tile.s32 @!p0 $0x1;
	_ =	shalt  }
.Lfunc_end2:
_tile_overlayer_lowered:
.L_overlay_start_2:
0xb1: {  	(tag) =	ssettag $0x2  }
0xb2: {  	s0 =	rddreg [dreg:$0x0];
	s2 =	stileid.u32  }
0xb3: {  	s1 =	rddreg [dreg:$0x1];
	p0 =	sne.s32 s2, $0x0  }
0xb4: {  	s3 =	rddreg [dreg:$0x2];
	[bflag:$0x3] =	sbarrier.arrive $0xFFFF;
	s2 =	simm.s32 @!p0 $0x1C03  }
0xb5: {  	[timem:s3], [sflag:s2] =	dma.local @!p0 [hbm:s0], s1  }
0xb6: {  	s0 =	simm.s32 @!p0 $0x3  }
0xb7: {  	_ =	swait.ge @!p0 [sflag:s0], s1  }
0xb8: {  	s1 =	ssub.s32 @!p0 $0x0, s1;
	[sflag:s0] =	ssyncset.done @!p0 $0x0  }
0xb9: {  	[sflag:s0] =	ssyncadd.s32 @!p0 s1  }
0xba: {  	[bflag:$0x3] =	sbarrier.arrive $0xFFFF  }
0xbb: {  	_ =	shalt  }

// kernel: kernel.20.cloned.1.call-start
scs
__scs_entry_jumppad:
0x0: {  	(pc) =	sbr.rel $0x88, $3  }
0x1: {  	(tag) =	ssettag $0x0;
	lr =	simm.s32 $0x1  }
0x2: {  	[smem:$0x3F95] =	sst lr;
	_ =	strace $0xD0000000  }
0x3: {  	_ = 	snop  }
0x4: {  	_ = 	snop  }
0x5: {  	_ = 	snop  }
0x6: {  	_ = 	snop  }
0x7: {  	_ = 	snop  }
__scs_overlays_trampoline_lowered:
0x8: {  	[smem:$0x3FA4] =	sst s0  }
0x9: {  	[smem:$0x3FA5] =	sst s1  }
0xa: {  	[smem:$0x3FA6] =	sst s2  }
0xb: {  	[smem:$0x3FA7] =	sst s3  }
0xc: {  	[smem:$0x3FA8] =	sst s4  }
0xd: {  	[smem:$0x3FA9] =	sst s5  }
0xe: {  	[smem:$0x3FAA] =	sst s6  }
0xf: {  	[smem:$0x3FAB] =	sst s7  }
0x10: {  	[smem:$0x3FAC] =	sst s8  }
0x11: {  	[smem:$0x3FAD] =	sst s9;
	s0 =	simm.s32 @!p0 $0x0  }
0x12: {  	s1 =	sld [smem:$0x3F93];
	s0 =	simm.s32 @p0 $0x1  }
0x13: {  	[smem:$0x3FAE] =	sst s0;
	s0 =	simm.s32 @!p1 $0x0  }
0x14: {  	s2 =	sld [smem:$0x3F92];
	s0 =	simm.s32 @p1 $0x1  }
0x15: {  	[smem:$0x3FAF] =	sst s0;
	s0 =	simm.s32 @!p2 $0x0  }
0x16: {  	s3 =	sld [smem:$0x3FDB];
	s0 =	simm.s32 @p2 $0x1  }
0x17: {  	s4 =	simm.s32 $0x1BF5;
	[smem:$0x3FB1] =	sst s0  }
0x18: {  	s0 =	sld [smem:$0x3F94];
	_ =	swait.ge [sflag:s4], $0x0  }
0x19: {  	s7 =	sld [smem:$0x3F95]  }
0x1a: {  	s8 =	sadd.s32 $0xFFFFE003, lr  }
0x1b: {  	s9 =	sadd.s32 $0xFFFFFEF7, lr;
	s5 =	simm.s32 $0xFFFFFFFF;
	p2 =	slt.u32 s8, $0xFFFFF086  }
0x1c: {  	p1 =	slt.u32 s9, $0xF7A;
	s5 =	simm.s32 @!p2 $0x0  }
0x1d: {  	s5 =	simm.s32 @p1 $0x1;
	p0 =	seq.s32 s7, s2  }
0x1e: {  	s7 =	smul.u32 @!p0 $0xF7A, s2;
	p2 =	seq.s32 @!p0 s5, $0x0  }
0x1f: {  	s9 =	smul.u32 $0xF7A, s1;
	s8 =	simm.s32 @!p0 $0x1BF5;
	p2 =	por !p2, p0  }
0x20: {  	[sflag:s8] =	ssyncset.s32 @!p0 $0xFFFFF086;
	s6 =	sadd.s32 @!p0 s3, s7;
	s7 =	simm.s32 @!p0 $0x108  }
0x21: {  	s3 =	sadd.s32 s3, s9;
	s6 =	sadd.s32 @!p0 $0x88, s6;
	s7 =	simm.s32 @p2 $0x1082  }
0x22: {  	[simem:s7], [sflag:s8] =	dma.local @!p0 [hbm:s6], $0xF7A  }
0x23: {  	s9 =	sor.u32 $0xD0000000, s2;
	s6 =	simm.s32 $0x108;
	_ =	swait.ge @!p0 [sflag:s8], $0x0  }
0x24: {  	s3 =	sadd.s32 $0x88, s3;
	s6 =	simm.s32 @!p1 $0x1082;
	[sflag:s4] =	ssyncset.s32 $0xFFFFF086  }
0x25: {  	[simem:s6], [sflag:s4] =	dma.local [hbm:s3], $0xF7A  }
0x26: {  	[smem:$0x3F95] =	sst s1;
	(tag) =	ssettag s2;
	_ =	strace s9  }
0x27: {  	s1 =	sld [smem:$0x3FA5]  }
0x28: {  	s2 =	sld [smem:$0x3FA6]  }
0x29: {  	s4 =	sld [smem:$0x3FA8]  }
0x2a: {  	p0 =	seq.s32 s5, $0x0;
	s5 =	sld [smem:$0x3FA9]  }
0x2b: {  	s6 =	sld [smem:$0x3FAA]  }
0x2c: {  	s7 =	sld [smem:$0x3FAB]  }
0x2d: {  	s3 =	simm.s32 $0x108;
	s8 =	sld [smem:$0x3FAC]  }
0x2e: {  	s3 =	simm.s32 @!p0 $0x1082;
	s9 =	sld [smem:$0x3FAD]  }
0x2f: {  	lr =	sadd.s32 s0, s3;
	s0 =	sld [smem:$0x3FA4]  }
0x30: {  	s3 =	sld [smem:$0x3FA7]  }
0x31: {  	[smem:$0x3FB0] =	sst s10  }
0x32: {  	s10 =	sld [smem:$0x3FAE];
	_ =	sdelay $0x3  }
0x33: {  	p0 =	seq.s32 s10, $0x1;
	s10 =	sld [smem:$0x3FB0];
	_ =	sdelay $0x3  }
0x34: {  	[smem:$0x3FB0] =	sst s10  }
0x35: {  	s10 =	sld [smem:$0x3FAF];
	_ =	sdelay $0x3  }
0x36: {  	p1 =	seq.s32 s10, $0x1;
	s10 =	sld [smem:$0x3FB0];
	_ =	sdelay $0x3  }
0x37: {  	[smem:$0x3FB0] =	sst s10  }
0x38: {  	s10 =	sld [smem:$0x3FB1]  }
0x39: {  	_ = 	snop;
	(pc) =	sbr.ind lr, $3  }
0x3a: {  	_ = 	snop  }
0x3b: {  	_ = 	snop  }
0x3c: {  	p2 =	seq.s32 s10, $0x1;
	s10 =	sld [smem:$0x3FB0]  }
0x3d: {  	_ =	shalt  }
0x3e: {  	_ =	shalt  }
0x3f: {  	_ =	shalt  }
0x40: {  	_ =	shalt  }
0x41: {  	_ =	shalt  }
0x42: {  	_ =	shalt  }
0x43: {  	_ =	shalt  }
0x44: {  	_ =	shalt  }
0x45: {  	_ =	shalt  }
0x46: {  	_ =	shalt  }
0x47: {  	_ =	shalt  }
0x48: {  	_ =	shalt  }
0x49: {  	_ =	shalt  }
0x4a: {  	_ =	shalt  }
0x4b: {  	_ =	shalt  }
0x4c: {  	_ =	shalt  }
0x4d: {  	_ =	shalt  }
0x4e: {  	_ =	shalt  }
0x4f: {  	_ =	shalt  }
0x50: {  	_ =	shalt  }
0x51: {  	_ =	shalt  }
0x52: {  	_ =	shalt  }
0x53: {  	_ =	shalt  }
0x54: {  	_ =	shalt  }
0x55: {  	_ =	shalt  }
0x56: {  	_ =	shalt  }
0x57: {  	_ =	shalt  }
0x58: {  	_ =	shalt  }
0x59: {  	_ =	shalt  }
0x5a: {  	_ =	shalt  }
0x5b: {  	_ =	shalt  }
0x5c: {  	_ =	shalt  }
0x5d: {  	_ =	shalt  }
0x5e: {  	_ =	shalt  }
0x5f: {  	_ =	shalt  }
0x60: {  	_ =	shalt  }
0x61: {  	_ =	shalt  }
0x62: {  	_ =	shalt  }
0x63: {  	_ =	shalt  }
0x64: {  	_ =	shalt  }
0x65: {  	_ =	shalt  }
0x66: {  	_ =	shalt  }
0x67: {  	_ =	shalt  }
0x68: {  	_ =	shalt  }
0x69: {  	_ =	shalt  }
0x6a: {  	_ =	shalt  }
0x6b: {  	_ =	shalt  }
0x6c: {  	_ =	shalt  }
0x6d: {  	_ =	shalt  }
0x6e: {  	_ =	shalt  }
0x6f: {  	_ =	shalt  }
0x70: {  	_ =	shalt  }
0x71: {  	_ =	shalt  }
0x72: {  	_ =	shalt  }
0x73: {  	_ =	shalt  }
0x74: {  	_ =	shalt  }
0x75: {  	_ =	shalt  }
0x76: {  	_ =	shalt  }
0x77: {  	_ =	shalt  }
0x78: {  	_ =	shalt  }
0x79: {  	_ =	shalt  }
0x7a: {  	_ =	shalt  }
0x7b: {  	_ =	shalt  }
0x7c: {  	_ =	shalt  }
0x7d: {  	_ =	shalt  }
0x7e: {  	_ =	shalt  }
0x7f: {  	_ =	shalt  }
0x80: {  	_ =	shalt  }
0x81: {  	_ =	shalt  }
0x82: {  	_ =	shalt  }
0x83: {  	_ =	shalt  }
0x84: {  	_ =	shalt  }
0x85: {  	_ =	shalt  }
0x86: {  	_ =	shalt  }
0x87: {  	_ =	shalt  }
.Lfunc_end0:
.L_simem_size_0:
called_computation.3_lowered:
.L_overlay_start_0:
0x88: {  	s2 =	sld [smem:$0x3FD9]  }
0x89: {  	s3 =	sld [smem:$0x3FFE];
	_ =	sdelay $0x1  }
0x8a: {  	s1 =	srdreg.scid  }
0x8b: {  	s0 =	sand.u32 $0x1, s1  }
0x8c: {  	s17 =	sshll.u32 s0, $0xA;
	s2 =	sadd.s32 s3, s2  }
0x8d: {  	s2 =	sadd.s32 s2, s17  }
0x8e: {  	[smem:$0x3FBC] =	sst s2  }
0x8f: {  	_ = 	snop  }
0x90: {  	s2 =	sld [smem:$0x3FD0];
	(tm) =	ssettm $0x1  }
0x91: {  	s18 =	sld [smem:$0x3FFB];
	_ =	sdelay $0x3  }
0x92: {  	_ =	strace s18  }
0x93: {  	s3 =	sld [smem:$0x3FFC];
	_ =	sdelay $0x3  }
0x94: {  	_ =	strace s3  }
0x95: {  	s3 =	sld [smem:$0x3FFD];
	_ =	sdelay $0x3  }
0x96: {  	_ =	strace s3  }
0x97: {  	_ =	strace $0x8FFFFFFF  }
0x98: {  	s19 =	sld [smem:$0x3FDB];
	_ =	sdelay $0x1  }
0x99: {  	s4 =	simm.s32 $_scs_section_size  }
0x9a: {  	s5 =	simm.s32 $_size__tile_overlayer_lowered;
	s6 =	simm.s32 $_tile_overlayer_lowered  }
0x9b: {  	s22 =	simm.s32 $0x1BFF;
	s21 =	sshll.u32 s6, $0x1;
	s3 =	sadd.s32 s4, s19  }
0x9c: {  	s7 =	simm.s32 $0x0;
	s20 =	sshll.u32 s5, $0x1;
	s5 =	sadd.s32 s21, s3  }
0x9d: {  	[timem:s7], [sflag:s22] =	dma.local [hbm:s5], s20  }
0x9e: {  	_ =	swait.ge [sflag:s22], s20  }
0x9f: {  	s4 =	ssub.s32 $0x0, s20;
	[sflag:s22] =	ssyncset.done $0x0  }
0xa0: {  	[sflag:s22] =	ssyncadd.s32 s4;
	_ =	sdelay $0x1  }
0xa1: {  	s23 =	simm.s32 $0x1B8B  }
0xa2: {  	_ =	swait.ge [sflag:s23], $0x1  }
0xa3: {  	[sflag:s23] =	ssyncset.done $0x0  }
0xa4: {  	s25 =	simm.s32 $0x1B8E;
	s24 =	sld [smem:$0x3FFE];
	[sflag:s23] =	ssyncadd.s32 $0xFFFFFFFF  }
0xa5: {  	s26 =	simm.s32 $execute0_lowered;
	[smem:$0x3FD2] =	sst s25  }
0xa6: {  	s5 =	sshll.u32 s26, $0x1;
	_ =	strace $0x8000004F;
	[dreg:$0x1] =	wrdreg $0xFFFFFFFF  }
0xa7: {  	s28 =	simm.s32 $_size_execute0_lowered;
	s3 =	sadd.s32 s3, s5;
	[dreg:$0x0] =	wrdreg $0x0  }
0xa8: {  	s5 =	sshll.u32 s28, $0x1;
	[dreg:$0x2] =	wrdreg s3  }
0xa9: {  	[dreg:$0x3] =	wrdreg s5  }
0xaa: {  	[dreg:$0x4] =	wrdreg $0xC0  }
0xab: {  	_ =	task [dreg:s7], $0x5FFFF  }
0xac: {  	[dreg:$0x1] =	wrdreg $0xFFFFFFFF  }
0xad: {  	[dreg:$0x0] =	wrdreg $0x60  }
0xae: {  	[dreg:$0x2] =	wrdreg s24  }
0xaf: {  	[dreg:$0x3] =	wrdreg s2  }
0xb0: {  	[dreg:$0x4] =	wrdreg $0x88000  }
0xb1: {  	[dreg:$0x5] =	wrdreg $0x9  }
0xb2: {  	_ =	task.clear_ibuf [dreg:s7], $0x6FFFF;
	_ =	strace $0x9000004F  }
0xb3: {  	s29 =	simm.s32 $0x9;
	_ =	strace $0x80000051  }
0xb4: {  	_ =	swait.ge [sflag:s29], $0x1  }
0xb5: {  	[sflag:s29] =	ssyncadd.s32 $0xFFFFFFFF  }
0xb6: {  	_ =	strace $0x90000051  }
0xb7: {  	_ =	sfence  }
0xb8: {  	s30 =	sld [smem:$0x0];
	_ =	sdelay $0x2  }
0xb9: {  	s31 =	sshll.u32 s1, $0xD;
	s1 =	sshrl.u32 s1, $0x2  }
0xba: {  	s3 =	sand.u32 $0x4000, s31;
	s1 =	sadd.s32 s1, s30  }
0xbb: {  	s0 =	sor.u32 s3, s0;
	s1 =	sshll.u32 s1, $0x11  }
0xbc: {  	s0 =	sor.u32 s1, s0  }
0xbd: {  	s0 =	sadd.s32 $0x8F2B, s0  }
0xbe: {  	[sflag:s0] =	ssyncadd.remote.s32 $0x1  }
0xbf: {  	_ =	sfence.sel $0xFFFF  }
0xc0: {  	[dreg:$0x0] =	wrdreg $0xFFFFFFFF;
	(pc) =	sbr.abs _section_cstart, $3  }
0xc1: {  	[dreg:$0x1] =	wrdreg $0xFFFFFFFF  }
0xc2: {  	_ =	task.clear_ibuf [dreg:s7], $0x2FFFF;
	_ =	strace $0x9FFFFFFF  }
0xc3: {  	(tm) =	ssettm $0x7FFFFFFF  }
tec
execute0_lowered:
.L_overlay_start_1:
0x0: {  	(tag) =	ssettag $0x1  }
0x1: {  	s10 =	rddreg [dreg:$0x0]  }
0x2: {  	s1 =	rddreg [dreg:$0x1]  }
0x3: {  	s2 =	rddreg [dreg:$0x2]  }
0x4: {  	s0 =	rddreg [dreg:$0x3];
	s3 =	simm.s32 $0x0;
	s8 =	srdreg.scid  }
0x5: {  	s4 =	stileid.u32;
	s16 =	simm.s32 $0x3;
	s17 =	simm.s32 $0x50  }
0x6: {  	s18 =	simm.s32 $0x3800;
	s19 =	simm.s32 $0x2;
	s20 =	simm.s32 $0x3480  }
0x7: {  	s21 =	simm.s32 $0x6000;
	[smem:$0x7FF] =	sst s3;
	s5 =	sadd.s32 $0x6400, s10  }
0x8: {  	s6 =	sadd.s32 $0x2D600, s10;
	s7 =	sadd.s32 $0x7C200, s10;
	s12 =	sand.u32 $0x1, s8  }
0x9: {  	s11 =	smul.u32 $0x50000, s4;
	s8 =	sadd.s32 $0x6AA00, s10;
	s9 =	sadd.s32 $0xB4C00, s10  }
.Ltmp0:
0xa: {  	s10 =	sadd.s32 $0xDCC00, s10;
	s31 =	sshll.u32 s4, $0x6;
	(pc) =	sbr.rel .LBB2_1-.Ltmp0, $4  }
0xb: {  	_ =	strace $0x80000050;
	s13 =	ssub.s32 $0x2, s12;
	p0 =	seq.s32 s12, $0x1  }
0xc: {  	s12 =	smul.u32 $0x8C00, s4;
	s14 =	sshrl.u32 s13, $0x1;
	s11 =	sshrl.u32 s11, $0x2  }
0xd: {  	s14 =	ssub.s32 s13, s14;
	s15 =	sadd.s32 s11, s2;
	s11 =	sor.u32 $0x1C03, s31  }
0xe: {  	s13 =	smul.u32 $0x2800, s4;
	s14 =	smax.u32 s14, $0x1;
	s15 =	sshrl.u32 s15, $0x3  }
.LBB2_10:
0xf: {  	s3 =	sadd.s32 $0x1, s3  }
0x10: {  	p1 =	sne.s32 s3, s14  }
.Ltmp1:
0x11: {  	[bflag:$0x0] =	sbarrier.arrive $0xFFFF;
	s22 =	sadd.s32 s22, s13;
	(pc) =	sbr.rel @!p1 .LBB2_11-.Ltmp1, $4  }
0x12: {  	[hbm:s22], [sflag:s11] =	dma.local [spmem:s15], $0x2800  }
0x13: {  	_ =	swait.ge [sflag:s16], $0x2800  }
0x14: {  	[sflag:s16] =	ssyncset.done $0x0  }
0x15: {  	[sflag:s16] =	ssyncadd.s32 $0xFFFFD800  }
.LBB2_1:
0x16: {  	[spmem:s15], [sflag:s11] =	dma.local [hbm:s1], $0x2800  }
.Ltmp2:
0x17: {  	_ =	swait.ge [sflag:s16], $0x2800;
	(pc) =	sbr.rel @!p0 .LBB2_2-.Ltmp2, $4  }
0x18: {  	[sflag:s16] =	ssyncset.done $0x0  }
0x19: {  	[sflag:s16] =	ssyncadd.s32 $0xFFFFD800  }
0x1a: {  	[bflag:$0x0] =	sbarrier.arrive $0xFFFF  }
0x1b: {  	s22 =	simm.s32 $0x0;
	s23 =	simm.s32 $0x0  }
.LBB2_6:
0x1c: {  	s22 =	smul.u32 $0x1C00, s23;
	_ =	sdelay $0x1  }
0x1d: {  	s22 =	sadd.s32 s12, s22  }
0x1e: {  	s22 =	sshrl.u32 s22, $0x3  }
0x1f: {  	s25 =	simm.s32 $0x0;
	s24 =	sadd.s32 s7, s22  }
0x20: {  	[tilespmem:s25], [sflag:$0x3] =	stream.linear.gather [hbm4b:s24+s25], $0x1900, $0x38;
	[tilespmem:$0x1C800] =	vst v63  }
0x21: {  	_ =	swait.ge [sflag:s16], $0x1900  }
0x22: {  	[sflag:s16] =	ssyncset.done $0x0  }
0x23: {  	s22 =	sadd.s32 s8, s22;
	s24 =	simm.s32 $0x1C00;
	[sflag:s16] =	ssyncadd.s32 $0xFFFFE700  }
0x24: {  	[tilespmem:s24], [sflag:$0x3] =	stream.linear.gather [hbm4b:s22+s25], $0x1900, $0x38;
	[tilespmem:$0x1C800] =	vst v63  }
0x25: {  	s31 =	sand.u32 $0x1, s25;
	_ =	swait.ge [sflag:s16], $0x1900  }
0x26: {  	p1 =	seq.s32 s31, $0x1;
	[sflag:s16] =	ssyncset.done $0x0  }
0x27: {  	s22 =	simm.s32 @p1 $0x2;
	[sflag:s16] =	ssyncadd.s32 $0xFFFFE700  }
0x28: {  	[tilespmem:s18], [sflag:$0x1] =	stream.indirect.gather [hbm4b:s6+s17], $0x80, s25, s17, $0xb8;
	[tilespmem:$0x1C800] =	vst v63  }
0x29: {  	_ =	swait.ge @p1 [sflag:s22], $0x2800  }
0x2a: {  	s26 =	simm.s32 $0x80;
	[sflag:s22] =	ssyncset.done @p1 $0x0  }
0x2b: {  	s25 =	simm.s32 @p1 $0x3800;
	[sflag:s22] =	ssyncadd.s32 @p1 $0xFFFFD800;
	s22 =	simm.s32 @p1 $0x50  }
0x2c: {  	[tilespmem:s25], [sflag:$0x1] =	stream.indirect.gather @p1 [hbm4b:s6+s22], $0x80, s26, s22, $0xb8;
	[tilespmem:$0x1C800] =	vst v63  }
0x2d: {  	s28 =	simm.s32 @!p1 $0x1;
	s25 =	simm.s32 @p1 $0x6000  }
0x2e: {  	[spmem:s2] =	stream.indirect.scatter.add.f32 @p1 [tilespmem:s25], [sflag:$0x3], $0x80, s24, s22, $0xb8;
	[tilespmem:$0x1C800] =	vst v63  }
0x2f: {  	_ =	swait.ge @!p1 [sflag:s28], $0x2800  }
0x30: {  	s25 =	simm.s32 @!p1 $0x4;
	[sflag:s28] =	ssyncset.done @!p1 $0x0  }
0x31: {  	s22 =	simm.s32 @!p1 $0x50;
	[sflag:s28] =	ssyncadd.s32 @!p1 $0xFFFFD800;
	s28 =	simm.s32 @!p1 $0x6000  }
0x32: {  	[tilespmem:s28], [sflag:$0x2] =	stream.indirect.gather @!p1 [hbm4b:s6+s22], $0x80, s26, s22, $0xb8;
	[tilespmem:$0x1C800] =	vst v63  }
0x33: {  	s25 =	simm.s32 @p1 $0x3;
	s28 =	simm.s32 $0x1;
	s26 =	simm.s32 @!p1 $0x3800  }
0x34: {  	[spmem:s2] =	stream.indirect.scatter.add.f32 @!p1 [tilespmem:s26], [sflag:$0x4], $0x80, s24, s22, $0xb8;
	[tilespmem:$0x1C800] =	vst v63  }
0x35: {  	s28 =	sand.u32 $0x1, s28;
	s26 =	simm.s32 $0x2;
	_ =	swait.ge [sflag:s25], $0x2800  }
0x36: {  	s22 =	simm.s32 $0x100;
	s24 =	simm.s32 $0x1C80;
	[sflag:s25] =	ssyncset.done $0x0  }
.LBB2_7:
0x37: {  	p2 =	seq.s32 s28, $0x1  }
0x38: {  	[sflag:s25] =	ssyncadd.s32 $0xFFFFD800;
	s28 =	smov.u32 s26;
	s26 =	sadd.s32 $0x1, s26  }
0x39: {  	p1 =	sne.s32 s26, $0x31;
	s29 =	simm.s32 @p2 $0x2;
	s25 =	simm.s32 @!p2 $0x4  }
0x3a: {  	_ =	swait.ge @p2 [sflag:s29], $0x2800  }
0x3b: {  	[sflag:s29] =	ssyncset.done @p2 $0x0  }
0x3c: {  	s30 =	simm.s32 @p2 $0x3800;
	[sflag:s29] =	ssyncadd.s32 @p2 $0xFFFFD800;
	s29 =	simm.s32 @p2 $0x50  }
0x3d: {  	[tilespmem:s30], [sflag:$0x1] =	stream.indirect.gather @p2 [hbm4b:s6+s29], $0x80, s22, s29, $0xb8;
	[tilespmem:$0x1C800] =	vst v63  }
0x3e: {  	s31 =	simm.s32 @!p2 $0x1;
	s30 =	simm.s32 @p2 $0x6000  }
0x3f: {  	[spmem:s2] =	stream.indirect.scatter.add.f32 @p2 [tilespmem:s30], [sflag:$0x3], $0x80, s24, s29, $0xb8;
	[tilespmem:$0x1C800] =	vst v63  }
0x40: {  	_ =	swait.ge @!p2 [sflag:s31], $0x2800  }
0x41: {  	[sflag:s31] =	ssyncset.done @!p2 $0x0  }
0x42: {  	s29 =	simm.s32 @!p2 $0x50;
	s30 =	simm.s32 @!p2 $0x6000;
	[sflag:s31] =	ssyncadd.s32 @!p2 $0xFFFFD800  }
0x43: {  	[tilespmem:s30], [sflag:$0x2] =	stream.indirect.gather @!p2 [hbm4b:s6+s29], $0x80, s22, s29, $0xb8;
	[tilespmem:$0x1C800] =	vst v63  }
.Ltmp3:
0x44: {  	_ = 	snop;
	(pc) =	sbr.rel @p1 .LBB2_7-.Ltmp3, $4  }
0x45: {  	s25 =	simm.s32 @p2 $0x3;
	s30 =	simm.s32 @!p2 $0x3800  }
0x46: {  	[spmem:s2] =	stream.indirect.scatter.add.f32 @!p2 [tilespmem:s30], [sflag:$0x4], $0x80, s24, s29, $0xb8;
	[tilespmem:$0x1C800] =	vst v63  }
0x47: {  	s22 =	sadd.s32 $0x80, s22;
	_ =	swait.ge [sflag:s25], $0x2800  }
0x48: {  	s28 =	sand.u32 $0x1, s28;
	s24 =	sadd.s32 $0x80, s24;
	[sflag:s25] =	ssyncset.done $0x0  }
0x49: {  	p1 =	seq.s32 s28, $0x1  }
0x4a: {  	[sflag:s25] =	ssyncadd.s32 $0xFFFFD800;
	s25 =	simm.s32 @p1 $0x2  }
0x4b: {  	_ =	swait.ge @p1 [sflag:s25], $0x2800  }
0x4c: {  	[sflag:s25] =	ssyncset.done @p1 $0x0  }
0x4d: {  	s26 =	simm.s32 @p1 $0x3800;
	[sflag:s25] =	ssyncadd.s32 @p1 $0xFFFFD800;
	s25 =	simm.s32 @p1 $0x50  }
0x4e: {  	[tilespmem:s26], [sflag:$0x1] =	stream.indirect.gather @p1 [hbm4b:s6+s25], $0x80, s22, s25, $0xb8;
	[tilespmem:$0x1C800] =	vst v63  }
0x4f: {  	s28 =	simm.s32 @!p1 $0x1;
	s26 =	simm.s32 @p1 $0x6000  }
0x50: {  	[spmem:s2] =	stream.indirect.scatter.add.f32 @p1 [tilespmem:s26], [sflag:$0x3], $0x80, s24, s25, $0xb8;
	[tilespmem:$0x1C800] =	vst v63  }
0x51: {  	_ =	swait.ge @!p1 [sflag:s28], $0x2800  }
0x52: {  	s25 =	simm.s32 @!p1 $0x4;
	[sflag:s28] =	ssyncset.done @!p1 $0x0  }
0x53: {  	s26 =	simm.s32 @!p1 $0x50;
	[sflag:s28] =	ssyncadd.s32 @!p1 $0xFFFFD800;
	s28 =	simm.s32 @!p1 $0x6000  }
0x54: {  	[tilespmem:s28], [sflag:$0x2] =	stream.indirect.gather @!p1 [hbm4b:s6+s26], $0x80, s22, s26, $0xb8;
	[tilespmem:$0x1C800] =	vst v63  }
0x55: {  	s25 =	simm.s32 @p1 $0x3;
	s22 =	simm.s32 @!p1 $0x3800  }
0x56: {  	[spmem:s2] =	stream.indirect.scatter.add.f32 @!p1 [tilespmem:s22], [sflag:$0x4], $0x80, s24, s26, $0xb8;
	[tilespmem:$0x1C800] =	vst v63  }
0x57: {  	_ =	swait.ge [sflag:s25], $0x2800  }
0x58: {  	[sflag:s25] =	ssyncset.done $0x0  }
0x59: {  	[sflag:s25] =	ssyncadd.s32 $0xFFFFD800  }
0x5a: {  	s23 =	sadd.s32 $0x1, s23;
	_ =	swait.ge [sflag:s19], $0x2800  }
0x5b: {  	p1 =	sne.s32 s23, $0x5;
	[sflag:s19] =	ssyncset.done $0x0  }
.Ltmp4:
0x5c: {  	[sflag:s19] =	ssyncadd.s32 $0xFFFFD800;
	(pc) =	sbr.rel @p1 .LBB2_6-.Ltmp4, $4  }
0x5d: {  	[spmem:s2] =	stream.indirect.scatter.add.f32 [tilespmem:s21], [sflag:$0x3], $0x80, s20, s17, $0xb8;
	[tilespmem:$0x1C800] =	vst v63  }
0x5e: {  	_ =	swait.ge [sflag:s16], $0x2800  }
0x5f: {  	[sflag:s16] =	ssyncset.done $0x0  }
0x60: {  	[sflag:s16] =	ssyncadd.s32 $0xFFFFD800  }
.Ltmp5:
0x61: {  	(pc) =	sbr.rel .LBB2_10-.Ltmp5, $2  }
0x62: {  	_ =	sdelay $0x2  }
0x63: {  	s22 =	smov.u32 s10  }
.LBB2_2:
0x64: {  	s23 =	smul.u32 $0x1C00, s22;
	_ =	sdelay $0x1  }
0x65: {  	s23 =	sadd.s32 s12, s23  }
0x66: {  	s23 =	sshrl.u32 s23, $0x3  }
0x67: {  	s25 =	simm.s32 $0x0;
	s24 =	sadd.s32 s7, s23  }
0x68: {  	[tilespmem:s25], [sflag:$0x3] =	stream.linear.gather [hbm4b:s24+s25], $0x1900, $0x38;
	[tilespmem:$0x1C800] =	vst v63  }
0x69: {  	_ =	swait.ge [sflag:s16], $0x1900  }
0x6a: {  	[sflag:s16] =	ssyncset.done $0x0  }
0x6b: {  	s23 =	sadd.s32 s8, s23;
	s24 =	simm.s32 $0x1C00;
	[sflag:s16] =	ssyncadd.s32 $0xFFFFE700  }
0x6c: {  	[tilespmem:s24], [sflag:$0x3] =	stream.linear.gather [hbm4b:s23+s25], $0x1900, $0x38;
	[tilespmem:$0x1C800] =	vst v63  }
0x6d: {  	s31 =	sand.u32 $0x1, s25;
	_ =	swait.ge [sflag:s16], $0x1900  }
0x6e: {  	p1 =	seq.s32 s31, $0x1;
	[sflag:s16] =	ssyncset.done $0x0  }
0x6f: {  	s23 =	simm.s32 @p1 $0x2;
	[sflag:s16] =	ssyncadd.s32 $0xFFFFE700  }
0x70: {  	[tilespmem:s18], [sflag:$0x1] =	stream.indirect.gather [hbm4b:s5+s17], $0x80, s25, s17, $0xb8;
	[tilespmem:$0x1C800] =	vst v63  }
0x71: {  	_ =	swait.ge @p1 [sflag:s23], $0x2800  }
0x72: {  	s26 =	simm.s32 $0x80;
	[sflag:s23] =	ssyncset.done @p1 $0x0  }
0x73: {  	s25 =	simm.s32 @p1 $0x3800;
	[sflag:s23] =	ssyncadd.s32 @p1 $0xFFFFD800;
	s23 =	simm.s32 @p1 $0x50  }
0x74: {  	[tilespmem:s25], [sflag:$0x1] =	stream.indirect.gather @p1 [hbm4b:s5+s23], $0x80, s26, s23, $0xb8;
	[tilespmem:$0x1C800] =	vst v63  }
0x75: {  	s28 =	simm.s32 @!p1 $0x1;
	s25 =	simm.s32 @p1 $0x6000  }
0x76: {  	[spmem:s2] =	stream.indirect.scatter.add.f32 @p1 [tilespmem:s25], [sflag:$0x3], $0x80, s24, s23, $0xb8;
	[tilespmem:$0x1C800] =	vst v63  }
0x77: {  	_ =	swait.ge @!p1 [sflag:s28], $0x2800  }
0x78: {  	s25 =	simm.s32 @!p1 $0x4;
	[sflag:s28] =	ssyncset.done @!p1 $0x0  }
0x79: {  	s23 =	simm.s32 @!p1 $0x50;
	[sflag:s28] =	ssyncadd.s32 @!p1 $0xFFFFD800;
	s28 =	simm.s32 @!p1 $0x6000  }
0x7a: {  	[tilespmem:s28], [sflag:$0x2] =	stream.indirect.gather @!p1 [hbm4b:s5+s23], $0x80, s26, s23, $0xb8;
	[tilespmem:$0x1C800] =	vst v63  }
0x7b: {  	s25 =	simm.s32 @p1 $0x3;
	s28 =	simm.s32 $0x1;
	s26 =	simm.s32 @!p1 $0x3800  }
0x7c: {  	[spmem:s2] =	stream.indirect.scatter.add.f32 @!p1 [tilespmem:s26], [sflag:$0x4], $0x80, s24, s23, $0xb8;
	[tilespmem:$0x1C800] =	vst v63  }
0x7d: {  	s28 =	sand.u32 $0x1, s28;
	s26 =	simm.s32 $0x2;
	_ =	swait.ge [sflag:s25], $0x2800  }
0x7e: {  	s23 =	simm.s32 $0x100;
	s24 =	simm.s32 $0x1C80;
	[sflag:s25] =	ssyncset.done $0x0  }
.LBB2_3:
0x7f: {  	p2 =	seq.s32 s28, $0x1  }
0x80: {  	[sflag:s25] =	ssyncadd.s32 $0xFFFFD800;
	s28 =	smov.u32 s26;
	s26 =	sadd.s32 $0x1, s26  }
0x81: {  	p1 =	sne.s32 s26, $0x31;
	s29 =	simm.s32 @p2 $0x2;
	s25 =	simm.s32 @!p2 $0x4  }
0x82: {  	_ =	swait.ge @p2 [sflag:s29], $0x2800  }
0x83: {  	[sflag:s29] =	ssyncset.done @p2 $0x0  }
0x84: {  	s30 =	simm.s32 @p2 $0x3800;
	[sflag:s29] =	ssyncadd.s32 @p2 $0xFFFFD800;
	s29 =	simm.s32 @p2 $0x50  }
0x85: {  	[tilespmem:s30], [sflag:$0x1] =	stream.indirect.gather @p2 [hbm4b:s5+s29], $0x80, s23, s29, $0xb8;
	[tilespmem:$0x1C800] =	vst v63  }
0x86: {  	s31 =	simm.s32 @!p2 $0x1;
	s30 =	simm.s32 @p2 $0x6000  }
0x87: {  	[spmem:s2] =	stream.indirect.scatter.add.f32 @p2 [tilespmem:s30], [sflag:$0x3], $0x80, s24, s29, $0xb8;
	[tilespmem:$0x1C800] =	vst v63  }
0x88: {  	_ =	swait.ge @!p2 [sflag:s31], $0x2800  }
0x89: {  	[sflag:s31] =	ssyncset.done @!p2 $0x0  }
0x8a: {  	s29 =	simm.s32 @!p2 $0x50;
	s30 =	simm.s32 @!p2 $0x6000;
	[sflag:s31] =	ssyncadd.s32 @!p2 $0xFFFFD800  }
0x8b: {  	[tilespmem:s30], [sflag:$0x2] =	stream.indirect.gather @!p2 [hbm4b:s5+s29], $0x80, s23, s29, $0xb8;
	[tilespmem:$0x1C800] =	vst v63  }
.Ltmp6:
0x8c: {  	_ = 	snop;
	(pc) =	sbr.rel @p1 .LBB2_3-.Ltmp6, $4  }
0x8d: {  	s25 =	simm.s32 @p2 $0x3;
	s30 =	simm.s32 @!p2 $0x3800  }
0x8e: {  	[spmem:s2] =	stream.indirect.scatter.add.f32 @!p2 [tilespmem:s30], [sflag:$0x4], $0x80, s24, s29, $0xb8;
	[tilespmem:$0x1C800] =	vst v63  }
0x8f: {  	s23 =	sadd.s32 $0x80, s23;
	_ =	swait.ge [sflag:s25], $0x2800  }
0x90: {  	s28 =	sand.u32 $0x1, s28;
	s24 =	sadd.s32 $0x80, s24;
	[sflag:s25] =	ssyncset.done $0x0  }
0x91: {  	p1 =	seq.s32 s28, $0x1  }
0x92: {  	[sflag:s25] =	ssyncadd.s32 $0xFFFFD800;
	s25 =	simm.s32 @p1 $0x2  }
0x93: {  	_ =	swait.ge @p1 [sflag:s25], $0x2800  }
0x94: {  	[sflag:s25] =	ssyncset.done @p1 $0x0  }
0x95: {  	s26 =	simm.s32 @p1 $0x3800;
	[sflag:s25] =	ssyncadd.s32 @p1 $0xFFFFD800;
	s25 =	simm.s32 @p1 $0x50  }
0x96: {  	[tilespmem:s26], [sflag:$0x1] =	stream.indirect.gather @p1 [hbm4b:s5+s25], $0x80, s23, s25, $0xb8;
	[tilespmem:$0x1C800] =	vst v63  }
0x97: {  	s28 =	simm.s32 @!p1 $0x1;
	s26 =	simm.s32 @p1 $0x6000  }
0x98: {  	[spmem:s2] =	stream.indirect.scatter.add.f32 @p1 [tilespmem:s26], [sflag:$0x3], $0x80, s24, s25, $0xb8;
	[tilespmem:$0x1C800] =	vst v63  }
0x99: {  	_ =	swait.ge @!p1 [sflag:s28], $0x2800  }
0x9a: {  	s25 =	simm.s32 @!p1 $0x4;
	[sflag:s28] =	ssyncset.done @!p1 $0x0  }
0x9b: {  	s26 =	simm.s32 @!p1 $0x50;
	[sflag:s28] =	ssyncadd.s32 @!p1 $0xFFFFD800;
	s28 =	simm.s32 @!p1 $0x6000  }
0x9c: {  	[tilespmem:s28], [sflag:$0x2] =	stream.indirect.gather @!p1 [hbm4b:s5+s26], $0x80, s23, s26, $0xb8;
	[tilespmem:$0x1C800] =	vst v63  }
0x9d: {  	s25 =	simm.s32 @p1 $0x3;
	s23 =	simm.s32 @!p1 $0x3800  }
0x9e: {  	[spmem:s2] =	stream.indirect.scatter.add.f32 @!p1 [tilespmem:s23], [sflag:$0x4], $0x80, s24, s26, $0xb8;
	[tilespmem:$0x1C800] =	vst v63  }
0x9f: {  	_ =	swait.ge [sflag:s25], $0x2800  }
0xa0: {  	[sflag:s25] =	ssyncset.done $0x0  }
0xa1: {  	[sflag:s25] =	ssyncadd.s32 $0xFFFFD800  }
0xa2: {  	s22 =	sadd.s32 $0x1, s22;
	_ =	swait.ge [sflag:s19], $0x2800  }
0xa3: {  	p1 =	seq.s32 s22, $0x5;
	[sflag:s19] =	ssyncset.done $0x0  }
.Ltmp7:
0xa4: {  	[sflag:s19] =	ssyncadd.s32 $0xFFFFD800;
	(pc) =	sbr.rel @!p1 .LBB2_2-.Ltmp7, $4  }
0xa5: {  	[spmem:s2] =	stream.indirect.scatter.add.f32 [tilespmem:s21], [sflag:$0x3], $0x80, s20, s17, $0xb8;
	[tilespmem:$0x1C800] =	vst v63  }
0xa6: {  	_ =	swait.ge [sflag:s16], $0x2800  }
0xa7: {  	[sflag:s16] =	ssyncset.done $0x0  }
0xa8: {  	[sflag:s16] =	ssyncadd.s32 $0xFFFFD800  }
.Ltmp8:
0xa9: {  	(pc) =	sbr.rel .LBB2_10-.Ltmp8, $2  }
0xaa: {  	_ =	sdelay $0x2  }
0xab: {  	s22 =	smov.u32 s9  }
.LBB2_11:
0xac: {  	_ =	sfence.sel $0x180000  }
0xad: {  	[bflag:$0x0] =	sbarrier.arrive $0xFFFF  }
0xae: {  	p0 =	sne.s32 s4, $0x0;
	_ =	strace $0x90000050  }
0xaf: {  	s0 =	sadd.s32 @!p0 $0x100000, s0;
	[bflag:$0x2] =	sbarrier.arrive $0xFFFF  }
0xb0: {  	[sflag:s0] =	ssyncadd.tile.s32 @!p0 $0x1;
	_ =	shalt  }
.Lfunc_end2:
_tile_overlayer_lowered:
.L_overlay_start_2:
0xb1: {  	(tag) =	ssettag $0x2  }
0xb2: {  	s0 =	rddreg [dreg:$0x0];
	s2 =	stileid.u32  }
0xb3: {  	s1 =	rddreg [dreg:$0x1];
	p0 =	sne.s32 s2, $0x0  }
0xb4: {  	s3 =	rddreg [dreg:$0x2];
	[bflag:$0x3] =	sbarrier.arrive $0xFFFF;
	s2 =	simm.s32 @!p0 $0x1C03  }
0xb5: {  	[timem:s3], [sflag:s2] =	dma.local @!p0 [hbm:s0], s1  }
0xb6: {  	s0 =	simm.s32 @!p0 $0x3  }
0xb7: {  	_ =	swait.ge @!p0 [sflag:s0], s1  }
0xb8: {  	s1 =	ssub.s32 @!p0 $0x0, s1;
	[sflag:s0] =	ssyncset.done @!p0 $0x0  }
0xb9: {  	[sflag:s0] =	ssyncadd.s32 @!p0 s1  }
0xba: {  	[bflag:$0x3] =	sbarrier.arrive $0xFFFF  }
0xbb: {  	_ =	shalt  }

// kernel: kernel.23.cloned.1.call-start
scs
__scs_entry_jumppad:
0x0: {  	(pc) =	sbr.rel $0x88, $3  }
0x1: {  	(tag) =	ssettag $0x0;
	lr =	simm.s32 $0x1  }
0x2: {  	[smem:$0x3F95] =	sst lr;
	_ =	strace $0xD0000000  }
0x3: {  	_ = 	snop  }
0x4: {  	_ = 	snop  }
0x5: {  	_ = 	snop  }
0x6: {  	_ = 	snop  }
0x7: {  	_ = 	snop  }
__scs_overlays_trampoline_lowered:
0x8: {  	[smem:$0x3FA4] =	sst s0  }
0x9: {  	[smem:$0x3FA5] =	sst s1  }
0xa: {  	[smem:$0x3FA6] =	sst s2  }
0xb: {  	[smem:$0x3FA7] =	sst s3  }
0xc: {  	[smem:$0x3FA8] =	sst s4  }
0xd: {  	[smem:$0x3FA9] =	sst s5  }
0xe: {  	[smem:$0x3FAA] =	sst s6  }
0xf: {  	[smem:$0x3FAB] =	sst s7  }
0x10: {  	[smem:$0x3FAC] =	sst s8  }
0x11: {  	[smem:$0x3FAD] =	sst s9;
	s0 =	simm.s32 @!p0 $0x0  }
0x12: {  	s1 =	sld [smem:$0x3F93];
	s0 =	simm.s32 @p0 $0x1  }
0x13: {  	[smem:$0x3FAE] =	sst s0;
	s0 =	simm.s32 @!p1 $0x0  }
0x14: {  	s2 =	sld [smem:$0x3F92];
	s0 =	simm.s32 @p1 $0x1  }
0x15: {  	[smem:$0x3FAF] =	sst s0;
	s0 =	simm.s32 @!p2 $0x0  }
0x16: {  	s3 =	sld [smem:$0x3FDB];
	s0 =	simm.s32 @p2 $0x1  }
0x17: {  	s4 =	simm.s32 $0x1BF5;
	[smem:$0x3FB1] =	sst s0  }
0x18: {  	s0 =	sld [smem:$0x3F94];
	_ =	swait.ge [sflag:s4], $0x0  }
0x19: {  	s7 =	sld [smem:$0x3F95]  }
0x1a: {  	s8 =	sadd.s32 $0xFFFFE003, lr  }
0x1b: {  	s9 =	sadd.s32 $0xFFFFFEF7, lr;
	s5 =	simm.s32 $0xFFFFFFFF;
	p2 =	slt.u32 s8, $0xFFFFF086  }
0x1c: {  	p1 =	slt.u32 s9, $0xF7A;
	s5 =	simm.s32 @!p2 $0x0  }
0x1d: {  	s5 =	simm.s32 @p1 $0x1;
	p0 =	seq.s32 s7, s2  }
0x1e: {  	s7 =	smul.u32 @!p0 $0xF7A, s2;
	p2 =	seq.s32 @!p0 s5, $0x0  }
0x1f: {  	s9 =	smul.u32 $0xF7A, s1;
	s8 =	simm.s32 @!p0 $0x1BF5;
	p2 =	por !p2, p0  }
0x20: {  	[sflag:s8] =	ssyncset.s32 @!p0 $0xFFFFF086;
	s6 =	sadd.s32 @!p0 s3, s7;
	s7 =	simm.s32 @!p0 $0x108  }
0x21: {  	s3 =	sadd.s32 s3, s9;
	s6 =	sadd.s32 @!p0 $0x88, s6;
	s7 =	simm.s32 @p2 $0x1082  }
0x22: {  	[simem:s7], [sflag:s8] =	dma.local @!p0 [hbm:s6], $0xF7A  }
0x23: {  	s9 =	sor.u32 $0xD0000000, s2;
	s6 =	simm.s32 $0x108;
	_ =	swait.ge @!p0 [sflag:s8], $0x0  }
0x24: {  	s3 =	sadd.s32 $0x88, s3;
	s6 =	simm.s32 @!p1 $0x1082;
	[sflag:s4] =	ssyncset.s32 $0xFFFFF086  }
0x25: {  	[simem:s6], [sflag:s4] =	dma.local [hbm:s3], $0xF7A  }
0x26: {  	[smem:$0x3F95] =	sst s1;
	(tag) =	ssettag s2;
	_ =	strace s9  }
0x27: {  	s1 =	sld [smem:$0x3FA5]  }
0x28: {  	s2 =	sld [smem:$0x3FA6]  }
0x29: {  	s4 =	sld [smem:$0x3FA8]  }
0x2a: {  	p0 =	seq.s32 s5, $0x0;
	s5 =	sld [smem:$0x3FA9]  }
0x2b: {  	s6 =	sld [smem:$0x3FAA]  }
0x2c: {  	s7 =	sld [smem:$0x3FAB]  }
0x2d: {  	s3 =	simm.s32 $0x108;
	s8 =	sld [smem:$0x3FAC]  }
0x2e: {  	s3 =	simm.s32 @!p0 $0x1082;
	s9 =	sld [smem:$0x3FAD]  }
0x2f: {  	lr =	sadd.s32 s0, s3;
	s0 =	sld [smem:$0x3FA4]  }
0x30: {  	s3 =	sld [smem:$0x3FA7]  }
0x31: {  	[smem:$0x3FB0] =	sst s10  }
0x32: {  	s10 =	sld [smem:$0x3FAE];
	_ =	sdelay $0x3  }
0x33: {  	p0 =	seq.s32 s10, $0x1;
	s10 =	sld [smem:$0x3FB0];
	_ =	sdelay $0x3  }
0x34: {  	[smem:$0x3FB0] =	sst s10  }
0x35: {  	s10 =	sld [smem:$0x3FAF];
	_ =	sdelay $0x3  }
0x36: {  	p1 =	seq.s32 s10, $0x1;
	s10 =	sld [smem:$0x3FB0];
	_ =	sdelay $0x3  }
0x37: {  	[smem:$0x3FB0] =	sst s10  }
0x38: {  	s10 =	sld [smem:$0x3FB1]  }
0x39: {  	_ = 	snop;
	(pc) =	sbr.ind lr, $3  }
0x3a: {  	_ = 	snop  }
0x3b: {  	_ = 	snop  }
0x3c: {  	p2 =	seq.s32 s10, $0x1;
	s10 =	sld [smem:$0x3FB0]  }
0x3d: {  	_ =	shalt  }
0x3e: {  	_ =	shalt  }
0x3f: {  	_ =	shalt  }
0x40: {  	_ =	shalt  }
0x41: {  	_ =	shalt  }
0x42: {  	_ =	shalt  }
0x43: {  	_ =	shalt  }
0x44: {  	_ =	shalt  }
0x45: {  	_ =	shalt  }
0x46: {  	_ =	shalt  }
0x47: {  	_ =	shalt  }
0x48: {  	_ =	shalt  }
0x49: {  	_ =	shalt  }
0x4a: {  	_ =	shalt  }
0x4b: {  	_ =	shalt  }
0x4c: {  	_ =	shalt  }
0x4d: {  	_ =	shalt  }
0x4e: {  	_ =	shalt  }
0x4f: {  	_ =	shalt  }
0x50: {  	_ =	shalt  }
0x51: {  	_ =	shalt  }
0x52: {  	_ =	shalt  }
0x53: {  	_ =	shalt  }
0x54: {  	_ =	shalt  }
0x55: {  	_ =	shalt  }
0x56: {  	_ =	shalt  }
0x57: {  	_ =	shalt  }
0x58: {  	_ =	shalt  }
0x59: {  	_ =	shalt  }
0x5a: {  	_ =	shalt  }
0x5b: {  	_ =	shalt  }
0x5c: {  	_ =	shalt  }
0x5d: {  	_ =	shalt  }
0x5e: {  	_ =	shalt  }
0x5f: {  	_ =	shalt  }
0x60: {  	_ =	shalt  }
0x61: {  	_ =	shalt  }
0x62: {  	_ =	shalt  }
0x63: {  	_ =	shalt  }
0x64: {  	_ =	shalt  }
0x65: {  	_ =	shalt  }
0x66: {  	_ =	shalt  }
0x67: {  	_ =	shalt  }
0x68: {  	_ =	shalt  }
0x69: {  	_ =	shalt  }
0x6a: {  	_ =	shalt  }
0x6b: {  	_ =	shalt  }
0x6c: {  	_ =	shalt  }
0x6d: {  	_ =	shalt  }
0x6e: {  	_ =	shalt  }
0x6f: {  	_ =	shalt  }
0x70: {  	_ =	shalt  }
0x71: {  	_ =	shalt  }
0x72: {  	_ =	shalt  }
0x73: {  	_ =	shalt  }
0x74: {  	_ =	shalt  }
0x75: {  	_ =	shalt  }
0x76: {  	_ =	shalt  }
0x77: {  	_ =	shalt  }
0x78: {  	_ =	shalt  }
0x79: {  	_ =	shalt  }
0x7a: {  	_ =	shalt  }
0x7b: {  	_ =	shalt  }
0x7c: {  	_ =	shalt  }
0x7d: {  	_ =	shalt  }
0x7e: {  	_ =	shalt  }
0x7f: {  	_ =	shalt  }
0x80: {  	_ =	shalt  }
0x81: {  	_ =	shalt  }
0x82: {  	_ =	shalt  }
0x83: {  	_ =	shalt  }
0x84: {  	_ =	shalt  }
0x85: {  	_ =	shalt  }
0x86: {  	_ =	shalt  }
0x87: {  	_ =	shalt  }
.Lfunc_end0:
.L_simem_size_0:
called_computation.4_lowered:
.L_overlay_start_0:
0x88: {  	s2 =	sld [smem:$0x3FD9]  }
0x89: {  	s3 =	sld [smem:$0x3FFE];
	_ =	sdelay $0x1  }
0x8a: {  	s1 =	srdreg.scid  }
0x8b: {  	s0 =	sand.u32 $0x1, s1  }
0x8c: {  	s17 =	sshll.u32 s0, $0xA;
	s2 =	sadd.s32 s3, s2  }
0x8d: {  	s2 =	sadd.s32 s2, s17  }
0x8e: {  	[smem:$0x3FBC] =	sst s2  }
0x8f: {  	_ = 	snop  }
0x90: {  	s2 =	sld [smem:$0x3FD0];
	(tm) =	ssettm $0x1  }
0x91: {  	s18 =	sld [smem:$0x3FFB];
	_ =	sdelay $0x3  }
0x92: {  	_ =	strace s18  }
0x93: {  	s3 =	sld [smem:$0x3FFC];
	_ =	sdelay $0x3  }
0x94: {  	_ =	strace s3  }
0x95: {  	s3 =	sld [smem:$0x3FFD];
	_ =	sdelay $0x3  }
0x96: {  	_ =	strace s3  }
0x97: {  	_ =	strace $0x8FFFFFFF  }
0x98: {  	s19 =	sld [smem:$0x3FDB];
	_ =	sdelay $0x1  }
0x99: {  	s4 =	simm.s32 $_scs_section_size  }
0x9a: {  	s5 =	simm.s32 $_size__tile_overlayer_lowered;
	s6 =	simm.s32 $_tile_overlayer_lowered  }
0x9b: {  	s22 =	simm.s32 $0x1BFF;
	s21 =	sshll.u32 s6, $0x1;
	s3 =	sadd.s32 s4, s19  }
0x9c: {  	s7 =	simm.s32 $0x0;
	s20 =	sshll.u32 s5, $0x1;
	s5 =	sadd.s32 s21, s3  }
0x9d: {  	[timem:s7], [sflag:s22] =	dma.local [hbm:s5], s20  }
0x9e: {  	_ =	swait.ge [sflag:s22], s20  }
0x9f: {  	s4 =	ssub.s32 $0x0, s20;
	[sflag:s22] =	ssyncset.done $0x0  }
0xa0: {  	[sflag:s22] =	ssyncadd.s32 s4;
	_ =	sdelay $0x1  }
0xa1: {  	s23 =	simm.s32 $0x1B8B  }
0xa2: {  	_ =	swait.ge [sflag:s23], $0x1  }
0xa3: {  	[sflag:s23] =	ssyncset.done $0x0  }
0xa4: {  	s25 =	simm.s32 $0x1B8E;
	s24 =	sld [smem:$0x3FFE];
	[sflag:s23] =	ssyncadd.s32 $0xFFFFFFFF  }
0xa5: {  	s26 =	simm.s32 $execute0_lowered;
	[smem:$0x3FD2] =	sst s25  }
0xa6: {  	s5 =	sshll.u32 s26, $0x1;
	_ =	strace $0x80000052;
	[dreg:$0x1] =	wrdreg $0xFFFFFFFF  }
0xa7: {  	s28 =	simm.s32 $_size_execute0_lowered;
	s3 =	sadd.s32 s3, s5;
	[dreg:$0x0] =	wrdreg $0x0  }
0xa8: {  	s5 =	sshll.u32 s28, $0x1;
	[dreg:$0x2] =	wrdreg s3  }
0xa9: {  	[dreg:$0x3] =	wrdreg s5  }
0xaa: {  	[dreg:$0x4] =	wrdreg $0xC0  }
0xab: {  	_ =	task [dreg:s7], $0x5FFFF  }
0xac: {  	[dreg:$0x1] =	wrdreg $0xFFFFFFFF  }
0xad: {  	[dreg:$0x0] =	wrdreg $0x60  }
0xae: {  	[dreg:$0x2] =	wrdreg s24  }
0xaf: {  	[dreg:$0x3] =	wrdreg s2  }
0xb0: {  	[dreg:$0x4] =	wrdreg $0x9  }
0xb1: {  	_ =	task.clear_ibuf [dreg:s7], $0x5FFFF;
	_ =	strace $0x90000052  }
0xb2: {  	s29 =	simm.s32 $0x9;
	_ =	strace $0x80000054  }
0xb3: {  	_ =	swait.ge [sflag:s29], $0x1  }
0xb4: {  	[sflag:s29] =	ssyncadd.s32 $0xFFFFFFFF  }
0xb5: {  	_ =	strace $0x90000054  }
0xb6: {  	_ =	sfence  }
0xb7: {  	s30 =	sld [smem:$0x0];
	_ =	sdelay $0x2  }
0xb8: {  	s31 =	sshll.u32 s1, $0xD;
	s1 =	sshrl.u32 s1, $0x2  }
0xb9: {  	s3 =	sand.u32 $0x4000, s31;
	s1 =	sadd.s32 s1, s30  }
0xba: {  	s0 =	sor.u32 s3, s0;
	s1 =	sshll.u32 s1, $0x11  }
0xbb: {  	s0 =	sor.u32 s1, s0  }
0xbc: {  	s0 =	sadd.s32 $0x8F2B, s0  }
0xbd: {  	[sflag:s0] =	ssyncadd.remote.s32 $0x1  }
0xbe: {  	_ =	sfence.sel $0xFFFF  }
0xbf: {  	[dreg:$0x0] =	wrdreg $0xFFFFFFFF;
	(pc) =	sbr.abs _section_cstart, $3  }
0xc0: {  	[dreg:$0x1] =	wrdreg $0xFFFFFFFF  }
0xc1: {  	_ =	task.clear_ibuf [dreg:s7], $0x2FFFF;
	_ =	strace $0x9FFFFFFF  }
0xc2: {  	(tm) =	ssettm $0x7FFFFFFF  }
0xc3: {  	_ =	shalt  }
tec
execute0_lowered:
.L_overlay_start_1:
0x0: {  	(tag) =	ssettag $0x1  }
0x1: {  	s0 =	rddreg [dreg:$0x0]  }
0x2: {  	s2 =	simm.s32 $0x0;
	s1 =	srdreg.scid;
	s8 =	stileid.u32  }
0x3: {  	s13 =	simm.s32 $0x5;
	s15 =	simm.s32 $0x4000;
	s16 =	simm.s32 $0x8000  }
0x4: {  	s17 =	simm.s32 $0x800;
	s18 =	simm.s32 $0x2000;
	s19 =	simm.s32 $0x2800  }
0x5: {  	v3 =	vlaneseq.u32;
	s20 =	simm.s32 $0x1;
	s21 =	simm.s32 $0x3;
	s22 =	simm.s32 $0x10880  }
0x6: {  	vm0 =	vmmov $0xffff;
	s23 =	simm.s32 $0xC880;
	s24 =	simm.s32 $0x2;
	s25 =	simm.s32 $0x4;
	v2 =	vshrl.u32 v3, $0x3;
	v1 =	vmul.u32 $0x80, v3  }
0x7: {  	s26 =	simm.s32 $0x0;
	[smem:$0x7FF] =	sst s2;
	s4 =	sadd.s32 $0x6400, s0;
	v0 =	vand.u32 $0x7, v3;
	v3 =	vor.u32 $0x8, v3;
	v2 =	vmul.u32 $0x8, v2  }
.Ltmp0:
0x8: {  	s5 =	sadd.s32 $0x54C00, s0;
	s1 =	sand.u32 $0x1, s1;
	v4 =	vor.u32 $0x1, v1;
	v5 =	vor.u32 $0x2, v1;
	v6 =	vor.u32 $0x3, v1;
	(pc) =	sbr.rel .LBB2_1-.Ltmp0, $4  }
0x9: {  	s6 =	sadd.s32 $0x154C00, s0;
	s7 =	sadd.s32 $0x104C00, s0;
	s3 =	ssub.s32 $0x2, s1;
	v7 =	vor.u32 $0x4, v1;
	v8 =	vor.u32 $0x5, v1;
	v9 =	vor.u32 $0x6, v1  }
0xa: {  	s10 =	sshll.u32 s8, $0x1;
	s8 =	sadd.s32 $0x54800, s0;
	s9 =	sshrl.u32 s3, $0x1;
	v10 =	vor.u32 $0x7, v1;
	v11 =	vor.u32 $0x8, v1;
	v12 =	vor.u32 $0x9, v1  }
0xb: {  	_ =	strace $0x80000053;
	s1 =	sor.u32 s1, s10;
	v13 =	vor.u32 $0xA, v1;
	v14 =	vor.u32 $0xB, v1;
	v15 =	vor.u32 $0xC, v1;
	s3 =	ssub.s32 s3, s9  }
0xc: {  	s10 =	smul.u32 $0x14000, s1;
	v16 =	vor.u32 $0xD, v1;
	v17 =	vor.u32 $0xE, v1;
	v18 =	vor.u32 $0xF, v1;
	s9 =	sadd.s32 $0xA2E00, s0;
	s11 =	smax.u32 s3, $0x1  }
.LBB2_12:
0xd: {  	s26 =	sadd.s32 $0x1, s26  }
0xe: {  	p0 =	sne.s32 s26, s11  }
.Ltmp1:
0xf: {  	_ = 	snop;
	(pc) =	sbr.rel @!p0 .LBB2_13-.Ltmp1, $1  }
0x10: {  	_ =	sdelay $0x3  }
.LBB2_1:
0x11: {  	s0 =	simm.s32 $0xC000  }
0x12: {  	[tilespmem:s0], [sflag:$0x5] =	stream.linear.gather [hbm4b:s8+s2], $0x800, $0x38;
	[tilespmem:$0x11080] =	vst v63  }
0x13: {  	_ =	swait.ge [sflag:s13], $0x800  }
0x14: {  	[sflag:s13] =	ssyncset.done $0x0  }
0x15: {  	[sflag:s13] =	ssyncadd.s32 $0xFFFFF800  }
0x16: {  	s1 =	simm.s32 $0xC800;
	s31 =	rddreg [dreg:$0x1]  }
0x17: {  	[tilespmem:s1], [sflag:$0x5] =	stream.linear.gather [hbm4b:s31+s2], $0x80, $0x38;
	[tilespmem:$0x11080] =	vst v63  }
.Ltmp2:
0x18: {  	_ = 	snop;
	(pc) =	sbr.rel .LBB2_2-.Ltmp2, $4  }
0x19: {  	_ =	swait.ge [sflag:s13], $0x80  }
0x1a: {  	[sflag:s13] =	ssyncset.done $0x0  }
0x1b: {  	[sflag:s13] =	ssyncadd.s32 $0xFFFFFF80  }
0x1c: {  	s28 =	simm.s32 $0x0;
	v19 =	vld [tilespmem:$0xC800]  }
.LBB2_11:
0x1d: {  	s28 =	sadd.s32 $0x1, s28  }
0x1e: {  	p0 =	sne.s32 s28, $0x5  }
.Ltmp3:
0x1f: {  	s0 =	sadd.s32 s9, s29;
	(pc) =	sbr.rel @!p0 .LBB2_12-.Ltmp3, $4  }
0x20: {  	[hbm4b:s0+s2] =	stream.linear.scatter [tilespmem:s23], [sflag:$0x5], $0x3E80, $0x38;
	[tilespmem:$0x11080] =	vst v63  }
0x21: {  	_ =	swait.ge [sflag:s13], $0x3E80  }
0x22: {  	[sflag:s13] =	ssyncset.done $0x0  }
0x23: {  	[sflag:s13] =	ssyncadd.s32 $0xFFFFC180  }
.LBB2_2:
0x24: {  	s0 =	sshll.u32 s28, $0xE  }
0x25: {  	s0 =	sadd.s32 s10, s0  }
0x26: {  	s29 =	sshrl.u32 s0, $0x3  }
0x27: {  	s30 =	simm.s32 $0x0;
	s0 =	sadd.s32 s6, s29  }
0x28: {  	[tilespmem:s15], [sflag:$0x5] =	stream.linear.gather [hbm4b:s0+s30], $0x3E80, $0x38;
	[tilespmem:$0x11080] =	vst v63  }
0x29: {  	_ =	swait.ge [sflag:s13], $0x3E80  }
0x2a: {  	[sflag:s13] =	ssyncset.done $0x0  }
0x2b: {  	s31 =	sadd.s32 s7, s29;
	[sflag:s13] =	ssyncadd.s32 $0xFFFFC180  }
0x2c: {  	[tilespmem:s16], [sflag:$0x5] =	stream.linear.gather [hbm4b:s31+s30], $0x3E80, $0x38;
	[tilespmem:$0x11080] =	vst v63  }
0x2d: {  	_ =	swait.ge [sflag:s13], $0x3E80  }
0x2e: {  	[sflag:s13] =	ssyncset.done $0x0  }
0x2f: {  	[sflag:s13] =	ssyncadd.s32 $0xFFFFC180  }
0x30: {  	v20 =	vld [tilespmem:$0x4000];
	_ =	sdelay $0x4  }
0x31: {  	v21 =	vshll.u32 v20, $0x1  }
0x32: {  	v20 =	vand.u32 $0x7, v20;
	v21 =	vand.u32 $0xFFFFFFF0, v21  }
0x33: {  	v20 =	vor.u32 v20, v21  }
0x34: {  	v21 =	vperm.xlane v20, v0;
	_ =	sdelay $0x1  }
0x35: {  	v20 =	vperm.xlane v20, v3;
	v21 =	vadd.s32 v2, v21;
	_ =	sdelay $0x1  }
0x36: {  	v20 =	vadd.s32 v2, v20;
	_ =	sdelay $0x2  }
0x37: {  	[tilespmem:s30], [sflag:$0x1] =	stream.indirect_vreg.gather [hbm4b:s4+s30], $0x80, v21, vm0, $0xb8;
	[tilespmem:$0x11080] =	vst v63  }
0x38: {  	_ = 	snop  }
0x39: {  	[tilespmem:s17], [sflag:$0x1] =	stream.indirect_vreg.gather [hbm4b:s4+s30], $0x80, v20, vm0, $0xb8;
	[tilespmem:$0x11080] =	vst v63  }
0x3a: {  	v20 =	vld [tilespmem:$0x8000];
	_ =	sdelay $0x4  }
0x3b: {  	v63 =	vshll.u32 v20, $0x1  }
0x3c: {  	v20 =	vand.u32 $0x7, v20;
	v21 =	vand.u32 $0xFFFFFFF0, v63  }
0x3d: {  	v20 =	vor.u32 v20, v21  }
0x3e: {  	v21 =	vperm.xlane v20, v0;
	_ =	sdelay $0x1  }
0x3f: {  	v20 =	vperm.xlane v20, v3;
	v21 =	vadd.s32 v2, v21;
	_ =	sdelay $0x1  }
0x40: {  	v20 =	vadd.s32 v2, v20  }
.Ltmp4:
0x41: {  	_ = 	snop;
	(pc) =	sbr.rel .LBB2_3-.Ltmp4, $4  }
0x42: {  	_ = 	snop  }
0x43: {  	[tilespmem:s18], [sflag:$0x3] =	stream.indirect_vreg.gather [hbm4b:s5+s30], $0x80, v21, vm0, $0xb8;
	[tilespmem:$0x11080] =	vst v63  }
0x44: {  	_ = 	snop  }
0x45: {  	[tilespmem:s19], [sflag:$0x3] =	stream.indirect_vreg.gather [hbm4b:s5+s30], $0x80, v20, vm0, $0xb8;
	[tilespmem:$0x11080] =	vst v63  }
.LBB2_9:
0x46: {  	v49 =	vld [tilespmem:s12+$0x1400]  }
0x47: {  	v50 =	vld [tilespmem:s12+$0x1020]  }
0x48: {  	v61 =	vld [tilespmem:s12+$0x3020]  }
0x49: {  	v38 =	vadd.f32 v38, v39;
	v42 =	vadd.f32 v48, v42;
	v34 =	vmul.f32 v45, v34;
	v62 =	vld [tilespmem:s12+$0x3410]  }
0x4a: {  	v40 =	vadd.f32 v40, v47;
	v35 =	vadd.f32 v36, v35;
	v63 =	vld [tilespmem:s12+$0x1410];
	v29 =	vmul.f32 v46, v29  }
0x4b: {  	v28 =	vmul.f32 v43, v28;
	v47 =	vadd.f32 v41, v44;
	v51 =	vld [tilespmem:s12+$0x3440];
	v33 =	vadd.f32 v33, v37  }
0x4c: {  	v54 =	vld [tilespmem:s12+$0x1440];
	v38 =	vmax.f32 v38, $0.0e+00;
	v42 =	vmax.f32 v42, $0.0e+00;
	v46 =	vmax.f32 v40, $0.0e+00  }
0x4d: {  	v55 =	vld [tilespmem:s12+$0x3460];
	v35 =	vmax.f32 v35, $0.0e+00;
	v52 =	vmax.f32 v47, $0.0e+00;
	v30 =	vmul.f32 v38, v30  }
0x4e: {  	v48 =	vld [tilespmem:$0xC100];
	v33 =	vmax.f32 v33, $0.0e+00;
	v26 =	vmul.f32 v42, v26;
	v27 =	vmul.f32 v46, v27  }
0x4f: {  	v21 =	vmul.f32 v33, v21;
	v31 =	vadd.f32 v31, v49;
	v39 =	vadd.f32 v61, v50  }
0x50: {  	v53 =	vld [tilespmem:s12+$0x1450];
	v25 =	vmul.f32 v35, v25;
	v27 =	vadd.f32 v27, v19;
	v36 =	vadd.f32 v62, v63  }
0x51: {  	v24 =	vmul.f32 v52, v24;
	v49 =	vld [tilespmem:s12+$0x3450];
	v26 =	vadd.f32 $0.0e+00, v26;
	v21 =	vadd.f32 $0.0e+00, v21  }
0x52: {  	v57 =	vld [tilespmem:$0xC680];
	v62 =	vadd.f32 v51, v54;
	v22 =	vadd.f32 v55, v22;
	v39 =	vmax.f32 v39, $0.0e+00  }
0x53: {  	v59 =	vld [tilespmem:$0xC600];
	v56 =	vmax.f32 v36, $0.0e+00;
	v27 =	vadd.f32 v34, v27;
	v39 =	vmul.f32 v39, v48  }
0x54: {  	v60 =	vld [tilespmem:$0xC700];
	v26 =	vadd.f32 v32, v26;
	v31 =	vmax.f32 v31, $0.0e+00;
	v21 =	vadd.f32 v29, v21  }
0x55: {  	v63 =	vmax.f32 v62, $0.0e+00;
	v20 =	vmul.f32 v56, v20;
	v58 =	vadd.f32 $0.0e+00, v39  }
0x56: {  	v23 =	vmul.f32 v31, v23;
	v21 =	vadd.f32 v28, v21;
	v61 =	vadd.f32 v49, v53  }
0x57: {  	v22 =	vmax.f32 v22, $0.0e+00;
	v20 =	vadd.f32 v20, v26;
	v30 =	vadd.f32 v30, v58  }
0x58: {  	v23 =	vadd.f32 v23, v27;
	v27 =	vmul.f32 v63, v59;
	v26 =	vmax.f32 v61, $0.0e+00  }
0x59: {  	v22 =	vmul.f32 v22, v60;
	v26 =	vmul.f32 v26, v57;
	v25 =	vadd.f32 v25, v30  }
0x5a: {  	v21 =	vadd.f32 v24, v21;
	v23 =	vadd.f32 v27, v23  }
0x5b: {  	v20 =	vadd.f32 v26, v20;
	v22 =	vadd.f32 v22, v25;
	_ =	sdelay $0x1  }
0x5c: {  	v20 =	vadd.f32 v20, v23;
	v21 =	vadd.f32 v21, v22;
	_ =	sdelay $0x1  }
0x5d: {  	v20 =	vadd.f32 v21, v20;
	_ =	sdelay $0x1  }
0x5e: {  	[tilespmem:s31+$0x0] =	vst v20  }
.LBB2_10:
0x5f: {  	_ =	sdelay $0x3  }
0x60: {  	v20 =	vld.idx.msk [tilespmem:v1+s22+$0x0], $0xffff;
	_ =	sdelay $0x1  }
0x61: {  	v21 =	vld.idx.msk [tilespmem:v4+s22+$0x0], $0xffff;
	_ =	sdelay $0x1  }
0x62: {  	v22 =	vld.idx.msk [tilespmem:v5+s22+$0x0], $0xffff  }
0x63: {  	v20 =	vadd.f32 $0.0e+00, v20  }
0x64: {  	v23 =	vld.idx.msk [tilespmem:v6+s22+$0x0], $0xffff  }
0x65: {  	v20 =	vadd.f32 v21, v20  }
0x66: {  	v52 =	vld.idx.msk [tilespmem:v7+s22+$0x0], $0xffff  }
0x67: {  	v20 =	vadd.f32 v22, v20  }
0x68: {  	v53 =	vld.idx.msk [tilespmem:v8+s22+$0x0], $0xffff  }
0x69: {  	v20 =	vadd.f32 v23, v20  }
0x6a: {  	v54 =	vld.idx.msk [tilespmem:v9+s22+$0x0], $0xffff  }
0x6b: {  	v20 =	vadd.f32 v52, v20  }
0x6c: {  	v55 =	vld.idx.msk [tilespmem:v10+s22+$0x0], $0xffff  }
0x6d: {  	v20 =	vadd.f32 v53, v20  }
0x6e: {  	v56 =	vld.idx.msk [tilespmem:v11+s22+$0x0], $0xffff  }
0x6f: {  	v20 =	vadd.f32 v54, v20  }
0x70: {  	v57 =	vld.idx.msk [tilespmem:v12+s22+$0x0], $0xffff  }
0x71: {  	v20 =	vadd.f32 v55, v20  }
0x72: {  	v58 =	vld.idx.msk [tilespmem:v13+s22+$0x0], $0xffff  }
0x73: {  	v20 =	vadd.f32 v56, v20  }
0x74: {  	v59 =	vld.idx.msk [tilespmem:v14+s22+$0x0], $0xffff  }
0x75: {  	v20 =	vadd.f32 v57, v20  }
0x76: {  	v60 =	vld.idx.msk [tilespmem:v15+s22+$0x0], $0xffff  }
0x77: {  	v20 =	vadd.f32 v58, v20  }
0x78: {  	v61 =	vld.idx.msk [tilespmem:v16+s22+$0x0], $0xffff  }
0x79: {  	v20 =	vadd.f32 v59, v20  }
0x7a: {  	v62 =	vld.idx.msk [tilespmem:v17+s22+$0x0], $0xffff  }
0x7b: {  	v20 =	vadd.f32 v60, v20  }
0x7c: {  	v63 =	vld.idx.msk [tilespmem:v18+s22+$0x0], $0xffff  }
0x7d: {  	s0 =	sshll.u32 s30, $0x7;
	s30 =	sadd.s32 $0x1, s30;
	v20 =	vadd.f32 v61, v20  }
0x7e: {  	p0 =	sne.s32 s30, $0x7D  }
.Ltmp5:
0x7f: {  	v20 =	vadd.f32 v62, v20;
	(pc) =	sbr.rel @!p0 .LBB2_11-.Ltmp5, $4  }
0x80: {  	_ = 	snop  }
0x81: {  	v20 =	vadd.f32 v63, v20  }
0x82: {  	s0 =	sand.u32 $0x3FFFFF80, s0  }
0x83: {  	[tilespmem:s0+$0xC880] =	vst v20  }
.LBB2_3:
0x84: {  	s0 =	sand.u32 $0x1, s30  }
0x85: {  	p0 =	seq.s32 s0, $0x1  }
.Ltmp6:
0x86: {  	_ = 	snop;
	(pc) =	sbr.rel @p0 .LBB2_7-.Ltmp6, $1  }
0x87: {  	_ =	sdelay $0x3  }
0x88: {  	_ =	swait.ge [sflag:s20], $0x1000  }
0x89: {  	[sflag:s20] =	ssyncset.done $0x0  }
0x8a: {  	[sflag:s20] =	ssyncadd.s32 $0xFFFFF000  }
0x8b: {  	s0 =	sor.u32 $0x1, s30;
	_ =	swait.ge [sflag:s21], $0x1000  }
0x8c: {  	p0 =	sgt.u32 s0, $0x7C;
	[sflag:s21] =	ssyncset.done $0x0  }
0x8d: {  	s0 =	sshll.u32 @!p0 s0, $0x7;
	[sflag:s21] =	ssyncadd.s32 $0xFFFFF000  }
0x8e: {  	v20 =	vld @!p0 [tilespmem:s0+$0x4000];
	_ =	sdelay $0x4  }
0x8f: {  	v21 =	vshll.u32 @!p0 v20, $0x1  }
0x90: {  	v22 =	vlaneseq.u32 @!p0;
	v20 =	vand.u32 @!p0 $0x7, v20;
	v21 =	vand.u32 @!p0 $0xFFFFFFF0, v21  }
0x91: {  	v23 =	vshrl.u32 @!p0 v22, $0x3;
	v20 =	vor.u32 @!p0 v20, v21;
	v21 =	vand.u32 @!p0 $0x7, v22  }
0x92: {  	v23 =	vmul.u32 @!p0 $0x8, v23;
	v24 =	vperm.xlane @!p0 v20, v21  }
0x93: {  	v22 =	vor.u32 @!p0 $0x8, v22  }
0x94: {  	v20 =	vperm.xlane @!p0 v20, v22;
	v24 =	vadd.s32 @!p0 v23, v24;
	_ =	sdelay $0x1  }
0x95: {  	v20 =	vadd.s32 @!p0 v23, v20;
	_ =	sdelay $0x1  }
0x96: {  	vm1 =	vmmov @!p0 $0xffff;
	s1 =	simm.s32 @!p0 $0x0;
	s3 =	simm.s32 @!p0 $0x1000  }
0x97: {  	[tilespmem:s3], [sflag:$0x2] =	stream.indirect_vreg.gather @!p0 [hbm4b:s4+s1], $0x80, v24, vm1, $0xb8;
	[tilespmem:$0x11080] =	vst v63  }
0x98: {  	s3 =	simm.s32 @!p0 $0x1800  }
0x99: {  	[tilespmem:s3], [sflag:$0x2] =	stream.indirect_vreg.gather @!p0 [hbm4b:s4+s1], $0x80, v20, vm1, $0xb8;
	[tilespmem:$0x11080] =	vst v63  }
0x9a: {  	v20 =	vld @!p0 [tilespmem:s0+$0x8000];
	_ =	sdelay $0x4  }
0x9b: {  	v24 =	vshll.u32 @!p0 v20, $0x1  }
0x9c: {  	v20 =	vand.u32 @!p0 $0x7, v20;
	v24 =	vand.u32 @!p0 $0xFFFFFFF0, v24  }
0x9d: {  	v20 =	vor.u32 @!p0 v20, v24  }
0x9e: {  	v21 =	vperm.xlane @!p0 v20, v21;
	_ =	sdelay $0x1  }
0x9f: {  	v20 =	vperm.xlane @!p0 v20, v22;
	v21 =	vadd.s32 @!p0 v23, v21;
	_ =	sdelay $0x1  }
0xa0: {  	v20 =	vadd.s32 @!p0 v23, v20;
	_ =	sdelay $0x1  }
0xa1: {  	s0 =	simm.s32 @!p0 $0x3000  }
0xa2: {  	[tilespmem:s0], [sflag:$0x4] =	stream.indirect_vreg.gather @!p0 [hbm4b:s5+s1], $0x80, v21, vm1, $0xb8;
	[tilespmem:$0x11080] =	vst v63  }
0xa3: {  	s0 =	simm.s32 @!p0 $0x3800  }
0xa4: {  	[tilespmem:s0], [sflag:$0x4] =	stream.indirect_vreg.gather @!p0 [hbm4b:s5+s1], $0x80, v20, vm1, $0xb8;
	[tilespmem:$0x11080] =	vst v63  }
0xa5: {  	v26 =	vld [tilespmem:$0xC080]  }
0xa6: {  	v20 =	vld [tilespmem:$0xC480]  }
0xa7: {  	v21 =	vld [tilespmem:$0xC180]  }
0xa8: {  	v22 =	vld [tilespmem:$0xC400]  }
0xa9: {  	v24 =	vld [tilespmem:$0xC780]  }
0xaa: {  	v25 =	vld [tilespmem:$0xC500]  }
0xab: {  	v27 =	vld [tilespmem:$0xC000]  }
0xac: {  	v28 =	vld [tilespmem:$0xC580]  }
0xad: {  	v29 =	vld [tilespmem:$0xC380]  }
0xae: {  	s0 =	simm.s32 $0x0;
	v30 =	vld [tilespmem:$0xC300]  }
0xaf: {  	s12 =	sand.u32 $0x800, s0;
	s14 =	sand.u32 $0x380, s0;
	v34 =	vld [tilespmem:$0xC200]  }
0xb0: {  	v32 =	vld [tilespmem:$0xC280];
	s12 =	sor.u32 s14, s12  }
0xb1: {  	v23 =	vld [tilespmem:s12+$0x460]  }
0xb2: {  	v35 =	vld [tilespmem:s12+$0x420]  }
0xb3: {  	v36 =	vld [tilespmem:s12+$0x2420]  }
0xb4: {  	v31 =	vld [tilespmem:s12+$0x2400]  }
0xb5: {  	v41 =	vld [tilespmem:s12+$0x430]  }
0xb6: {  	v38 =	vld [tilespmem:s12+$0x2060]  }
0xb7: {  	v43 =	vld [tilespmem:s12+$0x2040]  }
0xb8: {  	v44 =	vld [tilespmem:s12+$0x2430]  }
0xb9: {  	v39 =	vld [tilespmem:s12+$0x60]  }
0xba: {  	v45 =	vld [tilespmem:s12+$0x40]  }
0xbb: {  	v46 =	vld [tilespmem:s12+$0x2050]  }
0xbc: {  	v47 =	vld [tilespmem:s12+$0x50]  }
0xbd: {  	v49 =	vld [tilespmem:s12+$0x2070]  }
0xbe: {  	v50 =	vld [tilespmem:s12+$0x70]  }
0xbf: {  	v33 =	vld [tilespmem:s12+$0x2030]  }
0xc0: {  	v40 =	vld [tilespmem:s12+$0x2000]  }
0xc1: {  	v42 =	vld [tilespmem:s12+$0x10]  }
0xc2: {  	v37 =	vld [tilespmem:s12+$0x30]  }
0xc3: {  	v48 =	vld [tilespmem:s12+$0x2010];
	v43 =	vadd.f32 v43, v45;
	v46 =	vadd.f32 v46, v47  }
0xc4: {  	v49 =	vadd.f32 v49, v50;
	v47 =	vld [tilespmem:s12+$0x0];
	v44 =	vadd.f32 v44, v41  }
0xc5: {  	v41 =	vld [tilespmem:s12+$0x2470];
	v45 =	vmax.f32 v43, $0.0e+00;
	v63 =	vmax.f32 v46, $0.0e+00  }
0xc6: {  	s31 =	simm.s32 $0x10880;
	s3 =	simm.s32 $0x10880;
	s1 =	simm.s32 $0x100;
	v46 =	vmax.f32 v49, $0.0e+00;
	v43 =	vmax.f32 v44, $0.0e+00;
	v44 =	vld [tilespmem:s12+$0x470];
	v32 =	vmul.f32 v63, v32  }
.LBB2_5:
0xc7: {  	p0 =	seq.s32 s1, $0xF00;
	v38 =	vadd.f32 v38, v39;
	v39 =	vld [tilespmem:s12+$0x400];
	s3 =	sadd.s32 $0x80, s3;
	s0 =	sadd.s32 $0x80, s0  }
0xc8: {  	v34 =	vmul.f32 v45, v34;
	s14 =	smov.u32 s1;
	s1 =	sadd.s32 $0x100, s1;
	v42 =	vadd.f32 v48, v42;
	v48 =	vld [tilespmem:s12+$0x20]  }
0xc9: {  	v35 =	vadd.f32 v36, v35;
	v40 =	vadd.f32 v40, v47;
	v45 =	vld [tilespmem:s12+$0x2020];
	v38 =	vmax.f32 v38, $0.0e+00  }
0xca: {  	v29 =	vmul.f32 v46, v29;
	v36 =	vmax.f32 v42, $0.0e+00;
	v30 =	vmul.f32 v38, v30;
	v38 =	vld [tilespmem:s12+$0x2410]  }
0xcb: {  	v28 =	vmul.f32 v43, v28;
	v40 =	vmax.f32 v40, $0.0e+00;
	v42 =	vld [tilespmem:s12+$0x410];
	v41 =	vadd.f32 v41, v44  }
0xcc: {  	v35 =	vmax.f32 v35, $0.0e+00;
	v26 =	vmul.f32 v36, v26;
	v36 =	vld [tilespmem:$0xC100];
	v31 =	vadd.f32 v31, v39  }
0xcd: {  	v27 =	vmul.f32 v40, v27;
	v39 =	vld [tilespmem:s12+$0x2450];
	v40 =	vmax.f32 v41, $0.0e+00  }
0xce: {  	v25 =	vmul.f32 v35, v25;
	v41 =	vadd.f32 v45, v48;
	v35 =	vld [tilespmem:s12+$0x2440];
	v24 =	vmul.f32 v40, v24  }
0xcf: {  	v33 =	vadd.f32 v33, v37;
	v27 =	vadd.f32 v27, v19;
	v31 =	vmax.f32 v31, $0.0e+00;
	v37 =	vld [tilespmem:s12+$0x440]  }
0xd0: {  	v22 =	vmul.f32 v31, v22;
	v40 =	vmax.f32 v41, $0.0e+00;
	v31 =	vadd.f32 v38, v42;
	v38 =	vld [tilespmem:s12+$0x450]  }
0xd1: {  	v33 =	vmax.f32 v33, $0.0e+00;
	v26 =	vadd.f32 $0.0e+00, v26;
	v36 =	vmul.f32 v40, v36;
	v40 =	vld [tilespmem:s12+$0x2460]  }
0xd2: {  	v21 =	vmul.f32 v33, v21;
	v27 =	vadd.f32 v34, v27;
	v31 =	vmax.f32 v31, $0.0e+00  }
0xd3: {  	v26 =	vadd.f32 v32, v26;
	v20 =	vmul.f32 v31, v20;
	v31 =	vld [tilespmem:$0xC680]  }
0xd4: {  	v21 =	vadd.f32 $0.0e+00, v21;
	v32 =	vadd.f32 $0.0e+00, v36;
	v33 =	vld [tilespmem:$0xC700]  }
0xd5: {  	v20 =	vadd.f32 v20, v26;
	v26 =	vld [tilespmem:$0xC600];
	v34 =	vadd.f32 v39, v38  }
0xd6: {  	v30 =	vadd.f32 v30, v32;
	v23 =	vadd.f32 v40, v23  }
0xd7: {  	v22 =	vadd.f32 v22, v27;
	v27 =	vadd.f32 v35, v37;
	v32 =	vmax.f32 v34, $0.0e+00  }
0xd8: {  	v21 =	vadd.f32 v29, v21;
	v25 =	vadd.f32 v25, v30;
	v29 =	vmul.f32 v32, v31  }
0xd9: {  	v27 =	vmax.f32 v27, $0.0e+00;
	v23 =	vmax.f32 v23, $0.0e+00  }
0xda: {  	v21 =	vadd.f32 v28, v21;
	v26 =	vmul.f32 v27, v26;
	v20 =	vadd.f32 v29, v20  }
0xdb: {  	v23 =	vmul.f32 v23, v33  }
0xdc: {  	v21 =	vadd.f32 v24, v21;
	v22 =	vadd.f32 v26, v22  }
0xdd: {  	v23 =	vadd.f32 v23, v25  }
0xde: {  	v20 =	vadd.f32 v20, v22  }
0xdf: {  	v21 =	vadd.f32 v21, v23;
	_ =	sdelay $0x1  }
0xe0: {  	v20 =	vadd.f32 v21, v20;
	_ =	sdelay $0x1  }
0xe1: {  	[tilespmem:s31+$0x0] =	vst v20;
	s31 =	smov.u32 s3  }
0xe2: {  	v26 =	vld [tilespmem:$0xC080]  }
0xe3: {  	v20 =	vld [tilespmem:$0xC480]  }
0xe4: {  	v21 =	vld [tilespmem:$0xC180]  }
0xe5: {  	v22 =	vld [tilespmem:$0xC400]  }
0xe6: {  	v24 =	vld [tilespmem:$0xC780]  }
0xe7: {  	v25 =	vld [tilespmem:$0xC500]  }
0xe8: {  	v27 =	vld [tilespmem:$0xC000]  }
0xe9: {  	v28 =	vld [tilespmem:$0xC580]  }
0xea: {  	v29 =	vld [tilespmem:$0xC380]  }
0xeb: {  	v30 =	vld [tilespmem:$0xC300]  }
0xec: {  	s12 =	sand.u32 $0x800, s14;
	s14 =	sand.u32 $0x380, s0;
	v34 =	vld [tilespmem:$0xC200]  }
0xed: {  	s12 =	sor.u32 s14, s12;
	v32 =	vld [tilespmem:$0xC280]  }
0xee: {  	v23 =	vld [tilespmem:s12+$0x460]  }
0xef: {  	v35 =	vld [tilespmem:s12+$0x420]  }
0xf0: {  	v36 =	vld [tilespmem:s12+$0x2420]  }
0xf1: {  	v31 =	vld [tilespmem:s12+$0x2400]  }
0xf2: {  	v41 =	vld [tilespmem:s12+$0x430]  }
0xf3: {  	v38 =	vld [tilespmem:s12+$0x2060]  }
0xf4: {  	v37 =	vld [tilespmem:s12+$0x2040]  }
0xf5: {  	v43 =	vld [tilespmem:s12+$0x2430]  }
0xf6: {  	v39 =	vld [tilespmem:s12+$0x60]  }
0xf7: {  	v40 =	vld [tilespmem:s12+$0x40]  }
0xf8: {  	v44 =	vld [tilespmem:s12+$0x2050]  }
0xf9: {  	v46 =	vld [tilespmem:s12+$0x50]  }
0xfa: {  	v47 =	vld [tilespmem:s12+$0x2070]  }
0xfb: {  	v49 =	vld [tilespmem:s12+$0x70]  }
0xfc: {  	v33 =	vld [tilespmem:s12+$0x2030];
	v37 =	vadd.f32 v37, v40  }
0xfd: {  	v40 =	vld [tilespmem:s12+$0x2000]  }
0xfe: {  	v42 =	vld [tilespmem:s12+$0x10];
	v45 =	vmax.f32 v37, $0.0e+00;
	v44 =	vadd.f32 v44, v46  }
.Ltmp7:
0xff: {  	v37 =	vld [tilespmem:s12+$0x30];
	(pc) =	sbr.rel @!p0 .LBB2_5-.Ltmp7, $4  }
0x100: {  	v48 =	vld [tilespmem:s12+$0x2010];
	v44 =	vmax.f32 v44, $0.0e+00;
	v46 =	vadd.f32 v47, v49  }
0x101: {  	v43 =	vadd.f32 v43, v41;
	v47 =	vld [tilespmem:s12+$0x0];
	v32 =	vmul.f32 v44, v32  }
0x102: {  	v46 =	vmax.f32 v46, $0.0e+00;
	v41 =	vld [tilespmem:s12+$0x2470]  }
0x103: {  	v43 =	vmax.f32 v43, $0.0e+00;
	v44 =	vld [tilespmem:s12+$0x470]  }
0x104: {  	v49 =	vld [tilespmem:s12+$0x400]  }
0x105: {  	v50 =	vld [tilespmem:s12+$0x20]  }
0x106: {  	v61 =	vld [tilespmem:s12+$0x2020]  }
0x107: {  	v62 =	vld [tilespmem:s12+$0x2410]  }
0x108: {  	v38 =	vadd.f32 v38, v39;
	v34 =	vmul.f32 v45, v34;
	v35 =	vadd.f32 v36, v35;
	v63 =	vld [tilespmem:s12+$0x410]  }
0x109: {  	v29 =	vmul.f32 v46, v29;
	v28 =	vmul.f32 v43, v28;
	v51 =	vld [tilespmem:s12+$0x2440];
	v33 =	vadd.f32 v33, v37  }
0x10a: {  	v54 =	vld [tilespmem:s12+$0x440];
	v42 =	vadd.f32 v48, v42;
	v40 =	vadd.f32 v40, v47;
	v38 =	vmax.f32 v38, $0.0e+00  }
0x10b: {  	v55 =	vld [tilespmem:s12+$0x2460];
	v35 =	vmax.f32 v35, $0.0e+00;
	v33 =	vmax.f32 v33, $0.0e+00;
	v30 =	vmul.f32 v38, v30  }
0x10c: {  	v42 =	vmax.f32 v42, $0.0e+00;
	v21 =	vmul.f32 v33, v21;
	v25 =	vmul.f32 v35, v25  }
0x10d: {  	v48 =	vld [tilespmem:$0xC100];
	v46 =	vmax.f32 v40, $0.0e+00;
	v47 =	vadd.f32 v41, v44;
	v31 =	vadd.f32 v31, v49  }
0x10e: {  	v26 =	vmul.f32 v42, v26;
	v39 =	vadd.f32 v61, v50;
	v36 =	vadd.f32 v62, v63  }
0x10f: {  	v53 =	vld [tilespmem:s12+$0x450];
	v27 =	vmul.f32 v46, v27;
	v21 =	vadd.f32 $0.0e+00, v21;
	v62 =	vadd.f32 v51, v54  }
0x110: {  	v49 =	vld [tilespmem:s12+$0x2450];
	v23 =	vadd.f32 v55, v23;
	v52 =	vmax.f32 v47, $0.0e+00;
	v26 =	vadd.f32 $0.0e+00, v26  }
0x111: {  	v57 =	vld [tilespmem:$0xC680];
	v27 =	vadd.f32 v27, v19;
	v39 =	vmax.f32 v39, $0.0e+00;
	v56 =	vmax.f32 v36, $0.0e+00  }
0x112: {  	v59 =	vld [tilespmem:$0xC600];
	v31 =	vmax.f32 v31, $0.0e+00;
	v24 =	vmul.f32 v52, v24;
	v39 =	vmul.f32 v39, v48  }
0x113: {  	v60 =	vld [tilespmem:$0xC700];
	v21 =	vadd.f32 v29, v21;
	v63 =	vmax.f32 v62, $0.0e+00;
	v26 =	vadd.f32 v32, v26  }
0x114: {  	v20 =	vmul.f32 v56, v20;
	v27 =	vadd.f32 v34, v27;
	v58 =	vadd.f32 $0.0e+00, v39  }
0x115: {  	v22 =	vmul.f32 v31, v22;
	v21 =	vadd.f32 v28, v21;
	v61 =	vadd.f32 v49, v53  }
0x116: {  	v23 =	vmax.f32 v23, $0.0e+00;
	v20 =	vadd.f32 v20, v26;
	v30 =	vadd.f32 v30, v58  }
0x117: {  	v22 =	vadd.f32 v22, v27;
	v27 =	vmul.f32 v63, v59;
	v26 =	vmax.f32 v61, $0.0e+00  }
0x118: {  	v23 =	vmul.f32 v23, v60;
	v26 =	vmul.f32 v26, v57;
	v25 =	vadd.f32 v25, v30  }
0x119: {  	v21 =	vadd.f32 v24, v21;
	v22 =	vadd.f32 v27, v22  }
0x11a: {  	v20 =	vadd.f32 v26, v20;
	v23 =	vadd.f32 v23, v25;
	_ =	sdelay $0x1  }
.Ltmp8:
0x11b: {  	v20 =	vadd.f32 v20, v22;
	v21 =	vadd.f32 v21, v23;
	(pc) =	sbr.rel .LBB2_10-.Ltmp8, $3  }
0x11c: {  	_ = 	snop  }
0x11d: {  	v20 =	vadd.f32 v21, v20;
	_ =	sdelay $0x1  }
0x11e: {  	[tilespmem:s31+$0x0] =	vst v20  }
.LBB2_7:
0x11f: {  	_ =	swait.ge [sflag:s24], $0x1000  }
0x120: {  	[sflag:s24] =	ssyncset.done $0x0  }
0x121: {  	[sflag:s24] =	ssyncadd.s32 $0xFFFFF000  }
0x122: {  	_ =	swait.ge [sflag:s25], $0x1000  }
0x123: {  	[sflag:s25] =	ssyncset.done $0x0  }
0x124: {  	s1 =	sshll.u32 s30, $0x7;
	[sflag:s25] =	ssyncadd.s32 $0xFFFFF000  }
0x125: {  	v20 =	vld [tilespmem:s1+$0x4080];
	_ =	sdelay $0x4  }
0x126: {  	v21 =	vshll.u32 v20, $0x1  }
0x127: {  	v20 =	vand.u32 $0x7, v20;
	v21 =	vand.u32 $0xFFFFFFF0, v21  }
0x128: {  	v20 =	vor.u32 v20, v21  }
0x129: {  	v21 =	vperm.xlane v20, v0;
	_ =	sdelay $0x1  }
0x12a: {  	v20 =	vperm.xlane v20, v3;
	v21 =	vadd.s32 v2, v21;
	_ =	sdelay $0x1  }
0x12b: {  	v20 =	vadd.s32 v2, v20;
	_ =	sdelay $0x1  }
0x12c: {  	s0 =	simm.s32 $0x0  }
0x12d: {  	[tilespmem:s0], [sflag:$0x1] =	stream.indirect_vreg.gather [hbm4b:s4+s0], $0x80, v21, vm0, $0xb8;
	[tilespmem:$0x11080] =	vst v63  }
0x12e: {  	_ = 	snop  }
0x12f: {  	[tilespmem:s17], [sflag:$0x1] =	stream.indirect_vreg.gather [hbm4b:s4+s0], $0x80, v20, vm0, $0xb8;
	[tilespmem:$0x11080] =	vst v63  }
0x130: {  	v20 =	vld [tilespmem:s1+$0x8080];
	_ =	sdelay $0x4  }
0x131: {  	v21 =	vshll.u32 v20, $0x1  }
0x132: {  	v20 =	vand.u32 $0x7, v20;
	v21 =	vand.u32 $0xFFFFFFF0, v21  }
0x133: {  	v20 =	vor.u32 v20, v21  }
0x134: {  	v21 =	vperm.xlane v20, v0;
	_ =	sdelay $0x1  }
0x135: {  	v20 =	vperm.xlane v20, v3;
	v21 =	vadd.s32 v2, v21;
	_ =	sdelay $0x1  }
0x136: {  	v20 =	vadd.s32 v2, v20;
	_ =	sdelay $0x2  }
0x137: {  	[tilespmem:s18], [sflag:$0x3] =	stream.indirect_vreg.gather [hbm4b:s5+s0], $0x80, v21, vm0, $0xb8;
	[tilespmem:$0x11080] =	vst v63  }
0x138: {  	_ = 	snop  }
0x139: {  	[tilespmem:s19], [sflag:$0x3] =	stream.indirect_vreg.gather [hbm4b:s5+s0], $0x80, v20, vm0, $0xb8;
	[tilespmem:$0x11080] =	vst v63  }
0x13a: {  	v26 =	vld [tilespmem:$0xC080]  }
0x13b: {  	v20 =	vld [tilespmem:$0xC480]  }
0x13c: {  	v21 =	vld [tilespmem:$0xC180]  }
0x13d: {  	v23 =	vld [tilespmem:$0xC400]  }
0x13e: {  	v24 =	vld [tilespmem:$0xC780]  }
0x13f: {  	v25 =	vld [tilespmem:$0xC500]  }
0x140: {  	v27 =	vld [tilespmem:$0xC000]  }
0x141: {  	v28 =	vld [tilespmem:$0xC580]  }
0x142: {  	v29 =	vld [tilespmem:$0xC380]  }
0x143: {  	v30 =	vld [tilespmem:$0xC300]  }
0x144: {  	s14 =	sand.u32 $0x800, s0;
	s3 =	sand.u32 $0x380, s0;
	v34 =	vld [tilespmem:$0xC200]  }
0x145: {  	s12 =	sor.u32 s3, s14;
	v32 =	vld [tilespmem:$0xC280]  }
0x146: {  	v22 =	vld [tilespmem:s12+$0x1460]  }
0x147: {  	v35 =	vld [tilespmem:s12+$0x1420]  }
0x148: {  	v36 =	vld [tilespmem:s12+$0x3420]  }
0x149: {  	v31 =	vld [tilespmem:s12+$0x3400]  }
0x14a: {  	v41 =	vld [tilespmem:s12+$0x1430]  }
0x14b: {  	v38 =	vld [tilespmem:s12+$0x3060]  }
0x14c: {  	v43 =	vld [tilespmem:s12+$0x3040]  }
0x14d: {  	v44 =	vld [tilespmem:s12+$0x3430]  }
0x14e: {  	v39 =	vld [tilespmem:s12+$0x1060]  }
0x14f: {  	v45 =	vld [tilespmem:s12+$0x1040]  }
0x150: {  	v46 =	vld [tilespmem:s12+$0x3050]  }
0x151: {  	v47 =	vld [tilespmem:s12+$0x1050]  }
0x152: {  	v49 =	vld [tilespmem:s12+$0x3070]  }
0x153: {  	v50 =	vld [tilespmem:s12+$0x1070]  }
0x154: {  	v33 =	vld [tilespmem:s12+$0x3030]  }
0x155: {  	v40 =	vld [tilespmem:s12+$0x3000]  }
0x156: {  	v42 =	vld [tilespmem:s12+$0x1010]  }
0x157: {  	v37 =	vld [tilespmem:s12+$0x1030]  }
0x158: {  	v48 =	vld [tilespmem:s12+$0x3010];
	v43 =	vadd.f32 v43, v45;
	v46 =	vadd.f32 v46, v47  }
0x159: {  	v49 =	vadd.f32 v49, v50;
	v47 =	vld [tilespmem:s12+$0x1000];
	v44 =	vadd.f32 v44, v41  }
0x15a: {  	v41 =	vld [tilespmem:s12+$0x3470];
	v45 =	vmax.f32 v43, $0.0e+00;
	v63 =	vmax.f32 v46, $0.0e+00  }
0x15b: {  	s31 =	simm.s32 $0x10880;
	s3 =	simm.s32 $0x10880;
	s1 =	simm.s32 $0x100;
	v46 =	vmax.f32 v49, $0.0e+00;
	v43 =	vmax.f32 v44, $0.0e+00;
	v44 =	vld [tilespmem:s12+$0x1470];
	v32 =	vmul.f32 v63, v32  }
.LBB2_8:
0x15c: {  	p0 =	sne.s32 s1, $0xF00;
	v38 =	vadd.f32 v38, v39;
	v39 =	vld [tilespmem:s12+$0x1400];
	s3 =	sadd.s32 $0x80, s3;
	s0 =	sadd.s32 $0x80, s0  }
0x15d: {  	v42 =	vadd.f32 v48, v42;
	v34 =	vmul.f32 v45, v34;
	s14 =	smov.u32 s1;
	s1 =	sadd.s32 $0x100, s1;
	v48 =	vld [tilespmem:s12+$0x1020]  }
0x15e: {  	v40 =	vadd.f32 v40, v47;
	v35 =	vadd.f32 v36, v35;
	v45 =	vld [tilespmem:s12+$0x3020];
	v38 =	vmax.f32 v38, $0.0e+00  }
0x15f: {  	v29 =	vmul.f32 v46, v29;
	v36 =	vmax.f32 v42, $0.0e+00;
	v30 =	vmul.f32 v38, v30;
	v38 =	vld [tilespmem:s12+$0x3410]  }
0x160: {  	v28 =	vmul.f32 v43, v28;
	v41 =	vadd.f32 v41, v44;
	v40 =	vmax.f32 v40, $0.0e+00;
	v42 =	vld [tilespmem:s12+$0x1410]  }
0x161: {  	v35 =	vmax.f32 v35, $0.0e+00;
	v26 =	vmul.f32 v36, v26;
	v36 =	vld [tilespmem:$0xC100];
	v31 =	vadd.f32 v31, v39  }
0x162: {  	v27 =	vmul.f32 v40, v27;
	v40 =	vmax.f32 v41, $0.0e+00;
	v39 =	vld [tilespmem:s12+$0x3450]  }
0x163: {  	v25 =	vmul.f32 v35, v25;
	v24 =	vmul.f32 v40, v24;
	v41 =	vadd.f32 v45, v48;
	v35 =	vld [tilespmem:s12+$0x3440]  }
0x164: {  	v33 =	vadd.f32 v33, v37;
	v27 =	vadd.f32 v27, v19;
	v31 =	vmax.f32 v31, $0.0e+00;
	v37 =	vld [tilespmem:s12+$0x1440]  }
0x165: {  	v23 =	vmul.f32 v31, v23;
	v40 =	vmax.f32 v41, $0.0e+00;
	v31 =	vadd.f32 v38, v42;
	v38 =	vld [tilespmem:s12+$0x1450]  }
0x166: {  	v33 =	vmax.f32 v33, $0.0e+00;
	v26 =	vadd.f32 $0.0e+00, v26;
	v36 =	vmul.f32 v40, v36;
	v40 =	vld [tilespmem:s12+$0x3460]  }
0x167: {  	v21 =	vmul.f32 v33, v21;
	v27 =	vadd.f32 v34, v27;
	v31 =	vmax.f32 v31, $0.0e+00  }
0x168: {  	v26 =	vadd.f32 v32, v26;
	v20 =	vmul.f32 v31, v20;
	v31 =	vld [tilespmem:$0xC680]  }
0x169: {  	v21 =	vadd.f32 $0.0e+00, v21;
	v32 =	vadd.f32 $0.0e+00, v36;
	v33 =	vld [tilespmem:$0xC700]  }
0x16a: {  	v20 =	vadd.f32 v20, v26;
	v26 =	vld [tilespmem:$0xC600];
	v34 =	vadd.f32 v39, v38  }
0x16b: {  	v30 =	vadd.f32 v30, v32;
	v22 =	vadd.f32 v40, v22  }
0x16c: {  	v23 =	vadd.f32 v23, v27;
	v27 =	vadd.f32 v35, v37;
	v32 =	vmax.f32 v34, $0.0e+00  }
0x16d: {  	v21 =	vadd.f32 v29, v21;
	v25 =	vadd.f32 v25, v30;
	v29 =	vmul.f32 v32, v31  }
0x16e: {  	v27 =	vmax.f32 v27, $0.0e+00;
	v22 =	vmax.f32 v22, $0.0e+00  }
0x16f: {  	v21 =	vadd.f32 v28, v21;
	v26 =	vmul.f32 v27, v26;
	v20 =	vadd.f32 v29, v20  }
0x170: {  	v22 =	vmul.f32 v22, v33  }
0x171: {  	v21 =	vadd.f32 v24, v21;
	v23 =	vadd.f32 v26, v23  }
0x172: {  	v22 =	vadd.f32 v22, v25  }
0x173: {  	v20 =	vadd.f32 v20, v23  }
0x174: {  	v21 =	vadd.f32 v21, v22;
	_ =	sdelay $0x1  }
0x175: {  	v20 =	vadd.f32 v21, v20;
	_ =	sdelay $0x1  }
0x176: {  	[tilespmem:s31+$0x0] =	vst v20;
	s31 =	smov.u32 s3  }
0x177: {  	v26 =	vld [tilespmem:$0xC080]  }
0x178: {  	v20 =	vld [tilespmem:$0xC480]  }
0x179: {  	v21 =	vld [tilespmem:$0xC180]  }
0x17a: {  	v23 =	vld [tilespmem:$0xC400]  }
0x17b: {  	v24 =	vld [tilespmem:$0xC780]  }
0x17c: {  	v25 =	vld [tilespmem:$0xC500]  }
0x17d: {  	v27 =	vld [tilespmem:$0xC000]  }
0x17e: {  	v28 =	vld [tilespmem:$0xC580]  }
0x17f: {  	v29 =	vld [tilespmem:$0xC380]  }
0x180: {  	v30 =	vld [tilespmem:$0xC300]  }
0x181: {  	s12 =	sand.u32 $0x800, s14;
	s14 =	sand.u32 $0x380, s0;
	v34 =	vld [tilespmem:$0xC200]  }
0x182: {  	s12 =	sor.u32 s14, s12;
	v32 =	vld [tilespmem:$0xC280]  }
0x183: {  	v22 =	vld [tilespmem:s12+$0x1460]  }
0x184: {  	v35 =	vld [tilespmem:s12+$0x1420]  }
0x185: {  	v36 =	vld [tilespmem:s12+$0x3420]  }
0x186: {  	v31 =	vld [tilespmem:s12+$0x3400]  }
0x187: {  	v41 =	vld [tilespmem:s12+$0x1430]  }
0x188: {  	v38 =	vld [tilespmem:s12+$0x3060]  }
0x189: {  	v37 =	vld [tilespmem:s12+$0x3040]  }
0x18a: {  	v43 =	vld [tilespmem:s12+$0x3430]  }
0x18b: {  	v39 =	vld [tilespmem:s12+$0x1060]  }
0x18c: {  	v40 =	vld [tilespmem:s12+$0x1040]  }
0x18d: {  	v44 =	vld [tilespmem:s12+$0x3050]  }
0x18e: {  	v46 =	vld [tilespmem:s12+$0x1050]  }
0x18f: {  	v47 =	vld [tilespmem:s12+$0x3070]  }
0x190: {  	v49 =	vld [tilespmem:s12+$0x1070]  }
0x191: {  	v33 =	vld [tilespmem:s12+$0x3030];
	v37 =	vadd.f32 v37, v40  }
0x192: {  	v40 =	vld [tilespmem:s12+$0x3000]  }
0x193: {  	v42 =	vld [tilespmem:s12+$0x1010];
	v45 =	vmax.f32 v37, $0.0e+00;
	v44 =	vadd.f32 v44, v46  }
.Ltmp9:
0x194: {  	v37 =	vld [tilespmem:s12+$0x1030];
	(pc) =	sbr.rel @p0 .LBB2_8-.Ltmp9, $4  }
0x195: {  	v48 =	vld [tilespmem:s12+$0x3010];
	v44 =	vmax.f32 v44, $0.0e+00;
	v46 =	vadd.f32 v47, v49  }
0x196: {  	v43 =	vadd.f32 v43, v41;
	v47 =	vld [tilespmem:s12+$0x1000];
	v32 =	vmul.f32 v44, v32  }
0x197: {  	v46 =	vmax.f32 v46, $0.0e+00;
	v41 =	vld [tilespmem:s12+$0x3470]  }
0x198: {  	v43 =	vmax.f32 v43, $0.0e+00;
	v44 =	vld [tilespmem:s12+$0x1470]  }
.Ltmp10:
0x199: {  	_ = 	snop;
	(pc) =	sbr.rel .LBB2_9-.Ltmp10, $1  }
0x19a: {  	_ =	sdelay $0x3  }
.LBB2_13:
0x19b: {  	_ =	sfence.sel $0x180000  }
0x19c: {  	[bflag:$0x0] =	sbarrier.arrive $0xFFFF  }
0x19d: {  	_ =	strace $0x90000053  }
0x19e: {  	s0 =	stileid.u32;
	[bflag:$0x2] =	sbarrier.arrive $0xFFFF  }
0x19f: {  	p0 =	sne.s32 s0, $0x0;
	s0 =	rddreg [dreg:$0x2]  }
0x1a0: {  	s0 =	sadd.s32 @!p0 $0x100000, s0  }
0x1a1: {  	[sflag:s0] =	ssyncadd.tile.s32 @!p0 $0x1;
	_ =	shalt  }
.Lfunc_end2:
_tile_overlayer_lowered:
.L_overlay_start_2:
0x1a2: {  	(tag) =	ssettag $0x2  }
0x1a3: {  	s0 =	rddreg [dreg:$0x0];
	s2 =	stileid.u32  }
0x1a4: {  	s1 =	rddreg [dreg:$0x1];
	p0 =	sne.s32 s2, $0x0  }
0x1a5: {  	s3 =	rddreg [dreg:$0x2];
	[bflag:$0x3] =	sbarrier.arrive $0xFFFF;
	s2 =	simm.s32 @!p0 $0x1C05  }
0x1a6: {  	[timem:s3], [sflag:s2] =	dma.local @!p0 [hbm:s0], s1  }
0x1a7: {  	s0 =	simm.s32 @!p0 $0x5  }
0x1a8: {  	_ =	swait.ge @!p0 [sflag:s0], s1  }
0x1a9: {  	s1 =	ssub.s32 @!p0 $0x0, s1;
	[sflag:s0] =	ssyncset.done @!p0 $0x0  }
0x1aa: {  	[sflag:s0] =	ssyncadd.s32 @!p0 s1  }
0x1ab: {  	[bflag:$0x3] =	sbarrier.arrive $0xFFFF  }
0x1ac: {  	_ =	shalt  }

</sc_bundles>
